<compile_context>
chip_gen: v7x
topology: tpu7x:2x2x1
jax: 0.10.2.dev20260603
libtpu: 0.0.44.dev20260713+nightly
codegen_flags: <defaults>
</compile_context>

<pallas_src>
import functools

import jax
import jax.numpy as jnp
import numpy as np
from jax import lax
from jax.experimental import pallas as pl
from jax.experimental.pallas import tpu as pltpu
from jax.experimental.pallas import tpu_sc as plsc

NC = 2
NS = 16
NW = NC * NS
CH = 128
LAN = 16


def _wid():
    return lax.axis_index("s") * NC + lax.axis_index("c")



def _make_dual_gather(EP, CPW, D1, D2):
    mesh = plsc.VectorSubcoreMesh(core_axis_name="c", subcore_axis_name="s")

    @functools.partial(
        pl.kernel,
        out_type=(jax.ShapeDtypeStruct((EP, D1), jnp.float32),
                  jax.ShapeDtypeStruct((EP, D2), jnp.float32)),
        mesh=mesh,
        scratch_types=[
            pltpu.VMEM((CPW, CH), jnp.int32),
            pltpu.VMEM((CPW, CH), jnp.int32),
            pltpu.VMEM((CH, D1), jnp.float32),
            pltpu.VMEM((CH, D2), jnp.float32),
            pltpu.SemaphoreType.DMA,
            pltpu.SemaphoreType.DMA,
        ],
    )
    def k(t1, t2, idx1, idx2, o1, o2, idx1_v, idx2_v, b1, b2, s1, s2):
        w = _wid()
        pltpu.sync_copy(idx1.at[w], idx1_v)
        pltpu.sync_copy(idx2.at[w], idx2_v)

        def chunk(j, carry):
            base = (w * CPW + j) * CH
            c1 = pltpu.async_copy(t1.at[idx1_v.at[j]], b1, s1)
            c2 = pltpu.async_copy(t2.at[idx2_v.at[j]], b2, s2)
            c1.wait()
            c2.wait()
            pltpu.sync_copy(b1, o1.at[pl.ds(base, CH)])
            pltpu.sync_copy(b2, o2.at[pl.ds(base, CH)])
            return carry

        lax.fori_loop(0, CPW, chunk, 0)

    return k


def _make_scatter_add(EP, CPW, D, NPAD):
    RPT = NPAD // NS
    assert RPT % CH == 0
    mesh = plsc.VectorSubcoreMesh(core_axis_name="c", subcore_axis_name="s")

    @functools.partial(
        pl.kernel,
        out_type=jax.ShapeDtypeStruct((NC, NPAD, D), jnp.float32),
        mesh=mesh,
        scratch_types=[
            pltpu.VMEM((CPW, CH), jnp.int32),
            pltpu.VMEM((CH, D), jnp.float32),
            pltpu.VMEM((CH, D), jnp.float32),
            pltpu.VMEM_SHARED((NPAD, D), jnp.float32),
            pltpu.SemaphoreType.DMA,
        ],
    )
    def k(m, cidx, out, cidx_v, mbuf, zbuf, acc, lsem):
        c = lax.axis_index("c")
        s = lax.axis_index("s")
        w = s * NC + c
        zero = jnp.zeros((LAN,), jnp.float32)

        def zrow(r, carry):
            for kk in range(D // LAN):
                zbuf[r, pl.ds(kk * LAN, LAN)] = zero
            return carry

        lax.fori_loop(0, CH, zrow, 0)
        for i in range(RPT // CH):
            pltpu.sync_copy(zbuf, acc.at[pl.ds(s * RPT + i * CH, CH)])
        plsc.subcore_barrier()

        pltpu.sync_copy(cidx.at[w], cidx_v)

        def chunk(j, carry):
            base = (w * CPW + j) * CH
            pltpu.sync_copy(m.at[pl.ds(base, CH)], mbuf)
            pltpu.sync_copy(mbuf, acc.at[cidx_v.at[j]], add=True)
            return carry

        lax.fori_loop(0, CPW, chunk, 0)
        plsc.subcore_barrier()
        for i in range(RPT // CH):
            r0 = s * RPT + i * CH
            pltpu.sync_copy(acc.at[pl.ds(r0, CH)], out.at[c].at[pl.ds(r0, CH)])

    return k


def _make_count(EP, CPW, NPAD, D):
    RPT = NPAD // NS
    mesh = plsc.VectorSubcoreMesh(core_axis_name="c", subcore_axis_name="s")

    @functools.partial(
        pl.kernel,
        out_type=jax.ShapeDtypeStruct((NC, NPAD, D), jnp.float32),
        mesh=mesh,
        scratch_types=[
            pltpu.VMEM((CPW, CH), jnp.int32),
            pltpu.VMEM((CH, D), jnp.float32),
            pltpu.VMEM((CH, D), jnp.float32),
            pltpu.VMEM_SHARED((NPAD, D), jnp.float32),
        ],
    )
    def k(cidx, out, cidx_v, onebuf, zbuf, acc):
        c = lax.axis_index("c")
        s = lax.axis_index("s")
        w = s * NC + c
        zero = jnp.zeros((LAN,), jnp.float32)
        one = jnp.ones((LAN,), jnp.float32)

        def frow(r, carry):
            for kk in range(D // LAN):
                zbuf[r, pl.ds(kk * LAN, LAN)] = zero
                onebuf[r, pl.ds(kk * LAN, LAN)] = one
            return carry

        lax.fori_loop(0, CH, frow, 0)
        for i in range(RPT // CH):
            pltpu.sync_copy(zbuf, acc.at[pl.ds(s * RPT + i * CH, CH)])
        plsc.subcore_barrier()

        pltpu.sync_copy(cidx.at[w], cidx_v)

        def chunk(j, carry):
            pltpu.sync_copy(onebuf, acc.at[cidx_v.at[j]], add=True)
            return carry

        lax.fori_loop(0, CPW, chunk, 0)
        plsc.subcore_barrier()
        for i in range(RPT // CH):
            r0 = s * RPT + i * CH
            pltpu.sync_copy(acc.at[pl.ds(r0, CH)], out.at[c].at[pl.ds(r0, CH)])

    return k



_DOT = functools.partial(jnp.dot, preferred_element_type=jnp.float32,
                         precision=lax.Precision.HIGHEST)


def _ln(x, g, b):
    mu = jnp.mean(x, axis=1, keepdims=True)
    xc = x - mu
    var = jnp.mean(xc * xc, axis=1, keepdims=True)
    return xc * lax.rsqrt(var + 1e-5) * g + b


def _tc_ab(h, wa, wb, bm=400):
    M, D = h.shape

    def body(h_ref, wa_ref, wb_ref, a_ref, b_ref):
        hh = h_ref[...]
        a_ref[...] = _DOT(hh, wa_ref[...])
        b_ref[...] = _DOT(hh, wb_ref[...])

    return pl.pallas_call(
        body,
        grid=(M // bm,),
        in_specs=[pl.BlockSpec((bm, D), lambda i: (i, 0)),
                  pl.BlockSpec((D, D), lambda i: (0, 0)),
                  pl.BlockSpec((D, D), lambda i: (0, 0))],
        out_specs=[pl.BlockSpec((bm, D), lambda i: (i, 0))] * 2,
        out_shape=[jax.ShapeDtypeStruct((M, D), jnp.float32)] * 2,
    )(h, wa, wb)


def _tc_dist(gpr, gpc, be=512):
    EP, DP = gpr.shape

    def body(pr_ref, pc_ref, o_ref):
        df = pr_ref[...] - pc_ref[...]
        o_ref[...] = jnp.sqrt(jnp.sum(df * df, axis=1, keepdims=True))

    return pl.pallas_call(
        body,
        grid=(EP // be,),
        in_specs=[pl.BlockSpec((be, DP), lambda i: (i, 0))] * 2,
        out_specs=pl.BlockSpec((be, 1), lambda i: (i, 0)),
        out_shape=jax.ShapeDtypeStruct((EP, 1), jnp.float32),
    )(gpr, gpc)


def _tc_msg(ga, gb, dist, we, b, g, bb, be=512):
    EP, D = ga.shape
    inv_sqrt2 = np.float32(1.0 / np.sqrt(2.0))

    def body(ga_ref, gb_ref, d_ref, we_ref, b_ref, g_ref, bb_ref, o_ref):
        pre = ga_ref[...] + gb_ref[...] + d_ref[...] * we_ref[...] + b_ref[...]
        m = 0.5 * pre * (1.0 + lax.erf(pre * inv_sqrt2))
        o_ref[...] = _ln(m, g_ref[...], bb_ref[...])

    vec = pl.BlockSpec((1, D), lambda i: (0, 0))
    return pl.pallas_call(
        body,
        grid=(EP // be,),
        in_specs=[pl.BlockSpec((be, D), lambda i: (i, 0)),
                  pl.BlockSpec((be, D), lambda i: (i, 0)),
                  pl.BlockSpec((be, 1), lambda i: (i, 0)),
                  vec, vec, vec, vec],
        out_specs=pl.BlockSpec((be, D), lambda i: (i, 0)),
        out_shape=jax.ShapeDtypeStruct((EP, D), jnp.float32),
    )(ga, gb, dist, we, b, g, bb)


def _tc_update(h, part, cntp, wu1, wu2, b, g, bb, bm=400):
    M, D = h.shape
    DC = cntp.shape[2]

    def body(h_ref, p_ref, c_ref, wu1_ref, wu2_ref, b_ref, g_ref, bb_ref, o_ref):
        hh = h_ref[...]
        p = p_ref[0] + p_ref[1]
        cnt = jnp.sum(c_ref[0] + c_ref[1], axis=1, keepdims=True) * (1.0 / DC)
        agg = p / jnp.maximum(cnt, 1.0)
        u = _DOT(hh, wu1_ref[...]) + _DOT(agg, wu2_ref[...]) + b_ref[...]
        o_ref[...] = hh + _ln(u, g_ref[...], bb_ref[...])

    vec = pl.BlockSpec((1, D), lambda i: (0, 0))
    return pl.pallas_call(
        body,
        grid=(M // bm,),
        in_specs=[pl.BlockSpec((bm, D), lambda i: (i, 0)),
                  pl.BlockSpec((2, bm, D), lambda i: (0, i, 0)),
                  pl.BlockSpec((2, bm, DC), lambda i: (0, i, 0)),
                  pl.BlockSpec((D, D), lambda i: (0, 0)),
                  pl.BlockSpec((D, D), lambda i: (0, 0)),
                  vec, vec, vec],
        out_specs=pl.BlockSpec((bm, D), lambda i: (i, 0)),
        out_shape=jax.ShapeDtypeStruct((M, D), jnp.float32),
    )(h, part, cntp, wu1, wu2, b, g, bb)



def kernel(x, pos, edge_index, w_msg, b_msg, g_msg, be_msg,
           w_upd, b_upd, g_upd, be_upd):
    N, D = x.shape
    E = edge_index.shape[1]
    S = w_msg.shape[0]

    CPW = -(-E // (NW * CH))
    EP = NW * CPW * CH
    NPAD = -(-(N + 1) // (NS * CH)) * (NS * CH)

    row = edge_index[0]
    col = edge_index[1]
    pad = EP - E
    row_g = jnp.pad(row, (0, pad)).reshape(NW, CPW, CH)
    col_g = jnp.pad(col, (0, pad)).reshape(NW, CPW, CH)
    col_s = jnp.pad(col, (0, pad), constant_values=N).reshape(NW, CPW, CH)

    wa = w_msg[:, :D, :]
    wb = w_msg[:, D:2 * D, :]
    we = w_msg[:, 2 * D, :].reshape(S, 1, D)
    wu1 = w_upd[:, :D, :]
    wu2 = w_upd[:, D:, :]

    pos128 = jnp.pad(pos, ((0, 0), (0, D - pos.shape[1])))

    gather_ab = _make_dual_gather(EP, CPW, D, D)
    scatter_m = _make_scatter_add(EP, CPW, D, NPAD)
    count_k = _make_count(EP, CPW, NPAD, D)

    gpr, gpc = gather_ab(pos128, pos128, row_g, col_g)
    dist = _tc_dist(gpr, gpc)
    cntp = count_k(col_s)

    h = x
    for s in range(S):
        a, bt = _tc_ab(h, wa[s], wb[s])
        ga, gb = gather_ab(a, bt, row_g, col_g)
        m = _tc_msg(ga, gb, dist, we[s], b_msg[s][None], g_msg[s][None],
                    be_msg[s][None])
        part = scatter_m(m, col_s)
        h = _tc_update(h, part, cntp, wu1[s], wu2[s], b_upd[s][None],
                       g_upd[s][None], be_upd[s][None])
    return h

# --- scband reference (transcript-rebuilt; emitter-appended) ---
"""Pipeline reference for scband-inv-mpnn-1803886265816 (READ-ONLY COPY).

The authoritative reference and input builder live on the scoring server;
editing this copy changes nothing except your own understanding.
"""

import jax, jax.numpy as jnp
import numpy as np

N = 10000
E = 320000
DIM = 128
STEPS = 4
EDGE_DIM = 1


def layer_norm(x, g, b, eps=1e-5):
    mu = jnp.mean(x, axis=-1, keepdims=True)
    var = jnp.mean((x - mu) ** 2, axis=-1, keepdims=True)
    return (x - mu) / jnp.sqrt(var + eps) * g + b


def setup_inputs(seed: int = 0):
    key = jax.random.key(seed)
    ks = jax.random.split(key, 8)
    x = jax.random.normal(ks[0], (N, DIM), dtype=jnp.float32)
    pos = jax.random.normal(ks[1], (N, 3), dtype=jnp.float32)
    edge_index = jax.random.randint(ks[2], (2, E), 0, N, dtype=jnp.int32)
    w_msg = jax.random.normal(ks[3], (STEPS, 2 * DIM + EDGE_DIM, DIM), dtype=jnp.float32) * 0.02
    b_msg = jnp.zeros((STEPS, DIM), dtype=jnp.float32)
    g_msg = jnp.ones((STEPS, DIM), dtype=jnp.float32)
    be_msg = jnp.zeros((STEPS, DIM), dtype=jnp.float32)
    w_upd = jax.random.normal(ks[4], (STEPS, 2 * DIM, DIM), dtype=jnp.float32) * 0.02
    b_upd = jnp.zeros((STEPS, DIM), dtype=jnp.float32)
    g_upd = jnp.ones((STEPS, DIM), dtype=jnp.float32)
    be_upd = jnp.zeros((STEPS, DIM), dtype=jnp.float32)
    return {"x": x, "pos": pos, "edge_index": edge_index,
            "w_msg": w_msg, "b_msg": b_msg, "g_msg": g_msg, "be_msg": be_msg,
            "w_upd": w_upd, "b_upd": b_upd, "g_upd": g_upd, "be_upd": be_upd}


def reference(x, pos, edge_index, w_msg, b_msg, g_msg, be_msg, w_upd, b_upd, g_upd, be_upd):
    row = edge_index[0]
    col = edge_index[1]
    # compute_edge_attr is under torch.no_grad() -> stop_gradient
    edge_attr = jax.lax.stop_gradient(
        jnp.linalg.norm(pos[row] - pos[col], axis=-1, keepdims=True))
    h = x
    for s in range(STEPS):
        m_in = jnp.concatenate([h[row], h[col], edge_attr], axis=-1)
        m = m_in @ w_msg[s] + b_msg[s]
        m = jax.nn.gelu(m, approximate=False)
        m = layer_norm(m, g_msg[s], be_msg[s])
        agg_sum = jnp.zeros((h.shape[0], m.shape[1]), dtype=m.dtype).at[col].add(m)
        cnt = jnp.zeros((h.shape[0],), dtype=m.dtype).at[col].add(1.0)
        agg = agg_sum / jnp.maximum(cnt, 1.0)[:, None]
        u = jnp.concatenate([h, agg], axis=-1) @ w_upd[s] + b_upd[s]
        u = layer_norm(u, g_upd[s], be_upd[s])
        h = h + u
    return h

if __name__ == "__main__":
    import jax
    _d = setup_inputs()
    print(jax.jit(kernel)(*tuple(_d.values())))

</pallas_src>

<mosaic_0001>
#map = affine_map<(d0, d1) -> (0, 0)>
#map1 = affine_map<(d0, d1) -> (0, 0, 0)>
module attributes {stable_mosaic.version = 14 : i64} {
  func.func @k(%arg0: i32, %arg1: i32, %arg2: memref<10000x128xf32, #tpu.memory_space<hbm>>, %arg3: memref<10000x128xf32, #tpu.memory_space<hbm>>, %arg4: memref<32x79x128xi32, #tpu.memory_space<hbm>>, %arg5: memref<32x79x128xi32, #tpu.memory_space<hbm>>, %arg6: memref<323584x128xf32, #tpu.memory_space<hbm>>, %arg7: memref<323584x128xf32, #tpu.memory_space<hbm>>, %arg8: memref<79x128xi32, #tpu.memory_space<vmem>>, %arg9: memref<79x128xi32, #tpu.memory_space<vmem>>, %arg10: memref<128x128xf32, #tpu.memory_space<vmem>>, %arg11: memref<128x128xf32, #tpu.memory_space<vmem>>, %arg12: memref<!tpu.dma_semaphore, #tpu.memory_space<semaphore_mem>>, %arg13: memref<!tpu.dma_semaphore, #tpu.memory_space<semaphore_mem>>) attributes {dimension_semantics = [#tpu.dimension_semantics<core_parallel>, #tpu.dimension_semantics<subcore_parallel>], iteration_bounds = array<i64: 2, 16>, scalar_prefetch = 0 : i64, scratch_operands = 6 : i64, tpu.core_type = #tpu.core_type<sc_vector_subcore>, window_params = [{transform_indices = #map}, {transform_indices = #map}, {transform_indices = #map1}, {transform_indices = #map1}, {transform_indices = #map}, {transform_indices = #map}]} {
    %mul3A = arith.constant 2 : i32
    %mul3A_0 = arith.muli %arg1, %mul3A : i32
    %add3A = arith.addi %mul3A_0, %arg0 : i32
    "tpu.region"() ({
      %run_scoped3A = tpu.sem_alloc : memref<!tpu.dma_semaphore, #tpu.memory_space<semaphore_mem>>
      %dma_start3A = arith.constant 0 : i32
      %dma_start3A_6 = arith.constant 0 : i32
      %dma_start3A_7 = tpu.memref_slice %arg4[%add3A, %dma_start3A, %dma_start3A_6] : memref<32x79x128xi32, #tpu.memory_space<hbm>> -> memref<1x79x128xi32, #tpu.memory_space<hbm>>
      %dma_start3A_8 = tpu.memref_squeeze %dma_start3A_7 : memref<1x79x128xi32, #tpu.memory_space<hbm>> -> memref<79x128xi32, #tpu.memory_space<hbm>>
      %dma_start3A_9 = arith.constant 0 : i32
      %dma_start3A_10 = arith.constant 0 : i32
      %dma_start3A_11 = tpu.memref_slice %arg4[%add3A, %dma_start3A_9, %dma_start3A_10] : memref<32x79x128xi32, #tpu.memory_space<hbm>> -> memref<1x79x128xi32, #tpu.memory_space<hbm>>
      %dma_start3A_12 = tpu.memref_squeeze %dma_start3A_11 : memref<1x79x128xi32, #tpu.memory_space<hbm>> -> memref<79x128xi32, #tpu.memory_space<hbm>>
      tpu.enqueue_dma source(%dma_start3A_12 : memref<79x128xi32, #tpu.memory_space<hbm>>) target(%arg8 : memref<79x128xi32, #tpu.memory_space<vmem>>) target_semaphore(%run_scoped3A : memref<!tpu.dma_semaphore, #tpu.memory_space<semaphore_mem>>)
      %dma_wait3A = arith.constant 0 : i32
      %dma_wait3A_13 = arith.constant 0 : i32
      %dma_wait3A_14 = tpu.memref_slice %arg4[%add3A, %dma_wait3A, %dma_wait3A_13] : memref<32x79x128xi32, #tpu.memory_space<hbm>> -> memref<1x79x128xi32, #tpu.memory_space<hbm>>
      %dma_wait3A_15 = tpu.memref_squeeze %dma_wait3A_14 : memref<1x79x128xi32, #tpu.memory_space<hbm>> -> memref<79x128xi32, #tpu.memory_space<hbm>>
      %dma_wait3A_16 = arith.constant 0 : i32
      %dma_wait3A_17 = arith.constant 0 : i32
      %dma_wait3A_18 = tpu.memref_slice %arg4[%add3A, %dma_wait3A_16, %dma_wait3A_17] : memref<32x79x128xi32, #tpu.memory_space<hbm>> -> memref<1x79x128xi32, #tpu.memory_space<hbm>>
      %dma_wait3A_19 = tpu.memref_squeeze %dma_wait3A_18 : memref<1x79x128xi32, #tpu.memory_space<hbm>> -> memref<79x128xi32, #tpu.memory_space<hbm>>
      tpu.wait_dma2 semaphore(%run_scoped3A : memref<!tpu.dma_semaphore, #tpu.memory_space<semaphore_mem>>) src(%dma_wait3A_19 : memref<79x128xi32, #tpu.memory_space<hbm>>) dst(%arg8 : memref<79x128xi32, #tpu.memory_space<vmem>>)
      tpu.yield
    }) : () -> ()
    "tpu.region"() ({
      %run_scoped3A = tpu.sem_alloc : memref<!tpu.dma_semaphore, #tpu.memory_space<semaphore_mem>>
      %dma_start3A = arith.constant 0 : i32
      %dma_start3A_6 = arith.constant 0 : i32
      %dma_start3A_7 = tpu.memref_slice %arg5[%add3A, %dma_start3A, %dma_start3A_6] : memref<32x79x128xi32, #tpu.memory_space<hbm>> -> memref<1x79x128xi32, #tpu.memory_space<hbm>>
      %dma_start3A_8 = tpu.memref_squeeze %dma_start3A_7 : memref<1x79x128xi32, #tpu.memory_space<hbm>> -> memref<79x128xi32, #tpu.memory_space<hbm>>
      %dma_start3A_9 = arith.constant 0 : i32
      %dma_start3A_10 = arith.constant 0 : i32
      %dma_start3A_11 = tpu.memref_slice %arg5[%add3A, %dma_start3A_9, %dma_start3A_10] : memref<32x79x128xi32, #tpu.memory_space<hbm>> -> memref<1x79x128xi32, #tpu.memory_space<hbm>>
      %dma_start3A_12 = tpu.memref_squeeze %dma_start3A_11 : memref<1x79x128xi32, #tpu.memory_space<hbm>> -> memref<79x128xi32, #tpu.memory_space<hbm>>
      tpu.enqueue_dma source(%dma_start3A_12 : memref<79x128xi32, #tpu.memory_space<hbm>>) target(%arg9 : memref<79x128xi32, #tpu.memory_space<vmem>>) target_semaphore(%run_scoped3A : memref<!tpu.dma_semaphore, #tpu.memory_space<semaphore_mem>>)
      %dma_wait3A = arith.constant 0 : i32
      %dma_wait3A_13 = arith.constant 0 : i32
      %dma_wait3A_14 = tpu.memref_slice %arg5[%add3A, %dma_wait3A, %dma_wait3A_13] : memref<32x79x128xi32, #tpu.memory_space<hbm>> -> memref<1x79x128xi32, #tpu.memory_space<hbm>>
      %dma_wait3A_15 = tpu.memref_squeeze %dma_wait3A_14 : memref<1x79x128xi32, #tpu.memory_space<hbm>> -> memref<79x128xi32, #tpu.memory_space<hbm>>
      %dma_wait3A_16 = arith.constant 0 : i32
      %dma_wait3A_17 = arith.constant 0 : i32
      %dma_wait3A_18 = tpu.memref_slice %arg5[%add3A, %dma_wait3A_16, %dma_wait3A_17] : memref<32x79x128xi32, #tpu.memory_space<hbm>> -> memref<1x79x128xi32, #tpu.memory_space<hbm>>
      %dma_wait3A_19 = tpu.memref_squeeze %dma_wait3A_18 : memref<1x79x128xi32, #tpu.memory_space<hbm>> -> memref<79x128xi32, #tpu.memory_space<hbm>>
      tpu.wait_dma2 semaphore(%run_scoped3A : memref<!tpu.dma_semaphore, #tpu.memory_space<semaphore_mem>>) src(%dma_wait3A_19 : memref<79x128xi32, #tpu.memory_space<hbm>>) dst(%arg9 : memref<79x128xi32, #tpu.memory_space<vmem>>)
      tpu.yield
    }) : () -> ()
    %scan3A = arith.constant 0 : i32
    %scan3A_1 = arith.constant 0 : i32
    %scan3A_2 = arith.constant 79 : i32
    %scan3A_3 = arith.addi %scan3A_1, %scan3A_2 : i32
    %scan3A_4 = arith.constant 1 : i32
    scf.for %scan3A_6 = %scan3A_1 to %scan3A_3 step %scan3A_4  : i32 {
      %mul3A_7 = arith.constant 79 : i32
      %mul3A_8 = arith.muli %add3A, %mul3A_7 : i32
      %add3A_9 = arith.addi %mul3A_8, %scan3A_6 : i32
      %mul3A_10 = arith.constant 128 : i32
      %mul3A_11 = arith.muli %add3A_9, %mul3A_10 : i32
      %dma_start3A = arith.constant 0 : i32
      %dma_start3A_12 = tpu.memref_slice %arg8[%scan3A_6, %dma_start3A] : memref<79x128xi32, #tpu.memory_space<vmem>> -> memref<1x128xi32, #tpu.memory_space<vmem>>
      %dma_start3A_13 = tpu.memref_squeeze %dma_start3A_12 : memref<1x128xi32, #tpu.memory_space<vmem>> -> memref<128xi32, #tpu.memory_space<vmem>>
      %dma_start3A_14 = arith.constant 0 : i32
      %dma_start3A_15 = arith.constant 0 : i32
      %dma_start3A_16 = tpu.memref_slice %arg2[%dma_start3A_14, %dma_start3A_15] : memref<10000x128xf32, #tpu.memory_space<hbm>> -> memref<10000x128xf32, #tpu.memory_space<hbm>>
      tpu.enqueue_indirect_dma source(%dma_start3A_16 : memref<10000x128xf32, #tpu.memory_space<hbm>>) target(%arg10 : memref<128x128xf32, #tpu.memory_space<vmem>>) offsets(%dma_start3A_13 : memref<128xi32, #tpu.memory_space<vmem>>) semaphore(%arg12 : memref<!tpu.dma_semaphore, #tpu.memory_space<semaphore_mem>>)
      %dma_start3A_17 = arith.constant 0 : i32
      %dma_start3A_18 = tpu.memref_slice %arg9[%scan3A_6, %dma_start3A_17] : memref<79x128xi32, #tpu.memory_space<vmem>> -> memref<1x128xi32, #tpu.memory_space<vmem>>
      %dma_start3A_19 = tpu.memref_squeeze %dma_start3A_18 : memref<1x128xi32, #tpu.memory_space<vmem>> -> memref<128xi32, #tpu.memory_space<vmem>>
      %dma_start3A_20 = arith.constant 0 : i32
      %dma_start3A_21 = arith.constant 0 : i32
      %dma_start3A_22 = tpu.memref_slice %arg3[%dma_start3A_20, %dma_start3A_21] : memref<10000x128xf32, #tpu.memory_space<hbm>> -> memref<10000x128xf32, #tpu.memory_space<hbm>>
      tpu.enqueue_indirect_dma source(%dma_start3A_22 : memref<10000x128xf32, #tpu.memory_space<hbm>>) target(%arg11 : memref<128x128xf32, #tpu.memory_space<vmem>>) offsets(%dma_start3A_19 : memref<128xi32, #tpu.memory_space<vmem>>) semaphore(%arg13 : memref<!tpu.dma_semaphore, #tpu.memory_space<semaphore_mem>>)
      %dma_wait3A = arith.constant 0 : i32
      %dma_wait3A_23 = tpu.memref_slice %arg8[%scan3A_6, %dma_wait3A] : memref<79x128xi32, #tpu.memory_space<vmem>> -> memref<1x128xi32, #tpu.memory_space<vmem>>
      %dma_wait3A_24 = tpu.memref_squeeze %dma_wait3A_23 : memref<1x128xi32, #tpu.memory_space<vmem>> -> memref<128xi32, #tpu.memory_space<vmem>>
      %dma_wait3A_25 = arith.constant 0 : i32
      %dma_wait3A_26 = arith.constant 0 : i32
      %dma_wait3A_27 = tpu.memref_slice %arg2[%dma_wait3A_25, %dma_wait3A_26] : memref<10000x128xf32, #tpu.memory_space<hbm>> -> memref<10000x128xf32, #tpu.memory_space<hbm>>
      tpu.wait_indirect_dma semaphore(%arg12 : memref<!tpu.dma_semaphore, #tpu.memory_space<semaphore_mem>>) src(%dma_wait3A_27 : memref<10000x128xf32, #tpu.memory_space<hbm>>) dst(%arg10 : memref<128x128xf32, #tpu.memory_space<vmem>>)
      %dma_wait3A_28 = arith.constant 0 : i32
      %dma_wait3A_29 = tpu.memref_slice %arg9[%scan3A_6, %dma_wait3A_28] : memref<79x128xi32, #tpu.memory_space<vmem>> -> memref<1x128xi32, #tpu.memory_space<vmem>>
      %dma_wait3A_30 = tpu.memref_squeeze %dma_wait3A_29 : memref<1x128xi32, #tpu.memory_space<vmem>> -> memref<128xi32, #tpu.memory_space<vmem>>
      %dma_wait3A_31 = arith.constant 0 : i32
      %dma_wait3A_32 = arith.constant 0 : i32
      %dma_wait3A_33 = tpu.memref_slice %arg3[%dma_wait3A_31, %dma_wait3A_32] : memref<10000x128xf32, #tpu.memory_space<hbm>> -> memref<10000x128xf32, #tpu.memory_space<hbm>>
      tpu.wait_indirect_dma semaphore(%arg13 : memref<!tpu.dma_semaphore, #tpu.memory_space<semaphore_mem>>) src(%dma_wait3A_33 : memref<10000x128xf32, #tpu.memory_space<hbm>>) dst(%arg11 : memref<128x128xf32, #tpu.memory_space<vmem>>)
      "tpu.region"() ({
        %run_scoped3A = tpu.sem_alloc : memref<!tpu.dma_semaphore, #tpu.memory_space<semaphore_mem>>
        %dma_start3A_34 = arith.constant 0 : i32
        %dma_start3A_35 = tpu.memref_slice %arg6[%mul3A_11, %dma_start3A_34] : memref<323584x128xf32, #tpu.memory_space<hbm>> -> memref<128x128xf32, #tpu.memory_space<hbm>>
        %dma_start3A_36 = arith.constant 0 : i32
        %dma_start3A_37 = tpu.memref_slice %arg6[%mul3A_11, %dma_start3A_36] : memref<323584x128xf32, #tpu.memory_space<hbm>> -> memref<128x128xf32, #tpu.memory_space<hbm>>
        tpu.enqueue_dma source(%arg10 : memref<128x128xf32, #tpu.memory_space<vmem>>) target(%dma_start3A_37 : memref<128x128xf32, #tpu.memory_space<hbm>>) target_semaphore(%run_scoped3A : memref<!tpu.dma_semaphore, #tpu.memory_space<semaphore_mem>>)
        %dma_wait3A_38 = arith.constant 0 : i32
        %dma_wait3A_39 = tpu.memref_slice %arg6[%mul3A_11, %dma_wait3A_38] : memref<323584x128xf32, #tpu.memory_space<hbm>> -> memref<128x128xf32, #tpu.memory_space<hbm>>
        %dma_wait3A_40 = arith.constant 0 : i32
        %dma_wait3A_41 = tpu.memref_slice %arg6[%mul3A_11, %dma_wait3A_40] : memref<323584x128xf32, #tpu.memory_space<hbm>> -> memref<128x128xf32, #tpu.memory_space<hbm>>
        tpu.wait_dma2 semaphore(%run_scoped3A : memref<!tpu.dma_semaphore, #tpu.memory_space<semaphore_mem>>) src(%arg10 : memref<128x128xf32, #tpu.memory_space<vmem>>) dst(%dma_wait3A_41 : memref<128x128xf32, #tpu.memory_space<hbm>>)
        tpu.yield
      }) : () -> ()
      "tpu.region"() ({
        %run_scoped3A = tpu.sem_alloc : memref<!tpu.dma_semaphore, #tpu.memory_space<semaphore_mem>>
        %dma_start3A_34 = arith.constant 0 : i32
        %dma_start3A_35 = tpu.memref_slice %arg7[%mul3A_11, %dma_start3A_34] : memref<323584x128xf32, #tpu.memory_space<hbm>> -> memref<128x128xf32, #tpu.memory_space<hbm>>
        %dma_start3A_36 = arith.constant 0 : i32
        %dma_start3A_37 = tpu.memref_slice %arg7[%mul3A_11, %dma_start3A_36] : memref<323584x128xf32, #tpu.memory_space<hbm>> -> memref<128x128xf32, #tpu.memory_space<hbm>>
        tpu.enqueue_dma source(%arg11 : memref<128x128xf32, #tpu.memory_space<vmem>>) target(%dma_start3A_37 : memref<128x128xf32, #tpu.memory_space<hbm>>) target_semaphore(%run_scoped3A : memref<!tpu.dma_semaphore, #tpu.memory_space<semaphore_mem>>)
        %dma_wait3A_38 = arith.constant 0 : i32
        %dma_wait3A_39 = tpu.memref_slice %arg7[%mul3A_11, %dma_wait3A_38] : memref<323584x128xf32, #tpu.memory_space<hbm>> -> memref<128x128xf32, #tpu.memory_space<hbm>>
        %dma_wait3A_40 = arith.constant 0 : i32
        %dma_wait3A_41 = tpu.memref_slice %arg7[%mul3A_11, %dma_wait3A_40] : memref<323584x128xf32, #tpu.memory_space<hbm>> -> memref<128x128xf32, #tpu.memory_space<hbm>>
        tpu.wait_dma2 semaphore(%run_scoped3A : memref<!tpu.dma_semaphore, #tpu.memory_space<semaphore_mem>>) src(%arg11 : memref<128x128xf32, #tpu.memory_space<vmem>>) dst(%dma_wait3A_41 : memref<128x128xf32, #tpu.memory_space<hbm>>)
        tpu.yield
      }) : () -> ()
    }
    %scan3A_5 = arith.constant 79 : i32
    return
  }
}

#map = affine_map<(d0, d1) -> (0, 0)>
#map1 = affine_map<(d0, d1) -> (0, 0, 0)>
module attributes {stable_mosaic.version = 14 : i64} {
  func.func @k(%arg0: i32, %arg1: i32, %arg2: memref<10000x128xf32, #tpu.memory_space<hbm>>, %arg3: memref<10000x128xf32, #tpu.memory_space<hbm>>, %arg4: memref<32x79x128xi32, #tpu.memory_space<hbm>>, %arg5: memref<32x79x128xi32, #tpu.memory_space<hbm>>, %arg6: memref<323584x128xf32, #tpu.memory_space<hbm>>, %arg7: memref<323584x128xf32, #tpu.memory_space<hbm>>, %arg8: memref<79x128xi32, #tpu.memory_space<vmem>>, %arg9: memref<79x128xi32, #tpu.memory_space<vmem>>, %arg10: memref<128x128xf32, #tpu.memory_space<vmem>>, %arg11: memref<128x128xf32, #tpu.memory_space<vmem>>, %arg12: memref<!tpu.dma_semaphore, #tpu.memory_space<semaphore_mem>>, %arg13: memref<!tpu.dma_semaphore, #tpu.memory_space<semaphore_mem>>) attributes {dimension_semantics = [#tpu.dimension_semantics<core_parallel>, #tpu.dimension_semantics<subcore_parallel>], iteration_bounds = array<i64: 2, 16>, scalar_prefetch = 0 : i64, scratch_operands = 6 : i64, tpu.core_type = #tpu.core_type<sc_vector_subcore>, window_params = [{transform_indices = #map}, {transform_indices = #map}, {transform_indices = #map1}, {transform_indices = #map1}, {transform_indices = #map}, {transform_indices = #map}]} {
    %mul3A = arith.constant 2 : i32
    %mul3A_0 = arith.muli %arg1, %mul3A : i32
    %add3A = arith.addi %mul3A_0, %arg0 : i32
    "tpu.region"() ({
      %run_scoped3A = tpu.sem_alloc : memref<!tpu.dma_semaphore, #tpu.memory_space<semaphore_mem>>
      %dma_start3A = arith.constant 0 : i32
      %dma_start3A_6 = arith.constant 0 : i32
      %dma_start3A_7 = tpu.memref_slice %arg4[%add3A, %dma_start3A, %dma_start3A_6] : memref<32x79x128xi32, #tpu.memory_space<hbm>> -> memref<1x79x128xi32, #tpu.memory_space<hbm>>
      %dma_start3A_8 = tpu.memref_squeeze %dma_start3A_7 : memref<1x79x128xi32, #tpu.memory_space<hbm>> -> memref<79x128xi32, #tpu.memory_space<hbm>>
      %dma_start3A_9 = arith.constant 0 : i32
      %dma_start3A_10 = arith.constant 0 : i32
      %dma_start3A_11 = tpu.memref_slice %arg4[%add3A, %dma_start3A_9, %dma_start3A_10] : memref<32x79x128xi32, #tpu.memory_space<hbm>> -> memref<1x79x128xi32, #tpu.memory_space<hbm>>
      %dma_start3A_12 = tpu.memref_squeeze %dma_start3A_11 : memref<1x79x128xi32, #tpu.memory_space<hbm>> -> memref<79x128xi32, #tpu.memory_space<hbm>>
      tpu.enqueue_dma source(%dma_start3A_12 : memref<79x128xi32, #tpu.memory_space<hbm>>) target(%arg8 : memref<79x128xi32, #tpu.memory_space<vmem>>) target_semaphore(%run_scoped3A : memref<!tpu.dma_semaphore, #tpu.memory_space<semaphore_mem>>)
      %dma_wait3A = arith.constant 0 : i32
      %dma_wait3A_13 = arith.constant 0 : i32
      %dma_wait3A_14 = tpu.memref_slice %arg4[%add3A, %dma_wait3A, %dma_wait3A_13] : memref<32x79x128xi32, #tpu.memory_space<hbm>> -> memref<1x79x128xi32, #tpu.memory_space<hbm>>
      %dma_wait3A_15 = tpu.memref_squeeze %dma_wait3A_14 : memref<1x79x128xi32, #tpu.memory_space<hbm>> -> memref<79x128xi32, #tpu.memory_space<hbm>>
      %dma_wait3A_16 = arith.constant 0 : i32
      %dma_wait3A_17 = arith.constant 0 : i32
      %dma_wait3A_18 = tpu.memref_slice %arg4[%add3A, %dma_wait3A_16, %dma_wait3A_17] : memref<32x79x128xi32, #tpu.memory_space<hbm>> -> memref<1x79x128xi32, #tpu.memory_space<hbm>>
      %dma_wait3A_19 = tpu.memref_squeeze %dma_wait3A_18 : memref<1x79x128xi32, #tpu.memory_space<hbm>> -> memref<79x128xi32, #tpu.memory_space<hbm>>
      tpu.wait_dma2 semaphore(%run_scoped3A : memref<!tpu.dma_semaphore, #tpu.memory_space<semaphore_mem>>) src(%dma_wait3A_19 : memref<79x128xi32, #tpu.memory_space<hbm>>) dst(%arg8 : memref<79x128xi32, #tpu.memory_space<vmem>>)
      tpu.yield
    }) : () -> ()
    "tpu.region"() ({
      %run_scoped3A = tpu.sem_alloc : memref<!tpu.dma_semaphore, #tpu.memory_space<semaphore_mem>>
      %dma_start3A = arith.constant 0 : i32
      %dma_start3A_6 = arith.constant 0 : i32
      %dma_start3A_7 = tpu.memref_slice %arg5[%add3A, %dma_start3A, %dma_start3A_6] : memref<32x79x128xi32, #tpu.memory_space<hbm>> -> memref<1x79x128xi32, #tpu.memory_space<hbm>>
      %dma_start3A_8 = tpu.memref_squeeze %dma_start3A_7 : memref<1x79x128xi32, #tpu.memory_space<hbm>> -> memref<79x128xi32, #tpu.memory_space<hbm>>
      %dma_start3A_9 = arith.constant 0 : i32
      %dma_start3A_10 = arith.constant 0 : i32
      %dma_start3A_11 = tpu.memref_slice %arg5[%add3A, %dma_start3A_9, %dma_start3A_10] : memref<32x79x128xi32, #tpu.memory_space<hbm>> -> memref<1x79x128xi32, #tpu.memory_space<hbm>>
      %dma_start3A_12 = tpu.memref_squeeze %dma_start3A_11 : memref<1x79x128xi32, #tpu.memory_space<hbm>> -> memref<79x128xi32, #tpu.memory_space<hbm>>
      tpu.enqueue_dma source(%dma_start3A_12 : memref<79x128xi32, #tpu.memory_space<hbm>>) target(%arg9 : memref<79x128xi32, #tpu.memory_space<vmem>>) target_semaphore(%run_scoped3A : memref<!tpu.dma_semaphore, #tpu.memory_space<semaphore_mem>>)
      %dma_wait3A = arith.constant 0 : i32
      %dma_wait3A_13 = arith.constant 0 : i32
      %dma_wait3A_14 = tpu.memref_slice %arg5[%add3A, %dma_wait3A, %dma_wait3A_13] : memref<32x79x128xi32, #tpu.memory_space<hbm>> -> memref<1x79x128xi32, #tpu.memory_space<hbm>>
      %dma_wait3A_15 = tpu.memref_squeeze %dma_wait3A_14 : memref<1x79x128xi32, #tpu.memory_space<hbm>> -> memref<79x128xi32, #tpu.memory_space<hbm>>
      %dma_wait3A_16 = arith.constant 0 : i32
      %dma_wait3A_17 = arith.constant 0 : i32
      %dma_wait3A_18 = tpu.memref_slice %arg5[%add3A, %dma_wait3A_16, %dma_wait3A_17] : memref<32x79x128xi32, #tpu.memory_space<hbm>> -> memref<1x79x128xi32, #tpu.memory_space<hbm>>
      %dma_wait3A_19 = tpu.memref_squeeze %dma_wait3A_18 : memref<1x79x128xi32, #tpu.memory_space<hbm>> -> memref<79x128xi32, #tpu.memory_space<hbm>>
      tpu.wait_dma2 semaphore(%run_scoped3A : memref<!tpu.dma_semaphore, #tpu.memory_space<semaphore_mem>>) src(%dma_wait3A_19 : memref<79x128xi32, #tpu.memory_space<hbm>>) dst(%arg9 : memref<79x128xi32, #tpu.memory_space<vmem>>)
      tpu.yield
    }) : () -> ()
    %scan3A = arith.constant 0 : i32
    %scan3A_1 = arith.constant 0 : i32
    %scan3A_2 = arith.constant 79 : i32
    %scan3A_3 = arith.addi %scan3A_1, %scan3A_2 : i32
    %scan3A_4 = arith.constant 1 : i32
    scf.for %scan3A_6 = %scan3A_1 to %scan3A_3 step %scan3A_4  : i32 {
      %mul3A_7 = arith.constant 79 : i32
      %mul3A_8 = arith.muli %add3A, %mul3A_7 : i32
      %add3A_9 = arith.addi %mul3A_8, %scan3A_6 : i32
      %mul3A_10 = arith.constant 128 : i32
      %mul3A_11 = arith.muli %add3A_9, %mul3A_10 : i32
      %dma_start3A = arith.constant 0 : i32
      %dma_start3A_12 = tpu.memref_slice %arg8[%scan3A_6, %dma_start3A] : memref<79x128xi32, #tpu.memory_space<vmem>> -> memref<1x128xi32, #tpu.memory_space<vmem>>
      %dma_start3A_13 = tpu.memref_squeeze %dma_start3A_12 : memref<1x128xi32, #tpu.memory_space<vmem>> -> memref<128xi32, #tpu.memory_space<vmem>>
      %dma_start3A_14 = arith.constant 0 : i32
      %dma_start3A_15 = arith.constant 0 : i32
      %dma_start3A_16 = tpu.memref_slice %arg2[%dma_start3A_14, %dma_start3A_15] : memref<10000x128xf32, #tpu.memory_space<hbm>> -> memref<10000x128xf32, #tpu.memory_space<hbm>>
      tpu.enqueue_indirect_dma source(%dma_start3A_16 : memref<10000x128xf32, #tpu.memory_space<hbm>>) target(%arg10 : memref<128x128xf32, #tpu.memory_space<vmem>>) offsets(%dma_start3A_13 : memref<128xi32, #tpu.memory_space<vmem>>) semaphore(%arg12 : memref<!tpu.dma_semaphore, #tpu.memory_space<semaphore_mem>>)
      %dma_start3A_17 = arith.constant 0 : i32
      %dma_start3A_18 = tpu.memref_slice %arg9[%scan3A_6, %dma_start3A_17] : memref<79x128xi32, #tpu.memory_space<vmem>> -> memref<1x128xi32, #tpu.memory_space<vmem>>
      %dma_start3A_19 = tpu.memref_squeeze %dma_start3A_18 : memref<1x128xi32, #tpu.memory_space<vmem>> -> memref<128xi32, #tpu.memory_space<vmem>>
      %dma_start3A_20 = arith.constant 0 : i32
      %dma_start3A_21 = arith.constant 0 : i32
      %dma_start3A_22 = tpu.memref_slice %arg3[%dma_start3A_20, %dma_start3A_21] : memref<10000x128xf32, #tpu.memory_space<hbm>> -> memref<10000x128xf32, #tpu.memory_space<hbm>>
      tpu.enqueue_indirect_dma source(%dma_start3A_22 : memref<10000x128xf32, #tpu.memory_space<hbm>>) target(%arg11 : memref<128x128xf32, #tpu.memory_space<vmem>>) offsets(%dma_start3A_19 : memref<128xi32, #tpu.memory_space<vmem>>) semaphore(%arg13 : memref<!tpu.dma_semaphore, #tpu.memory_space<semaphore_mem>>)
      %dma_wait3A = arith.constant 0 : i32
      %dma_wait3A_23 = tpu.memref_slice %arg8[%scan3A_6, %dma_wait3A] : memref<79x128xi32, #tpu.memory_space<vmem>> -> memref<1x128xi32, #tpu.memory_space<vmem>>
      %dma_wait3A_24 = tpu.memref_squeeze %dma_wait3A_23 : memref<1x128xi32, #tpu.memory_space<vmem>> -> memref<128xi32, #tpu.memory_space<vmem>>
      %dma_wait3A_25 = arith.constant 0 : i32
      %dma_wait3A_26 = arith.constant 0 : i32
      %dma_wait3A_27 = tpu.memref_slice %arg2[%dma_wait3A_25, %dma_wait3A_26] : memref<10000x128xf32, #tpu.memory_space<hbm>> -> memref<10000x128xf32, #tpu.memory_space<hbm>>
      tpu.wait_indirect_dma semaphore(%arg12 : memref<!tpu.dma_semaphore, #tpu.memory_space<semaphore_mem>>) src(%dma_wait3A_27 : memref<10000x128xf32, #tpu.memory_space<hbm>>) dst(%arg10 : memref<128x128xf32, #tpu.memory_space<vmem>>)
      %dma_wait3A_28 = arith.constant 0 : i32
      %dma_wait3A_29 = tpu.memref_slice %arg9[%scan3A_6, %dma_wait3A_28] : memref<79x128xi32, #tpu.memory_space<vmem>> -> memref<1x128xi32, #tpu.memory_space<vmem>>
      %dma_wait3A_30 = tpu.memref_squeeze %dma_wait3A_29 : memref<1x128xi32, #tpu.memory_space<vmem>> -> memref<128xi32, #tpu.memory_space<vmem>>
      %dma_wait3A_31 = arith.constant 0 : i32
      %dma_wait3A_32 = arith.constant 0 : i32
      %dma_wait3A_33 = tpu.memref_slice %arg3[%dma_wait3A_31, %dma_wait3A_32] : memref<10000x128xf32, #tpu.memory_space<hbm>> -> memref<10000x128xf32, #tpu.memory_space<hbm>>
      tpu.wait_indirect_dma semaphore(%arg13 : memref<!tpu.dma_semaphore, #tpu.memory_space<semaphore_mem>>) src(%dma_wait3A_33 : memref<10000x128xf32, #tpu.memory_space<hbm>>) dst(%arg11 : memref<128x128xf32, #tpu.memory_space<vmem>>)
      "tpu.region"() ({
        %run_scoped3A = tpu.sem_alloc : memref<!tpu.dma_semaphore, #tpu.memory_space<semaphore_mem>>
        %dma_start3A_34 = arith.constant 0 : i32
        %dma_start3A_35 = tpu.memref_slice %arg6[%mul3A_11, %dma_start3A_34] : memref<323584x128xf32, #tpu.memory_space<hbm>> -> memref<128x128xf32, #tpu.memory_space<hbm>>
        %dma_start3A_36 = arith.constant 0 : i32
        %dma_start3A_37 = tpu.memref_slice %arg6[%mul3A_11, %dma_start3A_36] : memref<323584x128xf32, #tpu.memory_space<hbm>> -> memref<128x128xf32, #tpu.memory_space<hbm>>
        tpu.enqueue_dma source(%arg10 : memref<128x128xf32, #tpu.memory_space<vmem>>) target(%dma_start3A_37 : memref<128x128xf32, #tpu.memory_space<hbm>>) target_semaphore(%run_scoped3A : memref<!tpu.dma_semaphore, #tpu.memory_space<semaphore_mem>>)
        %dma_wait3A_38 = arith.constant 0 : i32
        %dma_wait3A_39 = tpu.memref_slice %arg6[%mul3A_11, %dma_wait3A_38] : memref<323584x128xf32, #tpu.memory_space<hbm>> -> memref<128x128xf32, #tpu.memory_space<hbm>>
        %dma_wait3A_40 = arith.constant 0 : i32
        %dma_wait3A_41 = tpu.memref_slice %arg6[%mul3A_11, %dma_wait3A_40] : memref<323584x128xf32, #tpu.memory_space<hbm>> -> memref<128x128xf32, #tpu.memory_space<hbm>>
        tpu.wait_dma2 semaphore(%run_scoped3A : memref<!tpu.dma_semaphore, #tpu.memory_space<semaphore_mem>>) src(%arg10 : memref<128x128xf32, #tpu.memory_space<vmem>>) dst(%dma_wait3A_41 : memref<128x128xf32, #tpu.memory_space<hbm>>)
        tpu.yield
      }) : () -> ()
      "tpu.region"() ({
        %run_scoped3A = tpu.sem_alloc : memref<!tpu.dma_semaphore, #tpu.memory_space<semaphore_mem>>
        %dma_start3A_34 = arith.constant 0 : i32
        %dma_start3A_35 = tpu.memref_slice %arg7[%mul3A_11, %dma_start3A_34] : memref<323584x128xf32, #tpu.memory_space<hbm>> -> memref<128x128xf32, #tpu.memory_space<hbm>>
        %dma_start3A_36 = arith.constant 0 : i32
        %dma_start3A_37 = tpu.memref_slice %arg7[%mul3A_11, %dma_start3A_36] : memref<323584x128xf32, #tpu.memory_space<hbm>> -> memref<128x128xf32, #tpu.memory_space<hbm>>
        tpu.enqueue_dma source(%arg11 : memref<128x128xf32, #tpu.memory_space<vmem>>) target(%dma_start3A_37 : memref<128x128xf32, #tpu.memory_space<hbm>>) target_semaphore(%run_scoped3A : memref<!tpu.dma_semaphore, #tpu.memory_space<semaphore_mem>>)
        %dma_wait3A_38 = arith.constant 0 : i32
        %dma_wait3A_39 = tpu.memref_slice %arg7[%mul3A_11, %dma_wait3A_38] : memref<323584x128xf32, #tpu.memory_space<hbm>> -> memref<128x128xf32, #tpu.memory_space<hbm>>
        %dma_wait3A_40 = arith.constant 0 : i32
        %dma_wait3A_41 = tpu.memref_slice %arg7[%mul3A_11, %dma_wait3A_40] : memref<323584x128xf32, #tpu.memory_space<hbm>> -> memref<128x128xf32, #tpu.memory_space<hbm>>
        tpu.wait_dma2 semaphore(%run_scoped3A : memref<!tpu.dma_semaphore, #tpu.memory_space<semaphore_mem>>) src(%arg11 : memref<128x128xf32, #tpu.memory_space<vmem>>) dst(%dma_wait3A_41 : memref<128x128xf32, #tpu.memory_space<hbm>>)
        tpu.yield
      }) : () -> ()
    }
    %scan3A_5 = arith.constant 79 : i32
    return
  }
}

#map = affine_map<(d0, d1) -> (0, 0, 0)>
module attributes {stable_mosaic.version = 14 : i64} {
  func.func @k(%arg0: i32, %arg1: i32, %arg2: memref<32x79x128xi32, #tpu.memory_space<hbm>>, %arg3: memref<2x10240x128xf32, #tpu.memory_space<hbm>>, %arg4: memref<79x128xi32, #tpu.memory_space<vmem>>, %arg5: memref<128x128xf32, #tpu.memory_space<vmem>>, %arg6: memref<128x128xf32, #tpu.memory_space<vmem>>, %arg7: memref<10240x128xf32, #tpu.memory_space<vmem_shared>>) attributes {dimension_semantics = [#tpu.dimension_semantics<core_parallel>, #tpu.dimension_semantics<subcore_parallel>], iteration_bounds = array<i64: 2, 16>, scalar_prefetch = 0 : i64, scratch_operands = 4 : i64, tpu.core_type = #tpu.core_type<sc_vector_subcore>, window_params = [{transform_indices = #map}, {transform_indices = #map}]} {
    %mul3A = arith.constant 2 : i32
    %mul3A_0 = arith.muli %arg1, %mul3A : i32
    %add3A = arith.addi %mul3A_0, %arg0 : i32
    %broadcast_in_dim3A = arith.constant 0.000000e+00 : f32
    %broadcast_in_dim3A_1 = vector.broadcast %broadcast_in_dim3A : f32 to vector<16xf32>
    %broadcast_in_dim3A_2 = arith.constant 1.000000e+00 : f32
    %broadcast_in_dim3A_3 = vector.broadcast %broadcast_in_dim3A_2 : f32 to vector<16xf32>
    %scan3A = arith.constant 0 : i32
    %scan3A_4 = arith.constant 0 : i32
    %scan3A_5 = arith.constant 128 : i32
    %scan3A_6 = arith.addi %scan3A_4, %scan3A_5 : i32
    %scan3A_7 = arith.constant 1 : i32
    scf.for %scan3A_56 = %scan3A_4 to %scan3A_6 step %scan3A_7  : i32 {
      %swap3A = arith.index_cast %scan3A_56 : i32 to index
      %swap3A_57 = arith.constant 0 : index
      %swap3A_58 = tpu.vector_load %arg6[%swap3A, %swap3A_57] {strides = array<i32>} : memref<128x128xf32, #tpu.memory_space<vmem>>, vector<1x16xf32>,
      %swap3A_59 = vector.shape_cast %swap3A_58 : vector<1x16xf32> to vector<16xf32>
      %swap3A_60 = vector.shape_cast %broadcast_in_dim3A_1 : vector<16xf32> to vector<1x16xf32>
      tpu.vector_store %arg6[%swap3A, %swap3A_57], %swap3A_60 {strides = array<i32>} : memref<128x128xf32, #tpu.memory_space<vmem>>, vector<1x16xf32>,
      %swap3A_61 = arith.index_cast %scan3A_56 : i32 to index
      %swap3A_62 = arith.constant 0 : index
      %swap3A_63 = tpu.vector_load %arg5[%swap3A_61, %swap3A_62] {strides = array<i32>} : memref<128x128xf32, #tpu.memory_space<vmem>>, vector<1x16xf32>,
      %swap3A_64 = vector.shape_cast %swap3A_63 : vector<1x16xf32> to vector<16xf32>
      %swap3A_65 = vector.shape_cast %broadcast_in_dim3A_3 : vector<16xf32> to vector<1x16xf32>
      tpu.vector_store %arg5[%swap3A_61, %swap3A_62], %swap3A_65 {strides = array<i32>} : memref<128x128xf32, #tpu.memory_space<vmem>>, vector<1x16xf32>,
      %swap3A_66 = arith.index_cast %scan3A_56 : i32 to index
      %swap3A_67 = arith.constant 16 : index
      %swap3A_68 = tpu.vector_load %arg6[%swap3A_66, %swap3A_67] {strides = array<i32>} : memref<128x128xf32, #tpu.memory_space<vmem>>, vector<1x16xf32>,
      %swap3A_69 = vector.shape_cast %swap3A_68 : vector<1x16xf32> to vector<16xf32>
      %swap3A_70 = vector.shape_cast %broadcast_in_dim3A_1 : vector<16xf32> to vector<1x16xf32>
      tpu.vector_store %arg6[%swap3A_66, %swap3A_67], %swap3A_70 {strides = array<i32>} : memref<128x128xf32, #tpu.memory_space<vmem>>, vector<1x16xf32>,
      %swap3A_71 = arith.index_cast %scan3A_56 : i32 to index
      %swap3A_72 = arith.constant 16 : index
      %swap3A_73 = tpu.vector_load %arg5[%swap3A_71, %swap3A_72] {strides = array<i32>} : memref<128x128xf32, #tpu.memory_space<vmem>>, vector<1x16xf32>,
      %swap3A_74 = vector.shape_cast %swap3A_73 : vector<1x16xf32> to vector<16xf32>
      %swap3A_75 = vector.shape_cast %broadcast_in_dim3A_3 : vector<16xf32> to vector<1x16xf32>
      tpu.vector_store %arg5[%swap3A_71, %swap3A_72], %swap3A_75 {strides = array<i32>} : memref<128x128xf32, #tpu.memory_space<vmem>>, vector<1x16xf32>,
      %swap3A_76 = arith.index_cast %scan3A_56 : i32 to index
      %swap3A_77 = arith.constant 32 : index
      %swap3A_78 = tpu.vector_load %arg6[%swap3A_76, %swap3A_77] {strides = array<i32>} : memref<128x128xf32, #tpu.memory_space<vmem>>, vector<1x16xf32>,
      %swap3A_79 = vector.shape_cast %swap3A_78 : vector<1x16xf32> to vector<16xf32>
      %swap3A_80 = vector.shape_cast %broadcast_in_dim3A_1 : vector<16xf32> to vector<1x16xf32>
      tpu.vector_store %arg6[%swap3A_76, %swap3A_77], %swap3A_80 {strides = array<i32>} : memref<128x128xf32, #tpu.memory_space<vmem>>, vector<1x16xf32>,
      %swap3A_81 = arith.index_cast %scan3A_56 : i32 to index
      %swap3A_82 = arith.constant 32 : index
      %swap3A_83 = tpu.vector_load %arg5[%swap3A_81, %swap3A_82] {strides = array<i32>} : memref<128x128xf32, #tpu.memory_space<vmem>>, vector<1x16xf32>,
      %swap3A_84 = vector.shape_cast %swap3A_83 : vector<1x16xf32> to vector<16xf32>
      %swap3A_85 = vector.shape_cast %broadcast_in_dim3A_3 : vector<16xf32> to vector<1x16xf32>
      tpu.vector_store %arg5[%swap3A_81, %swap3A_82], %swap3A_85 {strides = array<i32>} : memref<128x128xf32, #tpu.memory_space<vmem>>, vector<1x16xf32>,
      %swap3A_86 = arith.index_cast %scan3A_56 : i32 to index
      %swap3A_87 = arith.constant 48 : index
      %swap3A_88 = tpu.vector_load %arg6[%swap3A_86, %swap3A_87] {strides = array<i32>} : memref<128x128xf32, #tpu.memory_space<vmem>>, vector<1x16xf32>,
      %swap3A_89 = vector.shape_cast %swap3A_88 : vector<1x16xf32> to vector<16xf32>
      %swap3A_90 = vector.shape_cast %broadcast_in_dim3A_1 : vector<16xf32> to vector<1x16xf32>
      tpu.vector_store %arg6[%swap3A_86, %swap3A_87], %swap3A_90 {strides = array<i32>} : memref<128x128xf32, #tpu.memory_space<vmem>>, vector<1x16xf32>,
      %swap3A_91 = arith.index_cast %scan3A_56 : i32 to index
      %swap3A_92 = arith.constant 48 : index
      %swap3A_93 = tpu.vector_load %arg5[%swap3A_91, %swap3A_92] {strides = array<i32>} : memref<128x128xf32, #tpu.memory_space<vmem>>, vector<1x16xf32>,
      %swap3A_94 = vector.shape_cast %swap3A_93 : vector<1x16xf32> to vector<16xf32>
      %swap3A_95 = vector.shape_cast %broadcast_in_dim3A_3 : vector<16xf32> to vector<1x16xf32>
      tpu.vector_store %arg5[%swap3A_91, %swap3A_92], %swap3A_95 {strides = array<i32>} : memref<128x128xf32, #tpu.memory_space<vmem>>, vector<1x16xf32>,
      %swap3A_96 = arith.index_cast %scan3A_56 : i32 to index
      %swap3A_97 = arith.constant 64 : index
      %swap3A_98 = tpu.vector_load %arg6[%swap3A_96, %swap3A_97] {strides = array<i32>} : memref<128x128xf32, #tpu.memory_space<vmem>>, vector<1x16xf32>,
      %swap3A_99 = vector.shape_cast %swap3A_98 : vector<1x16xf32> to vector<16xf32>
      %swap3A_100 = vector.shape_cast %broadcast_in_dim3A_1 : vector<16xf32> to vector<1x16xf32>
      tpu.vector_store %arg6[%swap3A_96, %swap3A_97], %swap3A_100 {strides = array<i32>} : memref<128x128xf32, #tpu.memory_space<vmem>>, vector<1x16xf32>,
      %swap3A_101 = arith.index_cast %scan3A_56 : i32 to index
      %swap3A_102 = arith.constant 64 : index
      %swap3A_103 = tpu.vector_load %arg5[%swap3A_101, %swap3A_102] {strides = array<i32>} : memref<128x128xf32, #tpu.memory_space<vmem>>, vector<1x16xf32>,
      %swap3A_104 = vector.shape_cast %swap3A_103 : vector<1x16xf32> to vector<16xf32>
      %swap3A_105 = vector.shape_cast %broadcast_in_dim3A_3 : vector<16xf32> to vector<1x16xf32>
      tpu.vector_store %arg5[%swap3A_101, %swap3A_102], %swap3A_105 {strides = array<i32>} : memref<128x128xf32, #tpu.memory_space<vmem>>, vector<1x16xf32>,
      %swap3A_106 = arith.index_cast %scan3A_56 : i32 to index
      %swap3A_107 = arith.constant 80 : index
      %swap3A_108 = tpu.vector_load %arg6[%swap3A_106, %swap3A_107] {strides = array<i32>} : memref<128x128xf32, #tpu.memory_space<vmem>>, vector<1x16xf32>,
      %swap3A_109 = vector.shape_cast %swap3A_108 : vector<1x16xf32> to vector<16xf32>
      %swap3A_110 = vector.shape_cast %broadcast_in_dim3A_1 : vector<16xf32> to vector<1x16xf32>
      tpu.vector_store %arg6[%swap3A_106, %swap3A_107], %swap3A_110 {strides = array<i32>} : memref<128x128xf32, #tpu.memory_space<vmem>>, vector<1x16xf32>,
      %swap3A_111 = arith.index_cast %scan3A_56 : i32 to index
      %swap3A_112 = arith.constant 80 : index
      %swap3A_113 = tpu.vector_load %arg5[%swap3A_111, %swap3A_112] {strides = array<i32>} : memref<128x128xf32, #tpu.memory_space<vmem>>, vector<1x16xf32>,
      %swap3A_114 = vector.shape_cast %swap3A_113 : vector<1x16xf32> to vector<16xf32>
      %swap3A_115 = vector.shape_cast %broadcast_in_dim3A_3 : vector<16xf32> to vector<1x16xf32>
      tpu.vector_store %arg5[%swap3A_111, %swap3A_112], %swap3A_115 {strides = array<i32>} : memref<128x128xf32, #tpu.memory_space<vmem>>, vector<1x16xf32>,
      %swap3A_116 = arith.index_cast %scan3A_56 : i32 to index
      %swap3A_117 = arith.constant 96 : index
      %swap3A_118 = tpu.vector_load %arg6[%swap3A_116, %swap3A_117] {strides = array<i32>} : memref<128x128xf32, #tpu.memory_space<vmem>>, vector<1x16xf32>,
      %swap3A_119 = vector.shape_cast %swap3A_118 : vector<1x16xf32> to vector<16xf32>
      %swap3A_120 = vector.shape_cast %broadcast_in_dim3A_1 : vector<16xf32> to vector<1x16xf32>
      tpu.vector_store %arg6[%swap3A_116, %swap3A_117], %swap3A_120 {strides = array<i32>} : memref<128x128xf32, #tpu.memory_space<vmem>>, vector<1x16xf32>,
      %swap3A_121 = arith.index_cast %scan3A_56 : i32 to index
      %swap3A_122 = arith.constant 96 : index
      %swap3A_123 = tpu.vector_load %arg5[%swap3A_121, %swap3A_122] {strides = array<i32>} : memref<128x128xf32, #tpu.memory_space<vmem>>, vector<1x16xf32>,
      %swap3A_124 = vector.shape_cast %swap3A_123 : vector<1x16xf32> to vector<16xf32>
      %swap3A_125 = vector.shape_cast %broadcast_in_dim3A_3 : vector<16xf32> to vector<1x16xf32>
      tpu.vector_store %arg5[%swap3A_121, %swap3A_122], %swap3A_125 {strides = array<i32>} : memref<128x128xf32, #tpu.memory_space<vmem>>, vector<1x16xf32>,
      %swap3A_126 = arith.index_cast %scan3A_56 : i32 to index
      %swap3A_127 = arith.constant 112 : index
      %swap3A_128 = tpu.vector_load %arg6[%swap3A_126, %swap3A_127] {strides = array<i32>} : memref<128x128xf32, #tpu.memory_space<vmem>>, vector<1x16xf32>,
      %swap3A_129 = vector.shape_cast %swap3A_128 : vector<1x16xf32> to vector<16xf32>
      %swap3A_130 = vector.shape_cast %broadcast_in_dim3A_1 : vector<16xf32> to vector<1x16xf32>
      tpu.vector_store %arg6[%swap3A_126, %swap3A_127], %swap3A_130 {strides = array<i32>} : memref<128x128xf32, #tpu.memory_space<vmem>>, vector<1x16xf32>,
      %swap3A_131 = arith.index_cast %scan3A_56 : i32 to index
      %swap3A_132 = arith.constant 112 : index
      %swap3A_133 = tpu.vector_load %arg5[%swap3A_131, %swap3A_132] {strides = array<i32>} : memref<128x128xf32, #tpu.memory_space<vmem>>, vector<1x16xf32>,
      %swap3A_134 = vector.shape_cast %swap3A_133 : vector<1x16xf32> to vector<16xf32>
      %swap3A_135 = vector.shape_cast %broadcast_in_dim3A_3 : vector<16xf32> to vector<1x16xf32>
      tpu.vector_store %arg5[%swap3A_131, %swap3A_132], %swap3A_135 {strides = array<i32>} : memref<128x128xf32, #tpu.memory_space<vmem>>, vector<1x16xf32>,
    }
    %scan3A_8 = arith.constant 128 : i32
    %mul3A_9 = arith.constant 640 : i32
    %mul3A_10 = arith.muli %arg1, %mul3A_9 : i32
    %add3A_11 = arith.constant 0 : i32
    %add3A_12 = arith.addi %mul3A_10, %add3A_11 : i32
    "tpu.region"() ({
      %run_scoped3A = tpu.sem_alloc : memref<!tpu.dma_semaphore, #tpu.memory_space<semaphore_mem>>
      %dma_start3A = arith.constant 0 : i32
      %dma_start3A_56 = tpu.memref_slice %arg7[%add3A_12, %dma_start3A] : memref<10240x128xf32, #tpu.memory_space<vmem_shared>> -> memref<128x128xf32, #tpu.memory_space<vmem_shared>>
      %dma_start3A_57 = arith.constant 0 : i32
      %dma_start3A_58 = tpu.memref_slice %arg7[%add3A_12, %dma_start3A_57] : memref<10240x128xf32, #tpu.memory_space<vmem_shared>> -> memref<128x128xf32, #tpu.memory_space<vmem_shared>>
      tpu.enqueue_dma source(%arg6 : memref<128x128xf32, #tpu.memory_space<vmem>>) target(%dma_start3A_58 : memref<128x128xf32, #tpu.memory_space<vmem_shared>>) target_semaphore(%run_scoped3A : memref<!tpu.dma_semaphore, #tpu.memory_space<semaphore_mem>>)
      %dma_wait3A = arith.constant 0 : i32
      %dma_wait3A_59 = tpu.memref_slice %arg7[%add3A_12, %dma_wait3A] : memref<10240x128xf32, #tpu.memory_space<vmem_shared>> -> memref<128x128xf32, #tpu.memory_space<vmem_shared>>
      %dma_wait3A_60 = arith.constant 0 : i32
      %dma_wait3A_61 = tpu.memref_slice %arg7[%add3A_12, %dma_wait3A_60] : memref<10240x128xf32, #tpu.memory_space<vmem_shared>> -> memref<128x128xf32, #tpu.memory_space<vmem_shared>>
      tpu.wait_dma2 semaphore(%run_scoped3A : memref<!tpu.dma_semaphore, #tpu.memory_space<semaphore_mem>>) src(%arg6 : memref<128x128xf32, #tpu.memory_space<vmem>>) dst(%dma_wait3A_61 : memref<128x128xf32, #tpu.memory_space<vmem_shared>>)
      tpu.yield
    }) : () -> ()
    %mul3A_13 = arith.constant 640 : i32
    %mul3A_14 = arith.muli %arg1, %mul3A_13 : i32
    %add3A_15 = arith.constant 128 : i32
    %add3A_16 = arith.addi %mul3A_14, %add3A_15 : i32
    "tpu.region"() ({
      %run_scoped3A = tpu.sem_alloc : memref<!tpu.dma_semaphore, #tpu.memory_space<semaphore_mem>>
      %dma_start3A = arith.constant 0 : i32
      %dma_start3A_56 = tpu.memref_slice %arg7[%add3A_16, %dma_start3A] : memref<10240x128xf32, #tpu.memory_space<vmem_shared>> -> memref<128x128xf32, #tpu.memory_space<vmem_shared>>
      %dma_start3A_57 = arith.constant 0 : i32
      %dma_start3A_58 = tpu.memref_slice %arg7[%add3A_16, %dma_start3A_57] : memref<10240x128xf32, #tpu.memory_space<vmem_shared>> -> memref<128x128xf32, #tpu.memory_space<vmem_shared>>
      tpu.enqueue_dma source(%arg6 : memref<128x128xf32, #tpu.memory_space<vmem>>) target(%dma_start3A_58 : memref<128x128xf32, #tpu.memory_space<vmem_shared>>) target_semaphore(%run_scoped3A : memref<!tpu.dma_semaphore, #tpu.memory_space<semaphore_mem>>)
      %dma_wait3A = arith.constant 0 : i32
      %dma_wait3A_59 = tpu.memref_slice %arg7[%add3A_16, %dma_wait3A] : memref<10240x128xf32, #tpu.memory_space<vmem_shared>> -> memref<128x128xf32, #tpu.memory_space<vmem_shared>>
      %dma_wait3A_60 = arith.constant 0 : i32
      %dma_wait3A_61 = tpu.memref_slice %arg7[%add3A_16, %dma_wait3A_60] : memref<10240x128xf32, #tpu.memory_space<vmem_shared>> -> memref<128x128xf32, #tpu.memory_space<vmem_shared>>
      tpu.wait_dma2 semaphore(%run_scoped3A : memref<!tpu.dma_semaphore, #tpu.memory_space<semaphore_mem>>) src(%arg6 : memref<128x128xf32, #tpu.memory_space<vmem>>) dst(%dma_wait3A_61 : memref<128x128xf32, #tpu.memory_space<vmem_shared>>)
      tpu.yield
    }) : () -> ()
    %mul3A_17 = arith.constant 640 : i32
    %mul3A_18 = arith.muli %arg1, %mul3A_17 : i32
    %add3A_19 = arith.constant 256 : i32
    %add3A_20 = arith.addi %mul3A_18, %add3A_19 : i32
    "tpu.region"() ({
      %run_scoped3A = tpu.sem_alloc : memref<!tpu.dma_semaphore, #tpu.memory_space<semaphore_mem>>
      %dma_start3A = arith.constant 0 : i32
      %dma_start3A_56 = tpu.memref_slice %arg7[%add3A_20, %dma_start3A] : memref<10240x128xf32, #tpu.memory_space<vmem_shared>> -> memref<128x128xf32, #tpu.memory_space<vmem_shared>>
      %dma_start3A_57 = arith.constant 0 : i32
      %dma_start3A_58 = tpu.memref_slice %arg7[%add3A_20, %dma_start3A_57] : memref<10240x128xf32, #tpu.memory_space<vmem_shared>> -> memref<128x128xf32, #tpu.memory_space<vmem_shared>>
      tpu.enqueue_dma source(%arg6 : memref<128x128xf32, #tpu.memory_space<vmem>>) target(%dma_start3A_58 : memref<128x128xf32, #tpu.memory_space<vmem_shared>>) target_semaphore(%run_scoped3A : memref<!tpu.dma_semaphore, #tpu.memory_space<semaphore_mem>>)
      %dma_wait3A = arith.constant 0 : i32
      %dma_wait3A_59 = tpu.memref_slice %arg7[%add3A_20, %dma_wait3A] : memref<10240x128xf32, #tpu.memory_space<vmem_shared>> -> memref<128x128xf32, #tpu.memory_space<vmem_shared>>
      %dma_wait3A_60 = arith.constant 0 : i32
      %dma_wait3A_61 = tpu.memref_slice %arg7[%add3A_20, %dma_wait3A_60] : memref<10240x128xf32, #tpu.memory_space<vmem_shared>> -> memref<128x128xf32, #tpu.memory_space<vmem_shared>>
      tpu.wait_dma2 semaphore(%run_scoped3A : memref<!tpu.dma_semaphore, #tpu.memory_space<semaphore_mem>>) src(%arg6 : memref<128x128xf32, #tpu.memory_space<vmem>>) dst(%dma_wait3A_61 : memref<128x128xf32, #tpu.memory_space<vmem_shared>>)
      tpu.yield
    }) : () -> ()
    %mul3A_21 = arith.constant 640 : i32
    %mul3A_22 = arith.muli %arg1, %mul3A_21 : i32
    %add3A_23 = arith.constant 384 : i32
    %add3A_24 = arith.addi %mul3A_22, %add3A_23 : i32
    "tpu.region"() ({
      %run_scoped3A = tpu.sem_alloc : memref<!tpu.dma_semaphore, #tpu.memory_space<semaphore_mem>>
      %dma_start3A = arith.constant 0 : i32
      %dma_start3A_56 = tpu.memref_slice %arg7[%add3A_24, %dma_start3A] : memref<10240x128xf32, #tpu.memory_space<vmem_shared>> -> memref<128x128xf32, #tpu.memory_space<vmem_shared>>
      %dma_start3A_57 = arith.constant 0 : i32
      %dma_start3A_58 = tpu.memref_slice %arg7[%add3A_24, %dma_start3A_57] : memref<10240x128xf32, #tpu.memory_space<vmem_shared>> -> memref<128x128xf32, #tpu.memory_space<vmem_shared>>
      tpu.enqueue_dma source(%arg6 : memref<128x128xf32, #tpu.memory_space<vmem>>) target(%dma_start3A_58 : memref<128x128xf32, #tpu.memory_space<vmem_shared>>) target_semaphore(%run_scoped3A : memref<!tpu.dma_semaphore, #tpu.memory_space<semaphore_mem>>)
      %dma_wait3A = arith.constant 0 : i32
      %dma_wait3A_59 = tpu.memref_slice %arg7[%add3A_24, %dma_wait3A] : memref<10240x128xf32, #tpu.memory_space<vmem_shared>> -> memref<128x128xf32, #tpu.memory_space<vmem_shared>>
      %dma_wait3A_60 = arith.constant 0 : i32
      %dma_wait3A_61 = tpu.memref_slice %arg7[%add3A_24, %dma_wait3A_60] : memref<10240x128xf32, #tpu.memory_space<vmem_shared>> -> memref<128x128xf32, #tpu.memory_space<vmem_shared>>
      tpu.wait_dma2 semaphore(%run_scoped3A : memref<!tpu.dma_semaphore, #tpu.memory_space<semaphore_mem>>) src(%arg6 : memref<128x128xf32, #tpu.memory_space<vmem>>) dst(%dma_wait3A_61 : memref<128x128xf32, #tpu.memory_space<vmem_shared>>)
      tpu.yield
    }) : () -> ()
    %mul3A_25 = arith.constant 640 : i32
    %mul3A_26 = arith.muli %arg1, %mul3A_25 : i32
    %add3A_27 = arith.constant 512 : i32
    %add3A_28 = arith.addi %mul3A_26, %add3A_27 : i32
    "tpu.region"() ({
      %run_scoped3A = tpu.sem_alloc : memref<!tpu.dma_semaphore, #tpu.memory_space<semaphore_mem>>
      %dma_start3A = arith.constant 0 : i32
      %dma_start3A_56 = tpu.memref_slice %arg7[%add3A_28, %dma_start3A] : memref<10240x128xf32, #tpu.memory_space<vmem_shared>> -> memref<128x128xf32, #tpu.memory_space<vmem_shared>>
      %dma_start3A_57 = arith.constant 0 : i32
      %dma_start3A_58 = tpu.memref_slice %arg7[%add3A_28, %dma_start3A_57] : memref<10240x128xf32, #tpu.memory_space<vmem_shared>> -> memref<128x128xf32, #tpu.memory_space<vmem_shared>>
      tpu.enqueue_dma source(%arg6 : memref<128x128xf32, #tpu.memory_space<vmem>>) target(%dma_start3A_58 : memref<128x128xf32, #tpu.memory_space<vmem_shared>>) target_semaphore(%run_scoped3A : memref<!tpu.dma_semaphore, #tpu.memory_space<semaphore_mem>>)
      %dma_wait3A = arith.constant 0 : i32
      %dma_wait3A_59 = tpu.memref_slice %arg7[%add3A_28, %dma_wait3A] : memref<10240x128xf32, #tpu.memory_space<vmem_shared>> -> memref<128x128xf32, #tpu.memory_space<vmem_shared>>
      %dma_wait3A_60 = arith.constant 0 : i32
      %dma_wait3A_61 = tpu.memref_slice %arg7[%add3A_28, %dma_wait3A_60] : memref<10240x128xf32, #tpu.memory_space<vmem_shared>> -> memref<128x128xf32, #tpu.memory_space<vmem_shared>>
      tpu.wait_dma2 semaphore(%run_scoped3A : memref<!tpu.dma_semaphore, #tpu.memory_space<semaphore_mem>>) src(%arg6 : memref<128x128xf32, #tpu.memory_space<vmem>>) dst(%dma_wait3A_61 : memref<128x128xf32, #tpu.memory_space<vmem_shared>>)
      tpu.yield
    }) : () -> ()
    %barrier3A = arith.constant 0 : index
    tpu.barrier barrier_id(%barrier3A)
    "tpu.region"() ({
      %run_scoped3A = tpu.sem_alloc : memref<!tpu.dma_semaphore, #tpu.memory_space<semaphore_mem>>
      %dma_start3A = arith.constant 0 : i32
      %dma_start3A_56 = arith.constant 0 : i32
      %dma_start3A_57 = tpu.memref_slice %arg2[%add3A, %dma_start3A, %dma_start3A_56] : memref<32x79x128xi32, #tpu.memory_space<hbm>> -> memref<1x79x128xi32, #tpu.memory_space<hbm>>
      %dma_start3A_58 = tpu.memref_squeeze %dma_start3A_57 : memref<1x79x128xi32, #tpu.memory_space<hbm>> -> memref<79x128xi32, #tpu.memory_space<hbm>>
      %dma_start3A_59 = arith.constant 0 : i32
      %dma_start3A_60 = arith.constant 0 : i32
      %dma_start3A_61 = tpu.memref_slice %arg2[%add3A, %dma_start3A_59, %dma_start3A_60] : memref<32x79x128xi32, #tpu.memory_space<hbm>> -> memref<1x79x128xi32, #tpu.memory_space<hbm>>
      %dma_start3A_62 = tpu.memref_squeeze %dma_start3A_61 : memref<1x79x128xi32, #tpu.memory_space<hbm>> -> memref<79x128xi32, #tpu.memory_space<hbm>>
      tpu.enqueue_dma source(%dma_start3A_62 : memref<79x128xi32, #tpu.memory_space<hbm>>) target(%arg4 : memref<79x128xi32, #tpu.memory_space<vmem>>) target_semaphore(%run_scoped3A : memref<!tpu.dma_semaphore, #tpu.memory_space<semaphore_mem>>)
      %dma_wait3A = arith.constant 0 : i32
      %dma_wait3A_63 = arith.constant 0 : i32
      %dma_wait3A_64 = tpu.memref_slice %arg2[%add3A, %dma_wait3A, %dma_wait3A_63] : memref<32x79x128xi32, #tpu.memory_space<hbm>> -> memref<1x79x128xi32, #tpu.memory_space<hbm>>
      %dma_wait3A_65 = tpu.memref_squeeze %dma_wait3A_64 : memref<1x79x128xi32, #tpu.memory_space<hbm>> -> memref<79x128xi32, #tpu.memory_space<hbm>>
      %dma_wait3A_66 = arith.constant 0 : i32
      %dma_wait3A_67 = arith.constant 0 : i32
      %dma_wait3A_68 = tpu.memref_slice %arg2[%add3A, %dma_wait3A_66, %dma_wait3A_67] : memref<32x79x128xi32, #tpu.memory_space<hbm>> -> memref<1x79x128xi32, #tpu.memory_space<hbm>>
      %dma_wait3A_69 = tpu.memref_squeeze %dma_wait3A_68 : memref<1x79x128xi32, #tpu.memory_space<hbm>> -> memref<79x128xi32, #tpu.memory_space<hbm>>
      tpu.wait_dma2 semaphore(%run_scoped3A : memref<!tpu.dma_semaphore, #tpu.memory_space<semaphore_mem>>) src(%dma_wait3A_69 : memref<79x128xi32, #tpu.memory_space<hbm>>) dst(%arg4 : memref<79x128xi32, #tpu.memory_space<vmem>>)
      tpu.yield
    }) : () -> ()
    %scan3A_29 = arith.constant 0 : i32
    %scan3A_30 = arith.constant 0 : i32
    %scan3A_31 = arith.constant 79 : i32
    %scan3A_32 = arith.addi %scan3A_30, %scan3A_31 : i32
    %scan3A_33 = arith.constant 1 : i32
    scf.for %scan3A_56 = %scan3A_30 to %scan3A_32 step %scan3A_33  : i32 {
      "tpu.region"() ({
        %run_scoped3A = tpu.sem_alloc : memref<!tpu.dma_semaphore, #tpu.memory_space<semaphore_mem>>
        %dma_start3A = arith.constant 0 : i32
        %dma_start3A_57 = tpu.memref_slice %arg4[%scan3A_56, %dma_start3A] : memref<79x128xi32, #tpu.memory_space<vmem>> -> memref<1x128xi32, #tpu.memory_space<vmem>>
        %dma_start3A_58 = tpu.memref_squeeze %dma_start3A_57 : memref<1x128xi32, #tpu.memory_space<vmem>> -> memref<128xi32, #tpu.memory_space<vmem>>
        %dma_start3A_59 = arith.constant 0 : i32
        %dma_start3A_60 = arith.constant 0 : i32
        %dma_start3A_61 = tpu.memref_slice %arg7[%dma_start3A_59, %dma_start3A_60] : memref<10240x128xf32, #tpu.memory_space<vmem_shared>> -> memref<10240x128xf32, #tpu.memory_space<vmem_shared>>
        tpu.enqueue_indirect_dma source(%arg5 : memref<128x128xf32, #tpu.memory_space<vmem>>) target(%dma_start3A_61 : memref<10240x128xf32, #tpu.memory_space<vmem_shared>>) offsets(%dma_start3A_58 : memref<128xi32, #tpu.memory_space<vmem>>) semaphore(%run_scoped3A : memref<!tpu.dma_semaphore, #tpu.memory_space<semaphore_mem>>) {add = true}
        %dma_wait3A = arith.constant 0 : i32
        %dma_wait3A_62 = tpu.memref_slice %arg4[%scan3A_56, %dma_wait3A] : memref<79x128xi32, #tpu.memory_space<vmem>> -> memref<1x128xi32, #tpu.memory_space<vmem>>
        %dma_wait3A_63 = tpu.memref_squeeze %dma_wait3A_62 : memref<1x128xi32, #tpu.memory_space<vmem>> -> memref<128xi32, #tpu.memory_space<vmem>>
        %dma_wait3A_64 = arith.constant 0 : i32
        %dma_wait3A_65 = arith.constant 0 : i32
        %dma_wait3A_66 = tpu.memref_slice %arg7[%dma_wait3A_64, %dma_wait3A_65] : memref<10240x128xf32, #tpu.memory_space<vmem_shared>> -> memref<10240x128xf32, #tpu.memory_space<vmem_shared>>
        tpu.wait_indirect_dma semaphore(%run_scoped3A : memref<!tpu.dma_semaphore, #tpu.memory_space<semaphore_mem>>) src(%arg5 : memref<128x128xf32, #tpu.memory_space<vmem>>) dst(%dma_wait3A_66 : memref<10240x128xf32, #tpu.memory_space<vmem_shared>>)
        tpu.yield
      }) : () -> ()
    }
    %scan3A_34 = arith.constant 79 : i32
    %barrier3A_35 = arith.constant 0 : index
    tpu.barrier barrier_id(%barrier3A_35)
    %mul3A_36 = arith.constant 640 : i32
    %mul3A_37 = arith.muli %arg1, %mul3A_36 : i32
    %add3A_38 = arith.constant 0 : i32
    %add3A_39 = arith.addi %mul3A_37, %add3A_38 : i32
    "tpu.region"() ({
      %run_scoped3A = tpu.sem_alloc : memref<!tpu.dma_semaphore, #tpu.memory_space<semaphore_mem>>
      %dma_start3A = arith.constant 0 : i32
      %dma_start3A_56 = arith.constant 0 : i32
      %dma_start3A_57 = tpu.memref_slice %arg3[%arg0, %dma_start3A, %dma_start3A_56] : memref<2x10240x128xf32, #tpu.memory_space<hbm>> -> memref<1x10240x128xf32, #tpu.memory_space<hbm>>
      %dma_start3A_58 = tpu.memref_squeeze %dma_start3A_57 : memref<1x10240x128xf32, #tpu.memory_space<hbm>> -> memref<10240x128xf32, #tpu.memory_space<hbm>>
      %dma_start3A_59 = arith.constant 0 : i32
      %dma_start3A_60 = tpu.memref_slice %dma_start3A_58[%add3A_39, %dma_start3A_59] : memref<10240x128xf32, #tpu.memory_space<hbm>> -> memref<128x128xf32, #tpu.memory_space<hbm>>
      %dma_start3A_61 = arith.constant 0 : i32
      %dma_start3A_62 = tpu.memref_slice %arg7[%add3A_39, %dma_start3A_61] : memref<10240x128xf32, #tpu.memory_space<vmem_shared>> -> memref<128x128xf32, #tpu.memory_space<vmem_shared>>
      tpu.enqueue_dma source(%dma_start3A_62 : memref<128x128xf32, #tpu.memory_space<vmem_shared>>) target(%dma_start3A_60 : memref<128x128xf32, #tpu.memory_space<hbm>>) target_semaphore(%run_scoped3A : memref<!tpu.dma_semaphore, #tpu.memory_space<semaphore_mem>>)
      %dma_wait3A = arith.constant 0 : i32
      %dma_wait3A_63 = arith.constant 0 : i32
      %dma_wait3A_64 = tpu.memref_slice %arg3[%arg0, %dma_wait3A, %dma_wait3A_63] : memref<2x10240x128xf32, #tpu.memory_space<hbm>> -> memref<1x10240x128xf32, #tpu.memory_space<hbm>>
      %dma_wait3A_65 = tpu.memref_squeeze %dma_wait3A_64 : memref<1x10240x128xf32, #tpu.memory_space<hbm>> -> memref<10240x128xf32, #tpu.memory_space<hbm>>
      %dma_wait3A_66 = arith.constant 0 : i32
      %dma_wait3A_67 = tpu.memref_slice %dma_wait3A_65[%add3A_39, %dma_wait3A_66] : memref<10240x128xf32, #tpu.memory_space<hbm>> -> memref<128x128xf32, #tpu.memory_space<hbm>>
      %dma_wait3A_68 = arith.constant 0 : i32
      %dma_wait3A_69 = tpu.memref_slice %arg7[%add3A_39, %dma_wait3A_68] : memref<10240x128xf32, #tpu.memory_space<vmem_shared>> -> memref<128x128xf32, #tpu.memory_space<vmem_shared>>
      tpu.wait_dma2 semaphore(%run_scoped3A : memref<!tpu.dma_semaphore, #tpu.memory_space<semaphore_mem>>) src(%dma_wait3A_69 : memref<128x128xf32, #tpu.memory_space<vmem_shared>>) dst(%dma_wait3A_67 : memref<128x128xf32, #tpu.memory_space<hbm>>)
      tpu.yield
    }) : () -> ()
    %mul3A_40 = arith.constant 640 : i32
    %mul3A_41 = arith.muli %arg1, %mul3A_40 : i32
    %add3A_42 = arith.constant 128 : i32
    %add3A_43 = arith.addi %mul3A_41, %add3A_42 : i32
    "tpu.region"() ({
      %run_scoped3A = tpu.sem_alloc : memref<!tpu.dma_semaphore, #tpu.memory_space<semaphore_mem>>
      %dma_start3A = arith.constant 0 : i32
      %dma_start3A_56 = arith.constant 0 : i32
      %dma_start3A_57 = tpu.memref_slice %arg3[%arg0, %dma_start3A, %dma_start3A_56] : memref<2x10240x128xf32, #tpu.memory_space<hbm>> -> memref<1x10240x128xf32, #tpu.memory_space<hbm>>
      %dma_start3A_58 = tpu.memref_squeeze %dma_start3A_57 : memref<1x10240x128xf32, #tpu.memory_space<hbm>> -> memref<10240x128xf32, #tpu.memory_space<hbm>>
      %dma_start3A_59 = arith.constant 0 : i32
      %dma_start3A_60 = tpu.memref_slice %dma_start3A_58[%add3A_43, %dma_start3A_59] : memref<10240x128xf32, #tpu.memory_space<hbm>> -> memref<128x128xf32, #tpu.memory_space<hbm>>
      %dma_start3A_61 = arith.constant 0 : i32
      %dma_start3A_62 = tpu.memref_slice %arg7[%add3A_43, %dma_start3A_61] : memref<10240x128xf32, #tpu.memory_space<vmem_shared>> -> memref<128x128xf32, #tpu.memory_space<vmem_shared>>
      tpu.enqueue_dma source(%dma_start3A_62 : memref<128x128xf32, #tpu.memory_space<vmem_shared>>) target(%dma_start3A_60 : memref<128x128xf32, #tpu.memory_space<hbm>>) target_semaphore(%run_scoped3A : memref<!tpu.dma_semaphore, #tpu.memory_space<semaphore_mem>>)
      %dma_wait3A = arith.constant 0 : i32
      %dma_wait3A_63 = arith.constant 0 : i32
      %dma_wait3A_64 = tpu.memref_slice %arg3[%arg0, %dma_wait3A, %dma_wait3A_63] : memref<2x10240x128xf32, #tpu.memory_space<hbm>> -> memref<1x10240x128xf32, #tpu.memory_space<hbm>>
      %dma_wait3A_65 = tpu.memref_squeeze %dma_wait3A_64 : memref<1x10240x128xf32, #tpu.memory_space<hbm>> -> memref<10240x128xf32, #tpu.memory_space<hbm>>
      %dma_wait3A_66 = arith.constant 0 : i32
      %dma_wait3A_67 = tpu.memref_slice %dma_wait3A_65[%add3A_43, %dma_wait3A_66] : memref<10240x128xf32, #tpu.memory_space<hbm>> -> memref<128x128xf32, #tpu.memory_space<hbm>>
      %dma_wait3A_68 = arith.constant 0 : i32
      %dma_wait3A_69 = tpu.memref_slice %arg7[%add3A_43, %dma_wait3A_68] : memref<10240x128xf32, #tpu.memory_space<vmem_shared>> -> memref<128x128xf32, #tpu.memory_space<vmem_shared>>
      tpu.wait_dma2 semaphore(%run_scoped3A : memref<!tpu.dma_semaphore, #tpu.memory_space<semaphore_mem>>) src(%dma_wait3A_69 : memref<128x128xf32, #tpu.memory_space<vmem_shared>>) dst(%dma_wait3A_67 : memref<128x128xf32, #tpu.memory_space<hbm>>)
      tpu.yield
    }) : () -> ()
    %mul3A_44 = arith.constant 640 : i32
    %mul3A_45 = arith.muli %arg1, %mul3A_44 : i32
    %add3A_46 = arith.constant 256 : i32
    %add3A_47 = arith.addi %mul3A_45, %add3A_46 : i32
    "tpu.region"() ({
      %run_scoped3A = tpu.sem_alloc : memref<!tpu.dma_semaphore, #tpu.memory_space<semaphore_mem>>
      %dma_start3A = arith.constant 0 : i32
      %dma_start3A_56 = arith.constant 0 : i32
      %dma_start3A_57 = tpu.memref_slice %arg3[%arg0, %dma_start3A, %dma_start3A_56] : memref<2x10240x128xf32, #tpu.memory_space<hbm>> -> memref<1x10240x128xf32, #tpu.memory_space<hbm>>
      %dma_start3A_58 = tpu.memref_squeeze %dma_start3A_57 : memref<1x10240x128xf32, #tpu.memory_space<hbm>> -> memref<10240x128xf32, #tpu.memory_space<hbm>>
      %dma_start3A_59 = arith.constant 0 : i32
      %dma_start3A_60 = tpu.memref_slice %dma_start3A_58[%add3A_47, %dma_start3A_59] : memref<10240x128xf32, #tpu.memory_space<hbm>> -> memref<128x128xf32, #tpu.memory_space<hbm>>
      %dma_start3A_61 = arith.constant 0 : i32
      %dma_start3A_62 = tpu.memref_slice %arg7[%add3A_47, %dma_start3A_61] : memref<10240x128xf32, #tpu.memory_space<vmem_shared>> -> memref<128x128xf32, #tpu.memory_space<vmem_shared>>
      tpu.enqueue_dma source(%dma_start3A_62 : memref<128x128xf32, #tpu.memory_space<vmem_shared>>) target(%dma_start3A_60 : memref<128x128xf32, #tpu.memory_space<hbm>>) target_semaphore(%run_scoped3A : memref<!tpu.dma_semaphore, #tpu.memory_space<semaphore_mem>>)
      %dma_wait3A = arith.constant 0 : i32
      %dma_wait3A_63 = arith.constant 0 : i32
      %dma_wait3A_64 = tpu.memref_slice %arg3[%arg0, %dma_wait3A, %dma_wait3A_63] : memref<2x10240x128xf32, #tpu.memory_space<hbm>> -> memref<1x10240x128xf32, #tpu.memory_space<hbm>>
      %dma_wait3A_65 = tpu.memref_squeeze %dma_wait3A_64 : memref<1x10240x128xf32, #tpu.memory_space<hbm>> -> memref<10240x128xf32, #tpu.memory_space<hbm>>
      %dma_wait3A_66 = arith.constant 0 : i32
      %dma_wait3A_67 = tpu.memref_slice %dma_wait3A_65[%add3A_47, %dma_wait3A_66] : memref<10240x128xf32, #tpu.memory_space<hbm>> -> memref<128x128xf32, #tpu.memory_space<hbm>>
      %dma_wait3A_68 = arith.constant 0 : i32
      %dma_wait3A_69 = tpu.memref_slice %arg7[%add3A_47, %dma_wait3A_68] : memref<10240x128xf32, #tpu.memory_space<vmem_shared>> -> memref<128x128xf32, #tpu.memory_space<vmem_shared>>
      tpu.wait_dma2 semaphore(%run_scoped3A : memref<!tpu.dma_semaphore, #tpu.memory_space<semaphore_mem>>) src(%dma_wait3A_69 : memref<128x128xf32, #tpu.memory_space<vmem_shared>>) dst(%dma_wait3A_67 : memref<128x128xf32, #tpu.memory_space<hbm>>)
      tpu.yield
    }) : () -> ()
    %mul3A_48 = arith.constant 640 : i32
    %mul3A_49 = arith.muli %arg1, %mul3A_48 : i32
    %add3A_50 = arith.constant 384 : i32
    %add3A_51 = arith.addi %mul3A_49, %add3A_50 : i32
    "tpu.region"() ({
      %run_scoped3A = tpu.sem_alloc : memref<!tpu.dma_semaphore, #tpu.memory_space<semaphore_mem>>
      %dma_start3A = arith.constant 0 : i32
      %dma_start3A_56 = arith.constant 0 : i32
      %dma_start3A_57 = tpu.memref_slice %arg3[%arg0, %dma_start3A, %dma_start3A_56] : memref<2x10240x128xf32, #tpu.memory_space<hbm>> -> memref<1x10240x128xf32, #tpu.memory_space<hbm>>
      %dma_start3A_58 = tpu.memref_squeeze %dma_start3A_57 : memref<1x10240x128xf32, #tpu.memory_space<hbm>> -> memref<10240x128xf32, #tpu.memory_space<hbm>>
      %dma_start3A_59 = arith.constant 0 : i32
      %dma_start3A_60 = tpu.memref_slice %dma_start3A_58[%add3A_51, %dma_start3A_59] : memref<10240x128xf32, #tpu.memory_space<hbm>> -> memref<128x128xf32, #tpu.memory_space<hbm>>
      %dma_start3A_61 = arith.constant 0 : i32
      %dma_start3A_62 = tpu.memref_slice %arg7[%add3A_51, %dma_start3A_61] : memref<10240x128xf32, #tpu.memory_space<vmem_shared>> -> memref<128x128xf32, #tpu.memory_space<vmem_shared>>
      tpu.enqueue_dma source(%dma_start3A_62 : memref<128x128xf32, #tpu.memory_space<vmem_shared>>) target(%dma_start3A_60 : memref<128x128xf32, #tpu.memory_space<hbm>>) target_semaphore(%run_scoped3A : memref<!tpu.dma_semaphore, #tpu.memory_space<semaphore_mem>>)
      %dma_wait3A = arith.constant 0 : i32
      %dma_wait3A_63 = arith.constant 0 : i32
      %dma_wait3A_64 = tpu.memref_slice %arg3[%arg0, %dma_wait3A, %dma_wait3A_63] : memref<2x10240x128xf32, #tpu.memory_space<hbm>> -> memref<1x10240x128xf32, #tpu.memory_space<hbm>>
      %dma_wait3A_65 = tpu.memref_squeeze %dma_wait3A_64 : memref<1x10240x128xf32, #tpu.memory_space<hbm>> -> memref<10240x128xf32, #tpu.memory_space<hbm>>
      %dma_wait3A_66 = arith.constant 0 : i32
      %dma_wait3A_67 = tpu.memref_slice %dma_wait3A_65[%add3A_51, %dma_wait3A_66] : memref<10240x128xf32, #tpu.memory_space<hbm>> -> memref<128x128xf32, #tpu.memory_space<hbm>>
      %dma_wait3A_68 = arith.constant 0 : i32
      %dma_wait3A_69 = tpu.memref_slice %arg7[%add3A_51, %dma_wait3A_68] : memref<10240x128xf32, #tpu.memory_space<vmem_shared>> -> memref<128x128xf32, #tpu.memory_space<vmem_shared>>
      tpu.wait_dma2 semaphore(%run_scoped3A : memref<!tpu.dma_semaphore, #tpu.memory_space<semaphore_mem>>) src(%dma_wait3A_69 : memref<128x128xf32, #tpu.memory_space<vmem_shared>>) dst(%dma_wait3A_67 : memref<128x128xf32, #tpu.memory_space<hbm>>)
      tpu.yield
    }) : () -> ()
    %mul3A_52 = arith.constant 640 : i32
    %mul3A_53 = arith.muli %arg1, %mul3A_52 : i32
    %add3A_54 = arith.constant 512 : i32
    %add3A_55 = arith.addi %mul3A_53, %add3A_54 : i32
    "tpu.region"() ({
      %run_scoped3A = tpu.sem_alloc : memref<!tpu.dma_semaphore, #tpu.memory_space<semaphore_mem>>
      %dma_start3A = arith.constant 0 : i32
      %dma_start3A_56 = arith.constant 0 : i32
      %dma_start3A_57 = tpu.memref_slice %arg3[%arg0, %dma_start3A, %dma_start3A_56] : memref<2x10240x128xf32, #tpu.memory_space<hbm>> -> memref<1x10240x128xf32, #tpu.memory_space<hbm>>
      %dma_start3A_58 = tpu.memref_squeeze %dma_start3A_57 : memref<1x10240x128xf32, #tpu.memory_space<hbm>> -> memref<10240x128xf32, #tpu.memory_space<hbm>>
      %dma_start3A_59 = arith.constant 0 : i32
      %dma_start3A_60 = tpu.memref_slice %dma_start3A_58[%add3A_55, %dma_start3A_59] : memref<10240x128xf32, #tpu.memory_space<hbm>> -> memref<128x128xf32, #tpu.memory_space<hbm>>
      %dma_start3A_61 = arith.constant 0 : i32
      %dma_start3A_62 = tpu.memref_slice %arg7[%add3A_55, %dma_start3A_61] : memref<10240x128xf32, #tpu.memory_space<vmem_shared>> -> memref<128x128xf32, #tpu.memory_space<vmem_shared>>
      tpu.enqueue_dma source(%dma_start3A_62 : memref<128x128xf32, #tpu.memory_space<vmem_shared>>) target(%dma_start3A_60 : memref<128x128xf32, #tpu.memory_space<hbm>>) target_semaphore(%run_scoped3A : memref<!tpu.dma_semaphore, #tpu.memory_space<semaphore_mem>>)
      %dma_wait3A = arith.constant 0 : i32
      %dma_wait3A_63 = arith.constant 0 : i32
      %dma_wait3A_64 = tpu.memref_slice %arg3[%arg0, %dma_wait3A, %dma_wait3A_63] : memref<2x10240x128xf32, #tpu.memory_space<hbm>> -> memref<1x10240x128xf32, #tpu.memory_space<hbm>>
      %dma_wait3A_65 = tpu.memref_squeeze %dma_wait3A_64 : memref<1x10240x128xf32, #tpu.memory_space<hbm>> -> memref<10240x128xf32, #tpu.memory_space<hbm>>
      %dma_wait3A_66 = arith.constant 0 : i32
      %dma_wait3A_67 = tpu.memref_slice %dma_wait3A_65[%add3A_55, %dma_wait3A_66] : memref<10240x128xf32, #tpu.memory_space<hbm>> -> memref<128x128xf32, #tpu.memory_space<hbm>>
      %dma_wait3A_68 = arith.constant 0 : i32
      %dma_wait3A_69 = tpu.memref_slice %arg7[%add3A_55, %dma_wait3A_68] : memref<10240x128xf32, #tpu.memory_space<vmem_shared>> -> memref<128x128xf32, #tpu.memory_space<vmem_shared>>
      tpu.wait_dma2 semaphore(%run_scoped3A : memref<!tpu.dma_semaphore, #tpu.memory_space<semaphore_mem>>) src(%dma_wait3A_69 : memref<128x128xf32, #tpu.memory_space<vmem_shared>>) dst(%dma_wait3A_67 : memref<128x128xf32, #tpu.memory_space<hbm>>)
      tpu.yield
    }) : () -> ()
    return
  }
}

#map = affine_map<(d0, d1) -> (0, 0)>
#map1 = affine_map<(d0, d1) -> (0, 0, 0)>
module attributes {stable_mosaic.version = 14 : i64} {
  func.func @k(%arg0: i32, %arg1: i32, %arg2: memref<323584x128xf32, #tpu.memory_space<hbm>>, %arg3: memref<32x79x128xi32, #tpu.memory_space<hbm>>, %arg4: memref<2x10240x128xf32, #tpu.memory_space<hbm>>, %arg5: memref<79x128xi32, #tpu.memory_space<vmem>>, %arg6: memref<128x128xf32, #tpu.memory_space<vmem>>, %arg7: memref<128x128xf32, #tpu.memory_space<vmem>>, %arg8: memref<10240x128xf32, #tpu.memory_space<vmem_shared>>, %arg9: memref<!tpu.dma_semaphore, #tpu.memory_space<semaphore_mem>>) attributes {dimension_semantics = [#tpu.dimension_semantics<core_parallel>, #tpu.dimension_semantics<subcore_parallel>], iteration_bounds = array<i64: 2, 16>, scalar_prefetch = 0 : i64, scratch_operands = 5 : i64, tpu.core_type = #tpu.core_type<sc_vector_subcore>, window_params = [{transform_indices = #map}, {transform_indices = #map1}, {transform_indices = #map1}]} {
    %mul3A = arith.constant 2 : i32
    %mul3A_0 = arith.muli %arg1, %mul3A : i32
    %add3A = arith.addi %mul3A_0, %arg0 : i32
    %broadcast_in_dim3A = arith.constant 0.000000e+00 : f32
    %broadcast_in_dim3A_1 = vector.broadcast %broadcast_in_dim3A : f32 to vector<16xf32>
    %scan3A = arith.constant 0 : i32
    %scan3A_2 = arith.constant 0 : i32
    %scan3A_3 = arith.constant 128 : i32
    %scan3A_4 = arith.addi %scan3A_2, %scan3A_3 : i32
    %scan3A_5 = arith.constant 1 : i32
    scf.for %scan3A_54 = %scan3A_2 to %scan3A_4 step %scan3A_5  : i32 {
      %swap3A = arith.index_cast %scan3A_54 : i32 to index
      %swap3A_55 = arith.constant 0 : index
      %swap3A_56 = tpu.vector_load %arg7[%swap3A, %swap3A_55] {strides = array<i32>} : memref<128x128xf32, #tpu.memory_space<vmem>>, vector<1x16xf32>,
      %swap3A_57 = vector.shape_cast %swap3A_56 : vector<1x16xf32> to vector<16xf32>
      %swap3A_58 = vector.shape_cast %broadcast_in_dim3A_1 : vector<16xf32> to vector<1x16xf32>
      tpu.vector_store %arg7[%swap3A, %swap3A_55], %swap3A_58 {strides = array<i32>} : memref<128x128xf32, #tpu.memory_space<vmem>>, vector<1x16xf32>,
      %swap3A_59 = arith.index_cast %scan3A_54 : i32 to index
      %swap3A_60 = arith.constant 16 : index
      %swap3A_61 = tpu.vector_load %arg7[%swap3A_59, %swap3A_60] {strides = array<i32>} : memref<128x128xf32, #tpu.memory_space<vmem>>, vector<1x16xf32>,
      %swap3A_62 = vector.shape_cast %swap3A_61 : vector<1x16xf32> to vector<16xf32>
      %swap3A_63 = vector.shape_cast %broadcast_in_dim3A_1 : vector<16xf32> to vector<1x16xf32>
      tpu.vector_store %arg7[%swap3A_59, %swap3A_60], %swap3A_63 {strides = array<i32>} : memref<128x128xf32, #tpu.memory_space<vmem>>, vector<1x16xf32>,
      %swap3A_64 = arith.index_cast %scan3A_54 : i32 to index
      %swap3A_65 = arith.constant 32 : index
      %swap3A_66 = tpu.vector_load %arg7[%swap3A_64, %swap3A_65] {strides = array<i32>} : memref<128x128xf32, #tpu.memory_space<vmem>>, vector<1x16xf32>,
      %swap3A_67 = vector.shape_cast %swap3A_66 : vector<1x16xf32> to vector<16xf32>
      %swap3A_68 = vector.shape_cast %broadcast_in_dim3A_1 : vector<16xf32> to vector<1x16xf32>
      tpu.vector_store %arg7[%swap3A_64, %swap3A_65], %swap3A_68 {strides = array<i32>} : memref<128x128xf32, #tpu.memory_space<vmem>>, vector<1x16xf32>,
      %swap3A_69 = arith.index_cast %scan3A_54 : i32 to index
      %swap3A_70 = arith.constant 48 : index
      %swap3A_71 = tpu.vector_load %arg7[%swap3A_69, %swap3A_70] {strides = array<i32>} : memref<128x128xf32, #tpu.memory_space<vmem>>, vector<1x16xf32>,
      %swap3A_72 = vector.shape_cast %swap3A_71 : vector<1x16xf32> to vector<16xf32>
      %swap3A_73 = vector.shape_cast %broadcast_in_dim3A_1 : vector<16xf32> to vector<1x16xf32>
      tpu.vector_store %arg7[%swap3A_69, %swap3A_70], %swap3A_73 {strides = array<i32>} : memref<128x128xf32, #tpu.memory_space<vmem>>, vector<1x16xf32>,
      %swap3A_74 = arith.index_cast %scan3A_54 : i32 to index
      %swap3A_75 = arith.constant 64 : index
      %swap3A_76 = tpu.vector_load %arg7[%swap3A_74, %swap3A_75] {strides = array<i32>} : memref<128x128xf32, #tpu.memory_space<vmem>>, vector<1x16xf32>,
      %swap3A_77 = vector.shape_cast %swap3A_76 : vector<1x16xf32> to vector<16xf32>
      %swap3A_78 = vector.shape_cast %broadcast_in_dim3A_1 : vector<16xf32> to vector<1x16xf32>
      tpu.vector_store %arg7[%swap3A_74, %swap3A_75], %swap3A_78 {strides = array<i32>} : memref<128x128xf32, #tpu.memory_space<vmem>>, vector<1x16xf32>,
      %swap3A_79 = arith.index_cast %scan3A_54 : i32 to index
      %swap3A_80 = arith.constant 80 : index
      %swap3A_81 = tpu.vector_load %arg7[%swap3A_79, %swap3A_80] {strides = array<i32>} : memref<128x128xf32, #tpu.memory_space<vmem>>, vector<1x16xf32>,
      %swap3A_82 = vector.shape_cast %swap3A_81 : vector<1x16xf32> to vector<16xf32>
      %swap3A_83 = vector.shape_cast %broadcast_in_dim3A_1 : vector<16xf32> to vector<1x16xf32>
      tpu.vector_store %arg7[%swap3A_79, %swap3A_80], %swap3A_83 {strides = array<i32>} : memref<128x128xf32, #tpu.memory_space<vmem>>, vector<1x16xf32>,
      %swap3A_84 = arith.index_cast %scan3A_54 : i32 to index
      %swap3A_85 = arith.constant 96 : index
      %swap3A_86 = tpu.vector_load %arg7[%swap3A_84, %swap3A_85] {strides = array<i32>} : memref<128x128xf32, #tpu.memory_space<vmem>>, vector<1x16xf32>,
      %swap3A_87 = vector.shape_cast %swap3A_86 : vector<1x16xf32> to vector<16xf32>
      %swap3A_88 = vector.shape_cast %broadcast_in_dim3A_1 : vector<16xf32> to vector<1x16xf32>
      tpu.vector_store %arg7[%swap3A_84, %swap3A_85], %swap3A_88 {strides = array<i32>} : memref<128x128xf32, #tpu.memory_space<vmem>>, vector<1x16xf32>,
      %swap3A_89 = arith.index_cast %scan3A_54 : i32 to index
      %swap3A_90 = arith.constant 112 : index
      %swap3A_91 = tpu.vector_load %arg7[%swap3A_89, %swap3A_90] {strides = array<i32>} : memref<128x128xf32, #tpu.memory_space<vmem>>, vector<1x16xf32>,
      %swap3A_92 = vector.shape_cast %swap3A_91 : vector<1x16xf32> to vector<16xf32>
      %swap3A_93 = vector.shape_cast %broadcast_in_dim3A_1 : vector<16xf32> to vector<1x16xf32>
      tpu.vector_store %arg7[%swap3A_89, %swap3A_90], %swap3A_93 {strides = array<i32>} : memref<128x128xf32, #tpu.memory_space<vmem>>, vector<1x16xf32>,
    }
    %scan3A_6 = arith.constant 128 : i32
    %mul3A_7 = arith.constant 640 : i32
    %mul3A_8 = arith.muli %arg1, %mul3A_7 : i32
    %add3A_9 = arith.constant 0 : i32
    %add3A_10 = arith.addi %mul3A_8, %add3A_9 : i32
    "tpu.region"() ({
      %run_scoped3A = tpu.sem_alloc : memref<!tpu.dma_semaphore, #tpu.memory_space<semaphore_mem>>
      %dma_start3A = arith.constant 0 : i32
      %dma_start3A_54 = tpu.memref_slice %arg8[%add3A_10, %dma_start3A] : memref<10240x128xf32, #tpu.memory_space<vmem_shared>> -> memref<128x128xf32, #tpu.memory_space<vmem_shared>>
      %dma_start3A_55 = arith.constant 0 : i32
      %dma_start3A_56 = tpu.memref_slice %arg8[%add3A_10, %dma_start3A_55] : memref<10240x128xf32, #tpu.memory_space<vmem_shared>> -> memref<128x128xf32, #tpu.memory_space<vmem_shared>>
      tpu.enqueue_dma source(%arg7 : memref<128x128xf32, #tpu.memory_space<vmem>>) target(%dma_start3A_56 : memref<128x128xf32, #tpu.memory_space<vmem_shared>>) target_semaphore(%run_scoped3A : memref<!tpu.dma_semaphore, #tpu.memory_space<semaphore_mem>>)
      %dma_wait3A = arith.constant 0 : i32
      %dma_wait3A_57 = tpu.memref_slice %arg8[%add3A_10, %dma_wait3A] : memref<10240x128xf32, #tpu.memory_space<vmem_shared>> -> memref<128x128xf32, #tpu.memory_space<vmem_shared>>
      %dma_wait3A_58 = arith.constant 0 : i32
      %dma_wait3A_59 = tpu.memref_slice %arg8[%add3A_10, %dma_wait3A_58] : memref<10240x128xf32, #tpu.memory_space<vmem_shared>> -> memref<128x128xf32, #tpu.memory_space<vmem_shared>>
      tpu.wait_dma2 semaphore(%run_scoped3A : memref<!tpu.dma_semaphore, #tpu.memory_space<semaphore_mem>>) src(%arg7 : memref<128x128xf32, #tpu.memory_space<vmem>>) dst(%dma_wait3A_59 : memref<128x128xf32, #tpu.memory_space<vmem_shared>>)
      tpu.yield
    }) : () -> ()
    %mul3A_11 = arith.constant 640 : i32
    %mul3A_12 = arith.muli %arg1, %mul3A_11 : i32
    %add3A_13 = arith.constant 128 : i32
    %add3A_14 = arith.addi %mul3A_12, %add3A_13 : i32
    "tpu.region"() ({
      %run_scoped3A = tpu.sem_alloc : memref<!tpu.dma_semaphore, #tpu.memory_space<semaphore_mem>>
      %dma_start3A = arith.constant 0 : i32
      %dma_start3A_54 = tpu.memref_slice %arg8[%add3A_14, %dma_start3A] : memref<10240x128xf32, #tpu.memory_space<vmem_shared>> -> memref<128x128xf32, #tpu.memory_space<vmem_shared>>
      %dma_start3A_55 = arith.constant 0 : i32
      %dma_start3A_56 = tpu.memref_slice %arg8[%add3A_14, %dma_start3A_55] : memref<10240x128xf32, #tpu.memory_space<vmem_shared>> -> memref<128x128xf32, #tpu.memory_space<vmem_shared>>
      tpu.enqueue_dma source(%arg7 : memref<128x128xf32, #tpu.memory_space<vmem>>) target(%dma_start3A_56 : memref<128x128xf32, #tpu.memory_space<vmem_shared>>) target_semaphore(%run_scoped3A : memref<!tpu.dma_semaphore, #tpu.memory_space<semaphore_mem>>)
      %dma_wait3A = arith.constant 0 : i32
      %dma_wait3A_57 = tpu.memref_slice %arg8[%add3A_14, %dma_wait3A] : memref<10240x128xf32, #tpu.memory_space<vmem_shared>> -> memref<128x128xf32, #tpu.memory_space<vmem_shared>>
      %dma_wait3A_58 = arith.constant 0 : i32
      %dma_wait3A_59 = tpu.memref_slice %arg8[%add3A_14, %dma_wait3A_58] : memref<10240x128xf32, #tpu.memory_space<vmem_shared>> -> memref<128x128xf32, #tpu.memory_space<vmem_shared>>
      tpu.wait_dma2 semaphore(%run_scoped3A : memref<!tpu.dma_semaphore, #tpu.memory_space<semaphore_mem>>) src(%arg7 : memref<128x128xf32, #tpu.memory_space<vmem>>) dst(%dma_wait3A_59 : memref<128x128xf32, #tpu.memory_space<vmem_shared>>)
      tpu.yield
    }) : () -> ()
    %mul3A_15 = arith.constant 640 : i32
    %mul3A_16 = arith.muli %arg1, %mul3A_15 : i32
    %add3A_17 = arith.constant 256 : i32
    %add3A_18 = arith.addi %mul3A_16, %add3A_17 : i32
    "tpu.region"() ({
      %run_scoped3A = tpu.sem_alloc : memref<!tpu.dma_semaphore, #tpu.memory_space<semaphore_mem>>
      %dma_start3A = arith.constant 0 : i32
      %dma_start3A_54 = tpu.memref_slice %arg8[%add3A_18, %dma_start3A] : memref<10240x128xf32, #tpu.memory_space<vmem_shared>> -> memref<128x128xf32, #tpu.memory_space<vmem_shared>>
      %dma_start3A_55 = arith.constant 0 : i32
      %dma_start3A_56 = tpu.memref_slice %arg8[%add3A_18, %dma_start3A_55] : memref<10240x128xf32, #tpu.memory_space<vmem_shared>> -> memref<128x128xf32, #tpu.memory_space<vmem_shared>>
      tpu.enqueue_dma source(%arg7 : memref<128x128xf32, #tpu.memory_space<vmem>>) target(%dma_start3A_56 : memref<128x128xf32, #tpu.memory_space<vmem_shared>>) target_semaphore(%run_scoped3A : memref<!tpu.dma_semaphore, #tpu.memory_space<semaphore_mem>>)
      %dma_wait3A = arith.constant 0 : i32
      %dma_wait3A_57 = tpu.memref_slice %arg8[%add3A_18, %dma_wait3A] : memref<10240x128xf32, #tpu.memory_space<vmem_shared>> -> memref<128x128xf32, #tpu.memory_space<vmem_shared>>
      %dma_wait3A_58 = arith.constant 0 : i32
      %dma_wait3A_59 = tpu.memref_slice %arg8[%add3A_18, %dma_wait3A_58] : memref<10240x128xf32, #tpu.memory_space<vmem_shared>> -> memref<128x128xf32, #tpu.memory_space<vmem_shared>>
      tpu.wait_dma2 semaphore(%run_scoped3A : memref<!tpu.dma_semaphore, #tpu.memory_space<semaphore_mem>>) src(%arg7 : memref<128x128xf32, #tpu.memory_space<vmem>>) dst(%dma_wait3A_59 : memref<128x128xf32, #tpu.memory_space<vmem_shared>>)
      tpu.yield
    }) : () -> ()
    %mul3A_19 = arith.constant 640 : i32
    %mul3A_20 = arith.muli %arg1, %mul3A_19 : i32
    %add3A_21 = arith.constant 384 : i32
    %add3A_22 = arith.addi %mul3A_20, %add3A_21 : i32
    "tpu.region"() ({
      %run_scoped3A = tpu.sem_alloc : memref<!tpu.dma_semaphore, #tpu.memory_space<semaphore_mem>>
      %dma_start3A = arith.constant 0 : i32
      %dma_start3A_54 = tpu.memref_slice %arg8[%add3A_22, %dma_start3A] : memref<10240x128xf32, #tpu.memory_space<vmem_shared>> -> memref<128x128xf32, #tpu.memory_space<vmem_shared>>
      %dma_start3A_55 = arith.constant 0 : i32
      %dma_start3A_56 = tpu.memref_slice %arg8[%add3A_22, %dma_start3A_55] : memref<10240x128xf32, #tpu.memory_space<vmem_shared>> -> memref<128x128xf32, #tpu.memory_space<vmem_shared>>
      tpu.enqueue_dma source(%arg7 : memref<128x128xf32, #tpu.memory_space<vmem>>) target(%dma_start3A_56 : memref<128x128xf32, #tpu.memory_space<vmem_shared>>) target_semaphore(%run_scoped3A : memref<!tpu.dma_semaphore, #tpu.memory_space<semaphore_mem>>)
      %dma_wait3A = arith.constant 0 : i32
      %dma_wait3A_57 = tpu.memref_slice %arg8[%add3A_22, %dma_wait3A] : memref<10240x128xf32, #tpu.memory_space<vmem_shared>> -> memref<128x128xf32, #tpu.memory_space<vmem_shared>>
      %dma_wait3A_58 = arith.constant 0 : i32
      %dma_wait3A_59 = tpu.memref_slice %arg8[%add3A_22, %dma_wait3A_58] : memref<10240x128xf32, #tpu.memory_space<vmem_shared>> -> memref<128x128xf32, #tpu.memory_space<vmem_shared>>
      tpu.wait_dma2 semaphore(%run_scoped3A : memref<!tpu.dma_semaphore, #tpu.memory_space<semaphore_mem>>) src(%arg7 : memref<128x128xf32, #tpu.memory_space<vmem>>) dst(%dma_wait3A_59 : memref<128x128xf32, #tpu.memory_space<vmem_shared>>)
      tpu.yield
    }) : () -> ()
    %mul3A_23 = arith.constant 640 : i32
    %mul3A_24 = arith.muli %arg1, %mul3A_23 : i32
    %add3A_25 = arith.constant 512 : i32
    %add3A_26 = arith.addi %mul3A_24, %add3A_25 : i32
    "tpu.region"() ({
      %run_scoped3A = tpu.sem_alloc : memref<!tpu.dma_semaphore, #tpu.memory_space<semaphore_mem>>
      %dma_start3A = arith.constant 0 : i32
      %dma_start3A_54 = tpu.memref_slice %arg8[%add3A_26, %dma_start3A] : memref<10240x128xf32, #tpu.memory_space<vmem_shared>> -> memref<128x128xf32, #tpu.memory_space<vmem_shared>>
      %dma_start3A_55 = arith.constant 0 : i32
      %dma_start3A_56 = tpu.memref_slice %arg8[%add3A_26, %dma_start3A_55] : memref<10240x128xf32, #tpu.memory_space<vmem_shared>> -> memref<128x128xf32, #tpu.memory_space<vmem_shared>>
      tpu.enqueue_dma source(%arg7 : memref<128x128xf32, #tpu.memory_space<vmem>>) target(%dma_start3A_56 : memref<128x128xf32, #tpu.memory_space<vmem_shared>>) target_semaphore(%run_scoped3A : memref<!tpu.dma_semaphore, #tpu.memory_space<semaphore_mem>>)
      %dma_wait3A = arith.constant 0 : i32
      %dma_wait3A_57 = tpu.memref_slice %arg8[%add3A_26, %dma_wait3A] : memref<10240x128xf32, #tpu.memory_space<vmem_shared>> -> memref<128x128xf32, #tpu.memory_space<vmem_shared>>
      %dma_wait3A_58 = arith.constant 0 : i32
      %dma_wait3A_59 = tpu.memref_slice %arg8[%add3A_26, %dma_wait3A_58] : memref<10240x128xf32, #tpu.memory_space<vmem_shared>> -> memref<128x128xf32, #tpu.memory_space<vmem_shared>>
      tpu.wait_dma2 semaphore(%run_scoped3A : memref<!tpu.dma_semaphore, #tpu.memory_space<semaphore_mem>>) src(%arg7 : memref<128x128xf32, #tpu.memory_space<vmem>>) dst(%dma_wait3A_59 : memref<128x128xf32, #tpu.memory_space<vmem_shared>>)
      tpu.yield
    }) : () -> ()
    %barrier3A = arith.constant 0 : index
    tpu.barrier barrier_id(%barrier3A)
    "tpu.region"() ({
      %run_scoped3A = tpu.sem_alloc : memref<!tpu.dma_semaphore, #tpu.memory_space<semaphore_mem>>
      %dma_start3A = arith.constant 0 : i32
      %dma_start3A_54 = arith.constant 0 : i32
      %dma_start3A_55 = tpu.memref_slice %arg3[%add3A, %dma_start3A, %dma_start3A_54] : memref<32x79x128xi32, #tpu.memory_space<hbm>> -> memref<1x79x128xi32, #tpu.memory_space<hbm>>
      %dma_start3A_56 = tpu.memref_squeeze %dma_start3A_55 : memref<1x79x128xi32, #tpu.memory_space<hbm>> -> memref<79x128xi32, #tpu.memory_space<hbm>>
      %dma_start3A_57 = arith.constant 0 : i32
      %dma_start3A_58 = arith.constant 0 : i32
      %dma_start3A_59 = tpu.memref_slice %arg3[%add3A, %dma_start3A_57, %dma_start3A_58] : memref<32x79x128xi32, #tpu.memory_space<hbm>> -> memref<1x79x128xi32, #tpu.memory_space<hbm>>
      %dma_start3A_60 = tpu.memref_squeeze %dma_start3A_59 : memref<1x79x128xi32, #tpu.memory_space<hbm>> -> memref<79x128xi32, #tpu.memory_space<hbm>>
      tpu.enqueue_dma source(%dma_start3A_60 : memref<79x128xi32, #tpu.memory_space<hbm>>) target(%arg5 : memref<79x128xi32, #tpu.memory_space<vmem>>) target_semaphore(%run_scoped3A : memref<!tpu.dma_semaphore, #tpu.memory_space<semaphore_mem>>)
      %dma_wait3A = arith.constant 0 : i32
      %dma_wait3A_61 = arith.constant 0 : i32
      %dma_wait3A_62 = tpu.memref_slice %arg3[%add3A, %dma_wait3A, %dma_wait3A_61] : memref<32x79x128xi32, #tpu.memory_space<hbm>> -> memref<1x79x128xi32, #tpu.memory_space<hbm>>
      %dma_wait3A_63 = tpu.memref_squeeze %dma_wait3A_62 : memref<1x79x128xi32, #tpu.memory_space<hbm>> -> memref<79x128xi32, #tpu.memory_space<hbm>>
      %dma_wait3A_64 = arith.constant 0 : i32
      %dma_wait3A_65 = arith.constant 0 : i32
      %dma_wait3A_66 = tpu.memref_slice %arg3[%add3A, %dma_wait3A_64, %dma_wait3A_65] : memref<32x79x128xi32, #tpu.memory_space<hbm>> -> memref<1x79x128xi32, #tpu.memory_space<hbm>>
      %dma_wait3A_67 = tpu.memref_squeeze %dma_wait3A_66 : memref<1x79x128xi32, #tpu.memory_space<hbm>> -> memref<79x128xi32, #tpu.memory_space<hbm>>
      tpu.wait_dma2 semaphore(%run_scoped3A : memref<!tpu.dma_semaphore, #tpu.memory_space<semaphore_mem>>) src(%dma_wait3A_67 : memref<79x128xi32, #tpu.memory_space<hbm>>) dst(%arg5 : memref<79x128xi32, #tpu.memory_space<vmem>>)
      tpu.yield
    }) : () -> ()
    %scan3A_27 = arith.constant 0 : i32
    %scan3A_28 = arith.constant 0 : i32
    %scan3A_29 = arith.constant 79 : i32
    %scan3A_30 = arith.addi %scan3A_28, %scan3A_29 : i32
    %scan3A_31 = arith.constant 1 : i32
    scf.for %scan3A_54 = %scan3A_28 to %scan3A_30 step %scan3A_31  : i32 {
      %mul3A_55 = arith.constant 79 : i32
      %mul3A_56 = arith.muli %add3A, %mul3A_55 : i32
      %add3A_57 = arith.addi %mul3A_56, %scan3A_54 : i32
      %mul3A_58 = arith.constant 128 : i32
      %mul3A_59 = arith.muli %add3A_57, %mul3A_58 : i32
      "tpu.region"() ({
        %run_scoped3A = tpu.sem_alloc : memref<!tpu.dma_semaphore, #tpu.memory_space<semaphore_mem>>
        %dma_start3A = arith.constant 0 : i32
        %dma_start3A_60 = tpu.memref_slice %arg2[%mul3A_59, %dma_start3A] : memref<323584x128xf32, #tpu.memory_space<hbm>> -> memref<128x128xf32, #tpu.memory_space<hbm>>
        %dma_start3A_61 = arith.constant 0 : i32
        %dma_start3A_62 = tpu.memref_slice %arg2[%mul3A_59, %dma_start3A_61] : memref<323584x128xf32, #tpu.memory_space<hbm>> -> memref<128x128xf32, #tpu.memory_space<hbm>>
        tpu.enqueue_dma source(%dma_start3A_62 : memref<128x128xf32, #tpu.memory_space<hbm>>) target(%arg6 : memref<128x128xf32, #tpu.memory_space<vmem>>) target_semaphore(%run_scoped3A : memref<!tpu.dma_semaphore, #tpu.memory_space<semaphore_mem>>)
        %dma_wait3A = arith.constant 0 : i32
        %dma_wait3A_63 = tpu.memref_slice %arg2[%mul3A_59, %dma_wait3A] : memref<323584x128xf32, #tpu.memory_space<hbm>> -> memref<128x128xf32, #tpu.memory_space<hbm>>
        %dma_wait3A_64 = arith.constant 0 : i32
        %dma_wait3A_65 = tpu.memref_slice %arg2[%mul3A_59, %dma_wait3A_64] : memref<323584x128xf32, #tpu.memory_space<hbm>> -> memref<128x128xf32, #tpu.memory_space<hbm>>
        tpu.wait_dma2 semaphore(%run_scoped3A : memref<!tpu.dma_semaphore, #tpu.memory_space<semaphore_mem>>) src(%dma_wait3A_65 : memref<128x128xf32, #tpu.memory_space<hbm>>) dst(%arg6 : memref<128x128xf32, #tpu.memory_space<vmem>>)
        tpu.yield
      }) : () -> ()
      "tpu.region"() ({
        %run_scoped3A = tpu.sem_alloc : memref<!tpu.dma_semaphore, #tpu.memory_space<semaphore_mem>>
        %dma_start3A = arith.constant 0 : i32
        %dma_start3A_60 = tpu.memref_slice %arg5[%scan3A_54, %dma_start3A] : memref<79x128xi32, #tpu.memory_space<vmem>> -> memref<1x128xi32, #tpu.memory_space<vmem>>
        %dma_start3A_61 = tpu.memref_squeeze %dma_start3A_60 : memref<1x128xi32, #tpu.memory_space<vmem>> -> memref<128xi32, #tpu.memory_space<vmem>>
        %dma_start3A_62 = arith.constant 0 : i32
        %dma_start3A_63 = arith.constant 0 : i32
        %dma_start3A_64 = tpu.memref_slice %arg8[%dma_start3A_62, %dma_start3A_63] : memref<10240x128xf32, #tpu.memory_space<vmem_shared>> -> memref<10240x128xf32, #tpu.memory_space<vmem_shared>>
        tpu.enqueue_indirect_dma source(%arg6 : memref<128x128xf32, #tpu.memory_space<vmem>>) target(%dma_start3A_64 : memref<10240x128xf32, #tpu.memory_space<vmem_shared>>) offsets(%dma_start3A_61 : memref<128xi32, #tpu.memory_space<vmem>>) semaphore(%run_scoped3A : memref<!tpu.dma_semaphore, #tpu.memory_space<semaphore_mem>>) {add = true}
        %dma_wait3A = arith.constant 0 : i32
        %dma_wait3A_65 = tpu.memref_slice %arg5[%scan3A_54, %dma_wait3A] : memref<79x128xi32, #tpu.memory_space<vmem>> -> memref<1x128xi32, #tpu.memory_space<vmem>>
        %dma_wait3A_66 = tpu.memref_squeeze %dma_wait3A_65 : memref<1x128xi32, #tpu.memory_space<vmem>> -> memref<128xi32, #tpu.memory_space<vmem>>
        %dma_wait3A_67 = arith.constant 0 : i32
        %dma_wait3A_68 = arith.constant 0 : i32
        %dma_wait3A_69 = tpu.memref_slice %arg8[%dma_wait3A_67, %dma_wait3A_68] : memref<10240x128xf32, #tpu.memory_space<vmem_shared>> -> memref<10240x128xf32, #tpu.memory_space<vmem_shared>>
        tpu.wait_indirect_dma semaphore(%run_scoped3A : memref<!tpu.dma_semaphore, #tpu.memory_space<semaphore_mem>>) src(%arg6 : memref<128x128xf32, #tpu.memory_space<vmem>>) dst(%dma_wait3A_69 : memref<10240x128xf32, #tpu.memory_space<vmem_shared>>)
        tpu.yield
      }) : () -> ()
    }
    %scan3A_32 = arith.constant 79 : i32
    %barrier3A_33 = arith.constant 0 : index
    tpu.barrier barrier_id(%barrier3A_33)
    %mul3A_34 = arith.constant 640 : i32
    %mul3A_35 = arith.muli %arg1, %mul3A_34 : i32
    %add3A_36 = arith.constant 0 : i32
    %add3A_37 = arith.addi %mul3A_35, %add3A_36 : i32
    "tpu.region"() ({
      %run_scoped3A = tpu.sem_alloc : memref<!tpu.dma_semaphore, #tpu.memory_space<semaphore_mem>>
      %dma_start3A = arith.constant 0 : i32
      %dma_start3A_54 = arith.constant 0 : i32
      %dma_start3A_55 = tpu.memref_slice %arg4[%arg0, %dma_start3A, %dma_start3A_54] : memref<2x10240x128xf32, #tpu.memory_space<hbm>> -> memref<1x10240x128xf32, #tpu.memory_space<hbm>>
      %dma_start3A_56 = tpu.memref_squeeze %dma_start3A_55 : memref<1x10240x128xf32, #tpu.memory_space<hbm>> -> memref<10240x128xf32, #tpu.memory_space<hbm>>
      %dma_start3A_57 = arith.constant 0 : i32
      %dma_start3A_58 = tpu.memref_slice %dma_start3A_56[%add3A_37, %dma_start3A_57] : memref<10240x128xf32, #tpu.memory_space<hbm>> -> memref<128x128xf32, #tpu.memory_space<hbm>>
      %dma_start3A_59 = arith.constant 0 : i32
      %dma_start3A_60 = tpu.memref_slice %arg8[%add3A_37, %dma_start3A_59] : memref<10240x128xf32, #tpu.memory_space<vmem_shared>> -> memref<128x128xf32, #tpu.memory_space<vmem_shared>>
      tpu.enqueue_dma source(%dma_start3A_60 : memref<128x128xf32, #tpu.memory_space<vmem_shared>>) target(%dma_start3A_58 : memref<128x128xf32, #tpu.memory_space<hbm>>) target_semaphore(%run_scoped3A : memref<!tpu.dma_semaphore, #tpu.memory_space<semaphore_mem>>)
      %dma_wait3A = arith.constant 0 : i32
      %dma_wait3A_61 = arith.constant 0 : i32
      %dma_wait3A_62 = tpu.memref_slice %arg4[%arg0, %dma_wait3A, %dma_wait3A_61] : memref<2x10240x128xf32, #tpu.memory_space<hbm>> -> memref<1x10240x128xf32, #tpu.memory_space<hbm>>
      %dma_wait3A_63 = tpu.memref_squeeze %dma_wait3A_62 : memref<1x10240x128xf32, #tpu.memory_space<hbm>> -> memref<10240x128xf32, #tpu.memory_space<hbm>>
      %dma_wait3A_64 = arith.constant 0 : i32
      %dma_wait3A_65 = tpu.memref_slice %dma_wait3A_63[%add3A_37, %dma_wait3A_64] : memref<10240x128xf32, #tpu.memory_space<hbm>> -> memref<128x128xf32, #tpu.memory_space<hbm>>
      %dma_wait3A_66 = arith.constant 0 : i32
      %dma_wait3A_67 = tpu.memref_slice %arg8[%add3A_37, %dma_wait3A_66] : memref<10240x128xf32, #tpu.memory_space<vmem_shared>> -> memref<128x128xf32, #tpu.memory_space<vmem_shared>>
      tpu.wait_dma2 semaphore(%run_scoped3A : memref<!tpu.dma_semaphore, #tpu.memory_space<semaphore_mem>>) src(%dma_wait3A_67 : memref<128x128xf32, #tpu.memory_space<vmem_shared>>) dst(%dma_wait3A_65 : memref<128x128xf32, #tpu.memory_space<hbm>>)
      tpu.yield
    }) : () -> ()
    %mul3A_38 = arith.constant 640 : i32
    %mul3A_39 = arith.muli %arg1, %mul3A_38 : i32
    %add3A_40 = arith.constant 128 : i32
    %add3A_41 = arith.addi %mul3A_39, %add3A_40 : i32
    "tpu.region"() ({
      %run_scoped3A = tpu.sem_alloc : memref<!tpu.dma_semaphore, #tpu.memory_space<semaphore_mem>>
      %dma_start3A = arith.constant 0 : i32
      %dma_start3A_54 = arith.constant 0 : i32
      %dma_start3A_55 = tpu.memref_slice %arg4[%arg0, %dma_start3A, %dma_start3A_54] : memref<2x10240x128xf32, #tpu.memory_space<hbm>> -> memref<1x10240x128xf32, #tpu.memory_space<hbm>>
      %dma_start3A_56 = tpu.memref_squeeze %dma_start3A_55 : memref<1x10240x128xf32, #tpu.memory_space<hbm>> -> memref<10240x128xf32, #tpu.memory_space<hbm>>
      %dma_start3A_57 = arith.constant 0 : i32
      %dma_start3A_58 = tpu.memref_slice %dma_start3A_56[%add3A_41, %dma_start3A_57] : memref<10240x128xf32, #tpu.memory_space<hbm>> -> memref<128x128xf32, #tpu.memory_space<hbm>>
      %dma_start3A_59 = arith.constant 0 : i32
      %dma_start3A_60 = tpu.memref_slice %arg8[%add3A_41, %dma_start3A_59] : memref<10240x128xf32, #tpu.memory_space<vmem_shared>> -> memref<128x128xf32, #tpu.memory_space<vmem_shared>>
      tpu.enqueue_dma source(%dma_start3A_60 : memref<128x128xf32, #tpu.memory_space<vmem_shared>>) target(%dma_start3A_58 : memref<128x128xf32, #tpu.memory_space<hbm>>) target_semaphore(%run_scoped3A : memref<!tpu.dma_semaphore, #tpu.memory_space<semaphore_mem>>)
      %dma_wait3A = arith.constant 0 : i32
      %dma_wait3A_61 = arith.constant 0 : i32
      %dma_wait3A_62 = tpu.memref_slice %arg4[%arg0, %dma_wait3A, %dma_wait3A_61] : memref<2x10240x128xf32, #tpu.memory_space<hbm>> -> memref<1x10240x128xf32, #tpu.memory_space<hbm>>
      %dma_wait3A_63 = tpu.memref_squeeze %dma_wait3A_62 : memref<1x10240x128xf32, #tpu.memory_space<hbm>> -> memref<10240x128xf32, #tpu.memory_space<hbm>>
      %dma_wait3A_64 = arith.constant 0 : i32
      %dma_wait3A_65 = tpu.memref_slice %dma_wait3A_63[%add3A_41, %dma_wait3A_64] : memref<10240x128xf32, #tpu.memory_space<hbm>> -> memref<128x128xf32, #tpu.memory_space<hbm>>
      %dma_wait3A_66 = arith.constant 0 : i32
      %dma_wait3A_67 = tpu.memref_slice %arg8[%add3A_41, %dma_wait3A_66] : memref<10240x128xf32, #tpu.memory_space<vmem_shared>> -> memref<128x128xf32, #tpu.memory_space<vmem_shared>>
      tpu.wait_dma2 semaphore(%run_scoped3A : memref<!tpu.dma_semaphore, #tpu.memory_space<semaphore_mem>>) src(%dma_wait3A_67 : memref<128x128xf32, #tpu.memory_space<vmem_shared>>) dst(%dma_wait3A_65 : memref<128x128xf32, #tpu.memory_space<hbm>>)
      tpu.yield
    }) : () -> ()
    %mul3A_42 = arith.constant 640 : i32
    %mul3A_43 = arith.muli %arg1, %mul3A_42 : i32
    %add3A_44 = arith.constant 256 : i32
    %add3A_45 = arith.addi %mul3A_43, %add3A_44 : i32
    "tpu.region"() ({
      %run_scoped3A = tpu.sem_alloc : memref<!tpu.dma_semaphore, #tpu.memory_space<semaphore_mem>>
      %dma_start3A = arith.constant 0 : i32
      %dma_start3A_54 = arith.constant 0 : i32
      %dma_start3A_55 = tpu.memref_slice %arg4[%arg0, %dma_start3A, %dma_start3A_54] : memref<2x10240x128xf32, #tpu.memory_space<hbm>> -> memref<1x10240x128xf32, #tpu.memory_space<hbm>>
      %dma_start3A_56 = tpu.memref_squeeze %dma_start3A_55 : memref<1x10240x128xf32, #tpu.memory_space<hbm>> -> memref<10240x128xf32, #tpu.memory_space<hbm>>
      %dma_start3A_57 = arith.constant 0 : i32
      %dma_start3A_58 = tpu.memref_slice %dma_start3A_56[%add3A_45, %dma_start3A_57] : memref<10240x128xf32, #tpu.memory_space<hbm>> -> memref<128x128xf32, #tpu.memory_space<hbm>>
      %dma_start3A_59 = arith.constant 0 : i32
      %dma_start3A_60 = tpu.memref_slice %arg8[%add3A_45, %dma_start3A_59] : memref<10240x128xf32, #tpu.memory_space<vmem_shared>> -> memref<128x128xf32, #tpu.memory_space<vmem_shared>>
      tpu.enqueue_dma source(%dma_start3A_60 : memref<128x128xf32, #tpu.memory_space<vmem_shared>>) target(%dma_start3A_58 : memref<128x128xf32, #tpu.memory_space<hbm>>) target_semaphore(%run_scoped3A : memref<!tpu.dma_semaphore, #tpu.memory_space<semaphore_mem>>)
      %dma_wait3A = arith.constant 0 : i32
      %dma_wait3A_61 = arith.constant 0 : i32
      %dma_wait3A_62 = tpu.memref_slice %arg4[%arg0, %dma_wait3A, %dma_wait3A_61] : memref<2x10240x128xf32, #tpu.memory_space<hbm>> -> memref<1x10240x128xf32, #tpu.memory_space<hbm>>
      %dma_wait3A_63 = tpu.memref_squeeze %dma_wait3A_62 : memref<1x10240x128xf32, #tpu.memory_space<hbm>> -> memref<10240x128xf32, #tpu.memory_space<hbm>>
      %dma_wait3A_64 = arith.constant 0 : i32
      %dma_wait3A_65 = tpu.memref_slice %dma_wait3A_63[%add3A_45, %dma_wait3A_64] : memref<10240x128xf32, #tpu.memory_space<hbm>> -> memref<128x128xf32, #tpu.memory_space<hbm>>
      %dma_wait3A_66 = arith.constant 0 : i32
      %dma_wait3A_67 = tpu.memref_slice %arg8[%add3A_45, %dma_wait3A_66] : memref<10240x128xf32, #tpu.memory_space<vmem_shared>> -> memref<128x128xf32, #tpu.memory_space<vmem_shared>>
      tpu.wait_dma2 semaphore(%run_scoped3A : memref<!tpu.dma_semaphore, #tpu.memory_space<semaphore_mem>>) src(%dma_wait3A_67 : memref<128x128xf32, #tpu.memory_space<vmem_shared>>) dst(%dma_wait3A_65 : memref<128x128xf32, #tpu.memory_space<hbm>>)
      tpu.yield
    }) : () -> ()
    %mul3A_46 = arith.constant 640 : i32
    %mul3A_47 = arith.muli %arg1, %mul3A_46 : i32
    %add3A_48 = arith.constant 384 : i32
    %add3A_49 = arith.addi %mul3A_47, %add3A_48 : i32
    "tpu.region"() ({
      %run_scoped3A = tpu.sem_alloc : memref<!tpu.dma_semaphore, #tpu.memory_space<semaphore_mem>>
      %dma_start3A = arith.constant 0 : i32
      %dma_start3A_54 = arith.constant 0 : i32
      %dma_start3A_55 = tpu.memref_slice %arg4[%arg0, %dma_start3A, %dma_start3A_54] : memref<2x10240x128xf32, #tpu.memory_space<hbm>> -> memref<1x10240x128xf32, #tpu.memory_space<hbm>>
      %dma_start3A_56 = tpu.memref_squeeze %dma_start3A_55 : memref<1x10240x128xf32, #tpu.memory_space<hbm>> -> memref<10240x128xf32, #tpu.memory_space<hbm>>
      %dma_start3A_57 = arith.constant 0 : i32
      %dma_start3A_58 = tpu.memref_slice %dma_start3A_56[%add3A_49, %dma_start3A_57] : memref<10240x128xf32, #tpu.memory_space<hbm>> -> memref<128x128xf32, #tpu.memory_space<hbm>>
      %dma_start3A_59 = arith.constant 0 : i32
      %dma_start3A_60 = tpu.memref_slice %arg8[%add3A_49, %dma_start3A_59] : memref<10240x128xf32, #tpu.memory_space<vmem_shared>> -> memref<128x128xf32, #tpu.memory_space<vmem_shared>>
      tpu.enqueue_dma source(%dma_start3A_60 : memref<128x128xf32, #tpu.memory_space<vmem_shared>>) target(%dma_start3A_58 : memref<128x128xf32, #tpu.memory_space<hbm>>) target_semaphore(%run_scoped3A : memref<!tpu.dma_semaphore, #tpu.memory_space<semaphore_mem>>)
      %dma_wait3A = arith.constant 0 : i32
      %dma_wait3A_61 = arith.constant 0 : i32
      %dma_wait3A_62 = tpu.memref_slice %arg4[%arg0, %dma_wait3A, %dma_wait3A_61] : memref<2x10240x128xf32, #tpu.memory_space<hbm>> -> memref<1x10240x128xf32, #tpu.memory_space<hbm>>
      %dma_wait3A_63 = tpu.memref_squeeze %dma_wait3A_62 : memref<1x10240x128xf32, #tpu.memory_space<hbm>> -> memref<10240x128xf32, #tpu.memory_space<hbm>>
      %dma_wait3A_64 = arith.constant 0 : i32
      %dma_wait3A_65 = tpu.memref_slice %dma_wait3A_63[%add3A_49, %dma_wait3A_64] : memref<10240x128xf32, #tpu.memory_space<hbm>> -> memref<128x128xf32, #tpu.memory_space<hbm>>
      %dma_wait3A_66 = arith.constant 0 : i32
      %dma_wait3A_67 = tpu.memref_slice %arg8[%add3A_49, %dma_wait3A_66] : memref<10240x128xf32, #tpu.memory_space<vmem_shared>> -> memref<128x128xf32, #tpu.memory_space<vmem_shared>>
      tpu.wait_dma2 semaphore(%run_scoped3A : memref<!tpu.dma_semaphore, #tpu.memory_space<semaphore_mem>>) src(%dma_wait3A_67 : memref<128x128xf32, #tpu.memory_space<vmem_shared>>) dst(%dma_wait3A_65 : memref<128x128xf32, #tpu.memory_space<hbm>>)
      tpu.yield
    }) : () -> ()
    %mul3A_50 = arith.constant 640 : i32
    %mul3A_51 = arith.muli %arg1, %mul3A_50 : i32
    %add3A_52 = arith.constant 512 : i32
    %add3A_53 = arith.addi %mul3A_51, %add3A_52 : i32
    "tpu.region"() ({
      %run_scoped3A = tpu.sem_alloc : memref<!tpu.dma_semaphore, #tpu.memory_space<semaphore_mem>>
      %dma_start3A = arith.constant 0 : i32
      %dma_start3A_54 = arith.constant 0 : i32
      %dma_start3A_55 = tpu.memref_slice %arg4[%arg0, %dma_start3A, %dma_start3A_54] : memref<2x10240x128xf32, #tpu.memory_space<hbm>> -> memref<1x10240x128xf32, #tpu.memory_space<hbm>>
      %dma_start3A_56 = tpu.memref_squeeze %dma_start3A_55 : memref<1x10240x128xf32, #tpu.memory_space<hbm>> -> memref<10240x128xf32, #tpu.memory_space<hbm>>
      %dma_start3A_57 = arith.constant 0 : i32
      %dma_start3A_58 = tpu.memref_slice %dma_start3A_56[%add3A_53, %dma_start3A_57] : memref<10240x128xf32, #tpu.memory_space<hbm>> -> memref<128x128xf32, #tpu.memory_space<hbm>>
      %dma_start3A_59 = arith.constant 0 : i32
      %dma_start3A_60 = tpu.memref_slice %arg8[%add3A_53, %dma_start3A_59] : memref<10240x128xf32, #tpu.memory_space<vmem_shared>> -> memref<128x128xf32, #tpu.memory_space<vmem_shared>>
      tpu.enqueue_dma source(%dma_start3A_60 : memref<128x128xf32, #tpu.memory_space<vmem_shared>>) target(%dma_start3A_58 : memref<128x128xf32, #tpu.memory_space<hbm>>) target_semaphore(%run_scoped3A : memref<!tpu.dma_semaphore, #tpu.memory_space<semaphore_mem>>)
      %dma_wait3A = arith.constant 0 : i32
      %dma_wait3A_61 = arith.constant 0 : i32
      %dma_wait3A_62 = tpu.memref_slice %arg4[%arg0, %dma_wait3A, %dma_wait3A_61] : memref<2x10240x128xf32, #tpu.memory_space<hbm>> -> memref<1x10240x128xf32, #tpu.memory_space<hbm>>
      %dma_wait3A_63 = tpu.memref_squeeze %dma_wait3A_62 : memref<1x10240x128xf32, #tpu.memory_space<hbm>> -> memref<10240x128xf32, #tpu.memory_space<hbm>>
      %dma_wait3A_64 = arith.constant 0 : i32
      %dma_wait3A_65 = tpu.memref_slice %dma_wait3A_63[%add3A_53, %dma_wait3A_64] : memref<10240x128xf32, #tpu.memory_space<hbm>> -> memref<128x128xf32, #tpu.memory_space<hbm>>
      %dma_wait3A_66 = arith.constant 0 : i32
      %dma_wait3A_67 = tpu.memref_slice %arg8[%add3A_53, %dma_wait3A_66] : memref<10240x128xf32, #tpu.memory_space<vmem_shared>> -> memref<128x128xf32, #tpu.memory_space<vmem_shared>>
      tpu.wait_dma2 semaphore(%run_scoped3A : memref<!tpu.dma_semaphore, #tpu.memory_space<semaphore_mem>>) src(%dma_wait3A_67 : memref<128x128xf32, #tpu.memory_space<vmem_shared>>) dst(%dma_wait3A_65 : memref<128x128xf32, #tpu.memory_space<hbm>>)
      tpu.yield
    }) : () -> ()
    return
  }
}

#map = affine_map<(d0, d1) -> (0, 0)>
#map1 = affine_map<(d0, d1) -> (0, 0, 0)>
module attributes {stable_mosaic.version = 14 : i64} {
  func.func @k(%arg0: i32, %arg1: i32, %arg2: memref<10000x128xf32, #tpu.memory_space<hbm>>, %arg3: memref<10000x128xf32, #tpu.memory_space<hbm>>, %arg4: memref<32x79x128xi32, #tpu.memory_space<hbm>>, %arg5: memref<32x79x128xi32, #tpu.memory_space<hbm>>, %arg6: memref<323584x128xf32, #tpu.memory_space<hbm>>, %arg7: memref<323584x128xf32, #tpu.memory_space<hbm>>, %arg8: memref<79x128xi32, #tpu.memory_space<vmem>>, %arg9: memref<79x128xi32, #tpu.memory_space<vmem>>, %arg10: memref<128x128xf32, #tpu.memory_space<vmem>>, %arg11: memref<128x128xf32, #tpu.memory_space<vmem>>, %arg12: memref<!tpu.dma_semaphore, #tpu.memory_space<semaphore_mem>>, %arg13: memref<!tpu.dma_semaphore, #tpu.memory_space<semaphore_mem>>) attributes {dimension_semantics = [#tpu.dimension_semantics<core_parallel>, #tpu.dimension_semantics<subcore_parallel>], iteration_bounds = array<i64: 2, 16>, scalar_prefetch = 0 : i64, scratch_operands = 6 : i64, tpu.core_type = #tpu.core_type<sc_vector_subcore>, window_params = [{transform_indices = #map}, {transform_indices = #map}, {transform_indices = #map1}, {transform_indices = #map1}, {transform_indices = #map}, {transform_indices = #map}]} {
    %mul3A = arith.constant 2 : i32
    %mul3A_0 = arith.muli %arg1, %mul3A : i32
    %add3A = arith.addi %mul3A_0, %arg0 : i32
    "tpu.region"() ({
      %run_scoped3A = tpu.sem_alloc : memref<!tpu.dma_semaphore, #tpu.memory_space<semaphore_mem>>
      %dma_start3A = arith.constant 0 : i32
      %dma_start3A_6 = arith.constant 0 : i32
      %dma_start3A_7 = tpu.memref_slice %arg4[%add3A, %dma_start3A, %dma_start3A_6] : memref<32x79x128xi32, #tpu.memory_space<hbm>> -> memref<1x79x128xi32, #tpu.memory_space<hbm>>
      %dma_start3A_8 = tpu.memref_squeeze %dma_start3A_7 : memref<1x79x128xi32, #tpu.memory_space<hbm>> -> memref<79x128xi32, #tpu.memory_space<hbm>>
      %dma_start3A_9 = arith.constant 0 : i32
      %dma_start3A_10 = arith.constant 0 : i32
      %dma_start3A_11 = tpu.memref_slice %arg4[%add3A, %dma_start3A_9, %dma_start3A_10] : memref<32x79x128xi32, #tpu.memory_space<hbm>> -> memref<1x79x128xi32, #tpu.memory_space<hbm>>
      %dma_start3A_12 = tpu.memref_squeeze %dma_start3A_11 : memref<1x79x128xi32, #tpu.memory_space<hbm>> -> memref<79x128xi32, #tpu.memory_space<hbm>>
      tpu.enqueue_dma source(%dma_start3A_12 : memref<79x128xi32, #tpu.memory_space<hbm>>) target(%arg8 : memref<79x128xi32, #tpu.memory_space<vmem>>) target_semaphore(%run_scoped3A : memref<!tpu.dma_semaphore, #tpu.memory_space<semaphore_mem>>)
      %dma_wait3A = arith.constant 0 : i32
      %dma_wait3A_13 = arith.constant 0 : i32
      %dma_wait3A_14 = tpu.memref_slice %arg4[%add3A, %dma_wait3A, %dma_wait3A_13] : memref<32x79x128xi32, #tpu.memory_space<hbm>> -> memref<1x79x128xi32, #tpu.memory_space<hbm>>
      %dma_wait3A_15 = tpu.memref_squeeze %dma_wait3A_14 : memref<1x79x128xi32, #tpu.memory_space<hbm>> -> memref<79x128xi32, #tpu.memory_space<hbm>>
      %dma_wait3A_16 = arith.constant 0 : i32
      %dma_wait3A_17 = arith.constant 0 : i32
      %dma_wait3A_18 = tpu.memref_slice %arg4[%add3A, %dma_wait3A_16, %dma_wait3A_17] : memref<32x79x128xi32, #tpu.memory_space<hbm>> -> memref<1x79x128xi32, #tpu.memory_space<hbm>>
      %dma_wait3A_19 = tpu.memref_squeeze %dma_wait3A_18 : memref<1x79x128xi32, #tpu.memory_space<hbm>> -> memref<79x128xi32, #tpu.memory_space<hbm>>
      tpu.wait_dma2 semaphore(%run_scoped3A : memref<!tpu.dma_semaphore, #tpu.memory_space<semaphore_mem>>) src(%dma_wait3A_19 : memref<79x128xi32, #tpu.memory_space<hbm>>) dst(%arg8 : memref<79x128xi32, #tpu.memory_space<vmem>>)
      tpu.yield
    }) : () -> ()
    "tpu.region"() ({
      %run_scoped3A = tpu.sem_alloc : memref<!tpu.dma_semaphore, #tpu.memory_space<semaphore_mem>>
      %dma_start3A = arith.constant 0 : i32
      %dma_start3A_6 = arith.constant 0 : i32
      %dma_start3A_7 = tpu.memref_slice %arg5[%add3A, %dma_start3A, %dma_start3A_6] : memref<32x79x128xi32, #tpu.memory_space<hbm>> -> memref<1x79x128xi32, #tpu.memory_space<hbm>>
      %dma_start3A_8 = tpu.memref_squeeze %dma_start3A_7 : memref<1x79x128xi32, #tpu.memory_space<hbm>> -> memref<79x128xi32, #tpu.memory_space<hbm>>
      %dma_start3A_9 = arith.constant 0 : i32
      %dma_start3A_10 = arith.constant 0 : i32
      %dma_start3A_11 = tpu.memref_slice %arg5[%add3A, %dma_start3A_9, %dma_start3A_10] : memref<32x79x128xi32, #tpu.memory_space<hbm>> -> memref<1x79x128xi32, #tpu.memory_space<hbm>>
      %dma_start3A_12 = tpu.memref_squeeze %dma_start3A_11 : memref<1x79x128xi32, #tpu.memory_space<hbm>> -> memref<79x128xi32, #tpu.memory_space<hbm>>
      tpu.enqueue_dma source(%dma_start3A_12 : memref<79x128xi32, #tpu.memory_space<hbm>>) target(%arg9 : memref<79x128xi32, #tpu.memory_space<vmem>>) target_semaphore(%run_scoped3A : memref<!tpu.dma_semaphore, #tpu.memory_space<semaphore_mem>>)
      %dma_wait3A = arith.constant 0 : i32
      %dma_wait3A_13 = arith.constant 0 : i32
      %dma_wait3A_14 = tpu.memref_slice %arg5[%add3A, %dma_wait3A, %dma_wait3A_13] : memref<32x79x128xi32, #tpu.memory_space<hbm>> -> memref<1x79x128xi32, #tpu.memory_space<hbm>>
      %dma_wait3A_15 = tpu.memref_squeeze %dma_wait3A_14 : memref<1x79x128xi32, #tpu.memory_space<hbm>> -> memref<79x128xi32, #tpu.memory_space<hbm>>
      %dma_wait3A_16 = arith.constant 0 : i32
      %dma_wait3A_17 = arith.constant 0 : i32
      %dma_wait3A_18 = tpu.memref_slice %arg5[%add3A, %dma_wait3A_16, %dma_wait3A_17] : memref<32x79x128xi32, #tpu.memory_space<hbm>> -> memref<1x79x128xi32, #tpu.memory_space<hbm>>
      %dma_wait3A_19 = tpu.memref_squeeze %dma_wait3A_18 : memref<1x79x128xi32, #tpu.memory_space<hbm>> -> memref<79x128xi32, #tpu.memory_space<hbm>>
      tpu.wait_dma2 semaphore(%run_scoped3A : memref<!tpu.dma_semaphore, #tpu.memory_space<semaphore_mem>>) src(%dma_wait3A_19 : memref<79x128xi32, #tpu.memory_space<hbm>>) dst(%arg9 : memref<79x128xi32, #tpu.memory_space<vmem>>)
      tpu.yield
    }) : () -> ()
    %scan3A = arith.constant 0 : i32
    %scan3A_1 = arith.constant 0 : i32
    %scan3A_2 = arith.constant 79 : i32
    %scan3A_3 = arith.addi %scan3A_1, %scan3A_2 : i32
    %scan3A_4 = arith.constant 1 : i32
    scf.for %scan3A_6 = %scan3A_1 to %scan3A_3 step %scan3A_4  : i32 {
      %mul3A_7 = arith.constant 79 : i32
      %mul3A_8 = arith.muli %add3A, %mul3A_7 : i32
      %add3A_9 = arith.addi %mul3A_8, %scan3A_6 : i32
      %mul3A_10 = arith.constant 128 : i32
      %mul3A_11 = arith.muli %add3A_9, %mul3A_10 : i32
      %dma_start3A = arith.constant 0 : i32
      %dma_start3A_12 = tpu.memref_slice %arg8[%scan3A_6, %dma_start3A] : memref<79x128xi32, #tpu.memory_space<vmem>> -> memref<1x128xi32, #tpu.memory_space<vmem>>
      %dma_start3A_13 = tpu.memref_squeeze %dma_start3A_12 : memref<1x128xi32, #tpu.memory_space<vmem>> -> memref<128xi32, #tpu.memory_space<vmem>>
      %dma_start3A_14 = arith.constant 0 : i32
      %dma_start3A_15 = arith.constant 0 : i32
      %dma_start3A_16 = tpu.memref_slice %arg2[%dma_start3A_14, %dma_start3A_15] : memref<10000x128xf32, #tpu.memory_space<hbm>> -> memref<10000x128xf32, #tpu.memory_space<hbm>>
      tpu.enqueue_indirect_dma source(%dma_start3A_16 : memref<10000x128xf32, #tpu.memory_space<hbm>>) target(%arg10 : memref<128x128xf32, #tpu.memory_space<vmem>>) offsets(%dma_start3A_13 : memref<128xi32, #tpu.memory_space<vmem>>) semaphore(%arg12 : memref<!tpu.dma_semaphore, #tpu.memory_space<semaphore_mem>>)
      %dma_start3A_17 = arith.constant 0 : i32
      %dma_start3A_18 = tpu.memref_slice %arg9[%scan3A_6, %dma_start3A_17] : memref<79x128xi32, #tpu.memory_space<vmem>> -> memref<1x128xi32, #tpu.memory_space<vmem>>
      %dma_start3A_19 = tpu.memref_squeeze %dma_start3A_18 : memref<1x128xi32, #tpu.memory_space<vmem>> -> memref<128xi32, #tpu.memory_space<vmem>>
      %dma_start3A_20 = arith.constant 0 : i32
      %dma_start3A_21 = arith.constant 0 : i32
      %dma_start3A_22 = tpu.memref_slice %arg3[%dma_start3A_20, %dma_start3A_21] : memref<10000x128xf32, #tpu.memory_space<hbm>> -> memref<10000x128xf32, #tpu.memory_space<hbm>>
      tpu.enqueue_indirect_dma source(%dma_start3A_22 : memref<10000x128xf32, #tpu.memory_space<hbm>>) target(%arg11 : memref<128x128xf32, #tpu.memory_space<vmem>>) offsets(%dma_start3A_19 : memref<128xi32, #tpu.memory_space<vmem>>) semaphore(%arg13 : memref<!tpu.dma_semaphore, #tpu.memory_space<semaphore_mem>>)
      %dma_wait3A = arith.constant 0 : i32
      %dma_wait3A_23 = tpu.memref_slice %arg8[%scan3A_6, %dma_wait3A] : memref<79x128xi32, #tpu.memory_space<vmem>> -> memref<1x128xi32, #tpu.memory_space<vmem>>
      %dma_wait3A_24 = tpu.memref_squeeze %dma_wait3A_23 : memref<1x128xi32, #tpu.memory_space<vmem>> -> memref<128xi32, #tpu.memory_space<vmem>>
      %dma_wait3A_25 = arith.constant 0 : i32
      %dma_wait3A_26 = arith.constant 0 : i32
      %dma_wait3A_27 = tpu.memref_slice %arg2[%dma_wait3A_25, %dma_wait3A_26] : memref<10000x128xf32, #tpu.memory_space<hbm>> -> memref<10000x128xf32, #tpu.memory_space<hbm>>
      tpu.wait_indirect_dma semaphore(%arg12 : memref<!tpu.dma_semaphore, #tpu.memory_space<semaphore_mem>>) src(%dma_wait3A_27 : memref<10000x128xf32, #tpu.memory_space<hbm>>) dst(%arg10 : memref<128x128xf32, #tpu.memory_space<vmem>>)
      %dma_wait3A_28 = arith.constant 0 : i32
      %dma_wait3A_29 = tpu.memref_slice %arg9[%scan3A_6, %dma_wait3A_28] : memref<79x128xi32, #tpu.memory_space<vmem>> -> memref<1x128xi32, #tpu.memory_space<vmem>>
      %dma_wait3A_30 = tpu.memref_squeeze %dma_wait3A_29 : memref<1x128xi32, #tpu.memory_space<vmem>> -> memref<128xi32, #tpu.memory_space<vmem>>
      %dma_wait3A_31 = arith.constant 0 : i32
      %dma_wait3A_32 = arith.constant 0 : i32
      %dma_wait3A_33 = tpu.memref_slice %arg3[%dma_wait3A_31, %dma_wait3A_32] : memref<10000x128xf32, #tpu.memory_space<hbm>> -> memref<10000x128xf32, #tpu.memory_space<hbm>>
      tpu.wait_indirect_dma semaphore(%arg13 : memref<!tpu.dma_semaphore, #tpu.memory_space<semaphore_mem>>) src(%dma_wait3A_33 : memref<10000x128xf32, #tpu.memory_space<hbm>>) dst(%arg11 : memref<128x128xf32, #tpu.memory_space<vmem>>)
      "tpu.region"() ({
        %run_scoped3A = tpu.sem_alloc : memref<!tpu.dma_semaphore, #tpu.memory_space<semaphore_mem>>
        %dma_start3A_34 = arith.constant 0 : i32
        %dma_start3A_35 = tpu.memref_slice %arg6[%mul3A_11, %dma_start3A_34] : memref<323584x128xf32, #tpu.memory_space<hbm>> -> memref<128x128xf32, #tpu.memory_space<hbm>>
        %dma_start3A_36 = arith.constant 0 : i32
        %dma_start3A_37 = tpu.memref_slice %arg6[%mul3A_11, %dma_start3A_36] : memref<323584x128xf32, #tpu.memory_space<hbm>> -> memref<128x128xf32, #tpu.memory_space<hbm>>
        tpu.enqueue_dma source(%arg10 : memref<128x128xf32, #tpu.memory_space<vmem>>) target(%dma_start3A_37 : memref<128x128xf32, #tpu.memory_space<hbm>>) target_semaphore(%run_scoped3A : memref<!tpu.dma_semaphore, #tpu.memory_space<semaphore_mem>>)
        %dma_wait3A_38 = arith.constant 0 : i32
        %dma_wait3A_39 = tpu.memref_slice %arg6[%mul3A_11, %dma_wait3A_38] : memref<323584x128xf32, #tpu.memory_space<hbm>> -> memref<128x128xf32, #tpu.memory_space<hbm>>
        %dma_wait3A_40 = arith.constant 0 : i32
        %dma_wait3A_41 = tpu.memref_slice %arg6[%mul3A_11, %dma_wait3A_40] : memref<323584x128xf32, #tpu.memory_space<hbm>> -> memref<128x128xf32, #tpu.memory_space<hbm>>
        tpu.wait_dma2 semaphore(%run_scoped3A : memref<!tpu.dma_semaphore, #tpu.memory_space<semaphore_mem>>) src(%arg10 : memref<128x128xf32, #tpu.memory_space<vmem>>) dst(%dma_wait3A_41 : memref<128x128xf32, #tpu.memory_space<hbm>>)
        tpu.yield
      }) : () -> ()
      "tpu.region"() ({
        %run_scoped3A = tpu.sem_alloc : memref<!tpu.dma_semaphore, #tpu.memory_space<semaphore_mem>>
        %dma_start3A_34 = arith.constant 0 : i32
        %dma_start3A_35 = tpu.memref_slice %arg7[%mul3A_11, %dma_start3A_34] : memref<323584x128xf32, #tpu.memory_space<hbm>> -> memref<128x128xf32, #tpu.memory_space<hbm>>
        %dma_start3A_36 = arith.constant 0 : i32
        %dma_start3A_37 = tpu.memref_slice %arg7[%mul3A_11, %dma_start3A_36] : memref<323584x128xf32, #tpu.memory_space<hbm>> -> memref<128x128xf32, #tpu.memory_space<hbm>>
        tpu.enqueue_dma source(%arg11 : memref<128x128xf32, #tpu.memory_space<vmem>>) target(%dma_start3A_37 : memref<128x128xf32, #tpu.memory_space<hbm>>) target_semaphore(%run_scoped3A : memref<!tpu.dma_semaphore, #tpu.memory_space<semaphore_mem>>)
        %dma_wait3A_38 = arith.constant 0 : i32
        %dma_wait3A_39 = tpu.memref_slice %arg7[%mul3A_11, %dma_wait3A_38] : memref<323584x128xf32, #tpu.memory_space<hbm>> -> memref<128x128xf32, #tpu.memory_space<hbm>>
        %dma_wait3A_40 = arith.constant 0 : i32
        %dma_wait3A_41 = tpu.memref_slice %arg7[%mul3A_11, %dma_wait3A_40] : memref<323584x128xf32, #tpu.memory_space<hbm>> -> memref<128x128xf32, #tpu.memory_space<hbm>>
        tpu.wait_dma2 semaphore(%run_scoped3A : memref<!tpu.dma_semaphore, #tpu.memory_space<semaphore_mem>>) src(%arg11 : memref<128x128xf32, #tpu.memory_space<vmem>>) dst(%dma_wait3A_41 : memref<128x128xf32, #tpu.memory_space<hbm>>)
        tpu.yield
      }) : () -> ()
    }
    %scan3A_5 = arith.constant 79 : i32
    return
  }
}

#map = affine_map<(d0, d1) -> (0, 0)>
#map1 = affine_map<(d0, d1) -> (0, 0, 0)>
module attributes {stable_mosaic.version = 14 : i64} {
  func.func @k(%arg0: i32, %arg1: i32, %arg2: memref<323584x128xf32, #tpu.memory_space<hbm>>, %arg3: memref<32x79x128xi32, #tpu.memory_space<hbm>>, %arg4: memref<2x10240x128xf32, #tpu.memory_space<hbm>>, %arg5: memref<79x128xi32, #tpu.memory_space<vmem>>, %arg6: memref<128x128xf32, #tpu.memory_space<vmem>>, %arg7: memref<128x128xf32, #tpu.memory_space<vmem>>, %arg8: memref<10240x128xf32, #tpu.memory_space<vmem_shared>>, %arg9: memref<!tpu.dma_semaphore, #tpu.memory_space<semaphore_mem>>) attributes {dimension_semantics = [#tpu.dimension_semantics<core_parallel>, #tpu.dimension_semantics<subcore_parallel>], iteration_bounds = array<i64: 2, 16>, scalar_prefetch = 0 : i64, scratch_operands = 5 : i64, tpu.core_type = #tpu.core_type<sc_vector_subcore>, window_params = [{transform_indices = #map}, {transform_indices = #map1}, {transform_indices = #map1}]} {
    %mul3A = arith.constant 2 : i32
    %mul3A_0 = arith.muli %arg1, %mul3A : i32
    %add3A = arith.addi %mul3A_0, %arg0 : i32
    %broadcast_in_dim3A = arith.constant 0.000000e+00 : f32
    %broadcast_in_dim3A_1 = vector.broadcast %broadcast_in_dim3A : f32 to vector<16xf32>
    %scan3A = arith.constant 0 : i32
    %scan3A_2 = arith.constant 0 : i32
    %scan3A_3 = arith.constant 128 : i32
    %scan3A_4 = arith.addi %scan3A_2, %scan3A_3 : i32
    %scan3A_5 = arith.constant 1 : i32
    scf.for %scan3A_54 = %scan3A_2 to %scan3A_4 step %scan3A_5  : i32 {
      %swap3A = arith.index_cast %scan3A_54 : i32 to index
      %swap3A_55 = arith.constant 0 : index
      %swap3A_56 = tpu.vector_load %arg7[%swap3A, %swap3A_55] {strides = array<i32>} : memref<128x128xf32, #tpu.memory_space<vmem>>, vector<1x16xf32>,
      %swap3A_57 = vector.shape_cast %swap3A_56 : vector<1x16xf32> to vector<16xf32>
      %swap3A_58 = vector.shape_cast %broadcast_in_dim3A_1 : vector<16xf32> to vector<1x16xf32>
      tpu.vector_store %arg7[%swap3A, %swap3A_55], %swap3A_58 {strides = array<i32>} : memref<128x128xf32, #tpu.memory_space<vmem>>, vector<1x16xf32>,
      %swap3A_59 = arith.index_cast %scan3A_54 : i32 to index
      %swap3A_60 = arith.constant 16 : index
      %swap3A_61 = tpu.vector_load %arg7[%swap3A_59, %swap3A_60] {strides = array<i32>} : memref<128x128xf32, #tpu.memory_space<vmem>>, vector<1x16xf32>,
      %swap3A_62 = vector.shape_cast %swap3A_61 : vector<1x16xf32> to vector<16xf32>
      %swap3A_63 = vector.shape_cast %broadcast_in_dim3A_1 : vector<16xf32> to vector<1x16xf32>
      tpu.vector_store %arg7[%swap3A_59, %swap3A_60], %swap3A_63 {strides = array<i32>} : memref<128x128xf32, #tpu.memory_space<vmem>>, vector<1x16xf32>,
      %swap3A_64 = arith.index_cast %scan3A_54 : i32 to index
      %swap3A_65 = arith.constant 32 : index
      %swap3A_66 = tpu.vector_load %arg7[%swap3A_64, %swap3A_65] {strides = array<i32>} : memref<128x128xf32, #tpu.memory_space<vmem>>, vector<1x16xf32>,
      %swap3A_67 = vector.shape_cast %swap3A_66 : vector<1x16xf32> to vector<16xf32>
      %swap3A_68 = vector.shape_cast %broadcast_in_dim3A_1 : vector<16xf32> to vector<1x16xf32>
      tpu.vector_store %arg7[%swap3A_64, %swap3A_65], %swap3A_68 {strides = array<i32>} : memref<128x128xf32, #tpu.memory_space<vmem>>, vector<1x16xf32>,
      %swap3A_69 = arith.index_cast %scan3A_54 : i32 to index
      %swap3A_70 = arith.constant 48 : index
      %swap3A_71 = tpu.vector_load %arg7[%swap3A_69, %swap3A_70] {strides = array<i32>} : memref<128x128xf32, #tpu.memory_space<vmem>>, vector<1x16xf32>,
      %swap3A_72 = vector.shape_cast %swap3A_71 : vector<1x16xf32> to vector<16xf32>
      %swap3A_73 = vector.shape_cast %broadcast_in_dim3A_1 : vector<16xf32> to vector<1x16xf32>
      tpu.vector_store %arg7[%swap3A_69, %swap3A_70], %swap3A_73 {strides = array<i32>} : memref<128x128xf32, #tpu.memory_space<vmem>>, vector<1x16xf32>,
      %swap3A_74 = arith.index_cast %scan3A_54 : i32 to index
      %swap3A_75 = arith.constant 64 : index
      %swap3A_76 = tpu.vector_load %arg7[%swap3A_74, %swap3A_75] {strides = array<i32>} : memref<128x128xf32, #tpu.memory_space<vmem>>, vector<1x16xf32>,
      %swap3A_77 = vector.shape_cast %swap3A_76 : vector<1x16xf32> to vector<16xf32>
      %swap3A_78 = vector.shape_cast %broadcast_in_dim3A_1 : vector<16xf32> to vector<1x16xf32>
      tpu.vector_store %arg7[%swap3A_74, %swap3A_75], %swap3A_78 {strides = array<i32>} : memref<128x128xf32, #tpu.memory_space<vmem>>, vector<1x16xf32>,
      %swap3A_79 = arith.index_cast %scan3A_54 : i32 to index
      %swap3A_80 = arith.constant 80 : index
      %swap3A_81 = tpu.vector_load %arg7[%swap3A_79, %swap3A_80] {strides = array<i32>} : memref<128x128xf32, #tpu.memory_space<vmem>>, vector<1x16xf32>,
      %swap3A_82 = vector.shape_cast %swap3A_81 : vector<1x16xf32> to vector<16xf32>
      %swap3A_83 = vector.shape_cast %broadcast_in_dim3A_1 : vector<16xf32> to vector<1x16xf32>
      tpu.vector_store %arg7[%swap3A_79, %swap3A_80], %swap3A_83 {strides = array<i32>} : memref<128x128xf32, #tpu.memory_space<vmem>>, vector<1x16xf32>,
      %swap3A_84 = arith.index_cast %scan3A_54 : i32 to index
      %swap3A_85 = arith.constant 96 : index
      %swap3A_86 = tpu.vector_load %arg7[%swap3A_84, %swap3A_85] {strides = array<i32>} : memref<128x128xf32, #tpu.memory_space<vmem>>, vector<1x16xf32>,
      %swap3A_87 = vector.shape_cast %swap3A_86 : vector<1x16xf32> to vector<16xf32>
      %swap3A_88 = vector.shape_cast %broadcast_in_dim3A_1 : vector<16xf32> to vector<1x16xf32>
      tpu.vector_store %arg7[%swap3A_84, %swap3A_85], %swap3A_88 {strides = array<i32>} : memref<128x128xf32, #tpu.memory_space<vmem>>, vector<1x16xf32>,
      %swap3A_89 = arith.index_cast %scan3A_54 : i32 to index
      %swap3A_90 = arith.constant 112 : index
      %swap3A_91 = tpu.vector_load %arg7[%swap3A_89, %swap3A_90] {strides = array<i32>} : memref<128x128xf32, #tpu.memory_space<vmem>>, vector<1x16xf32>,
      %swap3A_92 = vector.shape_cast %swap3A_91 : vector<1x16xf32> to vector<16xf32>
      %swap3A_93 = vector.shape_cast %broadcast_in_dim3A_1 : vector<16xf32> to vector<1x16xf32>
      tpu.vector_store %arg7[%swap3A_89, %swap3A_90], %swap3A_93 {strides = array<i32>} : memref<128x128xf32, #tpu.memory_space<vmem>>, vector<1x16xf32>,
    }
    %scan3A_6 = arith.constant 128 : i32
    %mul3A_7 = arith.constant 640 : i32
    %mul3A_8 = arith.muli %arg1, %mul3A_7 : i32
    %add3A_9 = arith.constant 0 : i32
    %add3A_10 = arith.addi %mul3A_8, %add3A_9 : i32
    "tpu.region"() ({
      %run_scoped3A = tpu.sem_alloc : memref<!tpu.dma_semaphore, #tpu.memory_space<semaphore_mem>>
      %dma_start3A = arith.constant 0 : i32
      %dma_start3A_54 = tpu.memref_slice %arg8[%add3A_10, %dma_start3A] : memref<10240x128xf32, #tpu.memory_space<vmem_shared>> -> memref<128x128xf32, #tpu.memory_space<vmem_shared>>
      %dma_start3A_55 = arith.constant 0 : i32
      %dma_start3A_56 = tpu.memref_slice %arg8[%add3A_10, %dma_start3A_55] : memref<10240x128xf32, #tpu.memory_space<vmem_shared>> -> memref<128x128xf32, #tpu.memory_space<vmem_shared>>
      tpu.enqueue_dma source(%arg7 : memref<128x128xf32, #tpu.memory_space<vmem>>) target(%dma_start3A_56 : memref<128x128xf32, #tpu.memory_space<vmem_shared>>) target_semaphore(%run_scoped3A : memref<!tpu.dma_semaphore, #tpu.memory_space<semaphore_mem>>)
      %dma_wait3A = arith.constant 0 : i32
      %dma_wait3A_57 = tpu.memref_slice %arg8[%add3A_10, %dma_wait3A] : memref<10240x128xf32, #tpu.memory_space<vmem_shared>> -> memref<128x128xf32, #tpu.memory_space<vmem_shared>>
      %dma_wait3A_58 = arith.constant 0 : i32
      %dma_wait3A_59 = tpu.memref_slice %arg8[%add3A_10, %dma_wait3A_58] : memref<10240x128xf32, #tpu.memory_space<vmem_shared>> -> memref<128x128xf32, #tpu.memory_space<vmem_shared>>
      tpu.wait_dma2 semaphore(%run_scoped3A : memref<!tpu.dma_semaphore, #tpu.memory_space<semaphore_mem>>) src(%arg7 : memref<128x128xf32, #tpu.memory_space<vmem>>) dst(%dma_wait3A_59 : memref<128x128xf32, #tpu.memory_space<vmem_shared>>)
      tpu.yield
    }) : () -> ()
    %mul3A_11 = arith.constant 640 : i32
    %mul3A_12 = arith.muli %arg1, %mul3A_11 : i32
    %add3A_13 = arith.constant 128 : i32
    %add3A_14 = arith.addi %mul3A_12, %add3A_13 : i32
    "tpu.region"() ({
      %run_scoped3A = tpu.sem_alloc : memref<!tpu.dma_semaphore, #tpu.memory_space<semaphore_mem>>
      %dma_start3A = arith.constant 0 : i32
      %dma_start3A_54 = tpu.memref_slice %arg8[%add3A_14, %dma_start3A] : memref<10240x128xf32, #tpu.memory_space<vmem_shared>> -> memref<128x128xf32, #tpu.memory_space<vmem_shared>>
      %dma_start3A_55 = arith.constant 0 : i32
      %dma_start3A_56 = tpu.memref_slice %arg8[%add3A_14, %dma_start3A_55] : memref<10240x128xf32, #tpu.memory_space<vmem_shared>> -> memref<128x128xf32, #tpu.memory_space<vmem_shared>>
      tpu.enqueue_dma source(%arg7 : memref<128x128xf32, #tpu.memory_space<vmem>>) target(%dma_start3A_56 : memref<128x128xf32, #tpu.memory_space<vmem_shared>>) target_semaphore(%run_scoped3A : memref<!tpu.dma_semaphore, #tpu.memory_space<semaphore_mem>>)
      %dma_wait3A = arith.constant 0 : i32
      %dma_wait3A_57 = tpu.memref_slice %arg8[%add3A_14, %dma_wait3A] : memref<10240x128xf32, #tpu.memory_space<vmem_shared>> -> memref<128x128xf32, #tpu.memory_space<vmem_shared>>
      %dma_wait3A_58 = arith.constant 0 : i32
      %dma_wait3A_59 = tpu.memref_slice %arg8[%add3A_14, %dma_wait3A_58] : memref<10240x128xf32, #tpu.memory_space<vmem_shared>> -> memref<128x128xf32, #tpu.memory_space<vmem_shared>>
      tpu.wait_dma2 semaphore(%run_scoped3A : memref<!tpu.dma_semaphore, #tpu.memory_space<semaphore_mem>>) src(%arg7 : memref<128x128xf32, #tpu.memory_space<vmem>>) dst(%dma_wait3A_59 : memref<128x128xf32, #tpu.memory_space<vmem_shared>>)
      tpu.yield
    }) : () -> ()
    %mul3A_15 = arith.constant 640 : i32
    %mul3A_16 = arith.muli %arg1, %mul3A_15 : i32
    %add3A_17 = arith.constant 256 : i32
    %add3A_18 = arith.addi %mul3A_16, %add3A_17 : i32
    "tpu.region"() ({
      %run_scoped3A = tpu.sem_alloc : memref<!tpu.dma_semaphore, #tpu.memory_space<semaphore_mem>>
      %dma_start3A = arith.constant 0 : i32
      %dma_start3A_54 = tpu.memref_slice %arg8[%add3A_18, %dma_start3A] : memref<10240x128xf32, #tpu.memory_space<vmem_shared>> -> memref<128x128xf32, #tpu.memory_space<vmem_shared>>
      %dma_start3A_55 = arith.constant 0 : i32
      %dma_start3A_56 = tpu.memref_slice %arg8[%add3A_18, %dma_start3A_55] : memref<10240x128xf32, #tpu.memory_space<vmem_shared>> -> memref<128x128xf32, #tpu.memory_space<vmem_shared>>
      tpu.enqueue_dma source(%arg7 : memref<128x128xf32, #tpu.memory_space<vmem>>) target(%dma_start3A_56 : memref<128x128xf32, #tpu.memory_space<vmem_shared>>) target_semaphore(%run_scoped3A : memref<!tpu.dma_semaphore, #tpu.memory_space<semaphore_mem>>)
      %dma_wait3A = arith.constant 0 : i32
      %dma_wait3A_57 = tpu.memref_slice %arg8[%add3A_18, %dma_wait3A] : memref<10240x128xf32, #tpu.memory_space<vmem_shared>> -> memref<128x128xf32, #tpu.memory_space<vmem_shared>>
      %dma_wait3A_58 = arith.constant 0 : i32
      %dma_wait3A_59 = tpu.memref_slice %arg8[%add3A_18, %dma_wait3A_58] : memref<10240x128xf32, #tpu.memory_space<vmem_shared>> -> memref<128x128xf32, #tpu.memory_space<vmem_shared>>
      tpu.wait_dma2 semaphore(%run_scoped3A : memref<!tpu.dma_semaphore, #tpu.memory_space<semaphore_mem>>) src(%arg7 : memref<128x128xf32, #tpu.memory_space<vmem>>) dst(%dma_wait3A_59 : memref<128x128xf32, #tpu.memory_space<vmem_shared>>)
      tpu.yield
    }) : () -> ()
    %mul3A_19 = arith.constant 640 : i32
    %mul3A_20 = arith.muli %arg1, %mul3A_19 : i32
    %add3A_21 = arith.constant 384 : i32
    %add3A_22 = arith.addi %mul3A_20, %add3A_21 : i32
    "tpu.region"() ({
      %run_scoped3A = tpu.sem_alloc : memref<!tpu.dma_semaphore, #tpu.memory_space<semaphore_mem>>
      %dma_start3A = arith.constant 0 : i32
      %dma_start3A_54 = tpu.memref_slice %arg8[%add3A_22, %dma_start3A] : memref<10240x128xf32, #tpu.memory_space<vmem_shared>> -> memref<128x128xf32, #tpu.memory_space<vmem_shared>>
      %dma_start3A_55 = arith.constant 0 : i32
      %dma_start3A_56 = tpu.memref_slice %arg8[%add3A_22, %dma_start3A_55] : memref<10240x128xf32, #tpu.memory_space<vmem_shared>> -> memref<128x128xf32, #tpu.memory_space<vmem_shared>>
      tpu.enqueue_dma source(%arg7 : memref<128x128xf32, #tpu.memory_space<vmem>>) target(%dma_start3A_56 : memref<128x128xf32, #tpu.memory_space<vmem_shared>>) target_semaphore(%run_scoped3A : memref<!tpu.dma_semaphore, #tpu.memory_space<semaphore_mem>>)
      %dma_wait3A = arith.constant 0 : i32
      %dma_wait3A_57 = tpu.memref_slice %arg8[%add3A_22, %dma_wait3A] : memref<10240x128xf32, #tpu.memory_space<vmem_shared>> -> memref<128x128xf32, #tpu.memory_space<vmem_shared>>
      %dma_wait3A_58 = arith.constant 0 : i32
      %dma_wait3A_59 = tpu.memref_slice %arg8[%add3A_22, %dma_wait3A_58] : memref<10240x128xf32, #tpu.memory_space<vmem_shared>> -> memref<128x128xf32, #tpu.memory_space<vmem_shared>>
      tpu.wait_dma2 semaphore(%run_scoped3A : memref<!tpu.dma_semaphore, #tpu.memory_space<semaphore_mem>>) src(%arg7 : memref<128x128xf32, #tpu.memory_space<vmem>>) dst(%dma_wait3A_59 : memref<128x128xf32, #tpu.memory_space<vmem_shared>>)
      tpu.yield
    }) : () -> ()
    %mul3A_23 = arith.constant 640 : i32
    %mul3A_24 = arith.muli %arg1, %mul3A_23 : i32
    %add3A_25 = arith.constant 512 : i32
    %add3A_26 = arith.addi %mul3A_24, %add3A_25 : i32
    "tpu.region"() ({
      %run_scoped3A = tpu.sem_alloc : memref<!tpu.dma_semaphore, #tpu.memory_space<semaphore_mem>>
      %dma_start3A = arith.constant 0 : i32
      %dma_start3A_54 = tpu.memref_slice %arg8[%add3A_26, %dma_start3A] : memref<10240x128xf32, #tpu.memory_space<vmem_shared>> -> memref<128x128xf32, #tpu.memory_space<vmem_shared>>
      %dma_start3A_55 = arith.constant 0 : i32
      %dma_start3A_56 = tpu.memref_slice %arg8[%add3A_26, %dma_start3A_55] : memref<10240x128xf32, #tpu.memory_space<vmem_shared>> -> memref<128x128xf32, #tpu.memory_space<vmem_shared>>
      tpu.enqueue_dma source(%arg7 : memref<128x128xf32, #tpu.memory_space<vmem>>) target(%dma_start3A_56 : memref<128x128xf32, #tpu.memory_space<vmem_shared>>) target_semaphore(%run_scoped3A : memref<!tpu.dma_semaphore, #tpu.memory_space<semaphore_mem>>)
      %dma_wait3A = arith.constant 0 : i32
      %dma_wait3A_57 = tpu.memref_slice %arg8[%add3A_26, %dma_wait3A] : memref<10240x128xf32, #tpu.memory_space<vmem_shared>> -> memref<128x128xf32, #tpu.memory_space<vmem_shared>>
      %dma_wait3A_58 = arith.constant 0 : i32
      %dma_wait3A_59 = tpu.memref_slice %arg8[%add3A_26, %dma_wait3A_58] : memref<10240x128xf32, #tpu.memory_space<vmem_shared>> -> memref<128x128xf32, #tpu.memory_space<vmem_shared>>
      tpu.wait_dma2 semaphore(%run_scoped3A : memref<!tpu.dma_semaphore, #tpu.memory_space<semaphore_mem>>) src(%arg7 : memref<128x128xf32, #tpu.memory_space<vmem>>) dst(%dma_wait3A_59 : memref<128x128xf32, #tpu.memory_space<vmem_shared>>)
      tpu.yield
    }) : () -> ()
    %barrier3A = arith.constant 0 : index
    tpu.barrier barrier_id(%barrier3A)
    "tpu.region"() ({
      %run_scoped3A = tpu.sem_alloc : memref<!tpu.dma_semaphore, #tpu.memory_space<semaphore_mem>>
      %dma_start3A = arith.constant 0 : i32
      %dma_start3A_54 = arith.constant 0 : i32
      %dma_start3A_55 = tpu.memref_slice %arg3[%add3A, %dma_start3A, %dma_start3A_54] : memref<32x79x128xi32, #tpu.memory_space<hbm>> -> memref<1x79x128xi32, #tpu.memory_space<hbm>>
      %dma_start3A_56 = tpu.memref_squeeze %dma_start3A_55 : memref<1x79x128xi32, #tpu.memory_space<hbm>> -> memref<79x128xi32, #tpu.memory_space<hbm>>
      %dma_start3A_57 = arith.constant 0 : i32
      %dma_start3A_58 = arith.constant 0 : i32
      %dma_start3A_59 = tpu.memref_slice %arg3[%add3A, %dma_start3A_57, %dma_start3A_58] : memref<32x79x128xi32, #tpu.memory_space<hbm>> -> memref<1x79x128xi32, #tpu.memory_space<hbm>>
      %dma_start3A_60 = tpu.memref_squeeze %dma_start3A_59 : memref<1x79x128xi32, #tpu.memory_space<hbm>> -> memref<79x128xi32, #tpu.memory_space<hbm>>
      tpu.enqueue_dma source(%dma_start3A_60 : memref<79x128xi32, #tpu.memory_space<hbm>>) target(%arg5 : memref<79x128xi32, #tpu.memory_space<vmem>>) target_semaphore(%run_scoped3A : memref<!tpu.dma_semaphore, #tpu.memory_space<semaphore_mem>>)
      %dma_wait3A = arith.constant 0 : i32
      %dma_wait3A_61 = arith.constant 0 : i32
      %dma_wait3A_62 = tpu.memref_slice %arg3[%add3A, %dma_wait3A, %dma_wait3A_61] : memref<32x79x128xi32, #tpu.memory_space<hbm>> -> memref<1x79x128xi32, #tpu.memory_space<hbm>>
      %dma_wait3A_63 = tpu.memref_squeeze %dma_wait3A_62 : memref<1x79x128xi32, #tpu.memory_space<hbm>> -> memref<79x128xi32, #tpu.memory_space<hbm>>
      %dma_wait3A_64 = arith.constant 0 : i32
      %dma_wait3A_65 = arith.constant 0 : i32
      %dma_wait3A_66 = tpu.memref_slice %arg3[%add3A, %dma_wait3A_64, %dma_wait3A_65] : memref<32x79x128xi32, #tpu.memory_space<hbm>> -> memref<1x79x128xi32, #tpu.memory_space<hbm>>
      %dma_wait3A_67 = tpu.memref_squeeze %dma_wait3A_66 : memref<1x79x128xi32, #tpu.memory_space<hbm>> -> memref<79x128xi32, #tpu.memory_space<hbm>>
      tpu.wait_dma2 semaphore(%run_scoped3A : memref<!tpu.dma_semaphore, #tpu.memory_space<semaphore_mem>>) src(%dma_wait3A_67 : memref<79x128xi32, #tpu.memory_space<hbm>>) dst(%arg5 : memref<79x128xi32, #tpu.memory_space<vmem>>)
      tpu.yield
    }) : () -> ()
    %scan3A_27 = arith.constant 0 : i32
    %scan3A_28 = arith.constant 0 : i32
    %scan3A_29 = arith.constant 79 : i32
    %scan3A_30 = arith.addi %scan3A_28, %scan3A_29 : i32
    %scan3A_31 = arith.constant 1 : i32
    scf.for %scan3A_54 = %scan3A_28 to %scan3A_30 step %scan3A_31  : i32 {
      %mul3A_55 = arith.constant 79 : i32
      %mul3A_56 = arith.muli %add3A, %mul3A_55 : i32
      %add3A_57 = arith.addi %mul3A_56, %scan3A_54 : i32
      %mul3A_58 = arith.constant 128 : i32
      %mul3A_59 = arith.muli %add3A_57, %mul3A_58 : i32
      "tpu.region"() ({
        %run_scoped3A = tpu.sem_alloc : memref<!tpu.dma_semaphore, #tpu.memory_space<semaphore_mem>>
        %dma_start3A = arith.constant 0 : i32
        %dma_start3A_60 = tpu.memref_slice %arg2[%mul3A_59, %dma_start3A] : memref<323584x128xf32, #tpu.memory_space<hbm>> -> memref<128x128xf32, #tpu.memory_space<hbm>>
        %dma_start3A_61 = arith.constant 0 : i32
        %dma_start3A_62 = tpu.memref_slice %arg2[%mul3A_59, %dma_start3A_61] : memref<323584x128xf32, #tpu.memory_space<hbm>> -> memref<128x128xf32, #tpu.memory_space<hbm>>
        tpu.enqueue_dma source(%dma_start3A_62 : memref<128x128xf32, #tpu.memory_space<hbm>>) target(%arg6 : memref<128x128xf32, #tpu.memory_space<vmem>>) target_semaphore(%run_scoped3A : memref<!tpu.dma_semaphore, #tpu.memory_space<semaphore_mem>>)
        %dma_wait3A = arith.constant 0 : i32
        %dma_wait3A_63 = tpu.memref_slice %arg2[%mul3A_59, %dma_wait3A] : memref<323584x128xf32, #tpu.memory_space<hbm>> -> memref<128x128xf32, #tpu.memory_space<hbm>>
        %dma_wait3A_64 = arith.constant 0 : i32
        %dma_wait3A_65 = tpu.memref_slice %arg2[%mul3A_59, %dma_wait3A_64] : memref<323584x128xf32, #tpu.memory_space<hbm>> -> memref<128x128xf32, #tpu.memory_space<hbm>>
        tpu.wait_dma2 semaphore(%run_scoped3A : memref<!tpu.dma_semaphore, #tpu.memory_space<semaphore_mem>>) src(%dma_wait3A_65 : memref<128x128xf32, #tpu.memory_space<hbm>>) dst(%arg6 : memref<128x128xf32, #tpu.memory_space<vmem>>)
        tpu.yield
      }) : () -> ()
      "tpu.region"() ({
        %run_scoped3A = tpu.sem_alloc : memref<!tpu.dma_semaphore, #tpu.memory_space<semaphore_mem>>
        %dma_start3A = arith.constant 0 : i32
        %dma_start3A_60 = tpu.memref_slice %arg5[%scan3A_54, %dma_start3A] : memref<79x128xi32, #tpu.memory_space<vmem>> -> memref<1x128xi32, #tpu.memory_space<vmem>>
        %dma_start3A_61 = tpu.memref_squeeze %dma_start3A_60 : memref<1x128xi32, #tpu.memory_space<vmem>> -> memref<128xi32, #tpu.memory_space<vmem>>
        %dma_start3A_62 = arith.constant 0 : i32
        %dma_start3A_63 = arith.constant 0 : i32
        %dma_start3A_64 = tpu.memref_slice %arg8[%dma_start3A_62, %dma_start3A_63] : memref<10240x128xf32, #tpu.memory_space<vmem_shared>> -> memref<10240x128xf32, #tpu.memory_space<vmem_shared>>
        tpu.enqueue_indirect_dma source(%arg6 : memref<128x128xf32, #tpu.memory_space<vmem>>) target(%dma_start3A_64 : memref<10240x128xf32, #tpu.memory_space<vmem_shared>>) offsets(%dma_start3A_61 : memref<128xi32, #tpu.memory_space<vmem>>) semaphore(%run_scoped3A : memref<!tpu.dma_semaphore, #tpu.memory_space<semaphore_mem>>) {add = true}
        %dma_wait3A = arith.constant 0 : i32
        %dma_wait3A_65 = tpu.memref_slice %arg5[%scan3A_54, %dma_wait3A] : memref<79x128xi32, #tpu.memory_space<vmem>> -> memref<1x128xi32, #tpu.memory_space<vmem>>
        %dma_wait3A_66 = tpu.memref_squeeze %dma_wait3A_65 : memref<1x128xi32, #tpu.memory_space<vmem>> -> memref<128xi32, #tpu.memory_space<vmem>>
        %dma_wait3A_67 = arith.constant 0 : i32
        %dma_wait3A_68 = arith.constant 0 : i32
        %dma_wait3A_69 = tpu.memref_slice %arg8[%dma_wait3A_67, %dma_wait3A_68] : memref<10240x128xf32, #tpu.memory_space<vmem_shared>> -> memref<10240x128xf32, #tpu.memory_space<vmem_shared>>
        tpu.wait_indirect_dma semaphore(%run_scoped3A : memref<!tpu.dma_semaphore, #tpu.memory_space<semaphore_mem>>) src(%arg6 : memref<128x128xf32, #tpu.memory_space<vmem>>) dst(%dma_wait3A_69 : memref<10240x128xf32, #tpu.memory_space<vmem_shared>>)
        tpu.yield
      }) : () -> ()
    }
    %scan3A_32 = arith.constant 79 : i32
    %barrier3A_33 = arith.constant 0 : index
    tpu.barrier barrier_id(%barrier3A_33)
    %mul3A_34 = arith.constant 640 : i32
    %mul3A_35 = arith.muli %arg1, %mul3A_34 : i32
    %add3A_36 = arith.constant 0 : i32
    %add3A_37 = arith.addi %mul3A_35, %add3A_36 : i32
    "tpu.region"() ({
      %run_scoped3A = tpu.sem_alloc : memref<!tpu.dma_semaphore, #tpu.memory_space<semaphore_mem>>
      %dma_start3A = arith.constant 0 : i32
      %dma_start3A_54 = arith.constant 0 : i32
      %dma_start3A_55 = tpu.memref_slice %arg4[%arg0, %dma_start3A, %dma_start3A_54] : memref<2x10240x128xf32, #tpu.memory_space<hbm>> -> memref<1x10240x128xf32, #tpu.memory_space<hbm>>
      %dma_start3A_56 = tpu.memref_squeeze %dma_start3A_55 : memref<1x10240x128xf32, #tpu.memory_space<hbm>> -> memref<10240x128xf32, #tpu.memory_space<hbm>>
      %dma_start3A_57 = arith.constant 0 : i32
      %dma_start3A_58 = tpu.memref_slice %dma_start3A_56[%add3A_37, %dma_start3A_57] : memref<10240x128xf32, #tpu.memory_space<hbm>> -> memref<128x128xf32, #tpu.memory_space<hbm>>
      %dma_start3A_59 = arith.constant 0 : i32
      %dma_start3A_60 = tpu.memref_slice %arg8[%add3A_37, %dma_start3A_59] : memref<10240x128xf32, #tpu.memory_space<vmem_shared>> -> memref<128x128xf32, #tpu.memory_space<vmem_shared>>
      tpu.enqueue_dma source(%dma_start3A_60 : memref<128x128xf32, #tpu.memory_space<vmem_shared>>) target(%dma_start3A_58 : memref<128x128xf32, #tpu.memory_space<hbm>>) target_semaphore(%run_scoped3A : memref<!tpu.dma_semaphore, #tpu.memory_space<semaphore_mem>>)
      %dma_wait3A = arith.constant 0 : i32
      %dma_wait3A_61 = arith.constant 0 : i32
      %dma_wait3A_62 = tpu.memref_slice %arg4[%arg0, %dma_wait3A, %dma_wait3A_61] : memref<2x10240x128xf32, #tpu.memory_space<hbm>> -> memref<1x10240x128xf32, #tpu.memory_space<hbm>>
      %dma_wait3A_63 = tpu.memref_squeeze %dma_wait3A_62 : memref<1x10240x128xf32, #tpu.memory_space<hbm>> -> memref<10240x128xf32, #tpu.memory_space<hbm>>
      %dma_wait3A_64 = arith.constant 0 : i32
      %dma_wait3A_65 = tpu.memref_slice %dma_wait3A_63[%add3A_37, %dma_wait3A_64] : memref<10240x128xf32, #tpu.memory_space<hbm>> -> memref<128x128xf32, #tpu.memory_space<hbm>>
      %dma_wait3A_66 = arith.constant 0 : i32
      %dma_wait3A_67 = tpu.memref_slice %arg8[%add3A_37, %dma_wait3A_66] : memref<10240x128xf32, #tpu.memory_space<vmem_shared>> -> memref<128x128xf32, #tpu.memory_space<vmem_shared>>
      tpu.wait_dma2 semaphore(%run_scoped3A : memref<!tpu.dma_semaphore, #tpu.memory_space<semaphore_mem>>) src(%dma_wait3A_67 : memref<128x128xf32, #tpu.memory_space<vmem_shared>>) dst(%dma_wait3A_65 : memref<128x128xf32, #tpu.memory_space<hbm>>)
      tpu.yield
    }) : () -> ()
    %mul3A_38 = arith.constant 640 : i32
    %mul3A_39 = arith.muli %arg1, %mul3A_38 : i32
    %add3A_40 = arith.constant 128 : i32
    %add3A_41 = arith.addi %mul3A_39, %add3A_40 : i32
    "tpu.region"() ({
      %run_scoped3A = tpu.sem_alloc : memref<!tpu.dma_semaphore, #tpu.memory_space<semaphore_mem>>
      %dma_start3A = arith.constant 0 : i32
      %dma_start3A_54 = arith.constant 0 : i32
      %dma_start3A_55 = tpu.memref_slice %arg4[%arg0, %dma_start3A, %dma_start3A_54] : memref<2x10240x128xf32, #tpu.memory_space<hbm>> -> memref<1x10240x128xf32, #tpu.memory_space<hbm>>
      %dma_start3A_56 = tpu.memref_squeeze %dma_start3A_55 : memref<1x10240x128xf32, #tpu.memory_space<hbm>> -> memref<10240x128xf32, #tpu.memory_space<hbm>>
      %dma_start3A_57 = arith.constant 0 : i32
      %dma_start3A_58 = tpu.memref_slice %dma_start3A_56[%add3A_41, %dma_start3A_57] : memref<10240x128xf32, #tpu.memory_space<hbm>> -> memref<128x128xf32, #tpu.memory_space<hbm>>
      %dma_start3A_59 = arith.constant 0 : i32
      %dma_start3A_60 = tpu.memref_slice %arg8[%add3A_41, %dma_start3A_59] : memref<10240x128xf32, #tpu.memory_space<vmem_shared>> -> memref<128x128xf32, #tpu.memory_space<vmem_shared>>
      tpu.enqueue_dma source(%dma_start3A_60 : memref<128x128xf32, #tpu.memory_space<vmem_shared>>) target(%dma_start3A_58 : memref<128x128xf32, #tpu.memory_space<hbm>>) target_semaphore(%run_scoped3A : memref<!tpu.dma_semaphore, #tpu.memory_space<semaphore_mem>>)
      %dma_wait3A = arith.constant 0 : i32
      %dma_wait3A_61 = arith.constant 0 : i32
      %dma_wait3A_62 = tpu.memref_slice %arg4[%arg0, %dma_wait3A, %dma_wait3A_61] : memref<2x10240x128xf32, #tpu.memory_space<hbm>> -> memref<1x10240x128xf32, #tpu.memory_space<hbm>>
      %dma_wait3A_63 = tpu.memref_squeeze %dma_wait3A_62 : memref<1x10240x128xf32, #tpu.memory_space<hbm>> -> memref<10240x128xf32, #tpu.memory_space<hbm>>
      %dma_wait3A_64 = arith.constant 0 : i32
      %dma_wait3A_65 = tpu.memref_slice %dma_wait3A_63[%add3A_41, %dma_wait3A_64] : memref<10240x128xf32, #tpu.memory_space<hbm>> -> memref<128x128xf32, #tpu.memory_space<hbm>>
      %dma_wait3A_66 = arith.constant 0 : i32
      %dma_wait3A_67 = tpu.memref_slice %arg8[%add3A_41, %dma_wait3A_66] : memref<10240x128xf32, #tpu.memory_space<vmem_shared>> -> memref<128x128xf32, #tpu.memory_space<vmem_shared>>
      tpu.wait_dma2 semaphore(%run_scoped3A : memref<!tpu.dma_semaphore, #tpu.memory_space<semaphore_mem>>) src(%dma_wait3A_67 : memref<128x128xf32, #tpu.memory_space<vmem_shared>>) dst(%dma_wait3A_65 : memref<128x128xf32, #tpu.memory_space<hbm>>)
      tpu.yield
    }) : () -> ()
    %mul3A_42 = arith.constant 640 : i32
    %mul3A_43 = arith.muli %arg1, %mul3A_42 : i32
    %add3A_44 = arith.constant 256 : i32
    %add3A_45 = arith.addi %mul3A_43, %add3A_44 : i32
    "tpu.region"() ({
      %run_scoped3A = tpu.sem_alloc : memref<!tpu.dma_semaphore, #tpu.memory_space<semaphore_mem>>
      %dma_start3A = arith.constant 0 : i32
      %dma_start3A_54 = arith.constant 0 : i32
      %dma_start3A_55 = tpu.memref_slice %arg4[%arg0, %dma_start3A, %dma_start3A_54] : memref<2x10240x128xf32, #tpu.memory_space<hbm>> -> memref<1x10240x128xf32, #tpu.memory_space<hbm>>
      %dma_start3A_56 = tpu.memref_squeeze %dma_start3A_55 : memref<1x10240x128xf32, #tpu.memory_space<hbm>> -> memref<10240x128xf32, #tpu.memory_space<hbm>>
      %dma_start3A_57 = arith.constant 0 : i32
      %dma_start3A_58 = tpu.memref_slice %dma_start3A_56[%add3A_45, %dma_start3A_57] : memref<10240x128xf32, #tpu.memory_space<hbm>> -> memref<128x128xf32, #tpu.memory_space<hbm>>
      %dma_start3A_59 = arith.constant 0 : i32
      %dma_start3A_60 = tpu.memref_slice %arg8[%add3A_45, %dma_start3A_59] : memref<10240x128xf32, #tpu.memory_space<vmem_shared>> -> memref<128x128xf32, #tpu.memory_space<vmem_shared>>
      tpu.enqueue_dma source(%dma_start3A_60 : memref<128x128xf32, #tpu.memory_space<vmem_shared>>) target(%dma_start3A_58 : memref<128x128xf32, #tpu.memory_space<hbm>>) target_semaphore(%run_scoped3A : memref<!tpu.dma_semaphore, #tpu.memory_space<semaphore_mem>>)
      %dma_wait3A = arith.constant 0 : i32
      %dma_wait3A_61 = arith.constant 0 : i32
      %dma_wait3A_62 = tpu.memref_slice %arg4[%arg0, %dma_wait3A, %dma_wait3A_61] : memref<2x10240x128xf32, #tpu.memory_space<hbm>> -> memref<1x10240x128xf32, #tpu.memory_space<hbm>>
      %dma_wait3A_63 = tpu.memref_squeeze %dma_wait3A_62 : memref<1x10240x128xf32, #tpu.memory_space<hbm>> -> memref<10240x128xf32, #tpu.memory_space<hbm>>
      %dma_wait3A_64 = arith.constant 0 : i32
      %dma_wait3A_65 = tpu.memref_slice %dma_wait3A_63[%add3A_45, %dma_wait3A_64] : memref<10240x128xf32, #tpu.memory_space<hbm>> -> memref<128x128xf32, #tpu.memory_space<hbm>>
      %dma_wait3A_66 = arith.constant 0 : i32
      %dma_wait3A_67 = tpu.memref_slice %arg8[%add3A_45, %dma_wait3A_66] : memref<10240x128xf32, #tpu.memory_space<vmem_shared>> -> memref<128x128xf32, #tpu.memory_space<vmem_shared>>
      tpu.wait_dma2 semaphore(%run_scoped3A : memref<!tpu.dma_semaphore, #tpu.memory_space<semaphore_mem>>) src(%dma_wait3A_67 : memref<128x128xf32, #tpu.memory_space<vmem_shared>>) dst(%dma_wait3A_65 : memref<128x128xf32, #tpu.memory_space<hbm>>)
      tpu.yield
    }) : () -> ()
    %mul3A_46 = arith.constant 640 : i32
    %mul3A_47 = arith.muli %arg1, %mul3A_46 : i32
    %add3A_48 = arith.constant 384 : i32
    %add3A_49 = arith.addi %mul3A_47, %add3A_48 : i32
    "tpu.region"() ({
      %run_scoped3A = tpu.sem_alloc : memref<!tpu.dma_semaphore, #tpu.memory_space<semaphore_mem>>
      %dma_start3A = arith.constant 0 : i32
      %dma_start3A_54 = arith.constant 0 : i32
      %dma_start3A_55 = tpu.memref_slice %arg4[%arg0, %dma_start3A, %dma_start3A_54] : memref<2x10240x128xf32, #tpu.memory_space<hbm>> -> memref<1x10240x128xf32, #tpu.memory_space<hbm>>
      %dma_start3A_56 = tpu.memref_squeeze %dma_start3A_55 : memref<1x10240x128xf32, #tpu.memory_space<hbm>> -> memref<10240x128xf32, #tpu.memory_space<hbm>>
      %dma_start3A_57 = arith.constant 0 : i32
      %dma_start3A_58 = tpu.memref_slice %dma_start3A_56[%add3A_49, %dma_start3A_57] : memref<10240x128xf32, #tpu.memory_space<hbm>> -> memref<128x128xf32, #tpu.memory_space<hbm>>
      %dma_start3A_59 = arith.constant 0 : i32
      %dma_start3A_60 = tpu.memref_slice %arg8[%add3A_49, %dma_start3A_59] : memref<10240x128xf32, #tpu.memory_space<vmem_shared>> -> memref<128x128xf32, #tpu.memory_space<vmem_shared>>
      tpu.enqueue_dma source(%dma_start3A_60 : memref<128x128xf32, #tpu.memory_space<vmem_shared>>) target(%dma_start3A_58 : memref<128x128xf32, #tpu.memory_space<hbm>>) target_semaphore(%run_scoped3A : memref<!tpu.dma_semaphore, #tpu.memory_space<semaphore_mem>>)
      %dma_wait3A = arith.constant 0 : i32
      %dma_wait3A_61 = arith.constant 0 : i32
      %dma_wait3A_62 = tpu.memref_slice %arg4[%arg0, %dma_wait3A, %dma_wait3A_61] : memref<2x10240x128xf32, #tpu.memory_space<hbm>> -> memref<1x10240x128xf32, #tpu.memory_space<hbm>>
      %dma_wait3A_63 = tpu.memref_squeeze %dma_wait3A_62 : memref<1x10240x128xf32, #tpu.memory_space<hbm>> -> memref<10240x128xf32, #tpu.memory_space<hbm>>
      %dma_wait3A_64 = arith.constant 0 : i32
      %dma_wait3A_65 = tpu.memref_slice %dma_wait3A_63[%add3A_49, %dma_wait3A_64] : memref<10240x128xf32, #tpu.memory_space<hbm>> -> memref<128x128xf32, #tpu.memory_space<hbm>>
      %dma_wait3A_66 = arith.constant 0 : i32
      %dma_wait3A_67 = tpu.memref_slice %arg8[%add3A_49, %dma_wait3A_66] : memref<10240x128xf32, #tpu.memory_space<vmem_shared>> -> memref<128x128xf32, #tpu.memory_space<vmem_shared>>
      tpu.wait_dma2 semaphore(%run_scoped3A : memref<!tpu.dma_semaphore, #tpu.memory_space<semaphore_mem>>) src(%dma_wait3A_67 : memref<128x128xf32, #tpu.memory_space<vmem_shared>>) dst(%dma_wait3A_65 : memref<128x128xf32, #tpu.memory_space<hbm>>)
      tpu.yield
    }) : () -> ()
    %mul3A_50 = arith.constant 640 : i32
    %mul3A_51 = arith.muli %arg1, %mul3A_50 : i32
    %add3A_52 = arith.constant 512 : i32
    %add3A_53 = arith.addi %mul3A_51, %add3A_52 : i32
    "tpu.region"() ({
      %run_scoped3A = tpu.sem_alloc : memref<!tpu.dma_semaphore, #tpu.memory_space<semaphore_mem>>
      %dma_start3A = arith.constant 0 : i32
      %dma_start3A_54 = arith.constant 0 : i32
      %dma_start3A_55 = tpu.memref_slice %arg4[%arg0, %dma_start3A, %dma_start3A_54] : memref<2x10240x128xf32, #tpu.memory_space<hbm>> -> memref<1x10240x128xf32, #tpu.memory_space<hbm>>
      %dma_start3A_56 = tpu.memref_squeeze %dma_start3A_55 : memref<1x10240x128xf32, #tpu.memory_space<hbm>> -> memref<10240x128xf32, #tpu.memory_space<hbm>>
      %dma_start3A_57 = arith.constant 0 : i32
      %dma_start3A_58 = tpu.memref_slice %dma_start3A_56[%add3A_53, %dma_start3A_57] : memref<10240x128xf32, #tpu.memory_space<hbm>> -> memref<128x128xf32, #tpu.memory_space<hbm>>
      %dma_start3A_59 = arith.constant 0 : i32
      %dma_start3A_60 = tpu.memref_slice %arg8[%add3A_53, %dma_start3A_59] : memref<10240x128xf32, #tpu.memory_space<vmem_shared>> -> memref<128x128xf32, #tpu.memory_space<vmem_shared>>
      tpu.enqueue_dma source(%dma_start3A_60 : memref<128x128xf32, #tpu.memory_space<vmem_shared>>) target(%dma_start3A_58 : memref<128x128xf32, #tpu.memory_space<hbm>>) target_semaphore(%run_scoped3A : memref<!tpu.dma_semaphore, #tpu.memory_space<semaphore_mem>>)
      %dma_wait3A = arith.constant 0 : i32
      %dma_wait3A_61 = arith.constant 0 : i32
      %dma_wait3A_62 = tpu.memref_slice %arg4[%arg0, %dma_wait3A, %dma_wait3A_61] : memref<2x10240x128xf32, #tpu.memory_space<hbm>> -> memref<1x10240x128xf32, #tpu.memory_space<hbm>>
      %dma_wait3A_63 = tpu.memref_squeeze %dma_wait3A_62 : memref<1x10240x128xf32, #tpu.memory_space<hbm>> -> memref<10240x128xf32, #tpu.memory_space<hbm>>
      %dma_wait3A_64 = arith.constant 0 : i32
      %dma_wait3A_65 = tpu.memref_slice %dma_wait3A_63[%add3A_53, %dma_wait3A_64] : memref<10240x128xf32, #tpu.memory_space<hbm>> -> memref<128x128xf32, #tpu.memory_space<hbm>>
      %dma_wait3A_66 = arith.constant 0 : i32
      %dma_wait3A_67 = tpu.memref_slice %arg8[%add3A_53, %dma_wait3A_66] : memref<10240x128xf32, #tpu.memory_space<vmem_shared>> -> memref<128x128xf32, #tpu.memory_space<vmem_shared>>
      tpu.wait_dma2 semaphore(%run_scoped3A : memref<!tpu.dma_semaphore, #tpu.memory_space<semaphore_mem>>) src(%dma_wait3A_67 : memref<128x128xf32, #tpu.memory_space<vmem_shared>>) dst(%dma_wait3A_65 : memref<128x128xf32, #tpu.memory_space<hbm>>)
      tpu.yield
    }) : () -> ()
    return
  }
}

#map = affine_map<(d0, d1) -> (0, 0)>
#map1 = affine_map<(d0, d1) -> (0, 0, 0)>
module attributes {stable_mosaic.version = 14 : i64} {
  func.func @k(%arg0: i32, %arg1: i32, %arg2: memref<10000x128xf32, #tpu.memory_space<hbm>>, %arg3: memref<10000x128xf32, #tpu.memory_space<hbm>>, %arg4: memref<32x79x128xi32, #tpu.memory_space<hbm>>, %arg5: memref<32x79x128xi32, #tpu.memory_space<hbm>>, %arg6: memref<323584x128xf32, #tpu.memory_space<hbm>>, %arg7: memref<323584x128xf32, #tpu.memory_space<hbm>>, %arg8: memref<79x128xi32, #tpu.memory_space<vmem>>, %arg9: memref<79x128xi32, #tpu.memory_space<vmem>>, %arg10: memref<128x128xf32, #tpu.memory_space<vmem>>, %arg11: memref<128x128xf32, #tpu.memory_space<vmem>>, %arg12: memref<!tpu.dma_semaphore, #tpu.memory_space<semaphore_mem>>, %arg13: memref<!tpu.dma_semaphore, #tpu.memory_space<semaphore_mem>>) attributes {dimension_semantics = [#tpu.dimension_semantics<core_parallel>, #tpu.dimension_semantics<subcore_parallel>], iteration_bounds = array<i64: 2, 16>, scalar_prefetch = 0 : i64, scratch_operands = 6 : i64, tpu.core_type = #tpu.core_type<sc_vector_subcore>, window_params = [{transform_indices = #map}, {transform_indices = #map}, {transform_indices = #map1}, {transform_indices = #map1}, {transform_indices = #map}, {transform_indices = #map}]} {
    %mul3A = arith.constant 2 : i32
    %mul3A_0 = arith.muli %arg1, %mul3A : i32
    %add3A = arith.addi %mul3A_0, %arg0 : i32
    "tpu.region"() ({
      %run_scoped3A = tpu.sem_alloc : memref<!tpu.dma_semaphore, #tpu.memory_space<semaphore_mem>>
      %dma_start3A = arith.constant 0 : i32
      %dma_start3A_6 = arith.constant 0 : i32
      %dma_start3A_7 = tpu.memref_slice %arg4[%add3A, %dma_start3A, %dma_start3A_6] : memref<32x79x128xi32, #tpu.memory_space<hbm>> -> memref<1x79x128xi32, #tpu.memory_space<hbm>>
      %dma_start3A_8 = tpu.memref_squeeze %dma_start3A_7 : memref<1x79x128xi32, #tpu.memory_space<hbm>> -> memref<79x128xi32, #tpu.memory_space<hbm>>
      %dma_start3A_9 = arith.constant 0 : i32
      %dma_start3A_10 = arith.constant 0 : i32
      %dma_start3A_11 = tpu.memref_slice %arg4[%add3A, %dma_start3A_9, %dma_start3A_10] : memref<32x79x128xi32, #tpu.memory_space<hbm>> -> memref<1x79x128xi32, #tpu.memory_space<hbm>>
      %dma_start3A_12 = tpu.memref_squeeze %dma_start3A_11 : memref<1x79x128xi32, #tpu.memory_space<hbm>> -> memref<79x128xi32, #tpu.memory_space<hbm>>
      tpu.enqueue_dma source(%dma_start3A_12 : memref<79x128xi32, #tpu.memory_space<hbm>>) target(%arg8 : memref<79x128xi32, #tpu.memory_space<vmem>>) target_semaphore(%run_scoped3A : memref<!tpu.dma_semaphore, #tpu.memory_space<semaphore_mem>>)
      %dma_wait3A = arith.constant 0 : i32
      %dma_wait3A_13 = arith.constant 0 : i32
      %dma_wait3A_14 = tpu.memref_slice %arg4[%add3A, %dma_wait3A, %dma_wait3A_13] : memref<32x79x128xi32, #tpu.memory_space<hbm>> -> memref<1x79x128xi32, #tpu.memory_space<hbm>>
      %dma_wait3A_15 = tpu.memref_squeeze %dma_wait3A_14 : memref<1x79x128xi32, #tpu.memory_space<hbm>> -> memref<79x128xi32, #tpu.memory_space<hbm>>
      %dma_wait3A_16 = arith.constant 0 : i32
      %dma_wait3A_17 = arith.constant 0 : i32
      %dma_wait3A_18 = tpu.memref_slice %arg4[%add3A, %dma_wait3A_16, %dma_wait3A_17] : memref<32x79x128xi32, #tpu.memory_space<hbm>> -> memref<1x79x128xi32, #tpu.memory_space<hbm>>
      %dma_wait3A_19 = tpu.memref_squeeze %dma_wait3A_18 : memref<1x79x128xi32, #tpu.memory_space<hbm>> -> memref<79x128xi32, #tpu.memory_space<hbm>>
      tpu.wait_dma2 semaphore(%run_scoped3A : memref<!tpu.dma_semaphore, #tpu.memory_space<semaphore_mem>>) src(%dma_wait3A_19 : memref<79x128xi32, #tpu.memory_space<hbm>>) dst(%arg8 : memref<79x128xi32, #tpu.memory_space<vmem>>)
      tpu.yield
    }) : () -> ()
    "tpu.region"() ({
      %run_scoped3A = tpu.sem_alloc : memref<!tpu.dma_semaphore, #tpu.memory_space<semaphore_mem>>
      %dma_start3A = arith.constant 0 : i32
      %dma_start3A_6 = arith.constant 0 : i32
      %dma_start3A_7 = tpu.memref_slice %arg5[%add3A, %dma_start3A, %dma_start3A_6] : memref<32x79x128xi32, #tpu.memory_space<hbm>> -> memref<1x79x128xi32, #tpu.memory_space<hbm>>
      %dma_start3A_8 = tpu.memref_squeeze %dma_start3A_7 : memref<1x79x128xi32, #tpu.memory_space<hbm>> -> memref<79x128xi32, #tpu.memory_space<hbm>>
      %dma_start3A_9 = arith.constant 0 : i32
      %dma_start3A_10 = arith.constant 0 : i32
      %dma_start3A_11 = tpu.memref_slice %arg5[%add3A, %dma_start3A_9, %dma_start3A_10] : memref<32x79x128xi32, #tpu.memory_space<hbm>> -> memref<1x79x128xi32, #tpu.memory_space<hbm>>
      %dma_start3A_12 = tpu.memref_squeeze %dma_start3A_11 : memref<1x79x128xi32, #tpu.memory_space<hbm>> -> memref<79x128xi32, #tpu.memory_space<hbm>>
      tpu.enqueue_dma source(%dma_start3A_12 : memref<79x128xi32, #tpu.memory_space<hbm>>) target(%arg9 : memref<79x128xi32, #tpu.memory_space<vmem>>) target_semaphore(%run_scoped3A : memref<!tpu.dma_semaphore, #tpu.memory_space<semaphore_mem>>)
      %dma_wait3A = arith.constant 0 : i32
      %dma_wait3A_13 = arith.constant 0 : i32
      %dma_wait3A_14 = tpu.memref_slice %arg5[%add3A, %dma_wait3A, %dma_wait3A_13] : memref<32x79x128xi32, #tpu.memory_space<hbm>> -> memref<1x79x128xi32, #tpu.memory_space<hbm>>
      %dma_wait3A_15 = tpu.memref_squeeze %dma_wait3A_14 : memref<1x79x128xi32, #tpu.memory_space<hbm>> -> memref<79x128xi32, #tpu.memory_space<hbm>>
      %dma_wait3A_16 = arith.constant 0 : i32
      %dma_wait3A_17 = arith.constant 0 : i32
      %dma_wait3A_18 = tpu.memref_slice %arg5[%add3A, %dma_wait3A_16, %dma_wait3A_17] : memref<32x79x128xi32, #tpu.memory_space<hbm>> -> memref<1x79x128xi32, #tpu.memory_space<hbm>>
      %dma_wait3A_19 = tpu.memref_squeeze %dma_wait3A_18 : memref<1x79x128xi32, #tpu.memory_space<hbm>> -> memref<79x128xi32, #tpu.memory_space<hbm>>
      tpu.wait_dma2 semaphore(%run_scoped3A : memref<!tpu.dma_semaphore, #tpu.memory_space<semaphore_mem>>) src(%dma_wait3A_19 : memref<79x128xi32, #tpu.memory_space<hbm>>) dst(%arg9 : memref<79x128xi32, #tpu.memory_space<vmem>>)
      tpu.yield
    }) : () -> ()
    %scan3A = arith.constant 0 : i32
    %scan3A_1 = arith.constant 0 : i32
    %scan3A_2 = arith.constant 79 : i32
    %scan3A_3 = arith.addi %scan3A_1, %scan3A_2 : i32
    %scan3A_4 = arith.constant 1 : i32
    scf.for %scan3A_6 = %scan3A_1 to %scan3A_3 step %scan3A_4  : i32 {
      %mul3A_7 = arith.constant 79 : i32
      %mul3A_8 = arith.muli %add3A, %mul3A_7 : i32
      %add3A_9 = arith.addi %mul3A_8, %scan3A_6 : i32
      %mul3A_10 = arith.constant 128 : i32
      %mul3A_11 = arith.muli %add3A_9, %mul3A_10 : i32
      %dma_start3A = arith.constant 0 : i32
      %dma_start3A_12 = tpu.memref_slice %arg8[%scan3A_6, %dma_start3A] : memref<79x128xi32, #tpu.memory_space<vmem>> -> memref<1x128xi32, #tpu.memory_space<vmem>>
      %dma_start3A_13 = tpu.memref_squeeze %dma_start3A_12 : memref<1x128xi32, #tpu.memory_space<vmem>> -> memref<128xi32, #tpu.memory_space<vmem>>
      %dma_start3A_14 = arith.constant 0 : i32
      %dma_start3A_15 = arith.constant 0 : i32
      %dma_start3A_16 = tpu.memref_slice %arg2[%dma_start3A_14, %dma_start3A_15] : memref<10000x128xf32, #tpu.memory_space<hbm>> -> memref<10000x128xf32, #tpu.memory_space<hbm>>
      tpu.enqueue_indirect_dma source(%dma_start3A_16 : memref<10000x128xf32, #tpu.memory_space<hbm>>) target(%arg10 : memref<128x128xf32, #tpu.memory_space<vmem>>) offsets(%dma_start3A_13 : memref<128xi32, #tpu.memory_space<vmem>>) semaphore(%arg12 : memref<!tpu.dma_semaphore, #tpu.memory_space<semaphore_mem>>)
      %dma_start3A_17 = arith.constant 0 : i32
      %dma_start3A_18 = tpu.memref_slice %arg9[%scan3A_6, %dma_start3A_17] : memref<79x128xi32, #tpu.memory_space<vmem>> -> memref<1x128xi32, #tpu.memory_space<vmem>>
      %dma_start3A_19 = tpu.memref_squeeze %dma_start3A_18 : memref<1x128xi32, #tpu.memory_space<vmem>> -> memref<128xi32, #tpu.memory_space<vmem>>
      %dma_start3A_20 = arith.constant 0 : i32
      %dma_start3A_21 = arith.constant 0 : i32
      %dma_start3A_22 = tpu.memref_slice %arg3[%dma_start3A_20, %dma_start3A_21] : memref<10000x128xf32, #tpu.memory_space<hbm>> -> memref<10000x128xf32, #tpu.memory_space<hbm>>
      tpu.enqueue_indirect_dma source(%dma_start3A_22 : memref<10000x128xf32, #tpu.memory_space<hbm>>) target(%arg11 : memref<128x128xf32, #tpu.memory_space<vmem>>) offsets(%dma_start3A_19 : memref<128xi32, #tpu.memory_space<vmem>>) semaphore(%arg13 : memref<!tpu.dma_semaphore, #tpu.memory_space<semaphore_mem>>)
      %dma_wait3A = arith.constant 0 : i32
      %dma_wait3A_23 = tpu.memref_slice %arg8[%scan3A_6, %dma_wait3A] : memref<79x128xi32, #tpu.memory_space<vmem>> -> memref<1x128xi32, #tpu.memory_space<vmem>>
      %dma_wait3A_24 = tpu.memref_squeeze %dma_wait3A_23 : memref<1x128xi32, #tpu.memory_space<vmem>> -> memref<128xi32, #tpu.memory_space<vmem>>
      %dma_wait3A_25 = arith.constant 0 : i32
      %dma_wait3A_26 = arith.constant 0 : i32
      %dma_wait3A_27 = tpu.memref_slice %arg2[%dma_wait3A_25, %dma_wait3A_26] : memref<10000x128xf32, #tpu.memory_space<hbm>> -> memref<10000x128xf32, #tpu.memory_space<hbm>>
      tpu.wait_indirect_dma semaphore(%arg12 : memref<!tpu.dma_semaphore, #tpu.memory_space<semaphore_mem>>) src(%dma_wait3A_27 : memref<10000x128xf32, #tpu.memory_space<hbm>>) dst(%arg10 : memref<128x128xf32, #tpu.memory_space<vmem>>)
      %dma_wait3A_28 = arith.constant 0 : i32
      %dma_wait3A_29 = tpu.memref_slice %arg9[%scan3A_6, %dma_wait3A_28] : memref<79x128xi32, #tpu.memory_space<vmem>> -> memref<1x128xi32, #tpu.memory_space<vmem>>
      %dma_wait3A_30 = tpu.memref_squeeze %dma_wait3A_29 : memref<1x128xi32, #tpu.memory_space<vmem>> -> memref<128xi32, #tpu.memory_space<vmem>>
      %dma_wait3A_31 = arith.constant 0 : i32
      %dma_wait3A_32 = arith.constant 0 : i32
      %dma_wait3A_33 = tpu.memref_slice %arg3[%dma_wait3A_31, %dma_wait3A_32] : memref<10000x128xf32, #tpu.memory_space<hbm>> -> memref<10000x128xf32, #tpu.memory_space<hbm>>
      tpu.wait_indirect_dma semaphore(%arg13 : memref<!tpu.dma_semaphore, #tpu.memory_space<semaphore_mem>>) src(%dma_wait3A_33 : memref<10000x128xf32, #tpu.memory_space<hbm>>) dst(%arg11 : memref<128x128xf32, #tpu.memory_space<vmem>>)
      "tpu.region"() ({
        %run_scoped3A = tpu.sem_alloc : memref<!tpu.dma_semaphore, #tpu.memory_space<semaphore_mem>>
        %dma_start3A_34 = arith.constant 0 : i32
        %dma_start3A_35 = tpu.memref_slice %arg6[%mul3A_11, %dma_start3A_34] : memref<323584x128xf32, #tpu.memory_space<hbm>> -> memref<128x128xf32, #tpu.memory_space<hbm>>
        %dma_start3A_36 = arith.constant 0 : i32
        %dma_start3A_37 = tpu.memref_slice %arg6[%mul3A_11, %dma_start3A_36] : memref<323584x128xf32, #tpu.memory_space<hbm>> -> memref<128x128xf32, #tpu.memory_space<hbm>>
        tpu.enqueue_dma source(%arg10 : memref<128x128xf32, #tpu.memory_space<vmem>>) target(%dma_start3A_37 : memref<128x128xf32, #tpu.memory_space<hbm>>) target_semaphore(%run_scoped3A : memref<!tpu.dma_semaphore, #tpu.memory_space<semaphore_mem>>)
        %dma_wait3A_38 = arith.constant 0 : i32
        %dma_wait3A_39 = tpu.memref_slice %arg6[%mul3A_11, %dma_wait3A_38] : memref<323584x128xf32, #tpu.memory_space<hbm>> -> memref<128x128xf32, #tpu.memory_space<hbm>>
        %dma_wait3A_40 = arith.constant 0 : i32
        %dma_wait3A_41 = tpu.memref_slice %arg6[%mul3A_11, %dma_wait3A_40] : memref<323584x128xf32, #tpu.memory_space<hbm>> -> memref<128x128xf32, #tpu.memory_space<hbm>>
        tpu.wait_dma2 semaphore(%run_scoped3A : memref<!tpu.dma_semaphore, #tpu.memory_space<semaphore_mem>>) src(%arg10 : memref<128x128xf32, #tpu.memory_space<vmem>>) dst(%dma_wait3A_41 : memref<128x128xf32, #tpu.memory_space<hbm>>)
        tpu.yield
      }) : () -> ()
      "tpu.region"() ({
        %run_scoped3A = tpu.sem_alloc : memref<!tpu.dma_semaphore, #tpu.memory_space<semaphore_mem>>
        %dma_start3A_34 = arith.constant 0 : i32
        %dma_start3A_35 = tpu.memref_slice %arg7[%mul3A_11, %dma_start3A_34] : memref<323584x128xf32, #tpu.memory_space<hbm>> -> memref<128x128xf32, #tpu.memory_space<hbm>>
        %dma_start3A_36 = arith.constant 0 : i32
        %dma_start3A_37 = tpu.memref_slice %arg7[%mul3A_11, %dma_start3A_36] : memref<323584x128xf32, #tpu.memory_space<hbm>> -> memref<128x128xf32, #tpu.memory_space<hbm>>
        tpu.enqueue_dma source(%arg11 : memref<128x128xf32, #tpu.memory_space<vmem>>) target(%dma_start3A_37 : memref<128x128xf32, #tpu.memory_space<hbm>>) target_semaphore(%run_scoped3A : memref<!tpu.dma_semaphore, #tpu.memory_space<semaphore_mem>>)
        %dma_wait3A_38 = arith.constant 0 : i32
        %dma_wait3A_39 = tpu.memref_slice %arg7[%mul3A_11, %dma_wait3A_38] : memref<323584x128xf32, #tpu.memory_space<hbm>> -> memref<128x128xf32, #tpu.memory_space<hbm>>
        %dma_wait3A_40 = arith.constant 0 : i32
        %dma_wait3A_41 = tpu.memref_slice %arg7[%mul3A_11, %dma_wait3A_40] : memref<323584x128xf32, #tpu.memory_space<hbm>> -> memref<128x128xf32, #tpu.memory_space<hbm>>
        tpu.wait_dma2 semaphore(%run_scoped3A : memref<!tpu.dma_semaphore, #tpu.memory_space<semaphore_mem>>) src(%arg11 : memref<128x128xf32, #tpu.memory_space<vmem>>) dst(%dma_wait3A_41 : memref<128x128xf32, #tpu.memory_space<hbm>>)
        tpu.yield
      }) : () -> ()
    }
    %scan3A_5 = arith.constant 79 : i32
    return
  }
}

#map = affine_map<(d0, d1) -> (0, 0)>
#map1 = affine_map<(d0, d1) -> (0, 0, 0)>
module attributes {stable_mosaic.version = 14 : i64} {
  func.func @k(%arg0: i32, %arg1: i32, %arg2: memref<323584x128xf32, #tpu.memory_space<hbm>>, %arg3: memref<32x79x128xi32, #tpu.memory_space<hbm>>, %arg4: memref<2x10240x128xf32, #tpu.memory_space<hbm>>, %arg5: memref<79x128xi32, #tpu.memory_space<vmem>>, %arg6: memref<128x128xf32, #tpu.memory_space<vmem>>, %arg7: memref<128x128xf32, #tpu.memory_space<vmem>>, %arg8: memref<10240x128xf32, #tpu.memory_space<vmem_shared>>, %arg9: memref<!tpu.dma_semaphore, #tpu.memory_space<semaphore_mem>>) attributes {dimension_semantics = [#tpu.dimension_semantics<core_parallel>, #tpu.dimension_semantics<subcore_parallel>], iteration_bounds = array<i64: 2, 16>, scalar_prefetch = 0 : i64, scratch_operands = 5 : i64, tpu.core_type = #tpu.core_type<sc_vector_subcore>, window_params = [{transform_indices = #map}, {transform_indices = #map1}, {transform_indices = #map1}]} {
    %mul3A = arith.constant 2 : i32
    %mul3A_0 = arith.muli %arg1, %mul3A : i32
    %add3A = arith.addi %mul3A_0, %arg0 : i32
    %broadcast_in_dim3A = arith.constant 0.000000e+00 : f32
    %broadcast_in_dim3A_1 = vector.broadcast %broadcast_in_dim3A : f32 to vector<16xf32>
    %scan3A = arith.constant 0 : i32
    %scan3A_2 = arith.constant 0 : i32
    %scan3A_3 = arith.constant 128 : i32
    %scan3A_4 = arith.addi %scan3A_2, %scan3A_3 : i32
    %scan3A_5 = arith.constant 1 : i32
    scf.for %scan3A_54 = %scan3A_2 to %scan3A_4 step %scan3A_5  : i32 {
      %swap3A = arith.index_cast %scan3A_54 : i32 to index
      %swap3A_55 = arith.constant 0 : index
      %swap3A_56 = tpu.vector_load %arg7[%swap3A, %swap3A_55] {strides = array<i32>} : memref<128x128xf32, #tpu.memory_space<vmem>>, vector<1x16xf32>,
      %swap3A_57 = vector.shape_cast %swap3A_56 : vector<1x16xf32> to vector<16xf32>
      %swap3A_58 = vector.shape_cast %broadcast_in_dim3A_1 : vector<16xf32> to vector<1x16xf32>
      tpu.vector_store %arg7[%swap3A, %swap3A_55], %swap3A_58 {strides = array<i32>} : memref<128x128xf32, #tpu.memory_space<vmem>>, vector<1x16xf32>,
      %swap3A_59 = arith.index_cast %scan3A_54 : i32 to index
      %swap3A_60 = arith.constant 16 : index
      %swap3A_61 = tpu.vector_load %arg7[%swap3A_59, %swap3A_60] {strides = array<i32>} : memref<128x128xf32, #tpu.memory_space<vmem>>, vector<1x16xf32>,
      %swap3A_62 = vector.shape_cast %swap3A_61 : vector<1x16xf32> to vector<16xf32>
      %swap3A_63 = vector.shape_cast %broadcast_in_dim3A_1 : vector<16xf32> to vector<1x16xf32>
      tpu.vector_store %arg7[%swap3A_59, %swap3A_60], %swap3A_63 {strides = array<i32>} : memref<128x128xf32, #tpu.memory_space<vmem>>, vector<1x16xf32>,
      %swap3A_64 = arith.index_cast %scan3A_54 : i32 to index
      %swap3A_65 = arith.constant 32 : index
      %swap3A_66 = tpu.vector_load %arg7[%swap3A_64, %swap3A_65] {strides = array<i32>} : memref<128x128xf32, #tpu.memory_space<vmem>>, vector<1x16xf32>,
      %swap3A_67 = vector.shape_cast %swap3A_66 : vector<1x16xf32> to vector<16xf32>
      %swap3A_68 = vector.shape_cast %broadcast_in_dim3A_1 : vector<16xf32> to vector<1x16xf32>
      tpu.vector_store %arg7[%swap3A_64, %swap3A_65], %swap3A_68 {strides = array<i32>} : memref<128x128xf32, #tpu.memory_space<vmem>>, vector<1x16xf32>,
      %swap3A_69 = arith.index_cast %scan3A_54 : i32 to index
      %swap3A_70 = arith.constant 48 : index
      %swap3A_71 = tpu.vector_load %arg7[%swap3A_69, %swap3A_70] {strides = array<i32>} : memref<128x128xf32, #tpu.memory_space<vmem>>, vector<1x16xf32>,
      %swap3A_72 = vector.shape_cast %swap3A_71 : vector<1x16xf32> to vector<16xf32>
      %swap3A_73 = vector.shape_cast %broadcast_in_dim3A_1 : vector<16xf32> to vector<1x16xf32>
      tpu.vector_store %arg7[%swap3A_69, %swap3A_70], %swap3A_73 {strides = array<i32>} : memref<128x128xf32, #tpu.memory_space<vmem>>, vector<1x16xf32>,
      %swap3A_74 = arith.index_cast %scan3A_54 : i32 to index
      %swap3A_75 = arith.constant 64 : index
      %swap3A_76 = tpu.vector_load %arg7[%swap3A_74, %swap3A_75] {strides = array<i32>} : memref<128x128xf32, #tpu.memory_space<vmem>>, vector<1x16xf32>,
      %swap3A_77 = vector.shape_cast %swap3A_76 : vector<1x16xf32> to vector<16xf32>
      %swap3A_78 = vector.shape_cast %broadcast_in_dim3A_1 : vector<16xf32> to vector<1x16xf32>
      tpu.vector_store %arg7[%swap3A_74, %swap3A_75], %swap3A_78 {strides = array<i32>} : memref<128x128xf32, #tpu.memory_space<vmem>>, vector<1x16xf32>,
      %swap3A_79 = arith.index_cast %scan3A_54 : i32 to index
      %swap3A_80 = arith.constant 80 : index
      %swap3A_81 = tpu.vector_load %arg7[%swap3A_79, %swap3A_80] {strides = array<i32>} : memref<128x128xf32, #tpu.memory_space<vmem>>, vector<1x16xf32>,
      %swap3A_82 = vector.shape_cast %swap3A_81 : vector<1x16xf32> to vector<16xf32>
      %swap3A_83 = vector.shape_cast %broadcast_in_dim3A_1 : vector<16xf32> to vector<1x16xf32>
      tpu.vector_store %arg7[%swap3A_79, %swap3A_80], %swap3A_83 {strides = array<i32>} : memref<128x128xf32, #tpu.memory_space<vmem>>, vector<1x16xf32>,
      %swap3A_84 = arith.index_cast %scan3A_54 : i32 to index
      %swap3A_85 = arith.constant 96 : index
      %swap3A_86 = tpu.vector_load %arg7[%swap3A_84, %swap3A_85] {strides = array<i32>} : memref<128x128xf32, #tpu.memory_space<vmem>>, vector<1x16xf32>,
      %swap3A_87 = vector.shape_cast %swap3A_86 : vector<1x16xf32> to vector<16xf32>
      %swap3A_88 = vector.shape_cast %broadcast_in_dim3A_1 : vector<16xf32> to vector<1x16xf32>
      tpu.vector_store %arg7[%swap3A_84, %swap3A_85], %swap3A_88 {strides = array<i32>} : memref<128x128xf32, #tpu.memory_space<vmem>>, vector<1x16xf32>,
      %swap3A_89 = arith.index_cast %scan3A_54 : i32 to index
      %swap3A_90 = arith.constant 112 : index
      %swap3A_91 = tpu.vector_load %arg7[%swap3A_89, %swap3A_90] {strides = array<i32>} : memref<128x128xf32, #tpu.memory_space<vmem>>, vector<1x16xf32>,
      %swap3A_92 = vector.shape_cast %swap3A_91 : vector<1x16xf32> to vector<16xf32>
      %swap3A_93 = vector.shape_cast %broadcast_in_dim3A_1 : vector<16xf32> to vector<1x16xf32>
      tpu.vector_store %arg7[%swap3A_89, %swap3A_90], %swap3A_93 {strides = array<i32>} : memref<128x128xf32, #tpu.memory_space<vmem>>, vector<1x16xf32>,
    }
    %scan3A_6 = arith.constant 128 : i32
    %mul3A_7 = arith.constant 640 : i32
    %mul3A_8 = arith.muli %arg1, %mul3A_7 : i32
    %add3A_9 = arith.constant 0 : i32
    %add3A_10 = arith.addi %mul3A_8, %add3A_9 : i32
    "tpu.region"() ({
      %run_scoped3A = tpu.sem_alloc : memref<!tpu.dma_semaphore, #tpu.memory_space<semaphore_mem>>
      %dma_start3A = arith.constant 0 : i32
      %dma_start3A_54 = tpu.memref_slice %arg8[%add3A_10, %dma_start3A] : memref<10240x128xf32, #tpu.memory_space<vmem_shared>> -> memref<128x128xf32, #tpu.memory_space<vmem_shared>>
      %dma_start3A_55 = arith.constant 0 : i32
      %dma_start3A_56 = tpu.memref_slice %arg8[%add3A_10, %dma_start3A_55] : memref<10240x128xf32, #tpu.memory_space<vmem_shared>> -> memref<128x128xf32, #tpu.memory_space<vmem_shared>>
      tpu.enqueue_dma source(%arg7 : memref<128x128xf32, #tpu.memory_space<vmem>>) target(%dma_start3A_56 : memref<128x128xf32, #tpu.memory_space<vmem_shared>>) target_semaphore(%run_scoped3A : memref<!tpu.dma_semaphore, #tpu.memory_space<semaphore_mem>>)
      %dma_wait3A = arith.constant 0 : i32
      %dma_wait3A_57 = tpu.memref_slice %arg8[%add3A_10, %dma_wait3A] : memref<10240x128xf32, #tpu.memory_space<vmem_shared>> -> memref<128x128xf32, #tpu.memory_space<vmem_shared>>
      %dma_wait3A_58 = arith.constant 0 : i32
      %dma_wait3A_59 = tpu.memref_slice %arg8[%add3A_10, %dma_wait3A_58] : memref<10240x128xf32, #tpu.memory_space<vmem_shared>> -> memref<128x128xf32, #tpu.memory_space<vmem_shared>>
      tpu.wait_dma2 semaphore(%run_scoped3A : memref<!tpu.dma_semaphore, #tpu.memory_space<semaphore_mem>>) src(%arg7 : memref<128x128xf32, #tpu.memory_space<vmem>>) dst(%dma_wait3A_59 : memref<128x128xf32, #tpu.memory_space<vmem_shared>>)
      tpu.yield
    }) : () -> ()
    %mul3A_11 = arith.constant 640 : i32
    %mul3A_12 = arith.muli %arg1, %mul3A_11 : i32
    %add3A_13 = arith.constant 128 : i32
    %add3A_14 = arith.addi %mul3A_12, %add3A_13 : i32
    "tpu.region"() ({
      %run_scoped3A = tpu.sem_alloc : memref<!tpu.dma_semaphore, #tpu.memory_space<semaphore_mem>>
      %dma_start3A = arith.constant 0 : i32
      %dma_start3A_54 = tpu.memref_slice %arg8[%add3A_14, %dma_start3A] : memref<10240x128xf32, #tpu.memory_space<vmem_shared>> -> memref<128x128xf32, #tpu.memory_space<vmem_shared>>
      %dma_start3A_55 = arith.constant 0 : i32
      %dma_start3A_56 = tpu.memref_slice %arg8[%add3A_14, %dma_start3A_55] : memref<10240x128xf32, #tpu.memory_space<vmem_shared>> -> memref<128x128xf32, #tpu.memory_space<vmem_shared>>
      tpu.enqueue_dma source(%arg7 : memref<128x128xf32, #tpu.memory_space<vmem>>) target(%dma_start3A_56 : memref<128x128xf32, #tpu.memory_space<vmem_shared>>) target_semaphore(%run_scoped3A : memref<!tpu.dma_semaphore, #tpu.memory_space<semaphore_mem>>)
      %dma_wait3A = arith.constant 0 : i32
      %dma_wait3A_57 = tpu.memref_slice %arg8[%add3A_14, %dma_wait3A] : memref<10240x128xf32, #tpu.memory_space<vmem_shared>> -> memref<128x128xf32, #tpu.memory_space<vmem_shared>>
      %dma_wait3A_58 = arith.constant 0 : i32
      %dma_wait3A_59 = tpu.memref_slice %arg8[%add3A_14, %dma_wait3A_58] : memref<10240x128xf32, #tpu.memory_space<vmem_shared>> -> memref<128x128xf32, #tpu.memory_space<vmem_shared>>
      tpu.wait_dma2 semaphore(%run_scoped3A : memref<!tpu.dma_semaphore, #tpu.memory_space<semaphore_mem>>) src(%arg7 : memref<128x128xf32, #tpu.memory_space<vmem>>) dst(%dma_wait3A_59 : memref<128x128xf32, #tpu.memory_space<vmem_shared>>)
      tpu.yield
    }) : () -> ()
    %mul3A_15 = arith.constant 640 : i32
    %mul3A_16 = arith.muli %arg1, %mul3A_15 : i32
    %add3A_17 = arith.constant 256 : i32
    %add3A_18 = arith.addi %mul3A_16, %add3A_17 : i32
    "tpu.region"() ({
      %run_scoped3A = tpu.sem_alloc : memref<!tpu.dma_semaphore, #tpu.memory_space<semaphore_mem>>
      %dma_start3A = arith.constant 0 : i32
      %dma_start3A_54 = tpu.memref_slice %arg8[%add3A_18, %dma_start3A] : memref<10240x128xf32, #tpu.memory_space<vmem_shared>> -> memref<128x128xf32, #tpu.memory_space<vmem_shared>>
      %dma_start3A_55 = arith.constant 0 : i32
      %dma_start3A_56 = tpu.memref_slice %arg8[%add3A_18, %dma_start3A_55] : memref<10240x128xf32, #tpu.memory_space<vmem_shared>> -> memref<128x128xf32, #tpu.memory_space<vmem_shared>>
      tpu.enqueue_dma source(%arg7 : memref<128x128xf32, #tpu.memory_space<vmem>>) target(%dma_start3A_56 : memref<128x128xf32, #tpu.memory_space<vmem_shared>>) target_semaphore(%run_scoped3A : memref<!tpu.dma_semaphore, #tpu.memory_space<semaphore_mem>>)
      %dma_wait3A = arith.constant 0 : i32
      %dma_wait3A_57 = tpu.memref_slice %arg8[%add3A_18, %dma_wait3A] : memref<10240x128xf32, #tpu.memory_space<vmem_shared>> -> memref<128x128xf32, #tpu.memory_space<vmem_shared>>
      %dma_wait3A_58 = arith.constant 0 : i32
      %dma_wait3A_59 = tpu.memref_slice %arg8[%add3A_18, %dma_wait3A_58] : memref<10240x128xf32, #tpu.memory_space<vmem_shared>> -> memref<128x128xf32, #tpu.memory_space<vmem_shared>>
      tpu.wait_dma2 semaphore(%run_scoped3A : memref<!tpu.dma_semaphore, #tpu.memory_space<semaphore_mem>>) src(%arg7 : memref<128x128xf32, #tpu.memory_space<vmem>>) dst(%dma_wait3A_59 : memref<128x128xf32, #tpu.memory_space<vmem_shared>>)
      tpu.yield
    }) : () -> ()
    %mul3A_19 = arith.constant 640 : i32
    %mul3A_20 = arith.muli %arg1, %mul3A_19 : i32
    %add3A_21 = arith.constant 384 : i32
    %add3A_22 = arith.addi %mul3A_20, %add3A_21 : i32
    "tpu.region"() ({
      %run_scoped3A = tpu.sem_alloc : memref<!tpu.dma_semaphore, #tpu.memory_space<semaphore_mem>>
      %dma_start3A = arith.constant 0 : i32
      %dma_start3A_54 = tpu.memref_slice %arg8[%add3A_22, %dma_start3A] : memref<10240x128xf32, #tpu.memory_space<vmem_shared>> -> memref<128x128xf32, #tpu.memory_space<vmem_shared>>
      %dma_start3A_55 = arith.constant 0 : i32
      %dma_start3A_56 = tpu.memref_slice %arg8[%add3A_22, %dma_start3A_55] : memref<10240x128xf32, #tpu.memory_space<vmem_shared>> -> memref<128x128xf32, #tpu.memory_space<vmem_shared>>
      tpu.enqueue_dma source(%arg7 : memref<128x128xf32, #tpu.memory_space<vmem>>) target(%dma_start3A_56 : memref<128x128xf32, #tpu.memory_space<vmem_shared>>) target_semaphore(%run_scoped3A : memref<!tpu.dma_semaphore, #tpu.memory_space<semaphore_mem>>)
      %dma_wait3A = arith.constant 0 : i32
      %dma_wait3A_57 = tpu.memref_slice %arg8[%add3A_22, %dma_wait3A] : memref<10240x128xf32, #tpu.memory_space<vmem_shared>> -> memref<128x128xf32, #tpu.memory_space<vmem_shared>>
      %dma_wait3A_58 = arith.constant 0 : i32
      %dma_wait3A_59 = tpu.memref_slice %arg8[%add3A_22, %dma_wait3A_58] : memref<10240x128xf32, #tpu.memory_space<vmem_shared>> -> memref<128x128xf32, #tpu.memory_space<vmem_shared>>
      tpu.wait_dma2 semaphore(%run_scoped3A : memref<!tpu.dma_semaphore, #tpu.memory_space<semaphore_mem>>) src(%arg7 : memref<128x128xf32, #tpu.memory_space<vmem>>) dst(%dma_wait3A_59 : memref<128x128xf32, #tpu.memory_space<vmem_shared>>)
      tpu.yield
    }) : () -> ()
    %mul3A_23 = arith.constant 640 : i32
    %mul3A_24 = arith.muli %arg1, %mul3A_23 : i32
    %add3A_25 = arith.constant 512 : i32
    %add3A_26 = arith.addi %mul3A_24, %add3A_25 : i32
    "tpu.region"() ({
      %run_scoped3A = tpu.sem_alloc : memref<!tpu.dma_semaphore, #tpu.memory_space<semaphore_mem>>
      %dma_start3A = arith.constant 0 : i32
      %dma_start3A_54 = tpu.memref_slice %arg8[%add3A_26, %dma_start3A] : memref<10240x128xf32, #tpu.memory_space<vmem_shared>> -> memref<128x128xf32, #tpu.memory_space<vmem_shared>>
      %dma_start3A_55 = arith.constant 0 : i32
      %dma_start3A_56 = tpu.memref_slice %arg8[%add3A_26, %dma_start3A_55] : memref<10240x128xf32, #tpu.memory_space<vmem_shared>> -> memref<128x128xf32, #tpu.memory_space<vmem_shared>>
      tpu.enqueue_dma source(%arg7 : memref<128x128xf32, #tpu.memory_space<vmem>>) target(%dma_start3A_56 : memref<128x128xf32, #tpu.memory_space<vmem_shared>>) target_semaphore(%run_scoped3A : memref<!tpu.dma_semaphore, #tpu.memory_space<semaphore_mem>>)
      %dma_wait3A = arith.constant 0 : i32
      %dma_wait3A_57 = tpu.memref_slice %arg8[%add3A_26, %dma_wait3A] : memref<10240x128xf32, #tpu.memory_space<vmem_shared>> -> memref<128x128xf32, #tpu.memory_space<vmem_shared>>
      %dma_wait3A_58 = arith.constant 0 : i32
      %dma_wait3A_59 = tpu.memref_slice %arg8[%add3A_26, %dma_wait3A_58] : memref<10240x128xf32, #tpu.memory_space<vmem_shared>> -> memref<128x128xf32, #tpu.memory_space<vmem_shared>>
      tpu.wait_dma2 semaphore(%run_scoped3A : memref<!tpu.dma_semaphore, #tpu.memory_space<semaphore_mem>>) src(%arg7 : memref<128x128xf32, #tpu.memory_space<vmem>>) dst(%dma_wait3A_59 : memref<128x128xf32, #tpu.memory_space<vmem_shared>>)
      tpu.yield
    }) : () -> ()
    %barrier3A = arith.constant 0 : index
    tpu.barrier barrier_id(%barrier3A)
    "tpu.region"() ({
      %run_scoped3A = tpu.sem_alloc : memref<!tpu.dma_semaphore, #tpu.memory_space<semaphore_mem>>
      %dma_start3A = arith.constant 0 : i32
      %dma_start3A_54 = arith.constant 0 : i32
      %dma_start3A_55 = tpu.memref_slice %arg3[%add3A, %dma_start3A, %dma_start3A_54] : memref<32x79x128xi32, #tpu.memory_space<hbm>> -> memref<1x79x128xi32, #tpu.memory_space<hbm>>
      %dma_start3A_56 = tpu.memref_squeeze %dma_start3A_55 : memref<1x79x128xi32, #tpu.memory_space<hbm>> -> memref<79x128xi32, #tpu.memory_space<hbm>>
      %dma_start3A_57 = arith.constant 0 : i32
      %dma_start3A_58 = arith.constant 0 : i32
      %dma_start3A_59 = tpu.memref_slice %arg3[%add3A, %dma_start3A_57, %dma_start3A_58] : memref<32x79x128xi32, #tpu.memory_space<hbm>> -> memref<1x79x128xi32, #tpu.memory_space<hbm>>
      %dma_start3A_60 = tpu.memref_squeeze %dma_start3A_59 : memref<1x79x128xi32, #tpu.memory_space<hbm>> -> memref<79x128xi32, #tpu.memory_space<hbm>>
      tpu.enqueue_dma source(%dma_start3A_60 : memref<79x128xi32, #tpu.memory_space<hbm>>) target(%arg5 : memref<79x128xi32, #tpu.memory_space<vmem>>) target_semaphore(%run_scoped3A : memref<!tpu.dma_semaphore, #tpu.memory_space<semaphore_mem>>)
      %dma_wait3A = arith.constant 0 : i32
      %dma_wait3A_61 = arith.constant 0 : i32
      %dma_wait3A_62 = tpu.memref_slice %arg3[%add3A, %dma_wait3A, %dma_wait3A_61] : memref<32x79x128xi32, #tpu.memory_space<hbm>> -> memref<1x79x128xi32, #tpu.memory_space<hbm>>
      %dma_wait3A_63 = tpu.memref_squeeze %dma_wait3A_62 : memref<1x79x128xi32, #tpu.memory_space<hbm>> -> memref<79x128xi32, #tpu.memory_space<hbm>>
      %dma_wait3A_64 = arith.constant 0 : i32
      %dma_wait3A_65 = arith.constant 0 : i32
      %dma_wait3A_66 = tpu.memref_slice %arg3[%add3A, %dma_wait3A_64, %dma_wait3A_65] : memref<32x79x128xi32, #tpu.memory_space<hbm>> -> memref<1x79x128xi32, #tpu.memory_space<hbm>>
      %dma_wait3A_67 = tpu.memref_squeeze %dma_wait3A_66 : memref<1x79x128xi32, #tpu.memory_space<hbm>> -> memref<79x128xi32, #tpu.memory_space<hbm>>
      tpu.wait_dma2 semaphore(%run_scoped3A : memref<!tpu.dma_semaphore, #tpu.memory_space<semaphore_mem>>) src(%dma_wait3A_67 : memref<79x128xi32, #tpu.memory_space<hbm>>) dst(%arg5 : memref<79x128xi32, #tpu.memory_space<vmem>>)
      tpu.yield
    }) : () -> ()
    %scan3A_27 = arith.constant 0 : i32
    %scan3A_28 = arith.constant 0 : i32
    %scan3A_29 = arith.constant 79 : i32
    %scan3A_30 = arith.addi %scan3A_28, %scan3A_29 : i32
    %scan3A_31 = arith.constant 1 : i32
    scf.for %scan3A_54 = %scan3A_28 to %scan3A_30 step %scan3A_31  : i32 {
      %mul3A_55 = arith.constant 79 : i32
      %mul3A_56 = arith.muli %add3A, %mul3A_55 : i32
      %add3A_57 = arith.addi %mul3A_56, %scan3A_54 : i32
      %mul3A_58 = arith.constant 128 : i32
      %mul3A_59 = arith.muli %add3A_57, %mul3A_58 : i32
      "tpu.region"() ({
        %run_scoped3A = tpu.sem_alloc : memref<!tpu.dma_semaphore, #tpu.memory_space<semaphore_mem>>
        %dma_start3A = arith.constant 0 : i32
        %dma_start3A_60 = tpu.memref_slice %arg2[%mul3A_59, %dma_start3A] : memref<323584x128xf32, #tpu.memory_space<hbm>> -> memref<128x128xf32, #tpu.memory_space<hbm>>
        %dma_start3A_61 = arith.constant 0 : i32
        %dma_start3A_62 = tpu.memref_slice %arg2[%mul3A_59, %dma_start3A_61] : memref<323584x128xf32, #tpu.memory_space<hbm>> -> memref<128x128xf32, #tpu.memory_space<hbm>>
        tpu.enqueue_dma source(%dma_start3A_62 : memref<128x128xf32, #tpu.memory_space<hbm>>) target(%arg6 : memref<128x128xf32, #tpu.memory_space<vmem>>) target_semaphore(%run_scoped3A : memref<!tpu.dma_semaphore, #tpu.memory_space<semaphore_mem>>)
        %dma_wait3A = arith.constant 0 : i32
        %dma_wait3A_63 = tpu.memref_slice %arg2[%mul3A_59, %dma_wait3A] : memref<323584x128xf32, #tpu.memory_space<hbm>> -> memref<128x128xf32, #tpu.memory_space<hbm>>
        %dma_wait3A_64 = arith.constant 0 : i32
        %dma_wait3A_65 = tpu.memref_slice %arg2[%mul3A_59, %dma_wait3A_64] : memref<323584x128xf32, #tpu.memory_space<hbm>> -> memref<128x128xf32, #tpu.memory_space<hbm>>
        tpu.wait_dma2 semaphore(%run_scoped3A : memref<!tpu.dma_semaphore, #tpu.memory_space<semaphore_mem>>) src(%dma_wait3A_65 : memref<128x128xf32, #tpu.memory_space<hbm>>) dst(%arg6 : memref<128x128xf32, #tpu.memory_space<vmem>>)
        tpu.yield
      }) : () -> ()
      "tpu.region"() ({
        %run_scoped3A = tpu.sem_alloc : memref<!tpu.dma_semaphore, #tpu.memory_space<semaphore_mem>>
        %dma_start3A = arith.constant 0 : i32
        %dma_start3A_60 = tpu.memref_slice %arg5[%scan3A_54, %dma_start3A] : memref<79x128xi32, #tpu.memory_space<vmem>> -> memref<1x128xi32, #tpu.memory_space<vmem>>
        %dma_start3A_61 = tpu.memref_squeeze %dma_start3A_60 : memref<1x128xi32, #tpu.memory_space<vmem>> -> memref<128xi32, #tpu.memory_space<vmem>>
        %dma_start3A_62 = arith.constant 0 : i32
        %dma_start3A_63 = arith.constant 0 : i32
        %dma_start3A_64 = tpu.memref_slice %arg8[%dma_start3A_62, %dma_start3A_63] : memref<10240x128xf32, #tpu.memory_space<vmem_shared>> -> memref<10240x128xf32, #tpu.memory_space<vmem_shared>>
        tpu.enqueue_indirect_dma source(%arg6 : memref<128x128xf32, #tpu.memory_space<vmem>>) target(%dma_start3A_64 : memref<10240x128xf32, #tpu.memory_space<vmem_shared>>) offsets(%dma_start3A_61 : memref<128xi32, #tpu.memory_space<vmem>>) semaphore(%run_scoped3A : memref<!tpu.dma_semaphore, #tpu.memory_space<semaphore_mem>>) {add = true}
        %dma_wait3A = arith.constant 0 : i32
        %dma_wait3A_65 = tpu.memref_slice %arg5[%scan3A_54, %dma_wait3A] : memref<79x128xi32, #tpu.memory_space<vmem>> -> memref<1x128xi32, #tpu.memory_space<vmem>>
        %dma_wait3A_66 = tpu.memref_squeeze %dma_wait3A_65 : memref<1x128xi32, #tpu.memory_space<vmem>> -> memref<128xi32, #tpu.memory_space<vmem>>
        %dma_wait3A_67 = arith.constant 0 : i32
        %dma_wait3A_68 = arith.constant 0 : i32
        %dma_wait3A_69 = tpu.memref_slice %arg8[%dma_wait3A_67, %dma_wait3A_68] : memref<10240x128xf32, #tpu.memory_space<vmem_shared>> -> memref<10240x128xf32, #tpu.memory_space<vmem_shared>>
        tpu.wait_indirect_dma semaphore(%run_scoped3A : memref<!tpu.dma_semaphore, #tpu.memory_space<semaphore_mem>>) src(%arg6 : memref<128x128xf32, #tpu.memory_space<vmem>>) dst(%dma_wait3A_69 : memref<10240x128xf32, #tpu.memory_space<vmem_shared>>)
        tpu.yield
      }) : () -> ()
    }
    %scan3A_32 = arith.constant 79 : i32
    %barrier3A_33 = arith.constant 0 : index
    tpu.barrier barrier_id(%barrier3A_33)
    %mul3A_34 = arith.constant 640 : i32
    %mul3A_35 = arith.muli %arg1, %mul3A_34 : i32
    %add3A_36 = arith.constant 0 : i32
    %add3A_37 = arith.addi %mul3A_35, %add3A_36 : i32
    "tpu.region"() ({
      %run_scoped3A = tpu.sem_alloc : memref<!tpu.dma_semaphore, #tpu.memory_space<semaphore_mem>>
      %dma_start3A = arith.constant 0 : i32
      %dma_start3A_54 = arith.constant 0 : i32
      %dma_start3A_55 = tpu.memref_slice %arg4[%arg0, %dma_start3A, %dma_start3A_54] : memref<2x10240x128xf32, #tpu.memory_space<hbm>> -> memref<1x10240x128xf32, #tpu.memory_space<hbm>>
      %dma_start3A_56 = tpu.memref_squeeze %dma_start3A_55 : memref<1x10240x128xf32, #tpu.memory_space<hbm>> -> memref<10240x128xf32, #tpu.memory_space<hbm>>
      %dma_start3A_57 = arith.constant 0 : i32
      %dma_start3A_58 = tpu.memref_slice %dma_start3A_56[%add3A_37, %dma_start3A_57] : memref<10240x128xf32, #tpu.memory_space<hbm>> -> memref<128x128xf32, #tpu.memory_space<hbm>>
      %dma_start3A_59 = arith.constant 0 : i32
      %dma_start3A_60 = tpu.memref_slice %arg8[%add3A_37, %dma_start3A_59] : memref<10240x128xf32, #tpu.memory_space<vmem_shared>> -> memref<128x128xf32, #tpu.memory_space<vmem_shared>>
      tpu.enqueue_dma source(%dma_start3A_60 : memref<128x128xf32, #tpu.memory_space<vmem_shared>>) target(%dma_start3A_58 : memref<128x128xf32, #tpu.memory_space<hbm>>) target_semaphore(%run_scoped3A : memref<!tpu.dma_semaphore, #tpu.memory_space<semaphore_mem>>)
      %dma_wait3A = arith.constant 0 : i32
      %dma_wait3A_61 = arith.constant 0 : i32
      %dma_wait3A_62 = tpu.memref_slice %arg4[%arg0, %dma_wait3A, %dma_wait3A_61] : memref<2x10240x128xf32, #tpu.memory_space<hbm>> -> memref<1x10240x128xf32, #tpu.memory_space<hbm>>
      %dma_wait3A_63 = tpu.memref_squeeze %dma_wait3A_62 : memref<1x10240x128xf32, #tpu.memory_space<hbm>> -> memref<10240x128xf32, #tpu.memory_space<hbm>>
      %dma_wait3A_64 = arith.constant 0 : i32
      %dma_wait3A_65 = tpu.memref_slice %dma_wait3A_63[%add3A_37, %dma_wait3A_64] : memref<10240x128xf32, #tpu.memory_space<hbm>> -> memref<128x128xf32, #tpu.memory_space<hbm>>
      %dma_wait3A_66 = arith.constant 0 : i32
      %dma_wait3A_67 = tpu.memref_slice %arg8[%add3A_37, %dma_wait3A_66] : memref<10240x128xf32, #tpu.memory_space<vmem_shared>> -> memref<128x128xf32, #tpu.memory_space<vmem_shared>>
      tpu.wait_dma2 semaphore(%run_scoped3A : memref<!tpu.dma_semaphore, #tpu.memory_space<semaphore_mem>>) src(%dma_wait3A_67 : memref<128x128xf32, #tpu.memory_space<vmem_shared>>) dst(%dma_wait3A_65 : memref<128x128xf32, #tpu.memory_space<hbm>>)
      tpu.yield
    }) : () -> ()
    %mul3A_38 = arith.constant 640 : i32
    %mul3A_39 = arith.muli %arg1, %mul3A_38 : i32
    %add3A_40 = arith.constant 128 : i32
    %add3A_41 = arith.addi %mul3A_39, %add3A_40 : i32
    "tpu.region"() ({
      %run_scoped3A = tpu.sem_alloc : memref<!tpu.dma_semaphore, #tpu.memory_space<semaphore_mem>>
      %dma_start3A = arith.constant 0 : i32
      %dma_start3A_54 = arith.constant 0 : i32
      %dma_start3A_55 = tpu.memref_slice %arg4[%arg0, %dma_start3A, %dma_start3A_54] : memref<2x10240x128xf32, #tpu.memory_space<hbm>> -> memref<1x10240x128xf32, #tpu.memory_space<hbm>>
      %dma_start3A_56 = tpu.memref_squeeze %dma_start3A_55 : memref<1x10240x128xf32, #tpu.memory_space<hbm>> -> memref<10240x128xf32, #tpu.memory_space<hbm>>
      %dma_start3A_57 = arith.constant 0 : i32
      %dma_start3A_58 = tpu.memref_slice %dma_start3A_56[%add3A_41, %dma_start3A_57] : memref<10240x128xf32, #tpu.memory_space<hbm>> -> memref<128x128xf32, #tpu.memory_space<hbm>>
      %dma_start3A_59 = arith.constant 0 : i32
      %dma_start3A_60 = tpu.memref_slice %arg8[%add3A_41, %dma_start3A_59] : memref<10240x128xf32, #tpu.memory_space<vmem_shared>> -> memref<128x128xf32, #tpu.memory_space<vmem_shared>>
      tpu.enqueue_dma source(%dma_start3A_60 : memref<128x128xf32, #tpu.memory_space<vmem_shared>>) target(%dma_start3A_58 : memref<128x128xf32, #tpu.memory_space<hbm>>) target_semaphore(%run_scoped3A : memref<!tpu.dma_semaphore, #tpu.memory_space<semaphore_mem>>)
      %dma_wait3A = arith.constant 0 : i32
      %dma_wait3A_61 = arith.constant 0 : i32
      %dma_wait3A_62 = tpu.memref_slice %arg4[%arg0, %dma_wait3A, %dma_wait3A_61] : memref<2x10240x128xf32, #tpu.memory_space<hbm>> -> memref<1x10240x128xf32, #tpu.memory_space<hbm>>
      %dma_wait3A_63 = tpu.memref_squeeze %dma_wait3A_62 : memref<1x10240x128xf32, #tpu.memory_space<hbm>> -> memref<10240x128xf32, #tpu.memory_space<hbm>>
      %dma_wait3A_64 = arith.constant 0 : i32
      %dma_wait3A_65 = tpu.memref_slice %dma_wait3A_63[%add3A_41, %dma_wait3A_64] : memref<10240x128xf32, #tpu.memory_space<hbm>> -> memref<128x128xf32, #tpu.memory_space<hbm>>
      %dma_wait3A_66 = arith.constant 0 : i32
      %dma_wait3A_67 = tpu.memref_slice %arg8[%add3A_41, %dma_wait3A_66] : memref<10240x128xf32, #tpu.memory_space<vmem_shared>> -> memref<128x128xf32, #tpu.memory_space<vmem_shared>>
      tpu.wait_dma2 semaphore(%run_scoped3A : memref<!tpu.dma_semaphore, #tpu.memory_space<semaphore_mem>>) src(%dma_wait3A_67 : memref<128x128xf32, #tpu.memory_space<vmem_shared>>) dst(%dma_wait3A_65 : memref<128x128xf32, #tpu.memory_space<hbm>>)
      tpu.yield
    }) : () -> ()
    %mul3A_42 = arith.constant 640 : i32
    %mul3A_43 = arith.muli %arg1, %mul3A_42 : i32
    %add3A_44 = arith.constant 256 : i32
    %add3A_45 = arith.addi %mul3A_43, %add3A_44 : i32
    "tpu.region"() ({
      %run_scoped3A = tpu.sem_alloc : memref<!tpu.dma_semaphore, #tpu.memory_space<semaphore_mem>>
      %dma_start3A = arith.constant 0 : i32
      %dma_start3A_54 = arith.constant 0 : i32
      %dma_start3A_55 = tpu.memref_slice %arg4[%arg0, %dma_start3A, %dma_start3A_54] : memref<2x10240x128xf32, #tpu.memory_space<hbm>> -> memref<1x10240x128xf32, #tpu.memory_space<hbm>>
      %dma_start3A_56 = tpu.memref_squeeze %dma_start3A_55 : memref<1x10240x128xf32, #tpu.memory_space<hbm>> -> memref<10240x128xf32, #tpu.memory_space<hbm>>
      %dma_start3A_57 = arith.constant 0 : i32
      %dma_start3A_58 = tpu.memref_slice %dma_start3A_56[%add3A_45, %dma_start3A_57] : memref<10240x128xf32, #tpu.memory_space<hbm>> -> memref<128x128xf32, #tpu.memory_space<hbm>>
      %dma_start3A_59 = arith.constant 0 : i32
      %dma_start3A_60 = tpu.memref_slice %arg8[%add3A_45, %dma_start3A_59] : memref<10240x128xf32, #tpu.memory_space<vmem_shared>> -> memref<128x128xf32, #tpu.memory_space<vmem_shared>>
      tpu.enqueue_dma source(%dma_start3A_60 : memref<128x128xf32, #tpu.memory_space<vmem_shared>>) target(%dma_start3A_58 : memref<128x128xf32, #tpu.memory_space<hbm>>) target_semaphore(%run_scoped3A : memref<!tpu.dma_semaphore, #tpu.memory_space<semaphore_mem>>)
      %dma_wait3A = arith.constant 0 : i32
      %dma_wait3A_61 = arith.constant 0 : i32
      %dma_wait3A_62 = tpu.memref_slice %arg4[%arg0, %dma_wait3A, %dma_wait3A_61] : memref<2x10240x128xf32, #tpu.memory_space<hbm>> -> memref<1x10240x128xf32, #tpu.memory_space<hbm>>
      %dma_wait3A_63 = tpu.memref_squeeze %dma_wait3A_62 : memref<1x10240x128xf32, #tpu.memory_space<hbm>> -> memref<10240x128xf32, #tpu.memory_space<hbm>>
      %dma_wait3A_64 = arith.constant 0 : i32
      %dma_wait3A_65 = tpu.memref_slice %dma_wait3A_63[%add3A_45, %dma_wait3A_64] : memref<10240x128xf32, #tpu.memory_space<hbm>> -> memref<128x128xf32, #tpu.memory_space<hbm>>
      %dma_wait3A_66 = arith.constant 0 : i32
      %dma_wait3A_67 = tpu.memref_slice %arg8[%add3A_45, %dma_wait3A_66] : memref<10240x128xf32, #tpu.memory_space<vmem_shared>> -> memref<128x128xf32, #tpu.memory_space<vmem_shared>>
      tpu.wait_dma2 semaphore(%run_scoped3A : memref<!tpu.dma_semaphore, #tpu.memory_space<semaphore_mem>>) src(%dma_wait3A_67 : memref<128x128xf32, #tpu.memory_space<vmem_shared>>) dst(%dma_wait3A_65 : memref<128x128xf32, #tpu.memory_space<hbm>>)
      tpu.yield
    }) : () -> ()
    %mul3A_46 = arith.constant 640 : i32
    %mul3A_47 = arith.muli %arg1, %mul3A_46 : i32
    %add3A_48 = arith.constant 384 : i32
    %add3A_49 = arith.addi %mul3A_47, %add3A_48 : i32
    "tpu.region"() ({
      %run_scoped3A = tpu.sem_alloc : memref<!tpu.dma_semaphore, #tpu.memory_space<semaphore_mem>>
      %dma_start3A = arith.constant 0 : i32
      %dma_start3A_54 = arith.constant 0 : i32
      %dma_start3A_55 = tpu.memref_slice %arg4[%arg0, %dma_start3A, %dma_start3A_54] : memref<2x10240x128xf32, #tpu.memory_space<hbm>> -> memref<1x10240x128xf32, #tpu.memory_space<hbm>>
      %dma_start3A_56 = tpu.memref_squeeze %dma_start3A_55 : memref<1x10240x128xf32, #tpu.memory_space<hbm>> -> memref<10240x128xf32, #tpu.memory_space<hbm>>
      %dma_start3A_57 = arith.constant 0 : i32
      %dma_start3A_58 = tpu.memref_slice %dma_start3A_56[%add3A_49, %dma_start3A_57] : memref<10240x128xf32, #tpu.memory_space<hbm>> -> memref<128x128xf32, #tpu.memory_space<hbm>>
      %dma_start3A_59 = arith.constant 0 : i32
      %dma_start3A_60 = tpu.memref_slice %arg8[%add3A_49, %dma_start3A_59] : memref<10240x128xf32, #tpu.memory_space<vmem_shared>> -> memref<128x128xf32, #tpu.memory_space<vmem_shared>>
      tpu.enqueue_dma source(%dma_start3A_60 : memref<128x128xf32, #tpu.memory_space<vmem_shared>>) target(%dma_start3A_58 : memref<128x128xf32, #tpu.memory_space<hbm>>) target_semaphore(%run_scoped3A : memref<!tpu.dma_semaphore, #tpu.memory_space<semaphore_mem>>)
      %dma_wait3A = arith.constant 0 : i32
      %dma_wait3A_61 = arith.constant 0 : i32
      %dma_wait3A_62 = tpu.memref_slice %arg4[%arg0, %dma_wait3A, %dma_wait3A_61] : memref<2x10240x128xf32, #tpu.memory_space<hbm>> -> memref<1x10240x128xf32, #tpu.memory_space<hbm>>
      %dma_wait3A_63 = tpu.memref_squeeze %dma_wait3A_62 : memref<1x10240x128xf32, #tpu.memory_space<hbm>> -> memref<10240x128xf32, #tpu.memory_space<hbm>>
      %dma_wait3A_64 = arith.constant 0 : i32
      %dma_wait3A_65 = tpu.memref_slice %dma_wait3A_63[%add3A_49, %dma_wait3A_64] : memref<10240x128xf32, #tpu.memory_space<hbm>> -> memref<128x128xf32, #tpu.memory_space<hbm>>
      %dma_wait3A_66 = arith.constant 0 : i32
      %dma_wait3A_67 = tpu.memref_slice %arg8[%add3A_49, %dma_wait3A_66] : memref<10240x128xf32, #tpu.memory_space<vmem_shared>> -> memref<128x128xf32, #tpu.memory_space<vmem_shared>>
      tpu.wait_dma2 semaphore(%run_scoped3A : memref<!tpu.dma_semaphore, #tpu.memory_space<semaphore_mem>>) src(%dma_wait3A_67 : memref<128x128xf32, #tpu.memory_space<vmem_shared>>) dst(%dma_wait3A_65 : memref<128x128xf32, #tpu.memory_space<hbm>>)
      tpu.yield
    }) : () -> ()
    %mul3A_50 = arith.constant 640 : i32
    %mul3A_51 = arith.muli %arg1, %mul3A_50 : i32
    %add3A_52 = arith.constant 512 : i32
    %add3A_53 = arith.addi %mul3A_51, %add3A_52 : i32
    "tpu.region"() ({
      %run_scoped3A = tpu.sem_alloc : memref<!tpu.dma_semaphore, #tpu.memory_space<semaphore_mem>>
      %dma_start3A = arith.constant 0 : i32
      %dma_start3A_54 = arith.constant 0 : i32
      %dma_start3A_55 = tpu.memref_slice %arg4[%arg0, %dma_start3A, %dma_start3A_54] : memref<2x10240x128xf32, #tpu.memory_space<hbm>> -> memref<1x10240x128xf32, #tpu.memory_space<hbm>>
      %dma_start3A_56 = tpu.memref_squeeze %dma_start3A_55 : memref<1x10240x128xf32, #tpu.memory_space<hbm>> -> memref<10240x128xf32, #tpu.memory_space<hbm>>
      %dma_start3A_57 = arith.constant 0 : i32
      %dma_start3A_58 = tpu.memref_slice %dma_start3A_56[%add3A_53, %dma_start3A_57] : memref<10240x128xf32, #tpu.memory_space<hbm>> -> memref<128x128xf32, #tpu.memory_space<hbm>>
      %dma_start3A_59 = arith.constant 0 : i32
      %dma_start3A_60 = tpu.memref_slice %arg8[%add3A_53, %dma_start3A_59] : memref<10240x128xf32, #tpu.memory_space<vmem_shared>> -> memref<128x128xf32, #tpu.memory_space<vmem_shared>>
      tpu.enqueue_dma source(%dma_start3A_60 : memref<128x128xf32, #tpu.memory_space<vmem_shared>>) target(%dma_start3A_58 : memref<128x128xf32, #tpu.memory_space<hbm>>) target_semaphore(%run_scoped3A : memref<!tpu.dma_semaphore, #tpu.memory_space<semaphore_mem>>)
      %dma_wait3A = arith.constant 0 : i32
      %dma_wait3A_61 = arith.constant 0 : i32
      %dma_wait3A_62 = tpu.memref_slice %arg4[%arg0, %dma_wait3A, %dma_wait3A_61] : memref<2x10240x128xf32, #tpu.memory_space<hbm>> -> memref<1x10240x128xf32, #tpu.memory_space<hbm>>
      %dma_wait3A_63 = tpu.memref_squeeze %dma_wait3A_62 : memref<1x10240x128xf32, #tpu.memory_space<hbm>> -> memref<10240x128xf32, #tpu.memory_space<hbm>>
      %dma_wait3A_64 = arith.constant 0 : i32
      %dma_wait3A_65 = tpu.memref_slice %dma_wait3A_63[%add3A_53, %dma_wait3A_64] : memref<10240x128xf32, #tpu.memory_space<hbm>> -> memref<128x128xf32, #tpu.memory_space<hbm>>
      %dma_wait3A_66 = arith.constant 0 : i32
      %dma_wait3A_67 = tpu.memref_slice %arg8[%add3A_53, %dma_wait3A_66] : memref<10240x128xf32, #tpu.memory_space<vmem_shared>> -> memref<128x128xf32, #tpu.memory_space<vmem_shared>>
      tpu.wait_dma2 semaphore(%run_scoped3A : memref<!tpu.dma_semaphore, #tpu.memory_space<semaphore_mem>>) src(%dma_wait3A_67 : memref<128x128xf32, #tpu.memory_space<vmem_shared>>) dst(%dma_wait3A_65 : memref<128x128xf32, #tpu.memory_space<hbm>>)
      tpu.yield
    }) : () -> ()
    return
  }
}

#map = affine_map<(d0, d1) -> (0, 0)>
#map1 = affine_map<(d0, d1) -> (0, 0, 0)>
module attributes {stable_mosaic.version = 14 : i64} {
  func.func @k(%arg0: i32, %arg1: i32, %arg2: memref<10000x128xf32, #tpu.memory_space<hbm>>, %arg3: memref<10000x128xf32, #tpu.memory_space<hbm>>, %arg4: memref<32x79x128xi32, #tpu.memory_space<hbm>>, %arg5: memref<32x79x128xi32, #tpu.memory_space<hbm>>, %arg6: memref<323584x128xf32, #tpu.memory_space<hbm>>, %arg7: memref<323584x128xf32, #tpu.memory_space<hbm>>, %arg8: memref<79x128xi32, #tpu.memory_space<vmem>>, %arg9: memref<79x128xi32, #tpu.memory_space<vmem>>, %arg10: memref<128x128xf32, #tpu.memory_space<vmem>>, %arg11: memref<128x128xf32, #tpu.memory_space<vmem>>, %arg12: memref<!tpu.dma_semaphore, #tpu.memory_space<semaphore_mem>>, %arg13: memref<!tpu.dma_semaphore, #tpu.memory_space<semaphore_mem>>) attributes {dimension_semantics = [#tpu.dimension_semantics<core_parallel>, #tpu.dimension_semantics<subcore_parallel>], iteration_bounds = array<i64: 2, 16>, scalar_prefetch = 0 : i64, scratch_operands = 6 : i64, tpu.core_type = #tpu.core_type<sc_vector_subcore>, window_params = [{transform_indices = #map}, {transform_indices = #map}, {transform_indices = #map1}, {transform_indices = #map1}, {transform_indices = #map}, {transform_indices = #map}]} {
    %mul3A = arith.constant 2 : i32
    %mul3A_0 = arith.muli %arg1, %mul3A : i32
    %add3A = arith.addi %mul3A_0, %arg0 : i32
    "tpu.region"() ({
      %run_scoped3A = tpu.sem_alloc : memref<!tpu.dma_semaphore, #tpu.memory_space<semaphore_mem>>
      %dma_start3A = arith.constant 0 : i32
      %dma_start3A_6 = arith.constant 0 : i32
      %dma_start3A_7 = tpu.memref_slice %arg4[%add3A, %dma_start3A, %dma_start3A_6] : memref<32x79x128xi32, #tpu.memory_space<hbm>> -> memref<1x79x128xi32, #tpu.memory_space<hbm>>
      %dma_start3A_8 = tpu.memref_squeeze %dma_start3A_7 : memref<1x79x128xi32, #tpu.memory_space<hbm>> -> memref<79x128xi32, #tpu.memory_space<hbm>>
      %dma_start3A_9 = arith.constant 0 : i32
      %dma_start3A_10 = arith.constant 0 : i32
      %dma_start3A_11 = tpu.memref_slice %arg4[%add3A, %dma_start3A_9, %dma_start3A_10] : memref<32x79x128xi32, #tpu.memory_space<hbm>> -> memref<1x79x128xi32, #tpu.memory_space<hbm>>
      %dma_start3A_12 = tpu.memref_squeeze %dma_start3A_11 : memref<1x79x128xi32, #tpu.memory_space<hbm>> -> memref<79x128xi32, #tpu.memory_space<hbm>>
      tpu.enqueue_dma source(%dma_start3A_12 : memref<79x128xi32, #tpu.memory_space<hbm>>) target(%arg8 : memref<79x128xi32, #tpu.memory_space<vmem>>) target_semaphore(%run_scoped3A : memref<!tpu.dma_semaphore, #tpu.memory_space<semaphore_mem>>)
      %dma_wait3A = arith.constant 0 : i32
      %dma_wait3A_13 = arith.constant 0 : i32
      %dma_wait3A_14 = tpu.memref_slice %arg4[%add3A, %dma_wait3A, %dma_wait3A_13] : memref<32x79x128xi32, #tpu.memory_space<hbm>> -> memref<1x79x128xi32, #tpu.memory_space<hbm>>
      %dma_wait3A_15 = tpu.memref_squeeze %dma_wait3A_14 : memref<1x79x128xi32, #tpu.memory_space<hbm>> -> memref<79x128xi32, #tpu.memory_space<hbm>>
      %dma_wait3A_16 = arith.constant 0 : i32
      %dma_wait3A_17 = arith.constant 0 : i32
      %dma_wait3A_18 = tpu.memref_slice %arg4[%add3A, %dma_wait3A_16, %dma_wait3A_17] : memref<32x79x128xi32, #tpu.memory_space<hbm>> -> memref<1x79x128xi32, #tpu.memory_space<hbm>>
      %dma_wait3A_19 = tpu.memref_squeeze %dma_wait3A_18 : memref<1x79x128xi32, #tpu.memory_space<hbm>> -> memref<79x128xi32, #tpu.memory_space<hbm>>
      tpu.wait_dma2 semaphore(%run_scoped3A : memref<!tpu.dma_semaphore, #tpu.memory_space<semaphore_mem>>) src(%dma_wait3A_19 : memref<79x128xi32, #tpu.memory_space<hbm>>) dst(%arg8 : memref<79x128xi32, #tpu.memory_space<vmem>>)
      tpu.yield
    }) : () -> ()
    "tpu.region"() ({
      %run_scoped3A = tpu.sem_alloc : memref<!tpu.dma_semaphore, #tpu.memory_space<semaphore_mem>>
      %dma_start3A = arith.constant 0 : i32
      %dma_start3A_6 = arith.constant 0 : i32
      %dma_start3A_7 = tpu.memref_slice %arg5[%add3A, %dma_start3A, %dma_start3A_6] : memref<32x79x128xi32, #tpu.memory_space<hbm>> -> memref<1x79x128xi32, #tpu.memory_space<hbm>>
      %dma_start3A_8 = tpu.memref_squeeze %dma_start3A_7 : memref<1x79x128xi32, #tpu.memory_space<hbm>> -> memref<79x128xi32, #tpu.memory_space<hbm>>
      %dma_start3A_9 = arith.constant 0 : i32
      %dma_start3A_10 = arith.constant 0 : i32
      %dma_start3A_11 = tpu.memref_slice %arg5[%add3A, %dma_start3A_9, %dma_start3A_10] : memref<32x79x128xi32, #tpu.memory_space<hbm>> -> memref<1x79x128xi32, #tpu.memory_space<hbm>>
      %dma_start3A_12 = tpu.memref_squeeze %dma_start3A_11 : memref<1x79x128xi32, #tpu.memory_space<hbm>> -> memref<79x128xi32, #tpu.memory_space<hbm>>
      tpu.enqueue_dma source(%dma_start3A_12 : memref<79x128xi32, #tpu.memory_space<hbm>>) target(%arg9 : memref<79x128xi32, #tpu.memory_space<vmem>>) target_semaphore(%run_scoped3A : memref<!tpu.dma_semaphore, #tpu.memory_space<semaphore_mem>>)
      %dma_wait3A = arith.constant 0 : i32
      %dma_wait3A_13 = arith.constant 0 : i32
      %dma_wait3A_14 = tpu.memref_slice %arg5[%add3A, %dma_wait3A, %dma_wait3A_13] : memref<32x79x128xi32, #tpu.memory_space<hbm>> -> memref<1x79x128xi32, #tpu.memory_space<hbm>>
      %dma_wait3A_15 = tpu.memref_squeeze %dma_wait3A_14 : memref<1x79x128xi32, #tpu.memory_space<hbm>> -> memref<79x128xi32, #tpu.memory_space<hbm>>
      %dma_wait3A_16 = arith.constant 0 : i32
      %dma_wait3A_17 = arith.constant 0 : i32
      %dma_wait3A_18 = tpu.memref_slice %arg5[%add3A, %dma_wait3A_16, %dma_wait3A_17] : memref<32x79x128xi32, #tpu.memory_space<hbm>> -> memref<1x79x128xi32, #tpu.memory_space<hbm>>
      %dma_wait3A_19 = tpu.memref_squeeze %dma_wait3A_18 : memref<1x79x128xi32, #tpu.memory_space<hbm>> -> memref<79x128xi32, #tpu.memory_space<hbm>>
      tpu.wait_dma2 semaphore(%run_scoped3A : memref<!tpu.dma_semaphore, #tpu.memory_space<semaphore_mem>>) src(%dma_wait3A_19 : memref<79x128xi32, #tpu.memory_space<hbm>>) dst(%arg9 : memref<79x128xi32, #tpu.memory_space<vmem>>)
      tpu.yield
    }) : () -> ()
    %scan3A = arith.constant 0 : i32
    %scan3A_1 = arith.constant 0 : i32
    %scan3A_2 = arith.constant 79 : i32
    %scan3A_3 = arith.addi %scan3A_1, %scan3A_2 : i32
    %scan3A_4 = arith.constant 1 : i32
    scf.for %scan3A_6 = %scan3A_1 to %scan3A_3 step %scan3A_4  : i32 {
      %mul3A_7 = arith.constant 79 : i32
      %mul3A_8 = arith.muli %add3A, %mul3A_7 : i32
      %add3A_9 = arith.addi %mul3A_8, %scan3A_6 : i32
      %mul3A_10 = arith.constant 128 : i32
      %mul3A_11 = arith.muli %add3A_9, %mul3A_10 : i32
      %dma_start3A = arith.constant 0 : i32
      %dma_start3A_12 = tpu.memref_slice %arg8[%scan3A_6, %dma_start3A] : memref<79x128xi32, #tpu.memory_space<vmem>> -> memref<1x128xi32, #tpu.memory_space<vmem>>
      %dma_start3A_13 = tpu.memref_squeeze %dma_start3A_12 : memref<1x128xi32, #tpu.memory_space<vmem>> -> memref<128xi32, #tpu.memory_space<vmem>>
      %dma_start3A_14 = arith.constant 0 : i32
      %dma_start3A_15 = arith.constant 0 : i32
      %dma_start3A_16 = tpu.memref_slice %arg2[%dma_start3A_14, %dma_start3A_15] : memref<10000x128xf32, #tpu.memory_space<hbm>> -> memref<10000x128xf32, #tpu.memory_space<hbm>>
      tpu.enqueue_indirect_dma source(%dma_start3A_16 : memref<10000x128xf32, #tpu.memory_space<hbm>>) target(%arg10 : memref<128x128xf32, #tpu.memory_space<vmem>>) offsets(%dma_start3A_13 : memref<128xi32, #tpu.memory_space<vmem>>) semaphore(%arg12 : memref<!tpu.dma_semaphore, #tpu.memory_space<semaphore_mem>>)
      %dma_start3A_17 = arith.constant 0 : i32
      %dma_start3A_18 = tpu.memref_slice %arg9[%scan3A_6, %dma_start3A_17] : memref<79x128xi32, #tpu.memory_space<vmem>> -> memref<1x128xi32, #tpu.memory_space<vmem>>
      %dma_start3A_19 = tpu.memref_squeeze %dma_start3A_18 : memref<1x128xi32, #tpu.memory_space<vmem>> -> memref<128xi32, #tpu.memory_space<vmem>>
      %dma_start3A_20 = arith.constant 0 : i32
      %dma_start3A_21 = arith.constant 0 : i32
      %dma_start3A_22 = tpu.memref_slice %arg3[%dma_start3A_20, %dma_start3A_21] : memref<10000x128xf32, #tpu.memory_space<hbm>> -> memref<10000x128xf32, #tpu.memory_space<hbm>>
      tpu.enqueue_indirect_dma source(%dma_start3A_22 : memref<10000x128xf32, #tpu.memory_space<hbm>>) target(%arg11 : memref<128x128xf32, #tpu.memory_space<vmem>>) offsets(%dma_start3A_19 : memref<128xi32, #tpu.memory_space<vmem>>) semaphore(%arg13 : memref<!tpu.dma_semaphore, #tpu.memory_space<semaphore_mem>>)
      %dma_wait3A = arith.constant 0 : i32
      %dma_wait3A_23 = tpu.memref_slice %arg8[%scan3A_6, %dma_wait3A] : memref<79x128xi32, #tpu.memory_space<vmem>> -> memref<1x128xi32, #tpu.memory_space<vmem>>
      %dma_wait3A_24 = tpu.memref_squeeze %dma_wait3A_23 : memref<1x128xi32, #tpu.memory_space<vmem>> -> memref<128xi32, #tpu.memory_space<vmem>>
      %dma_wait3A_25 = arith.constant 0 : i32
      %dma_wait3A_26 = arith.constant 0 : i32
      %dma_wait3A_27 = tpu.memref_slice %arg2[%dma_wait3A_25, %dma_wait3A_26] : memref<10000x128xf32, #tpu.memory_space<hbm>> -> memref<10000x128xf32, #tpu.memory_space<hbm>>
      tpu.wait_indirect_dma semaphore(%arg12 : memref<!tpu.dma_semaphore, #tpu.memory_space<semaphore_mem>>) src(%dma_wait3A_27 : memref<10000x128xf32, #tpu.memory_space<hbm>>) dst(%arg10 : memref<128x128xf32, #tpu.memory_space<vmem>>)
      %dma_wait3A_28 = arith.constant 0 : i32
      %dma_wait3A_29 = tpu.memref_slice %arg9[%scan3A_6, %dma_wait3A_28] : memref<79x128xi32, #tpu.memory_space<vmem>> -> memref<1x128xi32, #tpu.memory_space<vmem>>
      %dma_wait3A_30 = tpu.memref_squeeze %dma_wait3A_29 : memref<1x128xi32, #tpu.memory_space<vmem>> -> memref<128xi32, #tpu.memory_space<vmem>>
      %dma_wait3A_31 = arith.constant 0 : i32
      %dma_wait3A_32 = arith.constant 0 : i32
      %dma_wait3A_33 = tpu.memref_slice %arg3[%dma_wait3A_31, %dma_wait3A_32] : memref<10000x128xf32, #tpu.memory_space<hbm>> -> memref<10000x128xf32, #tpu.memory_space<hbm>>
      tpu.wait_indirect_dma semaphore(%arg13 : memref<!tpu.dma_semaphore, #tpu.memory_space<semaphore_mem>>) src(%dma_wait3A_33 : memref<10000x128xf32, #tpu.memory_space<hbm>>) dst(%arg11 : memref<128x128xf32, #tpu.memory_space<vmem>>)
      "tpu.region"() ({
        %run_scoped3A = tpu.sem_alloc : memref<!tpu.dma_semaphore, #tpu.memory_space<semaphore_mem>>
        %dma_start3A_34 = arith.constant 0 : i32
        %dma_start3A_35 = tpu.memref_slice %arg6[%mul3A_11, %dma_start3A_34] : memref<323584x128xf32, #tpu.memory_space<hbm>> -> memref<128x128xf32, #tpu.memory_space<hbm>>
        %dma_start3A_36 = arith.constant 0 : i32
        %dma_start3A_37 = tpu.memref_slice %arg6[%mul3A_11, %dma_start3A_36] : memref<323584x128xf32, #tpu.memory_space<hbm>> -> memref<128x128xf32, #tpu.memory_space<hbm>>
        tpu.enqueue_dma source(%arg10 : memref<128x128xf32, #tpu.memory_space<vmem>>) target(%dma_start3A_37 : memref<128x128xf32, #tpu.memory_space<hbm>>) target_semaphore(%run_scoped3A : memref<!tpu.dma_semaphore, #tpu.memory_space<semaphore_mem>>)
        %dma_wait3A_38 = arith.constant 0 : i32
        %dma_wait3A_39 = tpu.memref_slice %arg6[%mul3A_11, %dma_wait3A_38] : memref<323584x128xf32, #tpu.memory_space<hbm>> -> memref<128x128xf32, #tpu.memory_space<hbm>>
        %dma_wait3A_40 = arith.constant 0 : i32
        %dma_wait3A_41 = tpu.memref_slice %arg6[%mul3A_11, %dma_wait3A_40] : memref<323584x128xf32, #tpu.memory_space<hbm>> -> memref<128x128xf32, #tpu.memory_space<hbm>>
        tpu.wait_dma2 semaphore(%run_scoped3A : memref<!tpu.dma_semaphore, #tpu.memory_space<semaphore_mem>>) src(%arg10 : memref<128x128xf32, #tpu.memory_space<vmem>>) dst(%dma_wait3A_41 : memref<128x128xf32, #tpu.memory_space<hbm>>)
        tpu.yield
      }) : () -> ()
      "tpu.region"() ({
        %run_scoped3A = tpu.sem_alloc : memref<!tpu.dma_semaphore, #tpu.memory_space<semaphore_mem>>
        %dma_start3A_34 = arith.constant 0 : i32
        %dma_start3A_35 = tpu.memref_slice %arg7[%mul3A_11, %dma_start3A_34] : memref<323584x128xf32, #tpu.memory_space<hbm>> -> memref<128x128xf32, #tpu.memory_space<hbm>>
        %dma_start3A_36 = arith.constant 0 : i32
        %dma_start3A_37 = tpu.memref_slice %arg7[%mul3A_11, %dma_start3A_36] : memref<323584x128xf32, #tpu.memory_space<hbm>> -> memref<128x128xf32, #tpu.memory_space<hbm>>
        tpu.enqueue_dma source(%arg11 : memref<128x128xf32, #tpu.memory_space<vmem>>) target(%dma_start3A_37 : memref<128x128xf32, #tpu.memory_space<hbm>>) target_semaphore(%run_scoped3A : memref<!tpu.dma_semaphore, #tpu.memory_space<semaphore_mem>>)
        %dma_wait3A_38 = arith.constant 0 : i32
        %dma_wait3A_39 = tpu.memref_slice %arg7[%mul3A_11, %dma_wait3A_38] : memref<323584x128xf32, #tpu.memory_space<hbm>> -> memref<128x128xf32, #tpu.memory_space<hbm>>
        %dma_wait3A_40 = arith.constant 0 : i32
        %dma_wait3A_41 = tpu.memref_slice %arg7[%mul3A_11, %dma_wait3A_40] : memref<323584x128xf32, #tpu.memory_space<hbm>> -> memref<128x128xf32, #tpu.memory_space<hbm>>
        tpu.wait_dma2 semaphore(%run_scoped3A : memref<!tpu.dma_semaphore, #tpu.memory_space<semaphore_mem>>) src(%arg11 : memref<128x128xf32, #tpu.memory_space<vmem>>) dst(%dma_wait3A_41 : memref<128x128xf32, #tpu.memory_space<hbm>>)
        tpu.yield
      }) : () -> ()
    }
    %scan3A_5 = arith.constant 79 : i32
    return
  }
}

#map = affine_map<(d0, d1) -> (0, 0)>
#map1 = affine_map<(d0, d1) -> (0, 0, 0)>
module attributes {stable_mosaic.version = 14 : i64} {
  func.func @k(%arg0: i32, %arg1: i32, %arg2: memref<323584x128xf32, #tpu.memory_space<hbm>>, %arg3: memref<32x79x128xi32, #tpu.memory_space<hbm>>, %arg4: memref<2x10240x128xf32, #tpu.memory_space<hbm>>, %arg5: memref<79x128xi32, #tpu.memory_space<vmem>>, %arg6: memref<128x128xf32, #tpu.memory_space<vmem>>, %arg7: memref<128x128xf32, #tpu.memory_space<vmem>>, %arg8: memref<10240x128xf32, #tpu.memory_space<vmem_shared>>, %arg9: memref<!tpu.dma_semaphore, #tpu.memory_space<semaphore_mem>>) attributes {dimension_semantics = [#tpu.dimension_semantics<core_parallel>, #tpu.dimension_semantics<subcore_parallel>], iteration_bounds = array<i64: 2, 16>, scalar_prefetch = 0 : i64, scratch_operands = 5 : i64, tpu.core_type = #tpu.core_type<sc_vector_subcore>, window_params = [{transform_indices = #map}, {transform_indices = #map1}, {transform_indices = #map1}]} {
    %mul3A = arith.constant 2 : i32
    %mul3A_0 = arith.muli %arg1, %mul3A : i32
    %add3A = arith.addi %mul3A_0, %arg0 : i32
    %broadcast_in_dim3A = arith.constant 0.000000e+00 : f32
    %broadcast_in_dim3A_1 = vector.broadcast %broadcast_in_dim3A : f32 to vector<16xf32>
    %scan3A = arith.constant 0 : i32
    %scan3A_2 = arith.constant 0 : i32
    %scan3A_3 = arith.constant 128 : i32
    %scan3A_4 = arith.addi %scan3A_2, %scan3A_3 : i32
    %scan3A_5 = arith.constant 1 : i32
    scf.for %scan3A_54 = %scan3A_2 to %scan3A_4 step %scan3A_5  : i32 {
      %swap3A = arith.index_cast %scan3A_54 : i32 to index
      %swap3A_55 = arith.constant 0 : index
      %swap3A_56 = tpu.vector_load %arg7[%swap3A, %swap3A_55] {strides = array<i32>} : memref<128x128xf32, #tpu.memory_space<vmem>>, vector<1x16xf32>,
      %swap3A_57 = vector.shape_cast %swap3A_56 : vector<1x16xf32> to vector<16xf32>
      %swap3A_58 = vector.shape_cast %broadcast_in_dim3A_1 : vector<16xf32> to vector<1x16xf32>
      tpu.vector_store %arg7[%swap3A, %swap3A_55], %swap3A_58 {strides = array<i32>} : memref<128x128xf32, #tpu.memory_space<vmem>>, vector<1x16xf32>,
      %swap3A_59 = arith.index_cast %scan3A_54 : i32 to index
      %swap3A_60 = arith.constant 16 : index
      %swap3A_61 = tpu.vector_load %arg7[%swap3A_59, %swap3A_60] {strides = array<i32>} : memref<128x128xf32, #tpu.memory_space<vmem>>, vector<1x16xf32>,
      %swap3A_62 = vector.shape_cast %swap3A_61 : vector<1x16xf32> to vector<16xf32>
      %swap3A_63 = vector.shape_cast %broadcast_in_dim3A_1 : vector<16xf32> to vector<1x16xf32>
      tpu.vector_store %arg7[%swap3A_59, %swap3A_60], %swap3A_63 {strides = array<i32>} : memref<128x128xf32, #tpu.memory_space<vmem>>, vector<1x16xf32>,
      %swap3A_64 = arith.index_cast %scan3A_54 : i32 to index
      %swap3A_65 = arith.constant 32 : index
      %swap3A_66 = tpu.vector_load %arg7[%swap3A_64, %swap3A_65] {strides = array<i32>} : memref<128x128xf32, #tpu.memory_space<vmem>>, vector<1x16xf32>,
      %swap3A_67 = vector.shape_cast %swap3A_66 : vector<1x16xf32> to vector<16xf32>
      %swap3A_68 = vector.shape_cast %broadcast_in_dim3A_1 : vector<16xf32> to vector<1x16xf32>
      tpu.vector_store %arg7[%swap3A_64, %swap3A_65], %swap3A_68 {strides = array<i32>} : memref<128x128xf32, #tpu.memory_space<vmem>>, vector<1x16xf32>,
      %swap3A_69 = arith.index_cast %scan3A_54 : i32 to index
      %swap3A_70 = arith.constant 48 : index
      %swap3A_71 = tpu.vector_load %arg7[%swap3A_69, %swap3A_70] {strides = array<i32>} : memref<128x128xf32, #tpu.memory_space<vmem>>, vector<1x16xf32>,
      %swap3A_72 = vector.shape_cast %swap3A_71 : vector<1x16xf32> to vector<16xf32>
      %swap3A_73 = vector.shape_cast %broadcast_in_dim3A_1 : vector<16xf32> to vector<1x16xf32>
      tpu.vector_store %arg7[%swap3A_69, %swap3A_70], %swap3A_73 {strides = array<i32>} : memref<128x128xf32, #tpu.memory_space<vmem>>, vector<1x16xf32>,
      %swap3A_74 = arith.index_cast %scan3A_54 : i32 to index
      %swap3A_75 = arith.constant 64 : index
      %swap3A_76 = tpu.vector_load %arg7[%swap3A_74, %swap3A_75] {strides = array<i32>} : memref<128x128xf32, #tpu.memory_space<vmem>>, vector<1x16xf32>,
      %swap3A_77 = vector.shape_cast %swap3A_76 : vector<1x16xf32> to vector<16xf32>
      %swap3A_78 = vector.shape_cast %broadcast_in_dim3A_1 : vector<16xf32> to vector<1x16xf32>
      tpu.vector_store %arg7[%swap3A_74, %swap3A_75], %swap3A_78 {strides = array<i32>} : memref<128x128xf32, #tpu.memory_space<vmem>>, vector<1x16xf32>,
      %swap3A_79 = arith.index_cast %scan3A_54 : i32 to index
      %swap3A_80 = arith.constant 80 : index
      %swap3A_81 = tpu.vector_load %arg7[%swap3A_79, %swap3A_80] {strides = array<i32>} : memref<128x128xf32, #tpu.memory_space<vmem>>, vector<1x16xf32>,
      %swap3A_82 = vector.shape_cast %swap3A_81 : vector<1x16xf32> to vector<16xf32>
      %swap3A_83 = vector.shape_cast %broadcast_in_dim3A_1 : vector<16xf32> to vector<1x16xf32>
      tpu.vector_store %arg7[%swap3A_79, %swap3A_80], %swap3A_83 {strides = array<i32>} : memref<128x128xf32, #tpu.memory_space<vmem>>, vector<1x16xf32>,
      %swap3A_84 = arith.index_cast %scan3A_54 : i32 to index
      %swap3A_85 = arith.constant 96 : index
      %swap3A_86 = tpu.vector_load %arg7[%swap3A_84, %swap3A_85] {strides = array<i32>} : memref<128x128xf32, #tpu.memory_space<vmem>>, vector<1x16xf32>,
      %swap3A_87 = vector.shape_cast %swap3A_86 : vector<1x16xf32> to vector<16xf32>
      %swap3A_88 = vector.shape_cast %broadcast_in_dim3A_1 : vector<16xf32> to vector<1x16xf32>
      tpu.vector_store %arg7[%swap3A_84, %swap3A_85], %swap3A_88 {strides = array<i32>} : memref<128x128xf32, #tpu.memory_space<vmem>>, vector<1x16xf32>,
      %swap3A_89 = arith.index_cast %scan3A_54 : i32 to index
      %swap3A_90 = arith.constant 112 : index
      %swap3A_91 = tpu.vector_load %arg7[%swap3A_89, %swap3A_90] {strides = array<i32>} : memref<128x128xf32, #tpu.memory_space<vmem>>, vector<1x16xf32>,
      %swap3A_92 = vector.shape_cast %swap3A_91 : vector<1x16xf32> to vector<16xf32>
      %swap3A_93 = vector.shape_cast %broadcast_in_dim3A_1 : vector<16xf32> to vector<1x16xf32>
      tpu.vector_store %arg7[%swap3A_89, %swap3A_90], %swap3A_93 {strides = array<i32>} : memref<128x128xf32, #tpu.memory_space<vmem>>, vector<1x16xf32>,
    }
    %scan3A_6 = arith.constant 128 : i32
    %mul3A_7 = arith.constant 640 : i32
    %mul3A_8 = arith.muli %arg1, %mul3A_7 : i32
    %add3A_9 = arith.constant 0 : i32
    %add3A_10 = arith.addi %mul3A_8, %add3A_9 : i32
    "tpu.region"() ({
      %run_scoped3A = tpu.sem_alloc : memref<!tpu.dma_semaphore, #tpu.memory_space<semaphore_mem>>
      %dma_start3A = arith.constant 0 : i32
      %dma_start3A_54 = tpu.memref_slice %arg8[%add3A_10, %dma_start3A] : memref<10240x128xf32, #tpu.memory_space<vmem_shared>> -> memref<128x128xf32, #tpu.memory_space<vmem_shared>>
      %dma_start3A_55 = arith.constant 0 : i32
      %dma_start3A_56 = tpu.memref_slice %arg8[%add3A_10, %dma_start3A_55] : memref<10240x128xf32, #tpu.memory_space<vmem_shared>> -> memref<128x128xf32, #tpu.memory_space<vmem_shared>>
      tpu.enqueue_dma source(%arg7 : memref<128x128xf32, #tpu.memory_space<vmem>>) target(%dma_start3A_56 : memref<128x128xf32, #tpu.memory_space<vmem_shared>>) target_semaphore(%run_scoped3A : memref<!tpu.dma_semaphore, #tpu.memory_space<semaphore_mem>>)
      %dma_wait3A = arith.constant 0 : i32
      %dma_wait3A_57 = tpu.memref_slice %arg8[%add3A_10, %dma_wait3A] : memref<10240x128xf32, #tpu.memory_space<vmem_shared>> -> memref<128x128xf32, #tpu.memory_space<vmem_shared>>
      %dma_wait3A_58 = arith.constant 0 : i32
      %dma_wait3A_59 = tpu.memref_slice %arg8[%add3A_10, %dma_wait3A_58] : memref<10240x128xf32, #tpu.memory_space<vmem_shared>> -> memref<128x128xf32, #tpu.memory_space<vmem_shared>>
      tpu.wait_dma2 semaphore(%run_scoped3A : memref<!tpu.dma_semaphore, #tpu.memory_space<semaphore_mem>>) src(%arg7 : memref<128x128xf32, #tpu.memory_space<vmem>>) dst(%dma_wait3A_59 : memref<128x128xf32, #tpu.memory_space<vmem_shared>>)
      tpu.yield
    }) : () -> ()
    %mul3A_11 = arith.constant 640 : i32
    %mul3A_12 = arith.muli %arg1, %mul3A_11 : i32
    %add3A_13 = arith.constant 128 : i32
    %add3A_14 = arith.addi %mul3A_12, %add3A_13 : i32
    "tpu.region"() ({
      %run_scoped3A = tpu.sem_alloc : memref<!tpu.dma_semaphore, #tpu.memory_space<semaphore_mem>>
      %dma_start3A = arith.constant 0 : i32
      %dma_start3A_54 = tpu.memref_slice %arg8[%add3A_14, %dma_start3A] : memref<10240x128xf32, #tpu.memory_space<vmem_shared>> -> memref<128x128xf32, #tpu.memory_space<vmem_shared>>
      %dma_start3A_55 = arith.constant 0 : i32
      %dma_start3A_56 = tpu.memref_slice %arg8[%add3A_14, %dma_start3A_55] : memref<10240x128xf32, #tpu.memory_space<vmem_shared>> -> memref<128x128xf32, #tpu.memory_space<vmem_shared>>
      tpu.enqueue_dma source(%arg7 : memref<128x128xf32, #tpu.memory_space<vmem>>) target(%dma_start3A_56 : memref<128x128xf32, #tpu.memory_space<vmem_shared>>) target_semaphore(%run_scoped3A : memref<!tpu.dma_semaphore, #tpu.memory_space<semaphore_mem>>)
      %dma_wait3A = arith.constant 0 : i32
      %dma_wait3A_57 = tpu.memref_slice %arg8[%add3A_14, %dma_wait3A] : memref<10240x128xf32, #tpu.memory_space<vmem_shared>> -> memref<128x128xf32, #tpu.memory_space<vmem_shared>>
      %dma_wait3A_58 = arith.constant 0 : i32
      %dma_wait3A_59 = tpu.memref_slice %arg8[%add3A_14, %dma_wait3A_58] : memref<10240x128xf32, #tpu.memory_space<vmem_shared>> -> memref<128x128xf32, #tpu.memory_space<vmem_shared>>
      tpu.wait_dma2 semaphore(%run_scoped3A : memref<!tpu.dma_semaphore, #tpu.memory_space<semaphore_mem>>) src(%arg7 : memref<128x128xf32, #tpu.memory_space<vmem>>) dst(%dma_wait3A_59 : memref<128x128xf32, #tpu.memory_space<vmem_shared>>)
      tpu.yield
    }) : () -> ()
    %mul3A_15 = arith.constant 640 : i32
    %mul3A_16 = arith.muli %arg1, %mul3A_15 : i32
    %add3A_17 = arith.constant 256 : i32
    %add3A_18 = arith.addi %mul3A_16, %add3A_17 : i32
    "tpu.region"() ({
      %run_scoped3A = tpu.sem_alloc : memref<!tpu.dma_semaphore, #tpu.memory_space<semaphore_mem>>
      %dma_start3A = arith.constant 0 : i32
      %dma_start3A_54 = tpu.memref_slice %arg8[%add3A_18, %dma_start3A] : memref<10240x128xf32, #tpu.memory_space<vmem_shared>> -> memref<128x128xf32, #tpu.memory_space<vmem_shared>>
      %dma_start3A_55 = arith.constant 0 : i32
      %dma_start3A_56 = tpu.memref_slice %arg8[%add3A_18, %dma_start3A_55] : memref<10240x128xf32, #tpu.memory_space<vmem_shared>> -> memref<128x128xf32, #tpu.memory_space<vmem_shared>>
      tpu.enqueue_dma source(%arg7 : memref<128x128xf32, #tpu.memory_space<vmem>>) target(%dma_start3A_56 : memref<128x128xf32, #tpu.memory_space<vmem_shared>>) target_semaphore(%run_scoped3A : memref<!tpu.dma_semaphore, #tpu.memory_space<semaphore_mem>>)
      %dma_wait3A = arith.constant 0 : i32
      %dma_wait3A_57 = tpu.memref_slice %arg8[%add3A_18, %dma_wait3A] : memref<10240x128xf32, #tpu.memory_space<vmem_shared>> -> memref<128x128xf32, #tpu.memory_space<vmem_shared>>
      %dma_wait3A_58 = arith.constant 0 : i32
      %dma_wait3A_59 = tpu.memref_slice %arg8[%add3A_18, %dma_wait3A_58] : memref<10240x128xf32, #tpu.memory_space<vmem_shared>> -> memref<128x128xf32, #tpu.memory_space<vmem_shared>>
      tpu.wait_dma2 semaphore(%run_scoped3A : memref<!tpu.dma_semaphore, #tpu.memory_space<semaphore_mem>>) src(%arg7 : memref<128x128xf32, #tpu.memory_space<vmem>>) dst(%dma_wait3A_59 : memref<128x128xf32, #tpu.memory_space<vmem_shared>>)
      tpu.yield
    }) : () -> ()
    %mul3A_19 = arith.constant 640 : i32
    %mul3A_20 = arith.muli %arg1, %mul3A_19 : i32
    %add3A_21 = arith.constant 384 : i32
    %add3A_22 = arith.addi %mul3A_20, %add3A_21 : i32
    "tpu.region"() ({
      %run_scoped3A = tpu.sem_alloc : memref<!tpu.dma_semaphore, #tpu.memory_space<semaphore_mem>>
      %dma_start3A = arith.constant 0 : i32
      %dma_start3A_54 = tpu.memref_slice %arg8[%add3A_22, %dma_start3A] : memref<10240x128xf32, #tpu.memory_space<vmem_shared>> -> memref<128x128xf32, #tpu.memory_space<vmem_shared>>
      %dma_start3A_55 = arith.constant 0 : i32
      %dma_start3A_56 = tpu.memref_slice %arg8[%add3A_22, %dma_start3A_55] : memref<10240x128xf32, #tpu.memory_space<vmem_shared>> -> memref<128x128xf32, #tpu.memory_space<vmem_shared>>
      tpu.enqueue_dma source(%arg7 : memref<128x128xf32, #tpu.memory_space<vmem>>) target(%dma_start3A_56 : memref<128x128xf32, #tpu.memory_space<vmem_shared>>) target_semaphore(%run_scoped3A : memref<!tpu.dma_semaphore, #tpu.memory_space<semaphore_mem>>)
      %dma_wait3A = arith.constant 0 : i32
      %dma_wait3A_57 = tpu.memref_slice %arg8[%add3A_22, %dma_wait3A] : memref<10240x128xf32, #tpu.memory_space<vmem_shared>> -> memref<128x128xf32, #tpu.memory_space<vmem_shared>>
      %dma_wait3A_58 = arith.constant 0 : i32
      %dma_wait3A_59 = tpu.memref_slice %arg8[%add3A_22, %dma_wait3A_58] : memref<10240x128xf32, #tpu.memory_space<vmem_shared>> -> memref<128x128xf32, #tpu.memory_space<vmem_shared>>
      tpu.wait_dma2 semaphore(%run_scoped3A : memref<!tpu.dma_semaphore, #tpu.memory_space<semaphore_mem>>) src(%arg7 : memref<128x128xf32, #tpu.memory_space<vmem>>) dst(%dma_wait3A_59 : memref<128x128xf32, #tpu.memory_space<vmem_shared>>)
      tpu.yield
    }) : () -> ()
    %mul3A_23 = arith.constant 640 : i32
    %mul3A_24 = arith.muli %arg1, %mul3A_23 : i32
    %add3A_25 = arith.constant 512 : i32
    %add3A_26 = arith.addi %mul3A_24, %add3A_25 : i32
    "tpu.region"() ({
      %run_scoped3A = tpu.sem_alloc : memref<!tpu.dma_semaphore, #tpu.memory_space<semaphore_mem>>
      %dma_start3A = arith.constant 0 : i32
      %dma_start3A_54 = tpu.memref_slice %arg8[%add3A_26, %dma_start3A] : memref<10240x128xf32, #tpu.memory_space<vmem_shared>> -> memref<128x128xf32, #tpu.memory_space<vmem_shared>>
      %dma_start3A_55 = arith.constant 0 : i32
      %dma_start3A_56 = tpu.memref_slice %arg8[%add3A_26, %dma_start3A_55] : memref<10240x128xf32, #tpu.memory_space<vmem_shared>> -> memref<128x128xf32, #tpu.memory_space<vmem_shared>>
      tpu.enqueue_dma source(%arg7 : memref<128x128xf32, #tpu.memory_space<vmem>>) target(%dma_start3A_56 : memref<128x128xf32, #tpu.memory_space<vmem_shared>>) target_semaphore(%run_scoped3A : memref<!tpu.dma_semaphore, #tpu.memory_space<semaphore_mem>>)
      %dma_wait3A = arith.constant 0 : i32
      %dma_wait3A_57 = tpu.memref_slice %arg8[%add3A_26, %dma_wait3A] : memref<10240x128xf32, #tpu.memory_space<vmem_shared>> -> memref<128x128xf32, #tpu.memory_space<vmem_shared>>
      %dma_wait3A_58 = arith.constant 0 : i32
      %dma_wait3A_59 = tpu.memref_slice %arg8[%add3A_26, %dma_wait3A_58] : memref<10240x128xf32, #tpu.memory_space<vmem_shared>> -> memref<128x128xf32, #tpu.memory_space<vmem_shared>>
      tpu.wait_dma2 semaphore(%run_scoped3A : memref<!tpu.dma_semaphore, #tpu.memory_space<semaphore_mem>>) src(%arg7 : memref<128x128xf32, #tpu.memory_space<vmem>>) dst(%dma_wait3A_59 : memref<128x128xf32, #tpu.memory_space<vmem_shared>>)
      tpu.yield
    }) : () -> ()
    %barrier3A = arith.constant 0 : index
    tpu.barrier barrier_id(%barrier3A)
    "tpu.region"() ({
      %run_scoped3A = tpu.sem_alloc : memref<!tpu.dma_semaphore, #tpu.memory_space<semaphore_mem>>
      %dma_start3A = arith.constant 0 : i32
      %dma_start3A_54 = arith.constant 0 : i32
      %dma_start3A_55 = tpu.memref_slice %arg3[%add3A, %dma_start3A, %dma_start3A_54] : memref<32x79x128xi32, #tpu.memory_space<hbm>> -> memref<1x79x128xi32, #tpu.memory_space<hbm>>
      %dma_start3A_56 = tpu.memref_squeeze %dma_start3A_55 : memref<1x79x128xi32, #tpu.memory_space<hbm>> -> memref<79x128xi32, #tpu.memory_space<hbm>>
      %dma_start3A_57 = arith.constant 0 : i32
      %dma_start3A_58 = arith.constant 0 : i32
      %dma_start3A_59 = tpu.memref_slice %arg3[%add3A, %dma_start3A_57, %dma_start3A_58] : memref<32x79x128xi32, #tpu.memory_space<hbm>> -> memref<1x79x128xi32, #tpu.memory_space<hbm>>
      %dma_start3A_60 = tpu.memref_squeeze %dma_start3A_59 : memref<1x79x128xi32, #tpu.memory_space<hbm>> -> memref<79x128xi32, #tpu.memory_space<hbm>>
      tpu.enqueue_dma source(%dma_start3A_60 : memref<79x128xi32, #tpu.memory_space<hbm>>) target(%arg5 : memref<79x128xi32, #tpu.memory_space<vmem>>) target_semaphore(%run_scoped3A : memref<!tpu.dma_semaphore, #tpu.memory_space<semaphore_mem>>)
      %dma_wait3A = arith.constant 0 : i32
      %dma_wait3A_61 = arith.constant 0 : i32
      %dma_wait3A_62 = tpu.memref_slice %arg3[%add3A, %dma_wait3A, %dma_wait3A_61] : memref<32x79x128xi32, #tpu.memory_space<hbm>> -> memref<1x79x128xi32, #tpu.memory_space<hbm>>
      %dma_wait3A_63 = tpu.memref_squeeze %dma_wait3A_62 : memref<1x79x128xi32, #tpu.memory_space<hbm>> -> memref<79x128xi32, #tpu.memory_space<hbm>>
      %dma_wait3A_64 = arith.constant 0 : i32
      %dma_wait3A_65 = arith.constant 0 : i32
      %dma_wait3A_66 = tpu.memref_slice %arg3[%add3A, %dma_wait3A_64, %dma_wait3A_65] : memref<32x79x128xi32, #tpu.memory_space<hbm>> -> memref<1x79x128xi32, #tpu.memory_space<hbm>>
      %dma_wait3A_67 = tpu.memref_squeeze %dma_wait3A_66 : memref<1x79x128xi32, #tpu.memory_space<hbm>> -> memref<79x128xi32, #tpu.memory_space<hbm>>
      tpu.wait_dma2 semaphore(%run_scoped3A : memref<!tpu.dma_semaphore, #tpu.memory_space<semaphore_mem>>) src(%dma_wait3A_67 : memref<79x128xi32, #tpu.memory_space<hbm>>) dst(%arg5 : memref<79x128xi32, #tpu.memory_space<vmem>>)
      tpu.yield
    }) : () -> ()
    %scan3A_27 = arith.constant 0 : i32
    %scan3A_28 = arith.constant 0 : i32
    %scan3A_29 = arith.constant 79 : i32
    %scan3A_30 = arith.addi %scan3A_28, %scan3A_29 : i32
    %scan3A_31 = arith.constant 1 : i32
    scf.for %scan3A_54 = %scan3A_28 to %scan3A_30 step %scan3A_31  : i32 {
      %mul3A_55 = arith.constant 79 : i32
      %mul3A_56 = arith.muli %add3A, %mul3A_55 : i32
      %add3A_57 = arith.addi %mul3A_56, %scan3A_54 : i32
      %mul3A_58 = arith.constant 128 : i32
      %mul3A_59 = arith.muli %add3A_57, %mul3A_58 : i32
      "tpu.region"() ({
        %run_scoped3A = tpu.sem_alloc : memref<!tpu.dma_semaphore, #tpu.memory_space<semaphore_mem>>
        %dma_start3A = arith.constant 0 : i32
        %dma_start3A_60 = tpu.memref_slice %arg2[%mul3A_59, %dma_start3A] : memref<323584x128xf32, #tpu.memory_space<hbm>> -> memref<128x128xf32, #tpu.memory_space<hbm>>
        %dma_start3A_61 = arith.constant 0 : i32
        %dma_start3A_62 = tpu.memref_slice %arg2[%mul3A_59, %dma_start3A_61] : memref<323584x128xf32, #tpu.memory_space<hbm>> -> memref<128x128xf32, #tpu.memory_space<hbm>>
        tpu.enqueue_dma source(%dma_start3A_62 : memref<128x128xf32, #tpu.memory_space<hbm>>) target(%arg6 : memref<128x128xf32, #tpu.memory_space<vmem>>) target_semaphore(%run_scoped3A : memref<!tpu.dma_semaphore, #tpu.memory_space<semaphore_mem>>)
        %dma_wait3A = arith.constant 0 : i32
        %dma_wait3A_63 = tpu.memref_slice %arg2[%mul3A_59, %dma_wait3A] : memref<323584x128xf32, #tpu.memory_space<hbm>> -> memref<128x128xf32, #tpu.memory_space<hbm>>
        %dma_wait3A_64 = arith.constant 0 : i32
        %dma_wait3A_65 = tpu.memref_slice %arg2[%mul3A_59, %dma_wait3A_64] : memref<323584x128xf32, #tpu.memory_space<hbm>> -> memref<128x128xf32, #tpu.memory_space<hbm>>
        tpu.wait_dma2 semaphore(%run_scoped3A : memref<!tpu.dma_semaphore, #tpu.memory_space<semaphore_mem>>) src(%dma_wait3A_65 : memref<128x128xf32, #tpu.memory_space<hbm>>) dst(%arg6 : memref<128x128xf32, #tpu.memory_space<vmem>>)
        tpu.yield
      }) : () -> ()
      "tpu.region"() ({
        %run_scoped3A = tpu.sem_alloc : memref<!tpu.dma_semaphore, #tpu.memory_space<semaphore_mem>>
        %dma_start3A = arith.constant 0 : i32
        %dma_start3A_60 = tpu.memref_slice %arg5[%scan3A_54, %dma_start3A] : memref<79x128xi32, #tpu.memory_space<vmem>> -> memref<1x128xi32, #tpu.memory_space<vmem>>
        %dma_start3A_61 = tpu.memref_squeeze %dma_start3A_60 : memref<1x128xi32, #tpu.memory_space<vmem>> -> memref<128xi32, #tpu.memory_space<vmem>>
        %dma_start3A_62 = arith.constant 0 : i32
        %dma_start3A_63 = arith.constant 0 : i32
        %dma_start3A_64 = tpu.memref_slice %arg8[%dma_start3A_62, %dma_start3A_63] : memref<10240x128xf32, #tpu.memory_space<vmem_shared>> -> memref<10240x128xf32, #tpu.memory_space<vmem_shared>>
        tpu.enqueue_indirect_dma source(%arg6 : memref<128x128xf32, #tpu.memory_space<vmem>>) target(%dma_start3A_64 : memref<10240x128xf32, #tpu.memory_space<vmem_shared>>) offsets(%dma_start3A_61 : memref<128xi32, #tpu.memory_space<vmem>>) semaphore(%run_scoped3A : memref<!tpu.dma_semaphore, #tpu.memory_space<semaphore_mem>>) {add = true}
        %dma_wait3A = arith.constant 0 : i32
        %dma_wait3A_65 = tpu.memref_slice %arg5[%scan3A_54, %dma_wait3A] : memref<79x128xi32, #tpu.memory_space<vmem>> -> memref<1x128xi32, #tpu.memory_space<vmem>>
        %dma_wait3A_66 = tpu.memref_squeeze %dma_wait3A_65 : memref<1x128xi32, #tpu.memory_space<vmem>> -> memref<128xi32, #tpu.memory_space<vmem>>
        %dma_wait3A_67 = arith.constant 0 : i32
        %dma_wait3A_68 = arith.constant 0 : i32
        %dma_wait3A_69 = tpu.memref_slice %arg8[%dma_wait3A_67, %dma_wait3A_68] : memref<10240x128xf32, #tpu.memory_space<vmem_shared>> -> memref<10240x128xf32, #tpu.memory_space<vmem_shared>>
        tpu.wait_indirect_dma semaphore(%run_scoped3A : memref<!tpu.dma_semaphore, #tpu.memory_space<semaphore_mem>>) src(%arg6 : memref<128x128xf32, #tpu.memory_space<vmem>>) dst(%dma_wait3A_69 : memref<10240x128xf32, #tpu.memory_space<vmem_shared>>)
        tpu.yield
      }) : () -> ()
    }
    %scan3A_32 = arith.constant 79 : i32
    %barrier3A_33 = arith.constant 0 : index
    tpu.barrier barrier_id(%barrier3A_33)
    %mul3A_34 = arith.constant 640 : i32
    %mul3A_35 = arith.muli %arg1, %mul3A_34 : i32
    %add3A_36 = arith.constant 0 : i32
    %add3A_37 = arith.addi %mul3A_35, %add3A_36 : i32
    "tpu.region"() ({
      %run_scoped3A = tpu.sem_alloc : memref<!tpu.dma_semaphore, #tpu.memory_space<semaphore_mem>>
      %dma_start3A = arith.constant 0 : i32
      %dma_start3A_54 = arith.constant 0 : i32
      %dma_start3A_55 = tpu.memref_slice %arg4[%arg0, %dma_start3A, %dma_start3A_54] : memref<2x10240x128xf32, #tpu.memory_space<hbm>> -> memref<1x10240x128xf32, #tpu.memory_space<hbm>>
      %dma_start3A_56 = tpu.memref_squeeze %dma_start3A_55 : memref<1x10240x128xf32, #tpu.memory_space<hbm>> -> memref<10240x128xf32, #tpu.memory_space<hbm>>
      %dma_start3A_57 = arith.constant 0 : i32
      %dma_start3A_58 = tpu.memref_slice %dma_start3A_56[%add3A_37, %dma_start3A_57] : memref<10240x128xf32, #tpu.memory_space<hbm>> -> memref<128x128xf32, #tpu.memory_space<hbm>>
      %dma_start3A_59 = arith.constant 0 : i32
      %dma_start3A_60 = tpu.memref_slice %arg8[%add3A_37, %dma_start3A_59] : memref<10240x128xf32, #tpu.memory_space<vmem_shared>> -> memref<128x128xf32, #tpu.memory_space<vmem_shared>>
      tpu.enqueue_dma source(%dma_start3A_60 : memref<128x128xf32, #tpu.memory_space<vmem_shared>>) target(%dma_start3A_58 : memref<128x128xf32, #tpu.memory_space<hbm>>) target_semaphore(%run_scoped3A : memref<!tpu.dma_semaphore, #tpu.memory_space<semaphore_mem>>)
      %dma_wait3A = arith.constant 0 : i32
      %dma_wait3A_61 = arith.constant 0 : i32
      %dma_wait3A_62 = tpu.memref_slice %arg4[%arg0, %dma_wait3A, %dma_wait3A_61] : memref<2x10240x128xf32, #tpu.memory_space<hbm>> -> memref<1x10240x128xf32, #tpu.memory_space<hbm>>
      %dma_wait3A_63 = tpu.memref_squeeze %dma_wait3A_62 : memref<1x10240x128xf32, #tpu.memory_space<hbm>> -> memref<10240x128xf32, #tpu.memory_space<hbm>>
      %dma_wait3A_64 = arith.constant 0 : i32
      %dma_wait3A_65 = tpu.memref_slice %dma_wait3A_63[%add3A_37, %dma_wait3A_64] : memref<10240x128xf32, #tpu.memory_space<hbm>> -> memref<128x128xf32, #tpu.memory_space<hbm>>
      %dma_wait3A_66 = arith.constant 0 : i32
      %dma_wait3A_67 = tpu.memref_slice %arg8[%add3A_37, %dma_wait3A_66] : memref<10240x128xf32, #tpu.memory_space<vmem_shared>> -> memref<128x128xf32, #tpu.memory_space<vmem_shared>>
      tpu.wait_dma2 semaphore(%run_scoped3A : memref<!tpu.dma_semaphore, #tpu.memory_space<semaphore_mem>>) src(%dma_wait3A_67 : memref<128x128xf32, #tpu.memory_space<vmem_shared>>) dst(%dma_wait3A_65 : memref<128x128xf32, #tpu.memory_space<hbm>>)
      tpu.yield
    }) : () -> ()
    %mul3A_38 = arith.constant 640 : i32
    %mul3A_39 = arith.muli %arg1, %mul3A_38 : i32
    %add3A_40 = arith.constant 128 : i32
    %add3A_41 = arith.addi %mul3A_39, %add3A_40 : i32
    "tpu.region"() ({
      %run_scoped3A = tpu.sem_alloc : memref<!tpu.dma_semaphore, #tpu.memory_space<semaphore_mem>>
      %dma_start3A = arith.constant 0 : i32
      %dma_start3A_54 = arith.constant 0 : i32
      %dma_start3A_55 = tpu.memref_slice %arg4[%arg0, %dma_start3A, %dma_start3A_54] : memref<2x10240x128xf32, #tpu.memory_space<hbm>> -> memref<1x10240x128xf32, #tpu.memory_space<hbm>>
      %dma_start3A_56 = tpu.memref_squeeze %dma_start3A_55 : memref<1x10240x128xf32, #tpu.memory_space<hbm>> -> memref<10240x128xf32, #tpu.memory_space<hbm>>
      %dma_start3A_57 = arith.constant 0 : i32
      %dma_start3A_58 = tpu.memref_slice %dma_start3A_56[%add3A_41, %dma_start3A_57] : memref<10240x128xf32, #tpu.memory_space<hbm>> -> memref<128x128xf32, #tpu.memory_space<hbm>>
      %dma_start3A_59 = arith.constant 0 : i32
      %dma_start3A_60 = tpu.memref_slice %arg8[%add3A_41, %dma_start3A_59] : memref<10240x128xf32, #tpu.memory_space<vmem_shared>> -> memref<128x128xf32, #tpu.memory_space<vmem_shared>>
      tpu.enqueue_dma source(%dma_start3A_60 : memref<128x128xf32, #tpu.memory_space<vmem_shared>>) target(%dma_start3A_58 : memref<128x128xf32, #tpu.memory_space<hbm>>) target_semaphore(%run_scoped3A : memref<!tpu.dma_semaphore, #tpu.memory_space<semaphore_mem>>)
      %dma_wait3A = arith.constant 0 : i32
      %dma_wait3A_61 = arith.constant 0 : i32
      %dma_wait3A_62 = tpu.memref_slice %arg4[%arg0, %dma_wait3A, %dma_wait3A_61] : memref<2x10240x128xf32, #tpu.memory_space<hbm>> -> memref<1x10240x128xf32, #tpu.memory_space<hbm>>
      %dma_wait3A_63 = tpu.memref_squeeze %dma_wait3A_62 : memref<1x10240x128xf32, #tpu.memory_space<hbm>> -> memref<10240x128xf32, #tpu.memory_space<hbm>>
      %dma_wait3A_64 = arith.constant 0 : i32
      %dma_wait3A_65 = tpu.memref_slice %dma_wait3A_63[%add3A_41, %dma_wait3A_64] : memref<10240x128xf32, #tpu.memory_space<hbm>> -> memref<128x128xf32, #tpu.memory_space<hbm>>
      %dma_wait3A_66 = arith.constant 0 : i32
      %dma_wait3A_67 = tpu.memref_slice %arg8[%add3A_41, %dma_wait3A_66] : memref<10240x128xf32, #tpu.memory_space<vmem_shared>> -> memref<128x128xf32, #tpu.memory_space<vmem_shared>>
      tpu.wait_dma2 semaphore(%run_scoped3A : memref<!tpu.dma_semaphore, #tpu.memory_space<semaphore_mem>>) src(%dma_wait3A_67 : memref<128x128xf32, #tpu.memory_space<vmem_shared>>) dst(%dma_wait3A_65 : memref<128x128xf32, #tpu.memory_space<hbm>>)
      tpu.yield
    }) : () -> ()
    %mul3A_42 = arith.constant 640 : i32
    %mul3A_43 = arith.muli %arg1, %mul3A_42 : i32
    %add3A_44 = arith.constant 256 : i32
    %add3A_45 = arith.addi %mul3A_43, %add3A_44 : i32
    "tpu.region"() ({
      %run_scoped3A = tpu.sem_alloc : memref<!tpu.dma_semaphore, #tpu.memory_space<semaphore_mem>>
      %dma_start3A = arith.constant 0 : i32
      %dma_start3A_54 = arith.constant 0 : i32
      %dma_start3A_55 = tpu.memref_slice %arg4[%arg0, %dma_start3A, %dma_start3A_54] : memref<2x10240x128xf32, #tpu.memory_space<hbm>> -> memref<1x10240x128xf32, #tpu.memory_space<hbm>>
      %dma_start3A_56 = tpu.memref_squeeze %dma_start3A_55 : memref<1x10240x128xf32, #tpu.memory_space<hbm>> -> memref<10240x128xf32, #tpu.memory_space<hbm>>
      %dma_start3A_57 = arith.constant 0 : i32
      %dma_start3A_58 = tpu.memref_slice %dma_start3A_56[%add3A_45, %dma_start3A_57] : memref<10240x128xf32, #tpu.memory_space<hbm>> -> memref<128x128xf32, #tpu.memory_space<hbm>>
      %dma_start3A_59 = arith.constant 0 : i32
      %dma_start3A_60 = tpu.memref_slice %arg8[%add3A_45, %dma_start3A_59] : memref<10240x128xf32, #tpu.memory_space<vmem_shared>> -> memref<128x128xf32, #tpu.memory_space<vmem_shared>>
      tpu.enqueue_dma source(%dma_start3A_60 : memref<128x128xf32, #tpu.memory_space<vmem_shared>>) target(%dma_start3A_58 : memref<128x128xf32, #tpu.memory_space<hbm>>) target_semaphore(%run_scoped3A : memref<!tpu.dma_semaphore, #tpu.memory_space<semaphore_mem>>)
      %dma_wait3A = arith.constant 0 : i32
      %dma_wait3A_61 = arith.constant 0 : i32
      %dma_wait3A_62 = tpu.memref_slice %arg4[%arg0, %dma_wait3A, %dma_wait3A_61] : memref<2x10240x128xf32, #tpu.memory_space<hbm>> -> memref<1x10240x128xf32, #tpu.memory_space<hbm>>
      %dma_wait3A_63 = tpu.memref_squeeze %dma_wait3A_62 : memref<1x10240x128xf32, #tpu.memory_space<hbm>> -> memref<10240x128xf32, #tpu.memory_space<hbm>>
      %dma_wait3A_64 = arith.constant 0 : i32
      %dma_wait3A_65 = tpu.memref_slice %dma_wait3A_63[%add3A_45, %dma_wait3A_64] : memref<10240x128xf32, #tpu.memory_space<hbm>> -> memref<128x128xf32, #tpu.memory_space<hbm>>
      %dma_wait3A_66 = arith.constant 0 : i32
      %dma_wait3A_67 = tpu.memref_slice %arg8[%add3A_45, %dma_wait3A_66] : memref<10240x128xf32, #tpu.memory_space<vmem_shared>> -> memref<128x128xf32, #tpu.memory_space<vmem_shared>>
      tpu.wait_dma2 semaphore(%run_scoped3A : memref<!tpu.dma_semaphore, #tpu.memory_space<semaphore_mem>>) src(%dma_wait3A_67 : memref<128x128xf32, #tpu.memory_space<vmem_shared>>) dst(%dma_wait3A_65 : memref<128x128xf32, #tpu.memory_space<hbm>>)
      tpu.yield
    }) : () -> ()
    %mul3A_46 = arith.constant 640 : i32
    %mul3A_47 = arith.muli %arg1, %mul3A_46 : i32
    %add3A_48 = arith.constant 384 : i32
    %add3A_49 = arith.addi %mul3A_47, %add3A_48 : i32
    "tpu.region"() ({
      %run_scoped3A = tpu.sem_alloc : memref<!tpu.dma_semaphore, #tpu.memory_space<semaphore_mem>>
      %dma_start3A = arith.constant 0 : i32
      %dma_start3A_54 = arith.constant 0 : i32
      %dma_start3A_55 = tpu.memref_slice %arg4[%arg0, %dma_start3A, %dma_start3A_54] : memref<2x10240x128xf32, #tpu.memory_space<hbm>> -> memref<1x10240x128xf32, #tpu.memory_space<hbm>>
      %dma_start3A_56 = tpu.memref_squeeze %dma_start3A_55 : memref<1x10240x128xf32, #tpu.memory_space<hbm>> -> memref<10240x128xf32, #tpu.memory_space<hbm>>
      %dma_start3A_57 = arith.constant 0 : i32
      %dma_start3A_58 = tpu.memref_slice %dma_start3A_56[%add3A_49, %dma_start3A_57] : memref<10240x128xf32, #tpu.memory_space<hbm>> -> memref<128x128xf32, #tpu.memory_space<hbm>>
      %dma_start3A_59 = arith.constant 0 : i32
      %dma_start3A_60 = tpu.memref_slice %arg8[%add3A_49, %dma_start3A_59] : memref<10240x128xf32, #tpu.memory_space<vmem_shared>> -> memref<128x128xf32, #tpu.memory_space<vmem_shared>>
      tpu.enqueue_dma source(%dma_start3A_60 : memref<128x128xf32, #tpu.memory_space<vmem_shared>>) target(%dma_start3A_58 : memref<128x128xf32, #tpu.memory_space<hbm>>) target_semaphore(%run_scoped3A : memref<!tpu.dma_semaphore, #tpu.memory_space<semaphore_mem>>)
      %dma_wait3A = arith.constant 0 : i32
      %dma_wait3A_61 = arith.constant 0 : i32
      %dma_wait3A_62 = tpu.memref_slice %arg4[%arg0, %dma_wait3A, %dma_wait3A_61] : memref<2x10240x128xf32, #tpu.memory_space<hbm>> -> memref<1x10240x128xf32, #tpu.memory_space<hbm>>
      %dma_wait3A_63 = tpu.memref_squeeze %dma_wait3A_62 : memref<1x10240x128xf32, #tpu.memory_space<hbm>> -> memref<10240x128xf32, #tpu.memory_space<hbm>>
      %dma_wait3A_64 = arith.constant 0 : i32
      %dma_wait3A_65 = tpu.memref_slice %dma_wait3A_63[%add3A_49, %dma_wait3A_64] : memref<10240x128xf32, #tpu.memory_space<hbm>> -> memref<128x128xf32, #tpu.memory_space<hbm>>
      %dma_wait3A_66 = arith.constant 0 : i32
      %dma_wait3A_67 = tpu.memref_slice %arg8[%add3A_49, %dma_wait3A_66] : memref<10240x128xf32, #tpu.memory_space<vmem_shared>> -> memref<128x128xf32, #tpu.memory_space<vmem_shared>>
      tpu.wait_dma2 semaphore(%run_scoped3A : memref<!tpu.dma_semaphore, #tpu.memory_space<semaphore_mem>>) src(%dma_wait3A_67 : memref<128x128xf32, #tpu.memory_space<vmem_shared>>) dst(%dma_wait3A_65 : memref<128x128xf32, #tpu.memory_space<hbm>>)
      tpu.yield
    }) : () -> ()
    %mul3A_50 = arith.constant 640 : i32
    %mul3A_51 = arith.muli %arg1, %mul3A_50 : i32
    %add3A_52 = arith.constant 512 : i32
    %add3A_53 = arith.addi %mul3A_51, %add3A_52 : i32
    "tpu.region"() ({
      %run_scoped3A = tpu.sem_alloc : memref<!tpu.dma_semaphore, #tpu.memory_space<semaphore_mem>>
      %dma_start3A = arith.constant 0 : i32
      %dma_start3A_54 = arith.constant 0 : i32
      %dma_start3A_55 = tpu.memref_slice %arg4[%arg0, %dma_start3A, %dma_start3A_54] : memref<2x10240x128xf32, #tpu.memory_space<hbm>> -> memref<1x10240x128xf32, #tpu.memory_space<hbm>>
      %dma_start3A_56 = tpu.memref_squeeze %dma_start3A_55 : memref<1x10240x128xf32, #tpu.memory_space<hbm>> -> memref<10240x128xf32, #tpu.memory_space<hbm>>
      %dma_start3A_57 = arith.constant 0 : i32
      %dma_start3A_58 = tpu.memref_slice %dma_start3A_56[%add3A_53, %dma_start3A_57] : memref<10240x128xf32, #tpu.memory_space<hbm>> -> memref<128x128xf32, #tpu.memory_space<hbm>>
      %dma_start3A_59 = arith.constant 0 : i32
      %dma_start3A_60 = tpu.memref_slice %arg8[%add3A_53, %dma_start3A_59] : memref<10240x128xf32, #tpu.memory_space<vmem_shared>> -> memref<128x128xf32, #tpu.memory_space<vmem_shared>>
      tpu.enqueue_dma source(%dma_start3A_60 : memref<128x128xf32, #tpu.memory_space<vmem_shared>>) target(%dma_start3A_58 : memref<128x128xf32, #tpu.memory_space<hbm>>) target_semaphore(%run_scoped3A : memref<!tpu.dma_semaphore, #tpu.memory_space<semaphore_mem>>)
      %dma_wait3A = arith.constant 0 : i32
      %dma_wait3A_61 = arith.constant 0 : i32
      %dma_wait3A_62 = tpu.memref_slice %arg4[%arg0, %dma_wait3A, %dma_wait3A_61] : memref<2x10240x128xf32, #tpu.memory_space<hbm>> -> memref<1x10240x128xf32, #tpu.memory_space<hbm>>
      %dma_wait3A_63 = tpu.memref_squeeze %dma_wait3A_62 : memref<1x10240x128xf32, #tpu.memory_space<hbm>> -> memref<10240x128xf32, #tpu.memory_space<hbm>>
      %dma_wait3A_64 = arith.constant 0 : i32
      %dma_wait3A_65 = tpu.memref_slice %dma_wait3A_63[%add3A_53, %dma_wait3A_64] : memref<10240x128xf32, #tpu.memory_space<hbm>> -> memref<128x128xf32, #tpu.memory_space<hbm>>
      %dma_wait3A_66 = arith.constant 0 : i32
      %dma_wait3A_67 = tpu.memref_slice %arg8[%add3A_53, %dma_wait3A_66] : memref<10240x128xf32, #tpu.memory_space<vmem_shared>> -> memref<128x128xf32, #tpu.memory_space<vmem_shared>>
      tpu.wait_dma2 semaphore(%run_scoped3A : memref<!tpu.dma_semaphore, #tpu.memory_space<semaphore_mem>>) src(%dma_wait3A_67 : memref<128x128xf32, #tpu.memory_space<vmem_shared>>) dst(%dma_wait3A_65 : memref<128x128xf32, #tpu.memory_space<hbm>>)
      tpu.yield
    }) : () -> ()
    return
  }
}

module attributes {stable_mosaic.version = 14 : i64} {
  func.func @body(%arg0: i32, %arg1: memref<400x128xf32, #tpu.memory_space<vmem>>, %arg2: memref<128x128xf32, #tpu.memory_space<vmem>>, %arg3: memref<128x128xf32, #tpu.memory_space<vmem>>, %arg4: memref<400x128xf32, #tpu.memory_space<vmem>>, %arg5: memref<400x128xf32, #tpu.memory_space<vmem>>) attributes {dimension_semantics = [#tpu.dimension_semantics<arbitrary>], iteration_bounds = array<i64: 25>, scalar_prefetch = 0 : i64, scratch_operands = 0 : i64, tpu.core_type = #tpu.core_type<tc>, window_params = [{transform_indices = @transform_0, window_bounds = array<i64: 400, 128>}, {pipeline_mode = #tpu.pipeline_mode<synchronous>, transform_indices = @transform_1, window_bounds = array<i64: 128, 128>}, {pipeline_mode = #tpu.pipeline_mode<synchronous>, transform_indices = @transform_2, window_bounds = array<i64: 128, 128>}, {transform_indices = @transform_3, window_bounds = array<i64: 400, 128>}, {transform_indices = @transform_4, window_bounds = array<i64: 400, 128>}]} {
    %get3A = arith.constant 0 : index
    %get3A_0 = arith.constant 0 : index
    %get3A_1 = vector.load %arg1[%get3A, %get3A_0] : memref<400x128xf32, #tpu.memory_space<vmem>>, vector<400x128xf32>
    %get3A_2 = arith.constant 0 : index
    %get3A_3 = arith.constant 0 : index
    %get3A_4 = vector.load %arg2[%get3A_2, %get3A_3] : memref<128x128xf32, #tpu.memory_space<vmem>>, vector<128x128xf32>
    %dot_general3A = arith.constant dense<0.000000e+00> : vector<400x128xf32>
    %dot_general3A_5 = tpu.matmul %get3A_1, %get3A_4, %dot_general3A {dimension_numbers = #tpu.dot_dimension_numbers<[1], [0], [0], [1], [0, 0, 1, 1], [], []>, precision = #tpu.contract_precision<fp32>, transpose_lhs_hint = false} : vector<400x128xf32>, vector<128x128xf32>, vector<400x128xf32> -> vector<400x128xf32>
    %swap3A = arith.constant 0 : index
    %swap3A_6 = arith.constant 0 : index
    %swap3A_7 = vector.load %arg4[%swap3A, %swap3A_6] : memref<400x128xf32, #tpu.memory_space<vmem>>, vector<400x128xf32>
    tpu.vector_store %arg4[%swap3A, %swap3A_6], %dot_general3A_5 {strides = array<i32>} : memref<400x128xf32, #tpu.memory_space<vmem>>, vector<400x128xf32>,
    %get3A_8 = arith.constant 0 : index
    %get3A_9 = arith.constant 0 : index
    %get3A_10 = vector.load %arg3[%get3A_8, %get3A_9] : memref<128x128xf32, #tpu.memory_space<vmem>>, vector<128x128xf32>
    %dot_general3A_11 = arith.constant dense<0.000000e+00> : vector<400x128xf32>
    %dot_general3A_12 = tpu.matmul %get3A_1, %get3A_10, %dot_general3A_11 {dimension_numbers = #tpu.dot_dimension_numbers<[1], [0], [0], [1], [0, 0, 1, 1], [], []>, precision = #tpu.contract_precision<fp32>, transpose_lhs_hint = false} : vector<400x128xf32>, vector<128x128xf32>, vector<400x128xf32> -> vector<400x128xf32>
    %swap3A_13 = arith.constant 0 : index
    %swap3A_14 = arith.constant 0 : index
    %swap3A_15 = vector.load %arg5[%swap3A_13, %swap3A_14] : memref<400x128xf32, #tpu.memory_space<vmem>>, vector<400x128xf32>
    tpu.vector_store %arg5[%swap3A_13, %swap3A_14], %dot_general3A_12 {strides = array<i32>} : memref<400x128xf32, #tpu.memory_space<vmem>>, vector<400x128xf32>,
    return
  }
  func.func @transform_0(%arg0: i32) -> (i32, i32) {
    %c0_i32 = arith.constant 0 : i32
    %c0_i32_0 = arith.constant 0 : i32
    return %arg0, %c0_i32 : i32, i32
  }
  func.func @transform_1(%arg0: i32) -> (i32, i32) {
    %c0_i32 = arith.constant 0 : i32
    %c0_i32_0 = arith.constant 0 : i32
    %c0_i32_1 = arith.constant 0 : i32
    return %c0_i32, %c0_i32_0 : i32, i32
  }
  func.func @transform_2(%arg0: i32) -> (i32, i32) {
    %c0_i32 = arith.constant 0 : i32
    %c0_i32_0 = arith.constant 0 : i32
    %c0_i32_1 = arith.constant 0 : i32
    return %c0_i32, %c0_i32_0 : i32, i32
  }
  func.func @transform_3(%arg0: i32) -> (i32, i32) {
    %c0_i32 = arith.constant 0 : i32
    %c0_i32_0 = arith.constant 0 : i32
    return %arg0, %c0_i32 : i32, i32
  }
  func.func @transform_4(%arg0: i32) -> (i32, i32) {
    %c0_i32 = arith.constant 0 : i32
    %c0_i32_0 = arith.constant 0 : i32
    return %arg0, %c0_i32 : i32, i32
  }
}

module attributes {stable_mosaic.version = 14 : i64} {
  func.func @body(%arg0: i32, %arg1: memref<512x128xf32, #tpu.memory_space<vmem>>, %arg2: memref<512x128xf32, #tpu.memory_space<vmem>>, %arg3: memref<512x1xf32, #tpu.memory_space<vmem>>) attributes {dimension_semantics = [#tpu.dimension_semantics<arbitrary>], iteration_bounds = array<i64: 632>, scalar_prefetch = 0 : i64, scratch_operands = 0 : i64, tpu.core_type = #tpu.core_type<tc>, window_params = [{transform_indices = @transform_0, window_bounds = array<i64: 512, 128>}, {transform_indices = @transform_1, window_bounds = array<i64: 512, 128>}, {transform_indices = @transform_2, window_bounds = array<i64: 512, 1>}]} {
    %get3A = arith.constant 0 : index
    %get3A_0 = arith.constant 0 : index
    %get3A_1 = vector.load %arg1[%get3A, %get3A_0] : memref<512x128xf32, #tpu.memory_space<vmem>>, vector<512x128xf32>
    %get3A_2 = arith.constant 0 : index
    %get3A_3 = arith.constant 0 : index
    %get3A_4 = vector.load %arg2[%get3A_2, %get3A_3] : memref<512x128xf32, #tpu.memory_space<vmem>>, vector<512x128xf32>
    %sub3A = arith.subf %get3A_1, %get3A_4 : vector<512x128xf32>
    %mul3A = arith.mulf %sub3A, %sub3A : vector<512x128xf32>
    %reduce_sum3A = arith.constant dense<0.000000e+00> : vector<512xf32>
    %reduce_sum3A_5 = vector.multi_reduction <add>, %mul3A, %reduce_sum3A [1] : vector<512x128xf32> to vector<512xf32>
    %broadcast_in_dim3A = vector.shape_cast %reduce_sum3A_5 : vector<512xf32> to vector<512x1xf32>
    %sqrt3A = math.sqrt %broadcast_in_dim3A : vector<512x1xf32>
    %swap3A = arith.constant 0 : index
    %swap3A_6 = arith.constant 0 : index
    %swap3A_7 = vector.load %arg3[%swap3A, %swap3A_6] : memref<512x1xf32, #tpu.memory_space<vmem>>, vector<512x1xf32>
    tpu.vector_store %arg3[%swap3A, %swap3A_6], %sqrt3A {strides = array<i32>} : memref<512x1xf32, #tpu.memory_space<vmem>>, vector<512x1xf32>,
    return
  }
  func.func @transform_0(%arg0: i32) -> (i32, i32) {
    %c0_i32 = arith.constant 0 : i32
    %c0_i32_0 = arith.constant 0 : i32
    return %arg0, %c0_i32 : i32, i32
  }
  func.func @transform_1(%arg0: i32) -> (i32, i32) {
    %c0_i32 = arith.constant 0 : i32
    %c0_i32_0 = arith.constant 0 : i32
    return %arg0, %c0_i32 : i32, i32
  }
  func.func @transform_2(%arg0: i32) -> (i32, i32) {
    %c0_i32 = arith.constant 0 : i32
    %c0_i32_0 = arith.constant 0 : i32
    return %arg0, %c0_i32 : i32, i32
  }
}

module attributes {stable_mosaic.version = 14 : i64} {
  func.func @body(%arg0: i32, %arg1: memref<512x128xf32, #tpu.memory_space<vmem>>, %arg2: memref<512x128xf32, #tpu.memory_space<vmem>>, %arg3: memref<512x1xf32, #tpu.memory_space<vmem>>, %arg4: memref<1x128xf32, #tpu.memory_space<vmem>>, %arg5: memref<1x128xf32, #tpu.memory_space<vmem>>, %arg6: memref<1x128xf32, #tpu.memory_space<vmem>>, %arg7: memref<1x128xf32, #tpu.memory_space<vmem>>, %arg8: memref<512x128xf32, #tpu.memory_space<vmem>>) attributes {dimension_semantics = [#tpu.dimension_semantics<arbitrary>], iteration_bounds = array<i64: 632>, scalar_prefetch = 0 : i64, scratch_operands = 0 : i64, tpu.core_type = #tpu.core_type<tc>, window_params = [{transform_indices = @transform_0, window_bounds = array<i64: 512, 128>}, {transform_indices = @transform_1, window_bounds = array<i64: 512, 128>}, {transform_indices = @transform_2, window_bounds = array<i64: 512, 1>}, {pipeline_mode = #tpu.pipeline_mode<synchronous>, transform_indices = @transform_3, window_bounds = array<i64: 1, 128>}, {pipeline_mode = #tpu.pipeline_mode<synchronous>, transform_indices = @transform_4, window_bounds = array<i64: 1, 128>}, {pipeline_mode = #tpu.pipeline_mode<synchronous>, transform_indices = @transform_5, window_bounds = array<i64: 1, 128>}, {pipeline_mode = #tpu.pipeline_mode<synchronous>, transform_indices = @transform_6, window_bounds = array<i64: 1, 128>}, {transform_indices = @transform_7, window_bounds = array<i64: 512, 128>}]} {
    %get3A = arith.constant 0 : index
    %get3A_0 = arith.constant 0 : index
    %get3A_1 = vector.load %arg1[%get3A, %get3A_0] : memref<512x128xf32, #tpu.memory_space<vmem>>, vector<512x128xf32>
    %get3A_2 = arith.constant 0 : index
    %get3A_3 = arith.constant 0 : index
    %get3A_4 = vector.load %arg2[%get3A_2, %get3A_3] : memref<512x128xf32, #tpu.memory_space<vmem>>, vector<512x128xf32>
    %add3A = arith.addf %get3A_1, %get3A_4 : vector<512x128xf32>
    %get3A_5 = arith.constant 0 : index
    %get3A_6 = arith.constant 0 : index
    %get3A_7 = vector.load %arg3[%get3A_5, %get3A_6] : memref<512x1xf32, #tpu.memory_space<vmem>>, vector<512x1xf32>
    %get3A_8 = arith.constant 0 : index
    %get3A_9 = arith.constant 0 : index
    %get3A_10 = vector.load %arg4[%get3A_8, %get3A_9] : memref<1x128xf32, #tpu.memory_space<vmem>>, vector<1x128xf32>
    %mul3A = vector.broadcast %get3A_7 : vector<512x1xf32> to vector<512x128xf32>
    %mul3A_11 = vector.broadcast %get3A_10 : vector<1x128xf32> to vector<512x128xf32>
    %mul3A_12 = arith.mulf %mul3A, %mul3A_11 : vector<512x128xf32>
    %add3A_13 = arith.addf %add3A, %mul3A_12 : vector<512x128xf32>
    %get3A_14 = arith.constant 0 : index
    %get3A_15 = arith.constant 0 : index
    %get3A_16 = vector.load %arg5[%get3A_14, %get3A_15] : memref<1x128xf32, #tpu.memory_space<vmem>>, vector<1x128xf32>
    %add3A_17 = vector.broadcast %get3A_16 : vector<1x128xf32> to vector<512x128xf32>
    %add3A_18 = arith.addf %add3A_13, %add3A_17 : vector<512x128xf32>
    %mul3A_19 = arith.constant 5.000000e-01 : f32
    %mul3A_20 = vector.broadcast %mul3A_19 : f32 to vector<512x128xf32>
    %mul3A_21 = arith.mulf %mul3A_20, %add3A_18 : vector<512x128xf32>
    %mul3A_22 = arith.constant 0.707106769 : f32
    %mul3A_23 = vector.broadcast %mul3A_22 : f32 to vector<512x128xf32>
    %mul3A_24 = arith.mulf %add3A_18, %mul3A_23 : vector<512x128xf32>
    %erf3A = math.erf %mul3A_24 : vector<512x128xf32>
    %add3A_25 = arith.constant 1.000000e+00 : f32
    %add3A_26 = vector.broadcast %add3A_25 : f32 to vector<512x128xf32>
    %add3A_27 = arith.addf %add3A_26, %erf3A : vector<512x128xf32>
    %mul3A_28 = arith.mulf %mul3A_21, %add3A_27 : vector<512x128xf32>
    %get3A_29 = arith.constant 0 : index
    %get3A_30 = arith.constant 0 : index
    %get3A_31 = vector.load %arg6[%get3A_29, %get3A_30] : memref<1x128xf32, #tpu.memory_space<vmem>>, vector<1x128xf32>
    %get3A_32 = arith.constant 0 : index
    %get3A_33 = arith.constant 0 : index
    %get3A_34 = vector.load %arg7[%get3A_32, %get3A_33] : memref<1x128xf32, #tpu.memory_space<vmem>>, vector<1x128xf32>
    %reduce_sum3A = arith.constant dense<0.000000e+00> : vector<512xf32>
    %reduce_sum3A_35 = vector.multi_reduction <add>, %mul3A_28, %reduce_sum3A [1] : vector<512x128xf32> to vector<512xf32>
    %broadcast_in_dim3A = vector.shape_cast %reduce_sum3A_35 : vector<512xf32> to vector<512x1xf32>
    %div3A = arith.constant 1.280000e+02 : f32
    %div3A_36 = vector.broadcast %div3A : f32 to vector<512x1xf32>
    %div3A_37 = arith.divf %broadcast_in_dim3A, %div3A_36 : vector<512x1xf32>
    %sub3A = vector.broadcast %div3A_37 : vector<512x1xf32> to vector<512x128xf32>
    %sub3A_38 = arith.subf %mul3A_28, %sub3A : vector<512x128xf32>
    %mul3A_39 = arith.mulf %sub3A_38, %sub3A_38 : vector<512x128xf32>
    %reduce_sum3A_40 = arith.constant dense<0.000000e+00> : vector<512xf32>
    %reduce_sum3A_41 = vector.multi_reduction <add>, %mul3A_39, %reduce_sum3A_40 [1] : vector<512x128xf32> to vector<512xf32>
    %broadcast_in_dim3A_42 = vector.shape_cast %reduce_sum3A_41 : vector<512xf32> to vector<512x1xf32>
    %div3A_43 = arith.constant 1.280000e+02 : f32
    %div3A_44 = vector.broadcast %div3A_43 : f32 to vector<512x1xf32>
    %div3A_45 = arith.divf %broadcast_in_dim3A_42, %div3A_44 : vector<512x1xf32>
    %add3A_46 = arith.constant 9.99999974E-6 : f32
    %add3A_47 = vector.broadcast %add3A_46 : f32 to vector<512x1xf32>
    %add3A_48 = arith.addf %div3A_45, %add3A_47 : vector<512x1xf32>
    %rsqrt3A = math.rsqrt %add3A_48 : vector<512x1xf32>
    %mul3A_49 = vector.broadcast %rsqrt3A : vector<512x1xf32> to vector<512x128xf32>
    %mul3A_50 = arith.mulf %sub3A_38, %mul3A_49 : vector<512x128xf32>
    %mul3A_51 = vector.broadcast %get3A_31 : vector<1x128xf32> to vector<512x128xf32>
    %mul3A_52 = arith.mulf %mul3A_50, %mul3A_51 : vector<512x128xf32>
    %add3A_53 = vector.broadcast %get3A_34 : vector<1x128xf32> to vector<512x128xf32>
    %add3A_54 = arith.addf %mul3A_52, %add3A_53 : vector<512x128xf32>
    %swap3A = arith.constant 0 : index
    %swap3A_55 = arith.constant 0 : index
    %swap3A_56 = vector.load %arg8[%swap3A, %swap3A_55] : memref<512x128xf32, #tpu.memory_space<vmem>>, vector<512x128xf32>
    tpu.vector_store %arg8[%swap3A, %swap3A_55], %add3A_54 {strides = array<i32>} : memref<512x128xf32, #tpu.memory_space<vmem>>, vector<512x128xf32>,
    return
  }
  func.func @transform_0(%arg0: i32) -> (i32, i32) {
    %c0_i32 = arith.constant 0 : i32
    %c0_i32_0 = arith.constant 0 : i32
    return %arg0, %c0_i32 : i32, i32
  }
  func.func @transform_1(%arg0: i32) -> (i32, i32) {
    %c0_i32 = arith.constant 0 : i32
    %c0_i32_0 = arith.constant 0 : i32
    return %arg0, %c0_i32 : i32, i32
  }
  func.func @transform_2(%arg0: i32) -> (i32, i32) {
    %c0_i32 = arith.constant 0 : i32
    %c0_i32_0 = arith.constant 0 : i32
    return %arg0, %c0_i32 : i32, i32
  }
  func.func @transform_3(%arg0: i32) -> (i32, i32) {
    %c0_i32 = arith.constant 0 : i32
    %c0_i32_0 = arith.constant 0 : i32
    %c0_i32_1 = arith.constant 0 : i32
    return %c0_i32, %c0_i32_0 : i32, i32
  }
  func.func @transform_4(%arg0: i32) -> (i32, i32) {
    %c0_i32 = arith.constant 0 : i32
    %c0_i32_0 = arith.constant 0 : i32
    %c0_i32_1 = arith.constant 0 : i32
    return %c0_i32, %c0_i32_0 : i32, i32
  }
  func.func @transform_5(%arg0: i32) -> (i32, i32) {
    %c0_i32 = arith.constant 0 : i32
    %c0_i32_0 = arith.constant 0 : i32
    %c0_i32_1 = arith.constant 0 : i32
    return %c0_i32, %c0_i32_0 : i32, i32
  }
  func.func @transform_6(%arg0: i32) -> (i32, i32) {
    %c0_i32 = arith.constant 0 : i32
    %c0_i32_0 = arith.constant 0 : i32
    %c0_i32_1 = arith.constant 0 : i32
    return %c0_i32, %c0_i32_0 : i32, i32
  }
  func.func @transform_7(%arg0: i32) -> (i32, i32) {
    %c0_i32 = arith.constant 0 : i32
    %c0_i32_0 = arith.constant 0 : i32
    return %arg0, %c0_i32 : i32, i32
  }
}

module attributes {stable_mosaic.version = 14 : i64} {
  func.func @body(%arg0: i32, %arg1: memref<400x128xf32, #tpu.memory_space<vmem>>, %arg2: memref<2x400x128xf32, #tpu.memory_space<vmem>>, %arg3: memref<2x400x128xf32, #tpu.memory_space<vmem>>, %arg4: memref<128x128xf32, #tpu.memory_space<vmem>>, %arg5: memref<128x128xf32, #tpu.memory_space<vmem>>, %arg6: memref<1x128xf32, #tpu.memory_space<vmem>>, %arg7: memref<1x128xf32, #tpu.memory_space<vmem>>, %arg8: memref<1x128xf32, #tpu.memory_space<vmem>>, %arg9: memref<400x128xf32, #tpu.memory_space<vmem>>) attributes {dimension_semantics = [#tpu.dimension_semantics<arbitrary>], iteration_bounds = array<i64: 25>, scalar_prefetch = 0 : i64, scratch_operands = 0 : i64, tpu.core_type = #tpu.core_type<tc>, window_params = [{transform_indices = @transform_0, window_bounds = array<i64: 400, 128>}, {transform_indices = @transform_1, window_bounds = array<i64: 2, 400, 128>}, {transform_indices = @transform_2, window_bounds = array<i64: 2, 400, 128>}, {pipeline_mode = #tpu.pipeline_mode<synchronous>, transform_indices = @transform_3, window_bounds = array<i64: 128, 128>}, {pipeline_mode = #tpu.pipeline_mode<synchronous>, transform_indices = @transform_4, window_bounds = array<i64: 128, 128>}, {pipeline_mode = #tpu.pipeline_mode<synchronous>, transform_indices = @transform_5, window_bounds = array<i64: 1, 128>}, {pipeline_mode = #tpu.pipeline_mode<synchronous>, transform_indices = @transform_6, window_bounds = array<i64: 1, 128>}, {pipeline_mode = #tpu.pipeline_mode<synchronous>, transform_indices = @transform_7, window_bounds = array<i64: 1, 128>}, {transform_indices = @transform_8, window_bounds = array<i64: 400, 128>}]} {
    %get3A = arith.constant 0 : index
    %get3A_0 = arith.constant 0 : index
    %get3A_1 = vector.load %arg1[%get3A, %get3A_0] : memref<400x128xf32, #tpu.memory_space<vmem>>, vector<400x128xf32>
    %get3A_2 = arith.constant 0 : index
    %get3A_3 = arith.constant 0 : index
    %get3A_4 = arith.constant 0 : index
    %get3A_5 = vector.load %arg2[%get3A_2, %get3A_3, %get3A_4] : memref<2x400x128xf32, #tpu.memory_space<vmem>>, vector<1x400x128xf32>
    %get3A_6 = vector.shape_cast %get3A_5 : vector<1x400x128xf32> to vector<400x128xf32>
    %get3A_7 = arith.constant 1 : index
    %get3A_8 = arith.constant 0 : index
    %get3A_9 = arith.constant 0 : index
    %get3A_10 = vector.load %arg2[%get3A_7, %get3A_8, %get3A_9] : memref<2x400x128xf32, #tpu.memory_space<vmem>>, vector<1x400x128xf32>
    %get3A_11 = vector.shape_cast %get3A_10 : vector<1x400x128xf32> to vector<400x128xf32>
    %add3A = arith.addf %get3A_6, %get3A_11 : vector<400x128xf32>
    %get3A_12 = arith.constant 0 : index
    %get3A_13 = arith.constant 0 : index
    %get3A_14 = arith.constant 0 : index
    %get3A_15 = vector.load %arg3[%get3A_12, %get3A_13, %get3A_14] : memref<2x400x128xf32, #tpu.memory_space<vmem>>, vector<1x400x128xf32>
    %get3A_16 = vector.shape_cast %get3A_15 : vector<1x400x128xf32> to vector<400x128xf32>
    %get3A_17 = arith.constant 1 : index
    %get3A_18 = arith.constant 0 : index
    %get3A_19 = arith.constant 0 : index
    %get3A_20 = vector.load %arg3[%get3A_17, %get3A_18, %get3A_19] : memref<2x400x128xf32, #tpu.memory_space<vmem>>, vector<1x400x128xf32>
    %get3A_21 = vector.shape_cast %get3A_20 : vector<1x400x128xf32> to vector<400x128xf32>
    %add3A_22 = arith.addf %get3A_16, %get3A_21 : vector<400x128xf32>
    %reduce_sum3A = arith.constant dense<0.000000e+00> : vector<400xf32>
    %reduce_sum3A_23 = vector.multi_reduction <add>, %add3A_22, %reduce_sum3A [1] : vector<400x128xf32> to vector<400xf32>
    %broadcast_in_dim3A = vector.shape_cast %reduce_sum3A_23 : vector<400xf32> to vector<400x1xf32>
    %mul3A = arith.constant 7.812500e-03 : f32
    %mul3A_24 = vector.broadcast %mul3A : f32 to vector<400x1xf32>
    %mul3A_25 = arith.mulf %broadcast_in_dim3A, %mul3A_24 : vector<400x1xf32>
    %max3A = arith.constant 1.000000e+00 : f32
    %max3A_26 = vector.broadcast %max3A : f32 to vector<400x1xf32>
    %max3A_27 = arith.maximumf %mul3A_25, %max3A_26 : vector<400x1xf32>
    %div3A = vector.broadcast %max3A_27 : vector<400x1xf32> to vector<400x128xf32>
    %div3A_28 = arith.divf %add3A, %div3A : vector<400x128xf32>
    %get3A_29 = arith.constant 0 : index
    %get3A_30 = arith.constant 0 : index
    %get3A_31 = vector.load %arg4[%get3A_29, %get3A_30] : memref<128x128xf32, #tpu.memory_space<vmem>>, vector<128x128xf32>
    %dot_general3A = arith.constant dense<0.000000e+00> : vector<400x128xf32>
    %dot_general3A_32 = tpu.matmul %get3A_1, %get3A_31, %dot_general3A {dimension_numbers = #tpu.dot_dimension_numbers<[1], [0], [0], [1], [0, 0, 1, 1], [], []>, precision = #tpu.contract_precision<fp32>, transpose_lhs_hint = false} : vector<400x128xf32>, vector<128x128xf32>, vector<400x128xf32> -> vector<400x128xf32>
    %get3A_33 = arith.constant 0 : index
    %get3A_34 = arith.constant 0 : index
    %get3A_35 = vector.load %arg5[%get3A_33, %get3A_34] : memref<128x128xf32, #tpu.memory_space<vmem>>, vector<128x128xf32>
    %dot_general3A_36 = arith.constant dense<0.000000e+00> : vector<400x128xf32>
    %dot_general3A_37 = tpu.matmul %div3A_28, %get3A_35, %dot_general3A_36 {dimension_numbers = #tpu.dot_dimension_numbers<[1], [0], [0], [1], [0, 0, 1, 1], [], []>, precision = #tpu.contract_precision<fp32>, transpose_lhs_hint = false} : vector<400x128xf32>, vector<128x128xf32>, vector<400x128xf32> -> vector<400x128xf32>
    %add3A_38 = arith.addf %dot_general3A_32, %dot_general3A_37 : vector<400x128xf32>
    %get3A_39 = arith.constant 0 : index
    %get3A_40 = arith.constant 0 : index
    %get3A_41 = vector.load %arg6[%get3A_39, %get3A_40] : memref<1x128xf32, #tpu.memory_space<vmem>>, vector<1x128xf32>
    %add3A_42 = vector.broadcast %get3A_41 : vector<1x128xf32> to vector<400x128xf32>
    %add3A_43 = arith.addf %add3A_38, %add3A_42 : vector<400x128xf32>
    %get3A_44 = arith.constant 0 : index
    %get3A_45 = arith.constant 0 : index
    %get3A_46 = vector.load %arg7[%get3A_44, %get3A_45] : memref<1x128xf32, #tpu.memory_space<vmem>>, vector<1x128xf32>
    %get3A_47 = arith.constant 0 : index
    %get3A_48 = arith.constant 0 : index
    %get3A_49 = vector.load %arg8[%get3A_47, %get3A_48] : memref<1x128xf32, #tpu.memory_space<vmem>>, vector<1x128xf32>
    %reduce_sum3A_50 = arith.constant dense<0.000000e+00> : vector<400xf32>
    %reduce_sum3A_51 = vector.multi_reduction <add>, %add3A_43, %reduce_sum3A_50 [1] : vector<400x128xf32> to vector<400xf32>
    %broadcast_in_dim3A_52 = vector.shape_cast %reduce_sum3A_51 : vector<400xf32> to vector<400x1xf32>
    %div3A_53 = arith.constant 1.280000e+02 : f32
    %div3A_54 = vector.broadcast %div3A_53 : f32 to vector<400x1xf32>
    %div3A_55 = arith.divf %broadcast_in_dim3A_52, %div3A_54 : vector<400x1xf32>
    %sub3A = vector.broadcast %div3A_55 : vector<400x1xf32> to vector<400x128xf32>
    %sub3A_56 = arith.subf %add3A_43, %sub3A : vector<400x128xf32>
    %mul3A_57 = arith.mulf %sub3A_56, %sub3A_56 : vector<400x128xf32>
    %reduce_sum3A_58 = arith.constant dense<0.000000e+00> : vector<400xf32>
    %reduce_sum3A_59 = vector.multi_reduction <add>, %mul3A_57, %reduce_sum3A_58 [1] : vector<400x128xf32> to vector<400xf32>
    %broadcast_in_dim3A_60 = vector.shape_cast %reduce_sum3A_59 : vector<400xf32> to vector<400x1xf32>
    %div3A_61 = arith.constant 1.280000e+02 : f32
    %div3A_62 = vector.broadcast %div3A_61 : f32 to vector<400x1xf32>
    %div3A_63 = arith.divf %broadcast_in_dim3A_60, %div3A_62 : vector<400x1xf32>
    %add3A_64 = arith.constant 9.99999974E-6 : f32
    %add3A_65 = vector.broadcast %add3A_64 : f32 to vector<400x1xf32>
    %add3A_66 = arith.addf %div3A_63, %add3A_65 : vector<400x1xf32>
    %rsqrt3A = math.rsqrt %add3A_66 : vector<400x1xf32>
    %mul3A_67 = vector.broadcast %rsqrt3A : vector<400x1xf32> to vector<400x128xf32>
    %mul3A_68 = arith.mulf %sub3A_56, %mul3A_67 : vector<400x128xf32>
    %mul3A_69 = vector.broadcast %get3A_46 : vector<1x128xf32> to vector<400x128xf32>
    %mul3A_70 = arith.mulf %mul3A_68, %mul3A_69 : vector<400x128xf32>
    %add3A_71 = vector.broadcast %get3A_49 : vector<1x128xf32> to vector<400x128xf32>
    %add3A_72 = arith.addf %mul3A_70, %add3A_71 : vector<400x128xf32>
    %add3A_73 = arith.addf %get3A_1, %add3A_72 : vector<400x128xf32>
    %swap3A = arith.constant 0 : index
    %swap3A_74 = arith.constant 0 : index
    %swap3A_75 = vector.load %arg9[%swap3A, %swap3A_74] : memref<400x128xf32, #tpu.memory_space<vmem>>, vector<400x128xf32>
    tpu.vector_store %arg9[%swap3A, %swap3A_74], %add3A_73 {strides = array<i32>} : memref<400x128xf32, #tpu.memory_space<vmem>>, vector<400x128xf32>,
    return
  }
  func.func @transform_0(%arg0: i32) -> (i32, i32) {
    %c0_i32 = arith.constant 0 : i32
    %c0_i32_0 = arith.constant 0 : i32
    return %arg0, %c0_i32 : i32, i32
  }
  func.func @transform_1(%arg0: i32) -> (i32, i32, i32) {
    %c0_i32 = arith.constant 0 : i32
    %c0_i32_0 = arith.constant 0 : i32
    %c0_i32_1 = arith.constant 0 : i32
    return %c0_i32, %arg0, %c0_i32_0 : i32, i32, i32
  }
  func.func @transform_2(%arg0: i32) -> (i32, i32, i32) {
    %c0_i32 = arith.constant 0 : i32
    %c0_i32_0 = arith.constant 0 : i32
    %c0_i32_1 = arith.constant 0 : i32
    return %c0_i32, %arg0, %c0_i32_0 : i32, i32, i32
  }
  func.func @transform_3(%arg0: i32) -> (i32, i32) {
    %c0_i32 = arith.constant 0 : i32
    %c0_i32_0 = arith.constant 0 : i32
    %c0_i32_1 = arith.constant 0 : i32
    return %c0_i32, %c0_i32_0 : i32, i32
  }
  func.func @transform_4(%arg0: i32) -> (i32, i32) {
    %c0_i32 = arith.constant 0 : i32
    %c0_i32_0 = arith.constant 0 : i32
    %c0_i32_1 = arith.constant 0 : i32
    return %c0_i32, %c0_i32_0 : i32, i32
  }
  func.func @transform_5(%arg0: i32) -> (i32, i32) {
    %c0_i32 = arith.constant 0 : i32
    %c0_i32_0 = arith.constant 0 : i32
    %c0_i32_1 = arith.constant 0 : i32
    return %c0_i32, %c0_i32_0 : i32, i32
  }
  func.func @transform_6(%arg0: i32) -> (i32, i32) {
    %c0_i32 = arith.constant 0 : i32
    %c0_i32_0 = arith.constant 0 : i32
    %c0_i32_1 = arith.constant 0 : i32
    return %c0_i32, %c0_i32_0 : i32, i32
  }
  func.func @transform_7(%arg0: i32) -> (i32, i32) {
    %c0_i32 = arith.constant 0 : i32
    %c0_i32_0 = arith.constant 0 : i32
    %c0_i32_1 = arith.constant 0 : i32
    return %c0_i32, %c0_i32_0 : i32, i32
  }
  func.func @transform_8(%arg0: i32) -> (i32, i32) {
    %c0_i32 = arith.constant 0 : i32
    %c0_i32_0 = arith.constant 0 : i32
    return %arg0, %c0_i32 : i32, i32
  }
}

module attributes {stable_mosaic.version = 14 : i64} {
  func.func @body(%arg0: i32, %arg1: memref<400x128xf32, #tpu.memory_space<vmem>>, %arg2: memref<2x400x128xf32, #tpu.memory_space<vmem>>, %arg3: memref<2x400x128xf32, #tpu.memory_space<vmem>>, %arg4: memref<128x128xf32, #tpu.memory_space<vmem>>, %arg5: memref<128x128xf32, #tpu.memory_space<vmem>>, %arg6: memref<1x128xf32, #tpu.memory_space<vmem>>, %arg7: memref<1x128xf32, #tpu.memory_space<vmem>>, %arg8: memref<1x128xf32, #tpu.memory_space<vmem>>, %arg9: memref<400x128xf32, #tpu.memory_space<vmem>>) attributes {dimension_semantics = [#tpu.dimension_semantics<arbitrary>], iteration_bounds = array<i64: 25>, scalar_prefetch = 0 : i64, scratch_operands = 0 : i64, tpu.core_type = #tpu.core_type<tc>, window_params = [{transform_indices = @transform_0, window_bounds = array<i64: 400, 128>}, {transform_indices = @transform_1, window_bounds = array<i64: 2, 400, 128>}, {transform_indices = @transform_2, window_bounds = array<i64: 2, 400, 128>}, {pipeline_mode = #tpu.pipeline_mode<synchronous>, transform_indices = @transform_3, window_bounds = array<i64: 128, 128>}, {pipeline_mode = #tpu.pipeline_mode<synchronous>, transform_indices = @transform_4, window_bounds = array<i64: 128, 128>}, {pipeline_mode = #tpu.pipeline_mode<synchronous>, transform_indices = @transform_5, window_bounds = array<i64: 1, 128>}, {pipeline_mode = #tpu.pipeline_mode<synchronous>, transform_indices = @transform_6, window_bounds = array<i64: 1, 128>}, {pipeline_mode = #tpu.pipeline_mode<synchronous>, transform_indices = @transform_7, window_bounds = array<i64: 1, 128>}, {transform_indices = @transform_8, window_bounds = array<i64: 400, 128>}]} {
    %get3A = arith.constant 0 : index
    %get3A_0 = arith.constant 0 : index
    %get3A_1 = vector.load %arg1[%get3A, %get3A_0] : memref<400x128xf32, #tpu.memory_space<vmem>>, vector<400x128xf32>
    %get3A_2 = arith.constant 0 : index
    %get3A_3 = arith.constant 0 : index
    %get3A_4 = arith.constant 0 : index
    %get3A_5 = vector.load %arg2[%get3A_2, %get3A_3, %get3A_4] : memref<2x400x128xf32, #tpu.memory_space<vmem>>, vector<1x400x128xf32>
    %get3A_6 = vector.shape_cast %get3A_5 : vector<1x400x128xf32> to vector<400x128xf32>
    %get3A_7 = arith.constant 1 : index
    %get3A_8 = arith.constant 0 : index
    %get3A_9 = arith.constant 0 : index
    %get3A_10 = vector.load %arg2[%get3A_7, %get3A_8, %get3A_9] : memref<2x400x128xf32, #tpu.memory_space<vmem>>, vector<1x400x128xf32>
    %get3A_11 = vector.shape_cast %get3A_10 : vector<1x400x128xf32> to vector<400x128xf32>
    %add3A = arith.addf %get3A_6, %get3A_11 : vector<400x128xf32>
    %get3A_12 = arith.constant 0 : index
    %get3A_13 = arith.constant 0 : index
    %get3A_14 = arith.constant 0 : index
    %get3A_15 = vector.load %arg3[%get3A_12, %get3A_13, %get3A_14] : memref<2x400x128xf32, #tpu.memory_space<vmem>>, vector<1x400x128xf32>
    %get3A_16 = vector.shape_cast %get3A_15 : vector<1x400x128xf32> to vector<400x128xf32>
    %get3A_17 = arith.constant 1 : index
    %get3A_18 = arith.constant 0 : index
    %get3A_19 = arith.constant 0 : index
    %get3A_20 = vector.load %arg3[%get3A_17, %get3A_18, %get3A_19] : memref<2x400x128xf32, #tpu.memory_space<vmem>>, vector<1x400x128xf32>
    %get3A_21 = vector.shape_cast %get3A_20 : vector<1x400x128xf32> to vector<400x128xf32>
    %add3A_22 = arith.addf %get3A_16, %get3A_21 : vector<400x128xf32>
    %reduce_sum3A = arith.constant dense<0.000000e+00> : vector<400xf32>
    %reduce_sum3A_23 = vector.multi_reduction <add>, %add3A_22, %reduce_sum3A [1] : vector<400x128xf32> to vector<400xf32>
    %broadcast_in_dim3A = vector.shape_cast %reduce_sum3A_23 : vector<400xf32> to vector<400x1xf32>
    %mul3A = arith.constant 7.812500e-03 : f32
    %mul3A_24 = vector.broadcast %mul3A : f32 to vector<400x1xf32>
    %mul3A_25 = arith.mulf %broadcast_in_dim3A, %mul3A_24 : vector<400x1xf32>
    %max3A = arith.constant 1.000000e+00 : f32
    %max3A_26 = vector.broadcast %max3A : f32 to vector<400x1xf32>
    %max3A_27 = arith.maximumf %mul3A_25, %max3A_26 : vector<400x1xf32>
    %div3A = vector.broadcast %max3A_27 : vector<400x1xf32> to vector<400x128xf32>
    %div3A_28 = arith.divf %add3A, %div3A : vector<400x128xf32>
    %get3A_29 = arith.constant 0 : index
    %get3A_30 = arith.constant 0 : index
    %get3A_31 = vector.load %arg4[%get3A_29, %get3A_30] : memref<128x128xf32, #tpu.memory_space<vmem>>, vector<128x128xf32>
    %dot_general3A = arith.constant dense<0.000000e+00> : vector<400x128xf32>
    %dot_general3A_32 = tpu.matmul %get3A_1, %get3A_31, %dot_general3A {dimension_numbers = #tpu.dot_dimension_numbers<[1], [0], [0], [1], [0, 0, 1, 1], [], []>, precision = #tpu.contract_precision<fp32>, transpose_lhs_hint = false} : vector<400x128xf32>, vector<128x128xf32>, vector<400x128xf32> -> vector<400x128xf32>
    %get3A_33 = arith.constant 0 : index
    %get3A_34 = arith.constant 0 : index
    %get3A_35 = vector.load %arg5[%get3A_33, %get3A_34] : memref<128x128xf32, #tpu.memory_space<vmem>>, vector<128x128xf32>
    %dot_general3A_36 = arith.constant dense<0.000000e+00> : vector<400x128xf32>
    %dot_general3A_37 = tpu.matmul %div3A_28, %get3A_35, %dot_general3A_36 {dimension_numbers = #tpu.dot_dimension_numbers<[1], [0], [0], [1], [0, 0, 1, 1], [], []>, precision = #tpu.contract_precision<fp32>, transpose_lhs_hint = false} : vector<400x128xf32>, vector<128x128xf32>, vector<400x128xf32> -> vector<400x128xf32>
    %add3A_38 = arith.addf %dot_general3A_32, %dot_general3A_37 : vector<400x128xf32>
    %get3A_39 = arith.constant 0 : index
    %get3A_40 = arith.constant 0 : index
    %get3A_41 = vector.load %arg6[%get3A_39, %get3A_40] : memref<1x128xf32, #tpu.memory_space<vmem>>, vector<1x128xf32>
    %add3A_42 = vector.broadcast %get3A_41 : vector<1x128xf32> to vector<400x128xf32>
    %add3A_43 = arith.addf %add3A_38, %add3A_42 : vector<400x128xf32>
    %get3A_44 = arith.constant 0 : index
    %get3A_45 = arith.constant 0 : index
    %get3A_46 = vector.load %arg7[%get3A_44, %get3A_45] : memref<1x128xf32, #tpu.memory_space<vmem>>, vector<1x128xf32>
    %get3A_47 = arith.constant 0 : index
    %get3A_48 = arith.constant 0 : index
    %get3A_49 = vector.load %arg8[%get3A_47, %get3A_48] : memref<1x128xf32, #tpu.memory_space<vmem>>, vector<1x128xf32>
    %reduce_sum3A_50 = arith.constant dense<0.000000e+00> : vector<400xf32>
    %reduce_sum3A_51 = vector.multi_reduction <add>, %add3A_43, %reduce_sum3A_50 [1] : vector<400x128xf32> to vector<400xf32>
    %broadcast_in_dim3A_52 = vector.shape_cast %reduce_sum3A_51 : vector<400xf32> to vector<400x1xf32>
    %div3A_53 = arith.constant 1.280000e+02 : f32
    %div3A_54 = vector.broadcast %div3A_53 : f32 to vector<400x1xf32>
    %div3A_55 = arith.divf %broadcast_in_dim3A_52, %div3A_54 : vector<400x1xf32>
    %sub3A = vector.broadcast %div3A_55 : vector<400x1xf32> to vector<400x128xf32>
    %sub3A_56 = arith.subf %add3A_43, %sub3A : vector<400x128xf32>
    %mul3A_57 = arith.mulf %sub3A_56, %sub3A_56 : vector<400x128xf32>
    %reduce_sum3A_58 = arith.constant dense<0.000000e+00> : vector<400xf32>
    %reduce_sum3A_59 = vector.multi_reduction <add>, %mul3A_57, %reduce_sum3A_58 [1] : vector<400x128xf32> to vector<400xf32>
    %broadcast_in_dim3A_60 = vector.shape_cast %reduce_sum3A_59 : vector<400xf32> to vector<400x1xf32>
    %div3A_61 = arith.constant 1.280000e+02 : f32
    %div3A_62 = vector.broadcast %div3A_61 : f32 to vector<400x1xf32>
    %div3A_63 = arith.divf %broadcast_in_dim3A_60, %div3A_62 : vector<400x1xf32>
    %add3A_64 = arith.constant 9.99999974E-6 : f32
    %add3A_65 = vector.broadcast %add3A_64 : f32 to vector<400x1xf32>
    %add3A_66 = arith.addf %div3A_63, %add3A_65 : vector<400x1xf32>
    %rsqrt3A = math.rsqrt %add3A_66 : vector<400x1xf32>
    %mul3A_67 = vector.broadcast %rsqrt3A : vector<400x1xf32> to vector<400x128xf32>
    %mul3A_68 = arith.mulf %sub3A_56, %mul3A_67 : vector<400x128xf32>
    %mul3A_69 = vector.broadcast %get3A_46 : vector<1x128xf32> to vector<400x128xf32>
    %mul3A_70 = arith.mulf %mul3A_68, %mul3A_69 : vector<400x128xf32>
    %add3A_71 = vector.broadcast %get3A_49 : vector<1x128xf32> to vector<400x128xf32>
    %add3A_72 = arith.addf %mul3A_70, %add3A_71 : vector<400x128xf32>
    %add3A_73 = arith.addf %get3A_1, %add3A_72 : vector<400x128xf32>
    %swap3A = arith.constant 0 : index
    %swap3A_74 = arith.constant 0 : index
    %swap3A_75 = vector.load %arg9[%swap3A, %swap3A_74] : memref<400x128xf32, #tpu.memory_space<vmem>>, vector<400x128xf32>
    tpu.vector_store %arg9[%swap3A, %swap3A_74], %add3A_73 {strides = array<i32>} : memref<400x128xf32, #tpu.memory_space<vmem>>, vector<400x128xf32>,
    return
  }
  func.func @transform_0(%arg0: i32) -> (i32, i32) {
    %c0_i32 = arith.constant 0 : i32
    %c0_i32_0 = arith.constant 0 : i32
    return %arg0, %c0_i32 : i32, i32
  }
  func.func @transform_1(%arg0: i32) -> (i32, i32, i32) {
    %c0_i32 = arith.constant 0 : i32
    %c0_i32_0 = arith.constant 0 : i32
    %c0_i32_1 = arith.constant 0 : i32
    return %c0_i32, %arg0, %c0_i32_0 : i32, i32, i32
  }
  func.func @transform_2(%arg0: i32) -> (i32, i32, i32) {
    %c0_i32 = arith.constant 0 : i32
    %c0_i32_0 = arith.constant 0 : i32
    %c0_i32_1 = arith.constant 0 : i32
    return %c0_i32, %arg0, %c0_i32_0 : i32, i32, i32
  }
  func.func @transform_3(%arg0: i32) -> (i32, i32) {
    %c0_i32 = arith.constant 0 : i32
    %c0_i32_0 = arith.constant 0 : i32
    %c0_i32_1 = arith.constant 0 : i32
    return %c0_i32, %c0_i32_0 : i32, i32
  }
  func.func @transform_4(%arg0: i32) -> (i32, i32) {
    %c0_i32 = arith.constant 0 : i32
    %c0_i32_0 = arith.constant 0 : i32
    %c0_i32_1 = arith.constant 0 : i32
    return %c0_i32, %c0_i32_0 : i32, i32
  }
  func.func @transform_5(%arg0: i32) -> (i32, i32) {
    %c0_i32 = arith.constant 0 : i32
    %c0_i32_0 = arith.constant 0 : i32
    %c0_i32_1 = arith.constant 0 : i32
    return %c0_i32, %c0_i32_0 : i32, i32
  }
  func.func @transform_6(%arg0: i32) -> (i32, i32) {
    %c0_i32 = arith.constant 0 : i32
    %c0_i32_0 = arith.constant 0 : i32
    %c0_i32_1 = arith.constant 0 : i32
    return %c0_i32, %c0_i32_0 : i32, i32
  }
  func.func @transform_7(%arg0: i32) -> (i32, i32) {
    %c0_i32 = arith.constant 0 : i32
    %c0_i32_0 = arith.constant 0 : i32
    %c0_i32_1 = arith.constant 0 : i32
    return %c0_i32, %c0_i32_0 : i32, i32
  }
  func.func @transform_8(%arg0: i32) -> (i32, i32) {
    %c0_i32 = arith.constant 0 : i32
    %c0_i32_0 = arith.constant 0 : i32
    return %arg0, %c0_i32 : i32, i32
  }
}

</mosaic_0001>

<sc_bundles>
// kernel: kernel.25.cloned.1.call-start
scs
__scs_entry_jumppad:
0x0: {  	(pc) =	sbr.rel $0x88, $3  }
0x1: {  	(tag) =	ssettag $0x0;
	lr =	simm.s32 $0x1  }
0x2: {  	[smem:$0x3F96] =	sst lr;
	_ =	strace $0xD0000000  }
0x3: {  	_ = 	snop  }
0x4: {  	_ = 	snop  }
0x5: {  	_ = 	snop  }
0x6: {  	_ = 	snop  }
0x7: {  	_ = 	snop  }
__scs_overlays_trampoline_lowered:
0x8: {  	[smem:$0x3FA5] =	sst s0  }
0x9: {  	[smem:$0x3FA6] =	sst s1  }
0xa: {  	[smem:$0x3FA7] =	sst s2  }
0xb: {  	[smem:$0x3FA8] =	sst s3  }
0xc: {  	[smem:$0x3FA9] =	sst s4  }
0xd: {  	[smem:$0x3FAA] =	sst s5  }
0xe: {  	[smem:$0x3FAB] =	sst s6  }
0xf: {  	[smem:$0x3FAC] =	sst s7  }
0x10: {  	[smem:$0x3FAD] =	sst s8  }
0x11: {  	[smem:$0x3FAE] =	sst s9;
	s0 =	simm.s32 @!p0 $0x0  }
0x12: {  	s1 =	sld [smem:$0x3F94];
	s0 =	simm.s32 @p0 $0x1  }
0x13: {  	[smem:$0x3FAF] =	sst s0;
	s0 =	simm.s32 @!p1 $0x0  }
0x14: {  	s2 =	sld [smem:$0x3F93];
	s0 =	simm.s32 @p1 $0x1  }
0x15: {  	[smem:$0x3FB0] =	sst s0;
	s0 =	simm.s32 @!p2 $0x0  }
0x16: {  	s3 =	sld [smem:$0x3FDB];
	s0 =	simm.s32 @p2 $0x1  }
0x17: {  	s4 =	simm.s32 $0x1BF5;
	[smem:$0x3FB2] =	sst s0  }
0x18: {  	s0 =	sld [smem:$0x3F95];
	_ =	swait.ge [sflag:s4], $0x0  }
0x19: {  	s7 =	sld [smem:$0x3F96]  }
0x1a: {  	s8 =	sadd.s32 $0xFFFFE003, lr  }
0x1b: {  	s9 =	sadd.s32 $0xFFFFFEF7, lr;
	s5 =	simm.s32 $0xFFFFFFFF;
	p2 =	slt.u32 s8, $0xFFFFF086  }
0x1c: {  	p1 =	slt.u32 s9, $0xF7A;
	s5 =	simm.s32 @!p2 $0x0  }
0x1d: {  	s5 =	simm.s32 @p1 $0x1;
	p0 =	seq.s32 s7, s2  }
0x1e: {  	s7 =	smul.u32 @!p0 $0xF7A, s2;
	p2 =	seq.s32 @!p0 s5, $0x0  }
0x1f: {  	s9 =	smul.u32 $0xF7A, s1;
	s8 =	simm.s32 @!p0 $0x1BF5;
	p2 =	por !p2, p0  }
0x20: {  	[sflag:s8] =	ssyncset.s32 @!p0 $0xFFFFF086;
	s6 =	sadd.s32 @!p0 s3, s7;
	s7 =	simm.s32 @!p0 $0x108  }
0x21: {  	s3 =	sadd.s32 s3, s9;
	s6 =	sadd.s32 @!p0 $0x88, s6;
	s7 =	simm.s32 @p2 $0x1082  }
0x22: {  	[simem:s7], [sflag:s8] =	dma.local @!p0 [hbm:s6], $0xF7A  }
0x23: {  	s9 =	sor.u32 $0xD0000000, s2;
	s6 =	simm.s32 $0x108;
	_ =	swait.ge @!p0 [sflag:s8], $0x0  }
0x24: {  	s3 =	sadd.s32 $0x88, s3;
	s6 =	simm.s32 @!p1 $0x1082;
	[sflag:s4] =	ssyncset.s32 $0xFFFFF086  }
0x25: {  	[simem:s6], [sflag:s4] =	dma.local [hbm:s3], $0xF7A  }
0x26: {  	[smem:$0x3F96] =	sst s1;
	(tag) =	ssettag s2;
	_ =	strace s9  }
0x27: {  	s1 =	sld [smem:$0x3FA6]  }
0x28: {  	s2 =	sld [smem:$0x3FA7]  }
0x29: {  	s4 =	sld [smem:$0x3FA9]  }
0x2a: {  	p0 =	seq.s32 s5, $0x0;
	s5 =	sld [smem:$0x3FAA]  }
0x2b: {  	s6 =	sld [smem:$0x3FAB]  }
0x2c: {  	s7 =	sld [smem:$0x3FAC]  }
0x2d: {  	s3 =	simm.s32 $0x108;
	s8 =	sld [smem:$0x3FAD]  }
0x2e: {  	s3 =	simm.s32 @!p0 $0x1082;
	s9 =	sld [smem:$0x3FAE]  }
0x2f: {  	lr =	sadd.s32 s0, s3;
	s0 =	sld [smem:$0x3FA5]  }
0x30: {  	s3 =	sld [smem:$0x3FA8]  }
0x31: {  	[smem:$0x3FB1] =	sst s10  }
0x32: {  	s10 =	sld [smem:$0x3FAF];
	_ =	sdelay $0x3  }
0x33: {  	p0 =	seq.s32 s10, $0x1;
	s10 =	sld [smem:$0x3FB1];
	_ =	sdelay $0x3  }
0x34: {  	[smem:$0x3FB1] =	sst s10  }
0x35: {  	s10 =	sld [smem:$0x3FB0];
	_ =	sdelay $0x3  }
0x36: {  	p1 =	seq.s32 s10, $0x1;
	s10 =	sld [smem:$0x3FB1];
	_ =	sdelay $0x3  }
0x37: {  	[smem:$0x3FB1] =	sst s10  }
0x38: {  	s10 =	sld [smem:$0x3FB2]  }
0x39: {  	_ = 	snop;
	(pc) =	sbr.ind lr, $3  }
0x3a: {  	_ = 	snop  }
0x3b: {  	_ = 	snop  }
0x3c: {  	p2 =	seq.s32 s10, $0x1;
	s10 =	sld [smem:$0x3FB1]  }
0x3d: {  	_ =	shalt  }
0x3e: {  	_ =	shalt  }
0x3f: {  	_ =	shalt  }
0x40: {  	_ =	shalt  }
0x41: {  	_ =	shalt  }
0x42: {  	_ =	shalt  }
0x43: {  	_ =	shalt  }
0x44: {  	_ =	shalt  }
0x45: {  	_ =	shalt  }
0x46: {  	_ =	shalt  }
0x47: {  	_ =	shalt  }
0x48: {  	_ =	shalt  }
0x49: {  	_ =	shalt  }
0x4a: {  	_ =	shalt  }
0x4b: {  	_ =	shalt  }
0x4c: {  	_ =	shalt  }
0x4d: {  	_ =	shalt  }
0x4e: {  	_ =	shalt  }
0x4f: {  	_ =	shalt  }
0x50: {  	_ =	shalt  }
0x51: {  	_ =	shalt  }
0x52: {  	_ =	shalt  }
0x53: {  	_ =	shalt  }
0x54: {  	_ =	shalt  }
0x55: {  	_ =	shalt  }
0x56: {  	_ =	shalt  }
0x57: {  	_ =	shalt  }
0x58: {  	_ =	shalt  }
0x59: {  	_ =	shalt  }
0x5a: {  	_ =	shalt  }
0x5b: {  	_ =	shalt  }
0x5c: {  	_ =	shalt  }
0x5d: {  	_ =	shalt  }
0x5e: {  	_ =	shalt  }
0x5f: {  	_ =	shalt  }
0x60: {  	_ =	shalt  }
0x61: {  	_ =	shalt  }
0x62: {  	_ =	shalt  }
0x63: {  	_ =	shalt  }
0x64: {  	_ =	shalt  }
0x65: {  	_ =	shalt  }
0x66: {  	_ =	shalt  }
0x67: {  	_ =	shalt  }
0x68: {  	_ =	shalt  }
0x69: {  	_ =	shalt  }
0x6a: {  	_ =	shalt  }
0x6b: {  	_ =	shalt  }
0x6c: {  	_ =	shalt  }
0x6d: {  	_ =	shalt  }
0x6e: {  	_ =	shalt  }
0x6f: {  	_ =	shalt  }
0x70: {  	_ =	shalt  }
0x71: {  	_ =	shalt  }
0x72: {  	_ =	shalt  }
0x73: {  	_ =	shalt  }
0x74: {  	_ =	shalt  }
0x75: {  	_ =	shalt  }
0x76: {  	_ =	shalt  }
0x77: {  	_ =	shalt  }
0x78: {  	_ =	shalt  }
0x79: {  	_ =	shalt  }
0x7a: {  	_ =	shalt  }
0x7b: {  	_ =	shalt  }
0x7c: {  	_ =	shalt  }
0x7d: {  	_ =	shalt  }
0x7e: {  	_ =	shalt  }
0x7f: {  	_ =	shalt  }
0x80: {  	_ =	shalt  }
0x81: {  	_ =	shalt  }
0x82: {  	_ =	shalt  }
0x83: {  	_ =	shalt  }
0x84: {  	_ =	shalt  }
0x85: {  	_ =	shalt  }
0x86: {  	_ =	shalt  }
0x87: {  	_ =	shalt  }
.Lfunc_end0:
.L_simem_size_0:
called_computation_lowered:
.L_overlay_start_0:
0x88: {  	s2 =	sld [smem:$0x3FD9]  }
0x89: {  	s3 =	sld [smem:$0x3FFE];
	_ =	sdelay $0x1  }
0x8a: {  	s1 =	srdreg.scid  }
0x8b: {  	s0 =	sand.u32 $0x1, s1  }
0x8c: {  	s16 =	sshll.u32 s0, $0xA;
	s2 =	sadd.s32 s3, s2  }
0x8d: {  	s2 =	sadd.s32 s2, s16  }
0x8e: {  	[smem:$0x3FBD] =	sst s2  }
0x8f: {  	_ = 	snop  }
0x90: {  	(tm) =	ssettm $0x1  }
0x91: {  	s17 =	sld [smem:$0x3FFB];
	_ =	sdelay $0x3  }
0x92: {  	_ =	strace s17  }
0x93: {  	s2 =	sld [smem:$0x3FFC];
	_ =	sdelay $0x3  }
0x94: {  	_ =	strace s2  }
0x95: {  	s2 =	sld [smem:$0x3FFD];
	_ =	sdelay $0x3  }
0x96: {  	_ =	strace s2  }
0x97: {  	_ =	strace $0x8FFFFFFF  }
0x98: {  	s18 =	sld [smem:$0x3FDB];
	_ =	sdelay $0x1  }
0x99: {  	s19 =	simm.s32 $_scs_section_size  }
0x9a: {  	s4 =	simm.s32 $_size__tile_overlayer_lowered;
	s5 =	simm.s32 $_tile_overlayer_lowered  }
0x9b: {  	s22 =	simm.s32 $0x1BFF;
	s21 =	sshll.u32 s5, $0x1;
	s2 =	sadd.s32 s19, s18  }
0x9c: {  	s6 =	simm.s32 $0x0;
	s20 =	sshll.u32 s4, $0x1;
	s4 =	sadd.s32 s21, s2  }
0x9d: {  	[timem:s6], [sflag:s22] =	dma.local [hbm:s4], s20  }
0x9e: {  	_ =	swait.ge [sflag:s22], s20  }
0x9f: {  	s3 =	ssub.s32 $0x0, s20;
	[sflag:s22] =	ssyncset.done $0x0  }
0xa0: {  	[sflag:s22] =	ssyncadd.s32 s3;
	_ =	sdelay $0x1  }
0xa1: {  	s23 =	simm.s32 $0x1B8B  }
0xa2: {  	_ =	swait.ge [sflag:s23], $0x1  }
0xa3: {  	[sflag:s23] =	ssyncset.done $0x0  }
0xa4: {  	s25 =	simm.s32 $0x1B8E;
	s24 =	sld [smem:$0x3FFE];
	[sflag:s23] =	ssyncadd.s32 $0xFFFFFFFF  }
0xa5: {  	s26 =	simm.s32 $execute0_lowered;
	[smem:$0x3FD2] =	sst s25  }
0xa6: {  	s4 =	sshll.u32 s26, $0x1;
	_ =	strace $0x80000046;
	[dreg:$0x1] =	wrdreg $0xFFFFFFFF  }
0xa7: {  	s28 =	simm.s32 $_size_execute0_lowered;
	s2 =	sadd.s32 s2, s4;
	[dreg:$0x0] =	wrdreg $0x0  }
0xa8: {  	s4 =	sshll.u32 s28, $0x1;
	[dreg:$0x2] =	wrdreg s2  }
0xa9: {  	[dreg:$0x3] =	wrdreg s4  }
0xaa: {  	[dreg:$0x4] =	wrdreg $0xC0  }
0xab: {  	_ =	task [dreg:s6], $0x5FFFF  }
0xac: {  	[dreg:$0x1] =	wrdreg $0xFFFFFFFF  }
0xad: {  	[dreg:$0x0] =	wrdreg $0x60  }
0xae: {  	[dreg:$0x2] =	wrdreg s24  }
0xaf: {  	[dreg:$0x3] =	wrdreg $0xA  }
0xb0: {  	_ =	task.clear_ibuf [dreg:s6], $0x4FFFF;
	_ =	strace $0x90000046  }
0xb1: {  	s29 =	simm.s32 $0xA;
	_ =	strace $0x80000048  }
0xb2: {  	_ =	swait.ge [sflag:s29], $0x1  }
0xb3: {  	[sflag:s29] =	ssyncadd.s32 $0xFFFFFFFF  }
0xb4: {  	_ =	strace $0x90000048  }
0xb5: {  	_ =	sfence  }
0xb6: {  	s30 =	sld [smem:$0x0];
	_ =	sdelay $0x2  }
0xb7: {  	s31 =	sshll.u32 s1, $0xD;
	s1 =	sshrl.u32 s1, $0x2  }
0xb8: {  	s3 =	sand.u32 $0x4000, s31;
	s1 =	sadd.s32 s1, s30  }
0xb9: {  	s0 =	sor.u32 s3, s0;
	s1 =	sshll.u32 s1, $0x11  }
0xba: {  	s0 =	sor.u32 s1, s0  }
0xbb: {  	s0 =	sadd.s32 $0x8F2B, s0  }
0xbc: {  	[sflag:s0] =	ssyncadd.remote.s32 $0x1  }
0xbd: {  	_ =	sfence.sel $0xFFFF  }
0xbe: {  	[dreg:$0x0] =	wrdreg $0xFFFFFFFF;
	(pc) =	sbr.abs _section_cstart, $3  }
0xbf: {  	[dreg:$0x1] =	wrdreg $0xFFFFFFFF  }
0xc0: {  	_ =	task.clear_ibuf [dreg:s6], $0x2FFFF;
	_ =	strace $0x9FFFFFFF  }
0xc1: {  	(tm) =	ssettm $0x7FFFFFFF  }
tec
execute0_lowered:
.L_overlay_start_1:
0x0: {  	(tag) =	ssettag $0x1  }
0x1: {  	s1 =	srdreg.scid  }
0x2: {  	s0 =	stileid.u32;
	s4 =	rddreg [dreg:$0x0]  }
0x3: {  	s2 =	simm.s32 $0x0;
	s10 =	simm.s32 $0x2800;
	s11 =	simm.s32 $0x80  }
0x4: {  	s12 =	simm.s32 $0x5000;
	s13 =	simm.s32 $0x9000;
	s14 =	simm.s32 $0x1  }
0x5: {  	s15 =	simm.s32 $0x2;
	s16 =	simm.s32 $0x0;
	s5 =	sand.u32 $0x1, s1  }
0x6: {  	s3 =	sshll.u32 s0, $0x1;
	[smem:$0x7FF] =	sst s2;
	s7 =	smul.u32 $0x4F000, s0  }
0x7: {  	s3 =	sor.u32 s5, s3;
	s8 =	ssub.s32 $0x2, s5;
	s5 =	smul.u32 $0x27800, s5  }
0x8: {  	s1 =	rddreg [dreg:$0x1];
	_ =	strace $0x80000047;
	s6 =	smul.u32 $0x500, s3  }
0x9: {  	s3 =	sadd.s32 $0x20E00, s4;
	s7 =	sadd.s32 s7, s4;
	s31 =	sshrl.u32 s8, $0x1  }
0xa: {  	s8 =	ssub.s32 s8, s31;
	s9 =	sadd.s32 s5, s7;
	s6 =	sadd.s32 s6, s4  }
0xb: {  	s7 =	sadd.s32 $0x538000, s9;
	s4 =	sadd.s32 $0x16E00, s6;
	s5 =	sadd.s32 $0xCE00, s6  }
0xc: {  	s6 =	smax.u32 s8, $0x1;
	s8 =	sadd.s32 $0x48000, s9;
	s9 =	simm.s32 $0x3  }
.LBB2_1:
0xd: {  	[tilespmem:s2], [sflag:$0x3] =	stream.linear.gather [hbm4b:s4+s2], $0x2780, $0x38;
	[tilespmem:$0xD000] =	vst v63  }
0xe: {  	_ =	swait.ge [sflag:s9], $0x2780  }
0xf: {  	[sflag:s9] =	ssyncset.done $0x0  }
0x10: {  	[sflag:s9] =	ssyncadd.s32 $0xFFFFD880  }
0x11: {  	[tilespmem:s10], [sflag:$0x3] =	stream.linear.gather [hbm4b:s5+s2], $0x2780, $0x38;
	[tilespmem:$0xD000] =	vst v63  }
0x12: {  	_ =	swait.ge [sflag:s9], $0x2780  }
0x13: {  	[sflag:s9] =	ssyncset.done $0x0  }
0x14: {  	s17 =	simm.s32 $0x0;
	[sflag:s9] =	ssyncadd.s32 $0xFFFFD880  }
0x15: {  	[tilespmem:s12], [sflag:$0x1] =	stream.indirect.gather [hbm4b:s3+s11], $0x80, s17, s11, $0xb8;
	[tilespmem:$0xD000] =	vst v63  }
0x16: {  	s31 =	simm.s32 $0x2800  }
0x17: {  	[tilespmem:s13], [sflag:$0x2] =	stream.indirect.gather [hbm4b:s3+s11], $0x80, s31, s11, $0xb8;
	[tilespmem:$0xD000] =	vst v63  }
0x18: {  	_ =	swait.ge [sflag:s14], $0x4000  }
0x19: {  	[sflag:s14] =	ssyncset.done $0x0  }
0x1a: {  	[sflag:s14] =	ssyncadd.s32 $0xFFFFC000  }
0x1b: {  	_ =	swait.ge [sflag:s15], $0x4000  }
0x1c: {  	[sflag:s15] =	ssyncset.done $0x0  }
0x1d: {  	[sflag:s15] =	ssyncadd.s32 $0xFFFFC000  }
0x1e: {  	[hbm4b:s8+s2] =	stream.linear.scatter [tilespmem:s12], [sflag:$0x3], $0x4000, $0x38;
	[tilespmem:$0xD000] =	vst v63  }
0x1f: {  	_ =	swait.ge [sflag:s9], $0x4000  }
0x20: {  	[sflag:s9] =	ssyncset.done $0x0  }
0x21: {  	[sflag:s9] =	ssyncadd.s32 $0xFFFFC000  }
0x22: {  	[hbm4b:s7+s2] =	stream.linear.scatter [tilespmem:s13], [sflag:$0x3], $0x4000, $0x38;
	[tilespmem:$0xD000] =	vst v63  }
0x23: {  	s19 =	simm.s32 $0x200;
	s20 =	simm.s32 $0x400;
	_ =	swait.ge [sflag:s9], $0x4000  }
0x24: {  	s18 =	sadd.s32 $0x800, s8;
	s17 =	sadd.s32 $0x800, s7;
	[sflag:s9] =	ssyncset.done $0x0  }
.LBB2_2:
0x25: {  	s21 =	sshra.s32 s19, $0x2  }
0x26: {  	[sflag:s9] =	ssyncadd.s32 $0xFFFFC000;
	s19 =	smov.u32 s20;
	s22 =	sadd.s32 $0x200, s20  }
0x27: {  	[tilespmem:s12], [sflag:$0x1] =	stream.indirect.gather [hbm4b:s3+s11], $0x80, s21, s11, $0xb8;
	[tilespmem:$0xD000] =	vst v63  }
0x28: {  	p0 =	sne.s32 s20, $0x9C00;
	s20 =	sadd.s32 $0x2800, s21  }
0x29: {  	[tilespmem:s13], [sflag:$0x2] =	stream.indirect.gather [hbm4b:s3+s11], $0x80, s20, s11, $0xb8;
	[tilespmem:$0xD000] =	vst v63  }
0x2a: {  	_ =	swait.ge [sflag:s14], $0x4000  }
0x2b: {  	[sflag:s14] =	ssyncset.done $0x0  }
0x2c: {  	[sflag:s14] =	ssyncadd.s32 $0xFFFFC000  }
0x2d: {  	_ =	swait.ge [sflag:s15], $0x4000  }
0x2e: {  	[sflag:s15] =	ssyncset.done $0x0  }
0x2f: {  	[sflag:s15] =	ssyncadd.s32 $0xFFFFC000  }
0x30: {  	[hbm4b:s18+s2] =	stream.linear.scatter [tilespmem:s12], [sflag:$0x3], $0x4000, $0x38;
	[tilespmem:$0xD000] =	vst v63  }
0x31: {  	_ =	swait.ge [sflag:s9], $0x4000  }
.Ltmp0:
0x32: {  	[sflag:s9] =	ssyncset.done $0x0;
	(pc) =	sbr.rel @p0 .LBB2_2-.Ltmp0, $4  }
0x33: {  	[sflag:s9] =	ssyncadd.s32 $0xFFFFC000  }
0x34: {  	[hbm4b:s17+s2] =	stream.linear.scatter [tilespmem:s13], [sflag:$0x3], $0x4000, $0x38;
	[tilespmem:$0xD000] =	vst v63  }
0x35: {  	s20 =	smov.u32 s22;
	_ =	swait.ge [sflag:s9], $0x4000  }
0x36: {  	s18 =	sadd.s32 $0x800, s18;
	s17 =	sadd.s32 $0x800, s17;
	[sflag:s9] =	ssyncset.done $0x0  }
0x37: {  	s19 =	sshra.s32 s19, $0x2;
	[sflag:s9] =	ssyncadd.s32 $0xFFFFC000  }
0x38: {  	[tilespmem:s12], [sflag:$0x1] =	stream.indirect.gather [hbm4b:s3+s11], $0x80, s19, s11, $0xb8;
	[tilespmem:$0xD000] =	vst v63  }
0x39: {  	s19 =	sadd.s32 $0x2800, s19  }
0x3a: {  	[tilespmem:s13], [sflag:$0x2] =	stream.indirect.gather [hbm4b:s3+s11], $0x80, s19, s11, $0xb8;
	[tilespmem:$0xD000] =	vst v63  }
0x3b: {  	_ =	swait.ge [sflag:s14], $0x4000  }
0x3c: {  	[sflag:s14] =	ssyncset.done $0x0  }
0x3d: {  	[sflag:s14] =	ssyncadd.s32 $0xFFFFC000  }
0x3e: {  	_ =	swait.ge [sflag:s15], $0x4000  }
0x3f: {  	[sflag:s15] =	ssyncset.done $0x0  }
0x40: {  	[sflag:s15] =	ssyncadd.s32 $0xFFFFC000  }
0x41: {  	[hbm4b:s18+s2] =	stream.linear.scatter [tilespmem:s12], [sflag:$0x3], $0x4000, $0x38;
	[tilespmem:$0xD000] =	vst v63  }
0x42: {  	s16 =	sadd.s32 $0x1, s16;
	_ =	swait.ge [sflag:s9], $0x4000  }
0x43: {  	p0 =	sne.s32 s16, s6;
	[sflag:s9] =	ssyncset.done $0x0  }
.Ltmp1:
0x44: {  	[sflag:s9] =	ssyncadd.s32 $0xFFFFC000;
	(pc) =	sbr.rel @p0 .LBB2_1-.Ltmp1, $4  }
0x45: {  	[hbm4b:s17+s2] =	stream.linear.scatter [tilespmem:s13], [sflag:$0x3], $0x4000, $0x38;
	[tilespmem:$0xD000] =	vst v63  }
0x46: {  	_ =	swait.ge [sflag:s9], $0x4000  }
0x47: {  	[sflag:s9] =	ssyncset.done $0x0  }
0x48: {  	[sflag:s9] =	ssyncadd.s32 $0xFFFFC000  }
0x49: {  	_ =	sfence.sel $0x180000  }
0x4a: {  	[bflag:$0x0] =	sbarrier.arrive $0xFFFF  }
0x4b: {  	p0 =	sne.s32 s0, $0x0;
	_ =	strace $0x90000047  }
0x4c: {  	s0 =	sadd.s32 @!p0 $0x100000, s1;
	[bflag:$0x2] =	sbarrier.arrive $0xFFFF  }
0x4d: {  	[sflag:s0] =	ssyncadd.tile.s32 @!p0 $0x1;
	_ =	shalt  }
.Lfunc_end2:
_tile_overlayer_lowered:
.L_overlay_start_2:
0x4e: {  	(tag) =	ssettag $0x2  }
0x4f: {  	s0 =	rddreg [dreg:$0x0];
	s2 =	stileid.u32  }
0x50: {  	s1 =	rddreg [dreg:$0x1];
	p0 =	sne.s32 s2, $0x0  }
0x51: {  	s3 =	rddreg [dreg:$0x2];
	[bflag:$0x3] =	sbarrier.arrive $0xFFFF;
	s2 =	simm.s32 @!p0 $0x1C03  }
0x52: {  	[timem:s3], [sflag:s2] =	dma.local @!p0 [hbm:s0], s1  }
0x53: {  	s0 =	simm.s32 @!p0 $0x3  }
0x54: {  	_ =	swait.ge @!p0 [sflag:s0], s1  }
0x55: {  	s1 =	ssub.s32 @!p0 $0x0, s1;
	[sflag:s0] =	ssyncset.done @!p0 $0x0  }
0x56: {  	[sflag:s0] =	ssyncadd.s32 @!p0 s1  }
0x57: {  	[bflag:$0x3] =	sbarrier.arrive $0xFFFF  }
0x58: {  	_ =	shalt  }

// kernel: kernel.28.cloned.1.call-start
scs
__scs_entry_jumppad:
0x0: {  	(pc) =	sbr.rel $0x88, $3  }
0x1: {  	(tag) =	ssettag $0x0;
	lr =	simm.s32 $0x1  }
0x2: {  	[smem:$0x3F96] =	sst lr;
	_ =	strace $0xD0000000  }
0x3: {  	_ = 	snop  }
0x4: {  	_ = 	snop  }
0x5: {  	_ = 	snop  }
0x6: {  	_ = 	snop  }
0x7: {  	_ = 	snop  }
__scs_overlays_trampoline_lowered:
0x8: {  	[smem:$0x3FA5] =	sst s0  }
0x9: {  	[smem:$0x3FA6] =	sst s1  }
0xa: {  	[smem:$0x3FA7] =	sst s2  }
0xb: {  	[smem:$0x3FA8] =	sst s3  }
0xc: {  	[smem:$0x3FA9] =	sst s4  }
0xd: {  	[smem:$0x3FAA] =	sst s5  }
0xe: {  	[smem:$0x3FAB] =	sst s6  }
0xf: {  	[smem:$0x3FAC] =	sst s7  }
0x10: {  	[smem:$0x3FAD] =	sst s8  }
0x11: {  	[smem:$0x3FAE] =	sst s9;
	s0 =	simm.s32 @!p0 $0x0  }
0x12: {  	s1 =	sld [smem:$0x3F94];
	s0 =	simm.s32 @p0 $0x1  }
0x13: {  	[smem:$0x3FAF] =	sst s0;
	s0 =	simm.s32 @!p1 $0x0  }
0x14: {  	s2 =	sld [smem:$0x3F93];
	s0 =	simm.s32 @p1 $0x1  }
0x15: {  	[smem:$0x3FB0] =	sst s0;
	s0 =	simm.s32 @!p2 $0x0  }
0x16: {  	s3 =	sld [smem:$0x3FDB];
	s0 =	simm.s32 @p2 $0x1  }
0x17: {  	s4 =	simm.s32 $0x1BF5;
	[smem:$0x3FB2] =	sst s0  }
0x18: {  	s0 =	sld [smem:$0x3F95];
	_ =	swait.ge [sflag:s4], $0x0  }
0x19: {  	s7 =	sld [smem:$0x3F96]  }
0x1a: {  	s8 =	sadd.s32 $0xFFFFE003, lr  }
0x1b: {  	s9 =	sadd.s32 $0xFFFFFEF7, lr;
	s5 =	simm.s32 $0xFFFFFFFF;
	p2 =	slt.u32 s8, $0xFFFFF086  }
0x1c: {  	p1 =	slt.u32 s9, $0xF7A;
	s5 =	simm.s32 @!p2 $0x0  }
0x1d: {  	s5 =	simm.s32 @p1 $0x1;
	p0 =	seq.s32 s7, s2  }
0x1e: {  	s7 =	smul.u32 @!p0 $0xF7A, s2;
	p2 =	seq.s32 @!p0 s5, $0x0  }
0x1f: {  	s9 =	smul.u32 $0xF7A, s1;
	s8 =	simm.s32 @!p0 $0x1BF5;
	p2 =	por !p2, p0  }
0x20: {  	[sflag:s8] =	ssyncset.s32 @!p0 $0xFFFFF086;
	s6 =	sadd.s32 @!p0 s3, s7;
	s7 =	simm.s32 @!p0 $0x108  }
0x21: {  	s3 =	sadd.s32 s3, s9;
	s6 =	sadd.s32 @!p0 $0x88, s6;
	s7 =	simm.s32 @p2 $0x1082  }
0x22: {  	[simem:s7], [sflag:s8] =	dma.local @!p0 [hbm:s6], $0xF7A  }
0x23: {  	s9 =	sor.u32 $0xD0000000, s2;
	s6 =	simm.s32 $0x108;
	_ =	swait.ge @!p0 [sflag:s8], $0x0  }
0x24: {  	s3 =	sadd.s32 $0x88, s3;
	s6 =	simm.s32 @!p1 $0x1082;
	[sflag:s4] =	ssyncset.s32 $0xFFFFF086  }
0x25: {  	[simem:s6], [sflag:s4] =	dma.local [hbm:s3], $0xF7A  }
0x26: {  	[smem:$0x3F96] =	sst s1;
	(tag) =	ssettag s2;
	_ =	strace s9  }
0x27: {  	s1 =	sld [smem:$0x3FA6]  }
0x28: {  	s2 =	sld [smem:$0x3FA7]  }
0x29: {  	s4 =	sld [smem:$0x3FA9]  }
0x2a: {  	p0 =	seq.s32 s5, $0x0;
	s5 =	sld [smem:$0x3FAA]  }
0x2b: {  	s6 =	sld [smem:$0x3FAB]  }
0x2c: {  	s7 =	sld [smem:$0x3FAC]  }
0x2d: {  	s3 =	simm.s32 $0x108;
	s8 =	sld [smem:$0x3FAD]  }
0x2e: {  	s3 =	simm.s32 @!p0 $0x1082;
	s9 =	sld [smem:$0x3FAE]  }
0x2f: {  	lr =	sadd.s32 s0, s3;
	s0 =	sld [smem:$0x3FA5]  }
0x30: {  	s3 =	sld [smem:$0x3FA8]  }
0x31: {  	[smem:$0x3FB1] =	sst s10  }
0x32: {  	s10 =	sld [smem:$0x3FAF];
	_ =	sdelay $0x3  }
0x33: {  	p0 =	seq.s32 s10, $0x1;
	s10 =	sld [smem:$0x3FB1];
	_ =	sdelay $0x3  }
0x34: {  	[smem:$0x3FB1] =	sst s10  }
0x35: {  	s10 =	sld [smem:$0x3FB0];
	_ =	sdelay $0x3  }
0x36: {  	p1 =	seq.s32 s10, $0x1;
	s10 =	sld [smem:$0x3FB1];
	_ =	sdelay $0x3  }
0x37: {  	[smem:$0x3FB1] =	sst s10  }
0x38: {  	s10 =	sld [smem:$0x3FB2]  }
0x39: {  	_ = 	snop;
	(pc) =	sbr.ind lr, $3  }
0x3a: {  	_ = 	snop  }
0x3b: {  	_ = 	snop  }
0x3c: {  	p2 =	seq.s32 s10, $0x1;
	s10 =	sld [smem:$0x3FB1]  }
0x3d: {  	_ =	shalt  }
0x3e: {  	_ =	shalt  }
0x3f: {  	_ =	shalt  }
0x40: {  	_ =	shalt  }
0x41: {  	_ =	shalt  }
0x42: {  	_ =	shalt  }
0x43: {  	_ =	shalt  }
0x44: {  	_ =	shalt  }
0x45: {  	_ =	shalt  }
0x46: {  	_ =	shalt  }
0x47: {  	_ =	shalt  }
0x48: {  	_ =	shalt  }
0x49: {  	_ =	shalt  }
0x4a: {  	_ =	shalt  }
0x4b: {  	_ =	shalt  }
0x4c: {  	_ =	shalt  }
0x4d: {  	_ =	shalt  }
0x4e: {  	_ =	shalt  }
0x4f: {  	_ =	shalt  }
0x50: {  	_ =	shalt  }
0x51: {  	_ =	shalt  }
0x52: {  	_ =	shalt  }
0x53: {  	_ =	shalt  }
0x54: {  	_ =	shalt  }
0x55: {  	_ =	shalt  }
0x56: {  	_ =	shalt  }
0x57: {  	_ =	shalt  }
0x58: {  	_ =	shalt  }
0x59: {  	_ =	shalt  }
0x5a: {  	_ =	shalt  }
0x5b: {  	_ =	shalt  }
0x5c: {  	_ =	shalt  }
0x5d: {  	_ =	shalt  }
0x5e: {  	_ =	shalt  }
0x5f: {  	_ =	shalt  }
0x60: {  	_ =	shalt  }
0x61: {  	_ =	shalt  }
0x62: {  	_ =	shalt  }
0x63: {  	_ =	shalt  }
0x64: {  	_ =	shalt  }
0x65: {  	_ =	shalt  }
0x66: {  	_ =	shalt  }
0x67: {  	_ =	shalt  }
0x68: {  	_ =	shalt  }
0x69: {  	_ =	shalt  }
0x6a: {  	_ =	shalt  }
0x6b: {  	_ =	shalt  }
0x6c: {  	_ =	shalt  }
0x6d: {  	_ =	shalt  }
0x6e: {  	_ =	shalt  }
0x6f: {  	_ =	shalt  }
0x70: {  	_ =	shalt  }
0x71: {  	_ =	shalt  }
0x72: {  	_ =	shalt  }
0x73: {  	_ =	shalt  }
0x74: {  	_ =	shalt  }
0x75: {  	_ =	shalt  }
0x76: {  	_ =	shalt  }
0x77: {  	_ =	shalt  }
0x78: {  	_ =	shalt  }
0x79: {  	_ =	shalt  }
0x7a: {  	_ =	shalt  }
0x7b: {  	_ =	shalt  }
0x7c: {  	_ =	shalt  }
0x7d: {  	_ =	shalt  }
0x7e: {  	_ =	shalt  }
0x7f: {  	_ =	shalt  }
0x80: {  	_ =	shalt  }
0x81: {  	_ =	shalt  }
0x82: {  	_ =	shalt  }
0x83: {  	_ =	shalt  }
0x84: {  	_ =	shalt  }
0x85: {  	_ =	shalt  }
0x86: {  	_ =	shalt  }
0x87: {  	_ =	shalt  }
.Lfunc_end0:
.L_simem_size_0:
called_computation.1_lowered:
.L_overlay_start_0:
0x88: {  	s2 =	sld [smem:$0x3FD9]  }
0x89: {  	s3 =	sld [smem:$0x3FFE];
	_ =	sdelay $0x1  }
0x8a: {  	s1 =	srdreg.scid  }
0x8b: {  	s0 =	sand.u32 $0x1, s1  }
0x8c: {  	s17 =	sshll.u32 s0, $0xA;
	s2 =	sadd.s32 s3, s2  }
0x8d: {  	s2 =	sadd.s32 s2, s17  }
0x8e: {  	[smem:$0x3FBD] =	sst s2  }
0x8f: {  	_ = 	snop  }
0x90: {  	(tm) =	ssettm $0x1  }
0x91: {  	s18 =	sld [smem:$0x3FFB];
	_ =	sdelay $0x3  }
0x92: {  	_ =	strace s18  }
0x93: {  	s2 =	sld [smem:$0x3FFC];
	_ =	sdelay $0x3  }
0x94: {  	_ =	strace s2  }
0x95: {  	s2 =	sld [smem:$0x3FFD];
	_ =	sdelay $0x3  }
0x96: {  	_ =	strace s2  }
0x97: {  	_ =	strace $0x8FFFFFFF  }
0x98: {  	s19 =	sld [smem:$0x3FDB];
	_ =	sdelay $0x1  }
0x99: {  	s20 =	simm.s32 $_scs_section_size  }
0x9a: {  	s4 =	simm.s32 $_size__tile_overlayer_lowered;
	s5 =	simm.s32 $_tile_overlayer_lowered  }
0x9b: {  	s6 =	simm.s32 $0x1BFF;
	s21 =	sshll.u32 s5, $0x1;
	s3 =	sadd.s32 s20, s19  }
0x9c: {  	s22 =	simm.s32 $0x0;
	s4 =	sshll.u32 s4, $0x1;
	s5 =	sadd.s32 s21, s3  }
0x9d: {  	[timem:s22], [sflag:s6] =	dma.local [hbm:s5], s4  }
0x9e: {  	_ =	swait.ge [sflag:s6], s4  }
0x9f: {  	s4 =	ssub.s32 $0x0, s4;
	[sflag:s6] =	ssyncset.done $0x0  }
0xa0: {  	[sflag:s6] =	ssyncadd.s32 s4;
	_ =	sdelay $0x1  }
0xa1: {  	s23 =	simm.s32 $0x1B8B  }
0xa2: {  	_ =	swait.ge [sflag:s23], $0x1  }
0xa3: {  	[sflag:s23] =	ssyncset.done $0x0  }
0xa4: {  	[sflag:s23] =	ssyncadd.s32 $0xFFFFFFFF  }
0xa5: {  	s4 =	sld [smem:$0x0]  }
0xa6: {  	s5 =	sand.u32 $0xFFFFFFFE, s1  }
0xa7: {  	p0 =	sne.s32 s1, s5  }
0xa8: {  	s5 =	sshll.u32 @p0 s5, $0xE  }
0xa9: {  	s5 =	sadd.s32 @p0 $0x11B8D, s5;
	s6 =	sshll.u32 @p0 s4, $0x11  }
0xaa: {  	s5 =	sor.u32 @p0 s6, s5  }
0xab: {  	[sflag:s5] =	ssyncadd.remote.s32 @p0 $0x1;
	_ =	sdelay $0x1  }
0xac: {  	s5 =	simm.s32 @p0 $0x1B8D  }
0xad: {  	_ =	swait.eq @p0 [sflag:s5], $0x1  }
0xae: {  	[sflag:s5] =	ssyncadd.s32 @p0 $0xFFFFFFFF  }
0xaf: {  	s6 =	sshll.u32 @!p0 s1, $0xE  }
0xb0: {  	s6 =	sor.u32 @!p0 $0x4000, s6;
	s5 =	simm.s32 @!p0 $0x1B8D  }
0xb1: {  	s4 =	sshll.u32 @!p0 s4, $0x11;
	s6 =	sadd.s32 @!p0 $0x11B8D, s6;
	_ =	swait.eq @!p0 [sflag:s5], $0x1  }
0xb2: {  	s4 =	sor.u32 @!p0 s4, s6;
	[sflag:s5] =	ssyncadd.s32 @!p0 $0xFFFFFFFF  }
0xb3: {  	s25 =	simm.s32 $0x1B8E;
	s24 =	sld [smem:$0x3FFE];
	[sflag:s4] =	ssyncadd.remote.s32 @!p0 $0x1  }
0xb4: {  	s26 =	simm.s32 $execute0_lowered;
	[smem:$0x3FD2] =	sst s25  }
0xb5: {  	s5 =	sshll.u32 s26, $0x1;
	_ =	strace $0x8000004C;
	[dreg:$0x1] =	wrdreg $0xFFFFFFFF  }
0xb6: {  	s28 =	simm.s32 $_size_execute0_lowered;
	s3 =	sadd.s32 s3, s5;
	[dreg:$0x0] =	wrdreg $0x0  }
0xb7: {  	s5 =	sshll.u32 s28, $0x1;
	[dreg:$0x2] =	wrdreg s3  }
0xb8: {  	[dreg:$0x3] =	wrdreg s5  }
0xb9: {  	[dreg:$0x4] =	wrdreg $0xC0  }
0xba: {  	_ =	task [dreg:s22], $0x5FFFF  }
0xbb: {  	[dreg:$0x1] =	wrdreg $0xFFFFFFFF  }
0xbc: {  	[dreg:$0x0] =	wrdreg $0x60  }
0xbd: {  	[dreg:$0x2] =	wrdreg s24  }
0xbe: {  	[dreg:$0x3] =	wrdreg $0xA8000  }
0xbf: {  	[dreg:$0x4] =	wrdreg $0x9  }
0xc0: {  	_ =	task.clear_ibuf [dreg:s22], $0x5FFFF;
	_ =	strace $0x9000004C  }
0xc1: {  	s29 =	simm.s32 $0x9;
	_ =	strace $0x8000004E  }
0xc2: {  	_ =	swait.ge [sflag:s29], $0x1  }
0xc3: {  	[sflag:s29] =	ssyncadd.s32 $0xFFFFFFFF  }
0xc4: {  	_ =	strace $0x9000004E  }
0xc5: {  	_ =	sfence  }
0xc6: {  	s30 =	sld [smem:$0x0];
	_ =	sdelay $0x2  }
0xc7: {  	s31 =	sshll.u32 s1, $0xD;
	s1 =	sshrl.u32 s1, $0x2  }
0xc8: {  	s4 =	sand.u32 $0x4000, s31;
	s1 =	sadd.s32 s1, s30  }
0xc9: {  	s0 =	sor.u32 s4, s0;
	s1 =	sshll.u32 s1, $0x11  }
0xca: {  	s0 =	sor.u32 s1, s0  }
0xcb: {  	s0 =	sadd.s32 $0x8F2B, s0  }
0xcc: {  	[sflag:s0] =	ssyncadd.remote.s32 $0x1  }
0xcd: {  	_ =	sfence.sel $0xFFFF  }
0xce: {  	[dreg:$0x0] =	wrdreg $0xFFFFFFFF;
	(pc) =	sbr.abs _section_cstart, $3  }
0xcf: {  	[dreg:$0x1] =	wrdreg $0xFFFFFFFF  }
0xd0: {  	_ =	task.clear_ibuf [dreg:s22], $0x2FFFF;
	_ =	strace $0x9FFFFFFF  }
0xd1: {  	(tm) =	ssettm $0x7FFFFFFF  }
tec
execute0_lowered:
.L_overlay_start_1:
0x0: {  	(tag) =	ssettag $0x1  }
0x1: {  	s1 =	srdreg.scid;
	s0 =	stileid.u32  }
0x2: {  	s5 =	rddreg [dreg:$0x0];
	s8 =	smul.u32 $0x280, s0  }
0x3: {  	s2 =	rddreg [dreg:$0x1];
	s9 =	smul.u32 $0x50000, s0  }
0x4: {  	s4 =	sand.u32 $0x1, s1;
	s25 =	sshll.u32 s0, $0x1;
	s17 =	smul.u32 $0x2800, s0  }
0x5: {  	s3 =	simm.s32 $0x0;
	s1 =	sor.u32 s4, s25;
	s7 =	smul.u32 $0x28000, s4  }
0x6: {  	[smem:$0x7FF] =	sst s3;
	s4 =	ssub.s32 $0x2, s4;
	s6 =	smul.u32 $0x500, s1  }
0x7: {  	s1 =	rddreg [dreg:$0x2];
	_ =	strace $0x8000004D;
	s26 =	sshrl.u32 s4, $0x1  }
0x8: {  	s28 =	sshrl.u32 s9, $0x2;
	s12 =	sadd.s32 $0x80, s8;
	s14 =	sadd.s32 $0x100, s8  }
0x9: {  	s15 =	sadd.s32 $0x180, s8;
	s16 =	sadd.s32 $0x200, s8;
	s11 =	sadd.s32 s7, s5  }
0xa: {  	s13 =	ssub.s32 s4, s26;
	s4 =	sadd.s32 s28, s2;
	s29 =	sshll.u32 s12, $0x7  }
0xb: {  	s30 =	sshll.u32 s14, $0x7;
	s31 =	sshll.u32 s15, $0x7;
	s8 =	sshll.u32 s16, $0x7  }
0xc: {  	s18 =	sshll.u32 s12, $0x4;
	s20 =	sshll.u32 s14, $0x4;
	s21 =	sshll.u32 s15, $0x4  }
0xd: {  	s22 =	sshll.u32 s16, $0x4;
	s12 =	simm.s32 $0x1;
	s14 =	simm.s32 $0x2800  }
0xe: {  	s10 =	sadd.s32 s6, s5;
	s5 =	sadd.s32 s29, s2;
	s6 =	sadd.s32 s30, s2  }
0xf: {  	s7 =	sadd.s32 s31, s2;
	s8 =	sadd.s32 s8, s2;
	s19 =	sadd.s32 $0x143C200, s11  }
0x10: {  	s11 =	simm.s32 $0x6800;
	s9 =	sadd.s32 $0x1432200, s10;
	s10 =	smax.u32 s13, $0x1  }
0x11: {  	s13 =	simm.s32 $0x80;
	s15 =	sadd.s32 s17, s19;
	s16 =	sadd.s32 s18, s19  }
0x12: {  	v0 =	vimm.f32 $0.0e+00;
	v1 =	vimm.f32 $1.000000000e+00;
	s17 =	sadd.s32 s20, s19;
	s18 =	sadd.s32 s21, s19;
	s19 =	sadd.s32 s22, s19  }
.LBB2_1:
0x13: {  	s20 =	simm.s32 $0x0;
	s21 =	simm.s32 $0x200  }
.LBB2_2:
0x14: {  	p0 =	sne.s32 s21, $0xFE00;
	[tilespmem:s20+$0x2870] =	vst v1  }
0x15: {  	[tilespmem:s20+$0x6800] =	vst v0  }
0x16: {  	[tilespmem:s20+$0x2800] =	vst v1  }
0x17: {  	[tilespmem:s20+$0x6810] =	vst v0  }
0x18: {  	[tilespmem:s20+$0x2810] =	vst v1  }
0x19: {  	[tilespmem:s20+$0x6820] =	vst v0  }
0x1a: {  	[tilespmem:s20+$0x2820] =	vst v1  }
0x1b: {  	[tilespmem:s20+$0x6830] =	vst v0  }
0x1c: {  	[tilespmem:s20+$0x2830] =	vst v1  }
0x1d: {  	[tilespmem:s20+$0x6840] =	vst v0  }
0x1e: {  	[tilespmem:s20+$0x2840] =	vst v1  }
.Ltmp0:
0x1f: {  	[tilespmem:s20+$0x6850] =	vst v0;
	(pc) =	sbr.rel @p0 .LBB2_2-.Ltmp0, $4  }
0x20: {  	[tilespmem:s20+$0x2850] =	vst v1  }
0x21: {  	[tilespmem:s20+$0x6860] =	vst v0  }
0x22: {  	[tilespmem:s20+$0x2860] =	vst v1  }
0x23: {  	[tilespmem:s20+$0x6870] =	vst v0;
	s20 =	sshra.s32 s21, $0x2;
	s21 =	sadd.s32 $0x200, s21  }
0x24: {  	[tilespmem:s20+$0x2870] =	vst v1  }
0x25: {  	[tilespmem:s20+$0x6800] =	vst v0  }
0x26: {  	[tilespmem:s20+$0x2800] =	vst v1  }
0x27: {  	[tilespmem:s20+$0x6810] =	vst v0  }
0x28: {  	[tilespmem:s20+$0x2810] =	vst v1  }
0x29: {  	[tilespmem:s20+$0x6820] =	vst v0  }
0x2a: {  	[tilespmem:s20+$0x2820] =	vst v1  }
0x2b: {  	[tilespmem:s20+$0x6830] =	vst v0  }
0x2c: {  	[tilespmem:s20+$0x2830] =	vst v1  }
0x2d: {  	[tilespmem:s20+$0x6840] =	vst v0  }
0x2e: {  	[tilespmem:s20+$0x2840] =	vst v1  }
0x2f: {  	[tilespmem:s20+$0x6850] =	vst v0  }
0x30: {  	[tilespmem:s20+$0x2850] =	vst v1  }
0x31: {  	[tilespmem:s20+$0x6860] =	vst v0  }
0x32: {  	[tilespmem:s20+$0x2860] =	vst v1  }
0x33: {  	[tilespmem:s20+$0x6870] =	vst v0  }
0x34: {  	[spmem:s4] =	stream.linear.scatter [tilespmem:s11], [sflag:$0x1], $0x4000, $0x38;
	[tilespmem:$0x1E800] =	vst v63  }
0x35: {  	_ =	swait.ge [sflag:s12], $0x4000  }
0x36: {  	[sflag:s12] =	ssyncset.done $0x0  }
0x37: {  	[sflag:s12] =	ssyncadd.s32 $0xFFFFC000  }
0x38: {  	[spmem:s5] =	stream.linear.scatter [tilespmem:s11], [sflag:$0x1], $0x4000, $0x38;
	[tilespmem:$0x1E800] =	vst v63  }
0x39: {  	_ =	swait.ge [sflag:s12], $0x4000  }
0x3a: {  	[sflag:s12] =	ssyncset.done $0x0  }
0x3b: {  	[sflag:s12] =	ssyncadd.s32 $0xFFFFC000  }
0x3c: {  	[spmem:s6] =	stream.linear.scatter [tilespmem:s11], [sflag:$0x1], $0x4000, $0x38;
	[tilespmem:$0x1E800] =	vst v63  }
0x3d: {  	_ =	swait.ge [sflag:s12], $0x4000  }
0x3e: {  	[sflag:s12] =	ssyncset.done $0x0  }
0x3f: {  	[sflag:s12] =	ssyncadd.s32 $0xFFFFC000  }
0x40: {  	[spmem:s7] =	stream.linear.scatter [tilespmem:s11], [sflag:$0x1], $0x4000, $0x38;
	[tilespmem:$0x1E800] =	vst v63  }
0x41: {  	_ =	swait.ge [sflag:s12], $0x4000  }
0x42: {  	[sflag:s12] =	ssyncset.done $0x0  }
0x43: {  	[sflag:s12] =	ssyncadd.s32 $0xFFFFC000  }
0x44: {  	[spmem:s8] =	stream.linear.scatter [tilespmem:s11], [sflag:$0x1], $0x4000, $0x38;
	[tilespmem:$0x1E800] =	vst v63  }
0x45: {  	_ =	swait.ge [sflag:s12], $0x4000  }
0x46: {  	[sflag:s12] =	ssyncset.done $0x0  }
0x47: {  	[sflag:s12] =	ssyncadd.s32 $0xFFFFC000  }
0x48: {  	s30 =	simm.s32 $0x0;
	[bflag:$0x0] =	sbarrier.arrive $0xFFFF  }
0x49: {  	[tilespmem:s30], [sflag:$0x1] =	stream.linear.gather [hbm4b:s9+s30], $0x2780, $0x38;
	[tilespmem:$0x1E800] =	vst v63  }
0x4a: {  	_ =	swait.ge [sflag:s12], $0x2780  }
0x4b: {  	[sflag:s12] =	ssyncset.done $0x0  }
0x4c: {  	s31 =	simm.s32 $0x0;
	[sflag:s12] =	ssyncadd.s32 $0xFFFFD880  }
0x4d: {  	[spmem:s2] =	stream.indirect.scatter.add.f32 [tilespmem:s14], [sflag:$0x1], $0x80, s31, s13, $0xb8;
	[tilespmem:$0x1E800] =	vst v63  }
0x4e: {  	_ =	swait.ge [sflag:s12], $0x4000  }
0x4f: {  	s20 =	simm.s32 $0x200;
	[sflag:s12] =	ssyncset.done $0x0  }
.LBB2_4:
0x50: {  	s21 =	sshra.s32 s20, $0x2;
	[sflag:s12] =	ssyncadd.s32 $0xFFFFC000;
	p0 =	sne.s32 s20, $0x9C00  }
0x51: {  	[spmem:s2] =	stream.indirect.scatter.add.f32 [tilespmem:s14], [sflag:$0x1], $0x80, s21, s13, $0xb8;
	[tilespmem:$0x1E800] =	vst v63  }
.Ltmp1:
0x52: {  	_ = 	snop;
	(pc) =	sbr.rel @p0 .LBB2_4-.Ltmp1, $4  }
0x53: {  	_ = 	snop  }
0x54: {  	s20 =	sadd.s32 $0x200, s20  }
0x55: {  	_ =	swait.ge [sflag:s12], $0x4000  }
0x56: {  	[sflag:s12] =	ssyncset.done $0x0  }
0x57: {  	[sflag:s12] =	ssyncadd.s32 $0xFFFFC000;
	s20 =	sshll.u32 s0, $0x6  }
0x58: {  	s21 =	sshrl.u32 s4, $0x3;
	[bflag:$0x0] =	sbarrier.arrive $0xFFFF;
	s20 =	sor.u32 $0x1C01, s20  }
0x59: {  	[hbm:s15], [sflag:s20] =	dma.local [spmem:s21], $0x800  }
0x5a: {  	_ =	swait.ge [sflag:s12], $0x800  }
0x5b: {  	[sflag:s12] =	ssyncset.done $0x0  }
0x5c: {  	s28 =	sshrl.u32 s5, $0x3;
	[sflag:s12] =	ssyncadd.s32 $0xFFFFF800  }
0x5d: {  	[hbm:s16], [sflag:s20] =	dma.local [spmem:s28], $0x800  }
0x5e: {  	_ =	swait.ge [sflag:s12], $0x800  }
0x5f: {  	[sflag:s12] =	ssyncset.done $0x0  }
0x60: {  	s29 =	sshrl.u32 s6, $0x3;
	[sflag:s12] =	ssyncadd.s32 $0xFFFFF800  }
0x61: {  	[hbm:s17], [sflag:s20] =	dma.local [spmem:s29], $0x800  }
0x62: {  	_ =	swait.ge [sflag:s12], $0x800  }
0x63: {  	[sflag:s12] =	ssyncset.done $0x0  }
0x64: {  	s30 =	sshrl.u32 s7, $0x3;
	[sflag:s12] =	ssyncadd.s32 $0xFFFFF800  }
0x65: {  	[hbm:s18], [sflag:s20] =	dma.local [spmem:s30], $0x800  }
0x66: {  	s3 =	sadd.s32 $0x1, s3;
	_ =	swait.ge [sflag:s12], $0x800  }
0x67: {  	p0 =	sne.s32 s3, s10;
	[sflag:s12] =	ssyncset.done $0x0  }
.Ltmp2:
0x68: {  	s31 =	sshrl.u32 s8, $0x3;
	[sflag:s12] =	ssyncadd.s32 $0xFFFFF800;
	(pc) =	sbr.rel @p0 .LBB2_1-.Ltmp2, $4  }
0x69: {  	[hbm:s19], [sflag:s20] =	dma.local [spmem:s31], $0x800  }
0x6a: {  	_ =	swait.ge [sflag:s12], $0x800  }
0x6b: {  	[sflag:s12] =	ssyncset.done $0x0  }
0x6c: {  	[sflag:s12] =	ssyncadd.s32 $0xFFFFF800  }
0x6d: {  	_ =	sfence.sel $0x180000  }
0x6e: {  	[bflag:$0x0] =	sbarrier.arrive $0xFFFF  }
0x6f: {  	p0 =	sne.s32 s0, $0x0;
	_ =	strace $0x9000004D  }
0x70: {  	s0 =	sadd.s32 @!p0 $0x100000, s1;
	[bflag:$0x2] =	sbarrier.arrive $0xFFFF  }
0x71: {  	[sflag:s0] =	ssyncadd.tile.s32 @!p0 $0x1;
	_ =	shalt  }
.Lfunc_end2:
_tile_overlayer_lowered:
.L_overlay_start_2:
0x72: {  	(tag) =	ssettag $0x2  }
0x73: {  	s0 =	rddreg [dreg:$0x0];
	s2 =	stileid.u32  }
0x74: {  	s1 =	rddreg [dreg:$0x1];
	p0 =	sne.s32 s2, $0x0  }
0x75: {  	s3 =	rddreg [dreg:$0x2];
	[bflag:$0x3] =	sbarrier.arrive $0xFFFF;
	s2 =	simm.s32 @!p0 $0x1C01  }
0x76: {  	[timem:s3], [sflag:s2] =	dma.local @!p0 [hbm:s0], s1  }
0x77: {  	s0 =	simm.s32 @!p0 $0x1  }
0x78: {  	_ =	swait.ge @!p0 [sflag:s0], s1  }
0x79: {  	s1 =	ssub.s32 @!p0 $0x0, s1;
	[sflag:s0] =	ssyncset.done @!p0 $0x0  }
0x7a: {  	[sflag:s0] =	ssyncadd.s32 @!p0 s1  }
0x7b: {  	[bflag:$0x3] =	sbarrier.arrive $0xFFFF  }
0x7c: {  	_ =	shalt  }

// kernel: kernel.31.cloned.1.call-start
scs
__scs_entry_jumppad:
0x0: {  	(pc) =	sbr.rel $0x88, $3  }
0x1: {  	(tag) =	ssettag $0x0;
	lr =	simm.s32 $0x1  }
0x2: {  	[smem:$0x3F96] =	sst lr;
	_ =	strace $0xD0000000  }
0x3: {  	_ = 	snop  }
0x4: {  	_ = 	snop  }
0x5: {  	_ = 	snop  }
0x6: {  	_ = 	snop  }
0x7: {  	_ = 	snop  }
__scs_overlays_trampoline_lowered:
0x8: {  	[smem:$0x3FA5] =	sst s0  }
0x9: {  	[smem:$0x3FA6] =	sst s1  }
0xa: {  	[smem:$0x3FA7] =	sst s2  }
0xb: {  	[smem:$0x3FA8] =	sst s3  }
0xc: {  	[smem:$0x3FA9] =	sst s4  }
0xd: {  	[smem:$0x3FAA] =	sst s5  }
0xe: {  	[smem:$0x3FAB] =	sst s6  }
0xf: {  	[smem:$0x3FAC] =	sst s7  }
0x10: {  	[smem:$0x3FAD] =	sst s8  }
0x11: {  	[smem:$0x3FAE] =	sst s9;
	s0 =	simm.s32 @!p0 $0x0  }
0x12: {  	s1 =	sld [smem:$0x3F94];
	s0 =	simm.s32 @p0 $0x1  }
0x13: {  	[smem:$0x3FAF] =	sst s0;
	s0 =	simm.s32 @!p1 $0x0  }
0x14: {  	s2 =	sld [smem:$0x3F93];
	s0 =	simm.s32 @p1 $0x1  }
0x15: {  	[smem:$0x3FB0] =	sst s0;
	s0 =	simm.s32 @!p2 $0x0  }
0x16: {  	s3 =	sld [smem:$0x3FDB];
	s0 =	simm.s32 @p2 $0x1  }
0x17: {  	s4 =	simm.s32 $0x1BF5;
	[smem:$0x3FB2] =	sst s0  }
0x18: {  	s0 =	sld [smem:$0x3F95];
	_ =	swait.ge [sflag:s4], $0x0  }
0x19: {  	s7 =	sld [smem:$0x3F96]  }
0x1a: {  	s8 =	sadd.s32 $0xFFFFE003, lr  }
0x1b: {  	s9 =	sadd.s32 $0xFFFFFEF7, lr;
	s5 =	simm.s32 $0xFFFFFFFF;
	p2 =	slt.u32 s8, $0xFFFFF086  }
0x1c: {  	p1 =	slt.u32 s9, $0xF7A;
	s5 =	simm.s32 @!p2 $0x0  }
0x1d: {  	s5 =	simm.s32 @p1 $0x1;
	p0 =	seq.s32 s7, s2  }
0x1e: {  	s7 =	smul.u32 @!p0 $0xF7A, s2;
	p2 =	seq.s32 @!p0 s5, $0x0  }
0x1f: {  	s9 =	smul.u32 $0xF7A, s1;
	s8 =	simm.s32 @!p0 $0x1BF5;
	p2 =	por !p2, p0  }
0x20: {  	[sflag:s8] =	ssyncset.s32 @!p0 $0xFFFFF086;
	s6 =	sadd.s32 @!p0 s3, s7;
	s7 =	simm.s32 @!p0 $0x108  }
0x21: {  	s3 =	sadd.s32 s3, s9;
	s6 =	sadd.s32 @!p0 $0x88, s6;
	s7 =	simm.s32 @p2 $0x1082  }
0x22: {  	[simem:s7], [sflag:s8] =	dma.local @!p0 [hbm:s6], $0xF7A  }
0x23: {  	s9 =	sor.u32 $0xD0000000, s2;
	s6 =	simm.s32 $0x108;
	_ =	swait.ge @!p0 [sflag:s8], $0x0  }
0x24: {  	s3 =	sadd.s32 $0x88, s3;
	s6 =	simm.s32 @!p1 $0x1082;
	[sflag:s4] =	ssyncset.s32 $0xFFFFF086  }
0x25: {  	[simem:s6], [sflag:s4] =	dma.local [hbm:s3], $0xF7A  }
0x26: {  	[smem:$0x3F96] =	sst s1;
	(tag) =	ssettag s2;
	_ =	strace s9  }
0x27: {  	s1 =	sld [smem:$0x3FA6]  }
0x28: {  	s2 =	sld [smem:$0x3FA7]  }
0x29: {  	s4 =	sld [smem:$0x3FA9]  }
0x2a: {  	p0 =	seq.s32 s5, $0x0;
	s5 =	sld [smem:$0x3FAA]  }
0x2b: {  	s6 =	sld [smem:$0x3FAB]  }
0x2c: {  	s7 =	sld [smem:$0x3FAC]  }
0x2d: {  	s3 =	simm.s32 $0x108;
	s8 =	sld [smem:$0x3FAD]  }
0x2e: {  	s3 =	simm.s32 @!p0 $0x1082;
	s9 =	sld [smem:$0x3FAE]  }
0x2f: {  	lr =	sadd.s32 s0, s3;
	s0 =	sld [smem:$0x3FA5]  }
0x30: {  	s3 =	sld [smem:$0x3FA8]  }
0x31: {  	[smem:$0x3FB1] =	sst s10  }
0x32: {  	s10 =	sld [smem:$0x3FAF];
	_ =	sdelay $0x3  }
0x33: {  	p0 =	seq.s32 s10, $0x1;
	s10 =	sld [smem:$0x3FB1];
	_ =	sdelay $0x3  }
0x34: {  	[smem:$0x3FB1] =	sst s10  }
0x35: {  	s10 =	sld [smem:$0x3FB0];
	_ =	sdelay $0x3  }
0x36: {  	p1 =	seq.s32 s10, $0x1;
	s10 =	sld [smem:$0x3FB1];
	_ =	sdelay $0x3  }
0x37: {  	[smem:$0x3FB1] =	sst s10  }
0x38: {  	s10 =	sld [smem:$0x3FB2]  }
0x39: {  	_ = 	snop;
	(pc) =	sbr.ind lr, $3  }
0x3a: {  	_ = 	snop  }
0x3b: {  	_ = 	snop  }
0x3c: {  	p2 =	seq.s32 s10, $0x1;
	s10 =	sld [smem:$0x3FB1]  }
0x3d: {  	_ =	shalt  }
0x3e: {  	_ =	shalt  }
0x3f: {  	_ =	shalt  }
0x40: {  	_ =	shalt  }
0x41: {  	_ =	shalt  }
0x42: {  	_ =	shalt  }
0x43: {  	_ =	shalt  }
0x44: {  	_ =	shalt  }
0x45: {  	_ =	shalt  }
0x46: {  	_ =	shalt  }
0x47: {  	_ =	shalt  }
0x48: {  	_ =	shalt  }
0x49: {  	_ =	shalt  }
0x4a: {  	_ =	shalt  }
0x4b: {  	_ =	shalt  }
0x4c: {  	_ =	shalt  }
0x4d: {  	_ =	shalt  }
0x4e: {  	_ =	shalt  }
0x4f: {  	_ =	shalt  }
0x50: {  	_ =	shalt  }
0x51: {  	_ =	shalt  }
0x52: {  	_ =	shalt  }
0x53: {  	_ =	shalt  }
0x54: {  	_ =	shalt  }
0x55: {  	_ =	shalt  }
0x56: {  	_ =	shalt  }
0x57: {  	_ =	shalt  }
0x58: {  	_ =	shalt  }
0x59: {  	_ =	shalt  }
0x5a: {  	_ =	shalt  }
0x5b: {  	_ =	shalt  }
0x5c: {  	_ =	shalt  }
0x5d: {  	_ =	shalt  }
0x5e: {  	_ =	shalt  }
0x5f: {  	_ =	shalt  }
0x60: {  	_ =	shalt  }
0x61: {  	_ =	shalt  }
0x62: {  	_ =	shalt  }
0x63: {  	_ =	shalt  }
0x64: {  	_ =	shalt  }
0x65: {  	_ =	shalt  }
0x66: {  	_ =	shalt  }
0x67: {  	_ =	shalt  }
0x68: {  	_ =	shalt  }
0x69: {  	_ =	shalt  }
0x6a: {  	_ =	shalt  }
0x6b: {  	_ =	shalt  }
0x6c: {  	_ =	shalt  }
0x6d: {  	_ =	shalt  }
0x6e: {  	_ =	shalt  }
0x6f: {  	_ =	shalt  }
0x70: {  	_ =	shalt  }
0x71: {  	_ =	shalt  }
0x72: {  	_ =	shalt  }
0x73: {  	_ =	shalt  }
0x74: {  	_ =	shalt  }
0x75: {  	_ =	shalt  }
0x76: {  	_ =	shalt  }
0x77: {  	_ =	shalt  }
0x78: {  	_ =	shalt  }
0x79: {  	_ =	shalt  }
0x7a: {  	_ =	shalt  }
0x7b: {  	_ =	shalt  }
0x7c: {  	_ =	shalt  }
0x7d: {  	_ =	shalt  }
0x7e: {  	_ =	shalt  }
0x7f: {  	_ =	shalt  }
0x80: {  	_ =	shalt  }
0x81: {  	_ =	shalt  }
0x82: {  	_ =	shalt  }
0x83: {  	_ =	shalt  }
0x84: {  	_ =	shalt  }
0x85: {  	_ =	shalt  }
0x86: {  	_ =	shalt  }
0x87: {  	_ =	shalt  }
.Lfunc_end0:
.L_simem_size_0:
called_computation.2_lowered:
.L_overlay_start_0:
0x88: {  	s2 =	sld [smem:$0x3FD9]  }
0x89: {  	s3 =	sld [smem:$0x3FFE];
	_ =	sdelay $0x1  }
0x8a: {  	s1 =	srdreg.scid  }
0x8b: {  	s0 =	sand.u32 $0x1, s1  }
0x8c: {  	s17 =	sshll.u32 s0, $0xA;
	s2 =	sadd.s32 s3, s2  }
0x8d: {  	s2 =	sadd.s32 s2, s17  }
0x8e: {  	[smem:$0x3FBD] =	sst s2  }
0x8f: {  	_ = 	snop  }
0x90: {  	s18 =	sld [smem:$0x3FD0];
	(tm) =	ssettm $0x1  }
0x91: {  	s19 =	sld [smem:$0x3FFB];
	_ =	sdelay $0x3  }
0x92: {  	_ =	strace s19  }
0x93: {  	s2 =	sld [smem:$0x3FFC];
	_ =	sdelay $0x3  }
0x94: {  	_ =	strace s2  }
0x95: {  	s2 =	sld [smem:$0x3FFD];
	_ =	sdelay $0x3  }
0x96: {  	_ =	strace s2  }
0x97: {  	_ =	strace $0x8FFFFFFF  }
0x98: {  	s20 =	sld [smem:$0x3FDB];
	_ =	sdelay $0x1  }
0x99: {  	s4 =	simm.s32 $_scs_section_size  }
0x9a: {  	s5 =	simm.s32 $_size__tile_overlayer_lowered;
	s6 =	simm.s32 $_tile_overlayer_lowered  }
0x9b: {  	s7 =	simm.s32 $0x1BFF;
	s21 =	sshll.u32 s6, $0x1;
	s4 =	sadd.s32 s4, s20  }
0x9c: {  	s22 =	simm.s32 $0x0;
	s5 =	sshll.u32 s5, $0x1;
	s6 =	sadd.s32 s21, s4  }
0x9d: {  	[timem:s22], [sflag:s7] =	dma.local [hbm:s6], s5  }
0x9e: {  	_ =	swait.ge [sflag:s7], s5  }
0x9f: {  	s5 =	ssub.s32 $0x0, s5;
	[sflag:s7] =	ssyncset.done $0x0  }
0xa0: {  	[sflag:s7] =	ssyncadd.s32 s5;
	_ =	sdelay $0x1  }
0xa1: {  	s23 =	simm.s32 $0x1B8B  }
0xa2: {  	_ =	swait.ge [sflag:s23], $0x1  }
0xa3: {  	[sflag:s23] =	ssyncset.done $0x0  }
0xa4: {  	[sflag:s23] =	ssyncadd.s32 $0xFFFFFFFF  }
0xa5: {  	s5 =	sld [smem:$0x0]  }
0xa6: {  	s6 =	sand.u32 $0xFFFFFFFE, s1  }
0xa7: {  	p0 =	sne.s32 s1, s6  }
0xa8: {  	s6 =	sshll.u32 @p0 s6, $0xE  }
0xa9: {  	s6 =	sadd.s32 @p0 $0x11B8D, s6;
	s7 =	sshll.u32 @p0 s5, $0x11  }
0xaa: {  	s6 =	sor.u32 @p0 s7, s6  }
0xab: {  	[sflag:s6] =	ssyncadd.remote.s32 @p0 $0x1;
	_ =	sdelay $0x1  }
0xac: {  	s6 =	simm.s32 @p0 $0x1B8D  }
0xad: {  	_ =	swait.eq @p0 [sflag:s6], $0x1  }
0xae: {  	[sflag:s6] =	ssyncadd.s32 @p0 $0xFFFFFFFF  }
0xaf: {  	s7 =	sshll.u32 @!p0 s1, $0xE  }
0xb0: {  	s7 =	sor.u32 @!p0 $0x4000, s7;
	s6 =	simm.s32 @!p0 $0x1B8D  }
0xb1: {  	s5 =	sshll.u32 @!p0 s5, $0x11;
	s7 =	sadd.s32 @!p0 $0x11B8D, s7;
	_ =	swait.eq @!p0 [sflag:s6], $0x1  }
0xb2: {  	s5 =	sor.u32 @!p0 s5, s7;
	[sflag:s6] =	ssyncadd.s32 @!p0 $0xFFFFFFFF  }
0xb3: {  	s25 =	simm.s32 $0x1B8E;
	s24 =	sld [smem:$0x3FFE];
	[sflag:s5] =	ssyncadd.remote.s32 @!p0 $0x1  }
0xb4: {  	s26 =	simm.s32 $execute0_lowered;
	[smem:$0x3FD2] =	sst s25  }
0xb5: {  	s6 =	sshll.u32 s26, $0x1;
	_ =	strace $0x80000049;
	[dreg:$0x1] =	wrdreg $0xFFFFFFFF  }
0xb6: {  	s28 =	simm.s32 $_size_execute0_lowered;
	s4 =	sadd.s32 s4, s6;
	[dreg:$0x0] =	wrdreg $0x0  }
0xb7: {  	s6 =	sshll.u32 s28, $0x1;
	[dreg:$0x2] =	wrdreg s4  }
0xb8: {  	[dreg:$0x3] =	wrdreg s6  }
0xb9: {  	[dreg:$0x4] =	wrdreg $0xC0  }
0xba: {  	_ =	task [dreg:s22], $0x5FFFF  }
0xbb: {  	[dreg:$0x1] =	wrdreg $0xFFFFFFFF  }
0xbc: {  	[dreg:$0x0] =	wrdreg $0x60  }
0xbd: {  	[dreg:$0x2] =	wrdreg s18  }
0xbe: {  	[dreg:$0x3] =	wrdreg s24  }
0xbf: {  	[dreg:$0x4] =	wrdreg $0xB  }
0xc0: {  	_ =	task.clear_ibuf [dreg:s22], $0x5FFFF;
	_ =	strace $0x90000049  }
0xc1: {  	s29 =	simm.s32 $0xB;
	_ =	strace $0x8000004B  }
0xc2: {  	_ =	swait.ge [sflag:s29], $0x1  }
0xc3: {  	[sflag:s29] =	ssyncadd.s32 $0xFFFFFFFF  }
0xc4: {  	_ =	strace $0x9000004B  }
0xc5: {  	_ =	sfence  }
0xc6: {  	s30 =	sld [smem:$0x0];
	_ =	sdelay $0x2  }
0xc7: {  	s31 =	sshll.u32 s1, $0xD;
	s1 =	sshrl.u32 s1, $0x2  }
0xc8: {  	s4 =	sand.u32 $0x4000, s31;
	s1 =	sadd.s32 s1, s30  }
0xc9: {  	s0 =	sor.u32 s4, s0;
	s1 =	sshll.u32 s1, $0x11  }
0xca: {  	s0 =	sor.u32 s1, s0  }
0xcb: {  	s0 =	sadd.s32 $0x8F2B, s0  }
0xcc: {  	[sflag:s0] =	ssyncadd.remote.s32 $0x1  }
0xcd: {  	_ =	sfence.sel $0xFFFF  }
0xce: {  	[dreg:$0x0] =	wrdreg $0xFFFFFFFF;
	(pc) =	sbr.abs _section_cstart, $3  }
0xcf: {  	[dreg:$0x1] =	wrdreg $0xFFFFFFFF  }
0xd0: {  	_ =	task.clear_ibuf [dreg:s22], $0x2FFFF;
	_ =	strace $0x9FFFFFFF  }
0xd1: {  	(tm) =	ssettm $0x7FFFFFFF  }
tec
execute0_lowered:
.L_overlay_start_1:
0x0: {  	(tag) =	ssettag $0x1  }
0x1: {  	s2 =	rddreg [dreg:$0x0];
	s1 =	srdreg.scid  }
0x2: {  	s0 =	stileid.u32;
	s5 =	rddreg [dreg:$0x1]  }
0x3: {  	s3 =	simm.s32 $0x0;
	s11 =	simm.s32 $0x2800;
	s12 =	simm.s32 $0x80  }
0x4: {  	s13 =	simm.s32 $0x5000;
	s14 =	simm.s32 $0x9000;
	s15 =	simm.s32 $0x1  }
0x5: {  	s16 =	simm.s32 $0x2;
	s17 =	simm.s32 $0x0;
	s6 =	sand.u32 $0x1, s1  }
0x6: {  	s4 =	sshll.u32 s0, $0x1;
	[smem:$0x7FF] =	sst s3;
	s8 =	smul.u32 $0x4F000, s0  }
0x7: {  	s4 =	sor.u32 s6, s4;
	s9 =	ssub.s32 $0x2, s6;
	s6 =	smul.u32 $0x27800, s6  }
0x8: {  	s1 =	rddreg [dreg:$0x2];
	_ =	strace $0x8000004A;
	s7 =	smul.u32 $0x500, s4  }
0x9: {  	s4 =	sadd.s32 $0xA2B000, s5;
	s8 =	sadd.s32 s8, s5;
	s31 =	sshrl.u32 s9, $0x1  }
0xa: {  	s9 =	ssub.s32 s9, s31;
	s10 =	sadd.s32 s6, s8;
	s7 =	sadd.s32 s7, s5  }
0xb: {  	s8 =	sadd.s32 $0xF42200, s10;
	s5 =	sadd.s32 $0x16E00, s7;
	s6 =	sadd.s32 $0xCE00, s7  }
0xc: {  	s7 =	smax.u32 s9, $0x1;
	s9 =	sadd.s32 $0xA52200, s10;
	s10 =	simm.s32 $0x3  }
.LBB2_1:
0xd: {  	[tilespmem:s3], [sflag:$0x3] =	stream.linear.gather [hbm4b:s5+s3], $0x2780, $0x38;
	[tilespmem:$0xD000] =	vst v63  }
0xe: {  	_ =	swait.ge [sflag:s10], $0x2780  }
0xf: {  	[sflag:s10] =	ssyncset.done $0x0  }
0x10: {  	[sflag:s10] =	ssyncadd.s32 $0xFFFFD880  }
0x11: {  	[tilespmem:s11], [sflag:$0x3] =	stream.linear.gather [hbm4b:s6+s3], $0x2780, $0x38;
	[tilespmem:$0xD000] =	vst v63  }
0x12: {  	_ =	swait.ge [sflag:s10], $0x2780  }
0x13: {  	[sflag:s10] =	ssyncset.done $0x0  }
0x14: {  	s18 =	simm.s32 $0x0;
	[sflag:s10] =	ssyncadd.s32 $0xFFFFD880  }
0x15: {  	[tilespmem:s13], [sflag:$0x1] =	stream.indirect.gather [hbm4b:s2+s12], $0x80, s18, s12, $0xb8;
	[tilespmem:$0xD000] =	vst v63  }
0x16: {  	s31 =	simm.s32 $0x2800  }
0x17: {  	[tilespmem:s14], [sflag:$0x2] =	stream.indirect.gather [hbm4b:s4+s12], $0x80, s31, s12, $0xb8;
	[tilespmem:$0xD000] =	vst v63  }
0x18: {  	_ =	swait.ge [sflag:s15], $0x4000  }
0x19: {  	[sflag:s15] =	ssyncset.done $0x0  }
0x1a: {  	[sflag:s15] =	ssyncadd.s32 $0xFFFFC000  }
0x1b: {  	_ =	swait.ge [sflag:s16], $0x4000  }
0x1c: {  	[sflag:s16] =	ssyncset.done $0x0  }
0x1d: {  	[sflag:s16] =	ssyncadd.s32 $0xFFFFC000  }
0x1e: {  	[hbm4b:s9+s3] =	stream.linear.scatter [tilespmem:s13], [sflag:$0x3], $0x4000, $0x38;
	[tilespmem:$0xD000] =	vst v63  }
0x1f: {  	_ =	swait.ge [sflag:s10], $0x4000  }
0x20: {  	[sflag:s10] =	ssyncset.done $0x0  }
0x21: {  	[sflag:s10] =	ssyncadd.s32 $0xFFFFC000  }
0x22: {  	[hbm4b:s8+s3] =	stream.linear.scatter [tilespmem:s14], [sflag:$0x3], $0x4000, $0x38;
	[tilespmem:$0xD000] =	vst v63  }
0x23: {  	s20 =	simm.s32 $0x200;
	s21 =	simm.s32 $0x400;
	_ =	swait.ge [sflag:s10], $0x4000  }
0x24: {  	s19 =	sadd.s32 $0x800, s9;
	s18 =	sadd.s32 $0x800, s8;
	[sflag:s10] =	ssyncset.done $0x0  }
.LBB2_2:
0x25: {  	s22 =	sshra.s32 s20, $0x2  }
0x26: {  	[sflag:s10] =	ssyncadd.s32 $0xFFFFC000;
	s20 =	smov.u32 s21;
	s23 =	sadd.s32 $0x200, s21  }
0x27: {  	[tilespmem:s13], [sflag:$0x1] =	stream.indirect.gather [hbm4b:s2+s12], $0x80, s22, s12, $0xb8;
	[tilespmem:$0xD000] =	vst v63  }
0x28: {  	p0 =	sne.s32 s21, $0x9C00;
	s21 =	sadd.s32 $0x2800, s22  }
0x29: {  	[tilespmem:s14], [sflag:$0x2] =	stream.indirect.gather [hbm4b:s4+s12], $0x80, s21, s12, $0xb8;
	[tilespmem:$0xD000] =	vst v63  }
0x2a: {  	_ =	swait.ge [sflag:s15], $0x4000  }
0x2b: {  	[sflag:s15] =	ssyncset.done $0x0  }
0x2c: {  	[sflag:s15] =	ssyncadd.s32 $0xFFFFC000  }
0x2d: {  	_ =	swait.ge [sflag:s16], $0x4000  }
0x2e: {  	[sflag:s16] =	ssyncset.done $0x0  }
0x2f: {  	[sflag:s16] =	ssyncadd.s32 $0xFFFFC000  }
0x30: {  	[hbm4b:s19+s3] =	stream.linear.scatter [tilespmem:s13], [sflag:$0x3], $0x4000, $0x38;
	[tilespmem:$0xD000] =	vst v63  }
0x31: {  	_ =	swait.ge [sflag:s10], $0x4000  }
.Ltmp0:
0x32: {  	[sflag:s10] =	ssyncset.done $0x0;
	(pc) =	sbr.rel @p0 .LBB2_2-.Ltmp0, $4  }
0x33: {  	[sflag:s10] =	ssyncadd.s32 $0xFFFFC000  }
0x34: {  	[hbm4b:s18+s3] =	stream.linear.scatter [tilespmem:s14], [sflag:$0x3], $0x4000, $0x38;
	[tilespmem:$0xD000] =	vst v63  }
0x35: {  	s21 =	smov.u32 s23;
	_ =	swait.ge [sflag:s10], $0x4000  }
0x36: {  	s19 =	sadd.s32 $0x800, s19;
	s18 =	sadd.s32 $0x800, s18;
	[sflag:s10] =	ssyncset.done $0x0  }
0x37: {  	s20 =	sshra.s32 s20, $0x2;
	[sflag:s10] =	ssyncadd.s32 $0xFFFFC000  }
0x38: {  	[tilespmem:s13], [sflag:$0x1] =	stream.indirect.gather [hbm4b:s2+s12], $0x80, s20, s12, $0xb8;
	[tilespmem:$0xD000] =	vst v63  }
0x39: {  	s20 =	sadd.s32 $0x2800, s20  }
0x3a: {  	[tilespmem:s14], [sflag:$0x2] =	stream.indirect.gather [hbm4b:s4+s12], $0x80, s20, s12, $0xb8;
	[tilespmem:$0xD000] =	vst v63  }
0x3b: {  	_ =	swait.ge [sflag:s15], $0x4000  }
0x3c: {  	[sflag:s15] =	ssyncset.done $0x0  }
0x3d: {  	[sflag:s15] =	ssyncadd.s32 $0xFFFFC000  }
0x3e: {  	_ =	swait.ge [sflag:s16], $0x4000  }
0x3f: {  	[sflag:s16] =	ssyncset.done $0x0  }
0x40: {  	[sflag:s16] =	ssyncadd.s32 $0xFFFFC000  }
0x41: {  	[hbm4b:s19+s3] =	stream.linear.scatter [tilespmem:s13], [sflag:$0x3], $0x4000, $0x38;
	[tilespmem:$0xD000] =	vst v63  }
0x42: {  	s17 =	sadd.s32 $0x1, s17;
	_ =	swait.ge [sflag:s10], $0x4000  }
0x43: {  	p0 =	sne.s32 s17, s7;
	[sflag:s10] =	ssyncset.done $0x0  }
.Ltmp1:
0x44: {  	[sflag:s10] =	ssyncadd.s32 $0xFFFFC000;
	(pc) =	sbr.rel @p0 .LBB2_1-.Ltmp1, $4  }
0x45: {  	[hbm4b:s18+s3] =	stream.linear.scatter [tilespmem:s14], [sflag:$0x3], $0x4000, $0x38;
	[tilespmem:$0xD000] =	vst v63  }
0x46: {  	_ =	swait.ge [sflag:s10], $0x4000  }
0x47: {  	[sflag:s10] =	ssyncset.done $0x0  }
0x48: {  	[sflag:s10] =	ssyncadd.s32 $0xFFFFC000  }
0x49: {  	_ =	sfence.sel $0x180000  }
0x4a: {  	[bflag:$0x0] =	sbarrier.arrive $0xFFFF  }
0x4b: {  	p0 =	sne.s32 s0, $0x0;
	_ =	strace $0x9000004A  }
0x4c: {  	s0 =	sadd.s32 @!p0 $0x100000, s1;
	[bflag:$0x2] =	sbarrier.arrive $0xFFFF  }
0x4d: {  	[sflag:s0] =	ssyncadd.tile.s32 @!p0 $0x1;
	_ =	shalt  }
.Lfunc_end2:
_tile_overlayer_lowered:
.L_overlay_start_2:
0x4e: {  	(tag) =	ssettag $0x2  }
0x4f: {  	s0 =	rddreg [dreg:$0x0];
	s2 =	stileid.u32  }
0x50: {  	s1 =	rddreg [dreg:$0x1];
	p0 =	sne.s32 s2, $0x0  }
0x51: {  	s3 =	rddreg [dreg:$0x2];
	[bflag:$0x3] =	sbarrier.arrive $0xFFFF;
	s2 =	simm.s32 @!p0 $0x1C03  }
0x52: {  	[timem:s3], [sflag:s2] =	dma.local @!p0 [hbm:s0], s1  }
0x53: {  	s0 =	simm.s32 @!p0 $0x3  }
0x54: {  	_ =	swait.ge @!p0 [sflag:s0], s1  }
0x55: {  	s1 =	ssub.s32 @!p0 $0x0, s1;
	[sflag:s0] =	ssyncset.done @!p0 $0x0  }
0x56: {  	[sflag:s0] =	ssyncadd.s32 @!p0 s1  }
0x57: {  	[bflag:$0x3] =	sbarrier.arrive $0xFFFF  }
0x58: {  	_ =	shalt  }

// kernel: kernel.34.cloned.1.call-start
scs
__scs_entry_jumppad:
0x0: {  	(pc) =	sbr.rel $0x88, $3  }
0x1: {  	(tag) =	ssettag $0x0;
	lr =	simm.s32 $0x1  }
0x2: {  	[smem:$0x3F96] =	sst lr;
	_ =	strace $0xD0000000  }
0x3: {  	_ = 	snop  }
0x4: {  	_ = 	snop  }
0x5: {  	_ = 	snop  }
0x6: {  	_ = 	snop  }
0x7: {  	_ = 	snop  }
__scs_overlays_trampoline_lowered:
0x8: {  	[smem:$0x3FA5] =	sst s0  }
0x9: {  	[smem:$0x3FA6] =	sst s1  }
0xa: {  	[smem:$0x3FA7] =	sst s2  }
0xb: {  	[smem:$0x3FA8] =	sst s3  }
0xc: {  	[smem:$0x3FA9] =	sst s4  }
0xd: {  	[smem:$0x3FAA] =	sst s5  }
0xe: {  	[smem:$0x3FAB] =	sst s6  }
0xf: {  	[smem:$0x3FAC] =	sst s7  }
0x10: {  	[smem:$0x3FAD] =	sst s8  }
0x11: {  	[smem:$0x3FAE] =	sst s9;
	s0 =	simm.s32 @!p0 $0x0  }
0x12: {  	s1 =	sld [smem:$0x3F94];
	s0 =	simm.s32 @p0 $0x1  }
0x13: {  	[smem:$0x3FAF] =	sst s0;
	s0 =	simm.s32 @!p1 $0x0  }
0x14: {  	s2 =	sld [smem:$0x3F93];
	s0 =	simm.s32 @p1 $0x1  }
0x15: {  	[smem:$0x3FB0] =	sst s0;
	s0 =	simm.s32 @!p2 $0x0  }
0x16: {  	s3 =	sld [smem:$0x3FDB];
	s0 =	simm.s32 @p2 $0x1  }
0x17: {  	s4 =	simm.s32 $0x1BF5;
	[smem:$0x3FB2] =	sst s0  }
0x18: {  	s0 =	sld [smem:$0x3F95];
	_ =	swait.ge [sflag:s4], $0x0  }
0x19: {  	s7 =	sld [smem:$0x3F96]  }
0x1a: {  	s8 =	sadd.s32 $0xFFFFE003, lr  }
0x1b: {  	s9 =	sadd.s32 $0xFFFFFEF7, lr;
	s5 =	simm.s32 $0xFFFFFFFF;
	p2 =	slt.u32 s8, $0xFFFFF086  }
0x1c: {  	p1 =	slt.u32 s9, $0xF7A;
	s5 =	simm.s32 @!p2 $0x0  }
0x1d: {  	s5 =	simm.s32 @p1 $0x1;
	p0 =	seq.s32 s7, s2  }
0x1e: {  	s7 =	smul.u32 @!p0 $0xF7A, s2;
	p2 =	seq.s32 @!p0 s5, $0x0  }
0x1f: {  	s9 =	smul.u32 $0xF7A, s1;
	s8 =	simm.s32 @!p0 $0x1BF5;
	p2 =	por !p2, p0  }
0x20: {  	[sflag:s8] =	ssyncset.s32 @!p0 $0xFFFFF086;
	s6 =	sadd.s32 @!p0 s3, s7;
	s7 =	simm.s32 @!p0 $0x108  }
0x21: {  	s3 =	sadd.s32 s3, s9;
	s6 =	sadd.s32 @!p0 $0x88, s6;
	s7 =	simm.s32 @p2 $0x1082  }
0x22: {  	[simem:s7], [sflag:s8] =	dma.local @!p0 [hbm:s6], $0xF7A  }
0x23: {  	s9 =	sor.u32 $0xD0000000, s2;
	s6 =	simm.s32 $0x108;
	_ =	swait.ge @!p0 [sflag:s8], $0x0  }
0x24: {  	s3 =	sadd.s32 $0x88, s3;
	s6 =	simm.s32 @!p1 $0x1082;
	[sflag:s4] =	ssyncset.s32 $0xFFFFF086  }
0x25: {  	[simem:s6], [sflag:s4] =	dma.local [hbm:s3], $0xF7A  }
0x26: {  	[smem:$0x3F96] =	sst s1;
	(tag) =	ssettag s2;
	_ =	strace s9  }
0x27: {  	s1 =	sld [smem:$0x3FA6]  }
0x28: {  	s2 =	sld [smem:$0x3FA7]  }
0x29: {  	s4 =	sld [smem:$0x3FA9]  }
0x2a: {  	p0 =	seq.s32 s5, $0x0;
	s5 =	sld [smem:$0x3FAA]  }
0x2b: {  	s6 =	sld [smem:$0x3FAB]  }
0x2c: {  	s7 =	sld [smem:$0x3FAC]  }
0x2d: {  	s3 =	simm.s32 $0x108;
	s8 =	sld [smem:$0x3FAD]  }
0x2e: {  	s3 =	simm.s32 @!p0 $0x1082;
	s9 =	sld [smem:$0x3FAE]  }
0x2f: {  	lr =	sadd.s32 s0, s3;
	s0 =	sld [smem:$0x3FA5]  }
0x30: {  	s3 =	sld [smem:$0x3FA8]  }
0x31: {  	[smem:$0x3FB1] =	sst s10  }
0x32: {  	s10 =	sld [smem:$0x3FAF];
	_ =	sdelay $0x3  }
0x33: {  	p0 =	seq.s32 s10, $0x1;
	s10 =	sld [smem:$0x3FB1];
	_ =	sdelay $0x3  }
0x34: {  	[smem:$0x3FB1] =	sst s10  }
0x35: {  	s10 =	sld [smem:$0x3FB0];
	_ =	sdelay $0x3  }
0x36: {  	p1 =	seq.s32 s10, $0x1;
	s10 =	sld [smem:$0x3FB1];
	_ =	sdelay $0x3  }
0x37: {  	[smem:$0x3FB1] =	sst s10  }
0x38: {  	s10 =	sld [smem:$0x3FB2]  }
0x39: {  	_ = 	snop;
	(pc) =	sbr.ind lr, $3  }
0x3a: {  	_ = 	snop  }
0x3b: {  	_ = 	snop  }
0x3c: {  	p2 =	seq.s32 s10, $0x1;
	s10 =	sld [smem:$0x3FB1]  }
0x3d: {  	_ =	shalt  }
0x3e: {  	_ =	shalt  }
0x3f: {  	_ =	shalt  }
0x40: {  	_ =	shalt  }
0x41: {  	_ =	shalt  }
0x42: {  	_ =	shalt  }
0x43: {  	_ =	shalt  }
0x44: {  	_ =	shalt  }
0x45: {  	_ =	shalt  }
0x46: {  	_ =	shalt  }
0x47: {  	_ =	shalt  }
0x48: {  	_ =	shalt  }
0x49: {  	_ =	shalt  }
0x4a: {  	_ =	shalt  }
0x4b: {  	_ =	shalt  }
0x4c: {  	_ =	shalt  }
0x4d: {  	_ =	shalt  }
0x4e: {  	_ =	shalt  }
0x4f: {  	_ =	shalt  }
0x50: {  	_ =	shalt  }
0x51: {  	_ =	shalt  }
0x52: {  	_ =	shalt  }
0x53: {  	_ =	shalt  }
0x54: {  	_ =	shalt  }
0x55: {  	_ =	shalt  }
0x56: {  	_ =	shalt  }
0x57: {  	_ =	shalt  }
0x58: {  	_ =	shalt  }
0x59: {  	_ =	shalt  }
0x5a: {  	_ =	shalt  }
0x5b: {  	_ =	shalt  }
0x5c: {  	_ =	shalt  }
0x5d: {  	_ =	shalt  }
0x5e: {  	_ =	shalt  }
0x5f: {  	_ =	shalt  }
0x60: {  	_ =	shalt  }
0x61: {  	_ =	shalt  }
0x62: {  	_ =	shalt  }
0x63: {  	_ =	shalt  }
0x64: {  	_ =	shalt  }
0x65: {  	_ =	shalt  }
0x66: {  	_ =	shalt  }
0x67: {  	_ =	shalt  }
0x68: {  	_ =	shalt  }
0x69: {  	_ =	shalt  }
0x6a: {  	_ =	shalt  }
0x6b: {  	_ =	shalt  }
0x6c: {  	_ =	shalt  }
0x6d: {  	_ =	shalt  }
0x6e: {  	_ =	shalt  }
0x6f: {  	_ =	shalt  }
0x70: {  	_ =	shalt  }
0x71: {  	_ =	shalt  }
0x72: {  	_ =	shalt  }
0x73: {  	_ =	shalt  }
0x74: {  	_ =	shalt  }
0x75: {  	_ =	shalt  }
0x76: {  	_ =	shalt  }
0x77: {  	_ =	shalt  }
0x78: {  	_ =	shalt  }
0x79: {  	_ =	shalt  }
0x7a: {  	_ =	shalt  }
0x7b: {  	_ =	shalt  }
0x7c: {  	_ =	shalt  }
0x7d: {  	_ =	shalt  }
0x7e: {  	_ =	shalt  }
0x7f: {  	_ =	shalt  }
0x80: {  	_ =	shalt  }
0x81: {  	_ =	shalt  }
0x82: {  	_ =	shalt  }
0x83: {  	_ =	shalt  }
0x84: {  	_ =	shalt  }
0x85: {  	_ =	shalt  }
0x86: {  	_ =	shalt  }
0x87: {  	_ =	shalt  }
.Lfunc_end0:
.L_simem_size_0:
called_computation.3_lowered:
.L_overlay_start_0:
0x88: {  	s2 =	sld [smem:$0x3FD9]  }
0x89: {  	s3 =	sld [smem:$0x3FFE];
	_ =	sdelay $0x1  }
0x8a: {  	s1 =	srdreg.scid  }
0x8b: {  	s0 =	sand.u32 $0x1, s1  }
0x8c: {  	s17 =	sshll.u32 s0, $0xA;
	s2 =	sadd.s32 s3, s2  }
0x8d: {  	s2 =	sadd.s32 s2, s17  }
0x8e: {  	[smem:$0x3FBD] =	sst s2  }
0x8f: {  	_ = 	snop  }
0x90: {  	(tm) =	ssettm $0x1  }
0x91: {  	s18 =	sld [smem:$0x3FFB];
	_ =	sdelay $0x3  }
0x92: {  	_ =	strace s18  }
0x93: {  	s2 =	sld [smem:$0x3FFC];
	_ =	sdelay $0x3  }
0x94: {  	_ =	strace s2  }
0x95: {  	s2 =	sld [smem:$0x3FFD];
	_ =	sdelay $0x3  }
0x96: {  	_ =	strace s2  }
0x97: {  	_ =	strace $0x8FFFFFFF  }
0x98: {  	s19 =	sld [smem:$0x3FDB];
	_ =	sdelay $0x1  }
0x99: {  	s20 =	simm.s32 $_scs_section_size  }
0x9a: {  	s4 =	simm.s32 $_size__tile_overlayer_lowered;
	s5 =	simm.s32 $_tile_overlayer_lowered  }
0x9b: {  	s6 =	simm.s32 $0x1BFF;
	s21 =	sshll.u32 s5, $0x1;
	s3 =	sadd.s32 s20, s19  }
0x9c: {  	s22 =	simm.s32 $0x0;
	s4 =	sshll.u32 s4, $0x1;
	s5 =	sadd.s32 s21, s3  }
0x9d: {  	[timem:s22], [sflag:s6] =	dma.local [hbm:s5], s4  }
0x9e: {  	_ =	swait.ge [sflag:s6], s4  }
0x9f: {  	s4 =	ssub.s32 $0x0, s4;
	[sflag:s6] =	ssyncset.done $0x0  }
0xa0: {  	[sflag:s6] =	ssyncadd.s32 s4;
	_ =	sdelay $0x1  }
0xa1: {  	s23 =	simm.s32 $0x1B8B  }
0xa2: {  	_ =	swait.ge [sflag:s23], $0x1  }
0xa3: {  	[sflag:s23] =	ssyncset.done $0x0  }
0xa4: {  	[sflag:s23] =	ssyncadd.s32 $0xFFFFFFFF  }
0xa5: {  	s4 =	sld [smem:$0x0]  }
0xa6: {  	s5 =	sand.u32 $0xFFFFFFFE, s1  }
0xa7: {  	p0 =	sne.s32 s1, s5  }
0xa8: {  	s5 =	sshll.u32 @p0 s5, $0xE  }
0xa9: {  	s5 =	sadd.s32 @p0 $0x11B8D, s5;
	s6 =	sshll.u32 @p0 s4, $0x11  }
0xaa: {  	s5 =	sor.u32 @p0 s6, s5  }
0xab: {  	[sflag:s5] =	ssyncadd.remote.s32 @p0 $0x1;
	_ =	sdelay $0x1  }
0xac: {  	s5 =	simm.s32 @p0 $0x1B8D  }
0xad: {  	_ =	swait.eq @p0 [sflag:s5], $0x1  }
0xae: {  	[sflag:s5] =	ssyncadd.s32 @p0 $0xFFFFFFFF  }
0xaf: {  	s6 =	sshll.u32 @!p0 s1, $0xE  }
0xb0: {  	s6 =	sor.u32 @!p0 $0x4000, s6;
	s5 =	simm.s32 @!p0 $0x1B8D  }
0xb1: {  	s4 =	sshll.u32 @!p0 s4, $0x11;
	s6 =	sadd.s32 @!p0 $0x11B8D, s6;
	_ =	swait.eq @!p0 [sflag:s5], $0x1  }
0xb2: {  	s4 =	sor.u32 @!p0 s4, s6;
	[sflag:s5] =	ssyncadd.s32 @!p0 $0xFFFFFFFF  }
0xb3: {  	s25 =	simm.s32 $0x1B8E;
	s24 =	sld [smem:$0x3FFE];
	[sflag:s4] =	ssyncadd.remote.s32 @!p0 $0x1  }
0xb4: {  	s26 =	simm.s32 $execute0_lowered;
	[smem:$0x3FD2] =	sst s25  }
0xb5: {  	s5 =	sshll.u32 s26, $0x1;
	_ =	strace $0x8000004F;
	[dreg:$0x1] =	wrdreg $0xFFFFFFFF  }
0xb6: {  	s28 =	simm.s32 $_size_execute0_lowered;
	s3 =	sadd.s32 s3, s5;
	[dreg:$0x0] =	wrdreg $0x0  }
0xb7: {  	s5 =	sshll.u32 s28, $0x1;
	[dreg:$0x2] =	wrdreg s3  }
0xb8: {  	[dreg:$0x3] =	wrdreg s5  }
0xb9: {  	[dreg:$0x4] =	wrdreg $0xC0  }
0xba: {  	_ =	task [dreg:s22], $0x5FFFF  }
0xbb: {  	[dreg:$0x1] =	wrdreg $0xFFFFFFFF  }
0xbc: {  	[dreg:$0x0] =	wrdreg $0x60  }
0xbd: {  	[dreg:$0x2] =	wrdreg s24  }
0xbe: {  	[dreg:$0x3] =	wrdreg $0xA8000  }
0xbf: {  	[dreg:$0x4] =	wrdreg $0xA  }
0xc0: {  	_ =	task.clear_ibuf [dreg:s22], $0x5FFFF;
	_ =	strace $0x9000004F  }
0xc1: {  	s29 =	simm.s32 $0xA;
	_ =	strace $0x80000051  }
0xc2: {  	_ =	swait.ge [sflag:s29], $0x1  }
0xc3: {  	[sflag:s29] =	ssyncadd.s32 $0xFFFFFFFF  }
0xc4: {  	_ =	strace $0x90000051  }
0xc5: {  	_ =	sfence  }
0xc6: {  	s30 =	sld [smem:$0x0];
	_ =	sdelay $0x2  }
0xc7: {  	s31 =	sshll.u32 s1, $0xD;
	s1 =	sshrl.u32 s1, $0x2  }
0xc8: {  	s4 =	sand.u32 $0x4000, s31;
	s1 =	sadd.s32 s1, s30  }
0xc9: {  	s0 =	sor.u32 s4, s0;
	s1 =	sshll.u32 s1, $0x11  }
0xca: {  	s0 =	sor.u32 s1, s0  }
0xcb: {  	s0 =	sadd.s32 $0x8F2B, s0  }
0xcc: {  	[sflag:s0] =	ssyncadd.remote.s32 $0x1  }
0xcd: {  	_ =	sfence.sel $0xFFFF  }
0xce: {  	[dreg:$0x0] =	wrdreg $0xFFFFFFFF;
	(pc) =	sbr.abs _section_cstart, $3  }
0xcf: {  	[dreg:$0x1] =	wrdreg $0xFFFFFFFF  }
0xd0: {  	_ =	task.clear_ibuf [dreg:s22], $0x2FFFF;
	_ =	strace $0x9FFFFFFF  }
0xd1: {  	(tm) =	ssettm $0x7FFFFFFF  }
tec
execute0_lowered:
.L_overlay_start_1:
0x0: {  	(tag) =	ssettag $0x1  }
0x1: {  	s0 =	stileid.u32;
	s1 =	srdreg.scid  }
0x2: {  	s4 =	rddreg [dreg:$0x0];
	s5 =	smul.u32 $0x4F000, s0  }
0x3: {  	s2 =	rddreg [dreg:$0x1];
	s8 =	smul.u32 $0x280, s0  }
0x4: {  	s3 =	simm.s32 $0x0;
	s10 =	sand.u32 $0x1, s1;
	s9 =	smul.u32 $0x50000, s0  }
0x5: {  	s23 =	sshll.u32 s0, $0x1;
	s1 =	rddreg [dreg:$0x2];
	s19 =	smul.u32 $0x2800, s0  }
0x6: {  	[smem:$0x7FF] =	sst s3;
	s6 =	sor.u32 s10, s23;
	s7 =	smul.u32 $0x28000, s10  }
0x7: {  	_ =	strace $0x80000050;
	s24 =	ssub.s32 $0x2, s10;
	s10 =	smul.u32 $0x27800, s10  }
0x8: {  	s6 =	smul.u32 $0x500, s6;
	s11 =	sadd.s32 s5, s4;
	s25 =	sshrl.u32 s24, $0x1  }
0x9: {  	s26 =	sshrl.u32 s9, $0x2;
	s15 =	sadd.s32 $0x80, s8;
	s16 =	sadd.s32 $0x100, s8  }
0xa: {  	s17 =	sadd.s32 $0x180, s8;
	s18 =	sadd.s32 $0x200, s8;
	s13 =	sadd.s32 s7, s4  }
0xb: {  	s14 =	ssub.s32 s24, s25;
	s28 =	sshll.u32 s15, $0x7;
	s29 =	sshll.u32 s16, $0x7  }
0xc: {  	s30 =	sshll.u32 s17, $0x7;
	s31 =	sshll.u32 s18, $0x7;
	s21 =	sshll.u32 s15, $0x4  }
0xd: {  	s22 =	sshll.u32 s16, $0x4;
	s23 =	sshll.u32 s17, $0x4;
	s24 =	sshll.u32 s18, $0x4  }
0xe: {  	s11 =	sadd.s32 s10, s11;
	s15 =	simm.s32 $0x80;
	s12 =	sadd.s32 s6, s4  }
0xf: {  	s4 =	sadd.s32 s26, s2;
	s5 =	sadd.s32 s28, s2;
	s6 =	sadd.s32 s29, s2  }
0x10: {  	s7 =	sadd.s32 s30, s2;
	s9 =	sadd.s32 s31, s2;
	s20 =	sadd.s32 $0x510E00, s13  }
0x11: {  	s10 =	smax.u32 s14, $0x1;
	s11 =	sadd.s32 $0x20E00, s11;
	s13 =	simm.s32 $0x1  }
0x12: {  	s14 =	simm.s32 $0x2800;
	s8 =	sadd.s32 $0x1432200, s12;
	s12 =	simm.s32 $0x6800  }
0x13: {  	s16 =	sadd.s32 s19, s20;
	s17 =	sadd.s32 s21, s20;
	s18 =	sadd.s32 s22, s20  }
0x14: {  	v0 =	vimm.f32 $0.0e+00;
	s19 =	sadd.s32 s23, s20;
	s20 =	sadd.s32 s24, s20;
	s21 =	simm.s32 $0x0  }
.LBB2_1:
0x15: {  	s22 =	simm.s32 $0x0;
	s23 =	simm.s32 $0x200  }
.LBB2_2:
0x16: {  	p0 =	sne.s32 s23, $0xFE00;
	[tilespmem:s22+$0x6870] =	vst v0  }
0x17: {  	[tilespmem:s22+$0x6800] =	vst v0  }
0x18: {  	[tilespmem:s22+$0x6810] =	vst v0  }
.Ltmp0:
0x19: {  	[tilespmem:s22+$0x6820] =	vst v0;
	(pc) =	sbr.rel @p0 .LBB2_2-.Ltmp0, $4  }
0x1a: {  	[tilespmem:s22+$0x6830] =	vst v0  }
0x1b: {  	[tilespmem:s22+$0x6840] =	vst v0  }
0x1c: {  	[tilespmem:s22+$0x6850] =	vst v0  }
0x1d: {  	[tilespmem:s22+$0x6860] =	vst v0;
	s22 =	sshra.s32 s23, $0x2;
	s23 =	sadd.s32 $0x200, s23  }
0x1e: {  	[tilespmem:s22+$0x6870] =	vst v0  }
0x1f: {  	[tilespmem:s22+$0x6800] =	vst v0  }
0x20: {  	[tilespmem:s22+$0x6810] =	vst v0  }
0x21: {  	[tilespmem:s22+$0x6820] =	vst v0  }
0x22: {  	[tilespmem:s22+$0x6830] =	vst v0  }
0x23: {  	[tilespmem:s22+$0x6840] =	vst v0  }
0x24: {  	[tilespmem:s22+$0x6850] =	vst v0  }
0x25: {  	[tilespmem:s22+$0x6860] =	vst v0  }
0x26: {  	[spmem:s4] =	stream.linear.scatter [tilespmem:s12], [sflag:$0x1], $0x4000, $0x38;
	[tilespmem:$0x1E800] =	vst v63  }
0x27: {  	_ =	swait.ge [sflag:s13], $0x4000  }
0x28: {  	[sflag:s13] =	ssyncset.done $0x0  }
0x29: {  	[sflag:s13] =	ssyncadd.s32 $0xFFFFC000  }
0x2a: {  	[spmem:s5] =	stream.linear.scatter [tilespmem:s12], [sflag:$0x1], $0x4000, $0x38;
	[tilespmem:$0x1E800] =	vst v63  }
0x2b: {  	_ =	swait.ge [sflag:s13], $0x4000  }
0x2c: {  	[sflag:s13] =	ssyncset.done $0x0  }
0x2d: {  	[sflag:s13] =	ssyncadd.s32 $0xFFFFC000  }
0x2e: {  	[spmem:s6] =	stream.linear.scatter [tilespmem:s12], [sflag:$0x1], $0x4000, $0x38;
	[tilespmem:$0x1E800] =	vst v63  }
0x2f: {  	_ =	swait.ge [sflag:s13], $0x4000  }
0x30: {  	[sflag:s13] =	ssyncset.done $0x0  }
0x31: {  	[sflag:s13] =	ssyncadd.s32 $0xFFFFC000  }
0x32: {  	[spmem:s7] =	stream.linear.scatter [tilespmem:s12], [sflag:$0x1], $0x4000, $0x38;
	[tilespmem:$0x1E800] =	vst v63  }
0x33: {  	_ =	swait.ge [sflag:s13], $0x4000  }
0x34: {  	[sflag:s13] =	ssyncset.done $0x0  }
0x35: {  	[sflag:s13] =	ssyncadd.s32 $0xFFFFC000  }
0x36: {  	[spmem:s9] =	stream.linear.scatter [tilespmem:s12], [sflag:$0x1], $0x4000, $0x38;
	[tilespmem:$0x1E800] =	vst v63  }
0x37: {  	_ =	swait.ge [sflag:s13], $0x4000  }
0x38: {  	[sflag:s13] =	ssyncset.done $0x0  }
0x39: {  	[sflag:s13] =	ssyncadd.s32 $0xFFFFC000  }
0x3a: {  	s30 =	simm.s32 $0x0;
	[bflag:$0x0] =	sbarrier.arrive $0xFFFF  }
0x3b: {  	[tilespmem:s30], [sflag:$0x1] =	stream.linear.gather [hbm4b:s8+s30], $0x2780, $0x38;
	[tilespmem:$0x1E800] =	vst v63  }
0x3c: {  	_ =	swait.ge [sflag:s13], $0x2780  }
0x3d: {  	[sflag:s13] =	ssyncset.done $0x0  }
0x3e: {  	[sflag:s13] =	ssyncadd.s32 $0xFFFFD880  }
0x3f: {  	[tilespmem:s14], [sflag:$0x1] =	stream.linear.gather [hbm4b:s11+s3], $0x4000, $0x38;
	[tilespmem:$0x1E800] =	vst v63  }
0x40: {  	_ =	swait.ge [sflag:s13], $0x4000  }
0x41: {  	[sflag:s13] =	ssyncset.done $0x0  }
0x42: {  	s31 =	simm.s32 $0x0;
	[sflag:s13] =	ssyncadd.s32 $0xFFFFC000  }
0x43: {  	[spmem:s2] =	stream.indirect.scatter.add.f32 [tilespmem:s14], [sflag:$0x1], $0x80, s31, s15, $0xb8;
	[tilespmem:$0x1E800] =	vst v63  }
0x44: {  	_ =	swait.ge [sflag:s13], $0x4000  }
0x45: {  	s22 =	simm.s32 $0x200;
	s23 =	smov.u32 s11;
	[sflag:s13] =	ssyncset.done $0x0  }
.LBB2_4:
0x46: {  	p0 =	sne.s32 s22, $0x9C00;
	[sflag:s13] =	ssyncadd.s32 $0xFFFFC000;
	s23 =	sadd.s32 $0x800, s23  }
0x47: {  	[tilespmem:s14], [sflag:$0x1] =	stream.linear.gather [hbm4b:s23+s3], $0x4000, $0x38;
	[tilespmem:$0x1E800] =	vst v63  }
0x48: {  	s24 =	smov.u32 s22;
	s22 =	sadd.s32 $0x200, s22;
	_ =	swait.ge [sflag:s13], $0x4000  }
.Ltmp1:
0x49: {  	[sflag:s13] =	ssyncset.done $0x0;
	(pc) =	sbr.rel @p0 .LBB2_4-.Ltmp1, $4  }
0x4a: {  	s24 =	sshra.s32 s24, $0x2;
	[sflag:s13] =	ssyncadd.s32 $0xFFFFC000  }
0x4b: {  	[spmem:s2] =	stream.indirect.scatter.add.f32 [tilespmem:s14], [sflag:$0x1], $0x80, s24, s15, $0xb8;
	[tilespmem:$0x1E800] =	vst v63  }
0x4c: {  	_ =	swait.ge [sflag:s13], $0x4000  }
0x4d: {  	[sflag:s13] =	ssyncset.done $0x0  }
0x4e: {  	[sflag:s13] =	ssyncadd.s32 $0xFFFFC000;
	s22 =	sshll.u32 s0, $0x6  }
0x4f: {  	s23 =	sshrl.u32 s4, $0x3;
	[bflag:$0x0] =	sbarrier.arrive $0xFFFF;
	s22 =	sor.u32 $0x1C01, s22  }
0x50: {  	[hbm:s16], [sflag:s22] =	dma.local [spmem:s23], $0x800  }
0x51: {  	_ =	swait.ge [sflag:s13], $0x800  }
0x52: {  	[sflag:s13] =	ssyncset.done $0x0  }
0x53: {  	s28 =	sshrl.u32 s5, $0x3;
	[sflag:s13] =	ssyncadd.s32 $0xFFFFF800  }
0x54: {  	[hbm:s17], [sflag:s22] =	dma.local [spmem:s28], $0x800  }
0x55: {  	_ =	swait.ge [sflag:s13], $0x800  }
0x56: {  	[sflag:s13] =	ssyncset.done $0x0  }
0x57: {  	s29 =	sshrl.u32 s6, $0x3;
	[sflag:s13] =	ssyncadd.s32 $0xFFFFF800  }
0x58: {  	[hbm:s18], [sflag:s22] =	dma.local [spmem:s29], $0x800  }
0x59: {  	_ =	swait.ge [sflag:s13], $0x800  }
0x5a: {  	[sflag:s13] =	ssyncset.done $0x0  }
0x5b: {  	s30 =	sshrl.u32 s7, $0x3;
	[sflag:s13] =	ssyncadd.s32 $0xFFFFF800  }
0x5c: {  	[hbm:s19], [sflag:s22] =	dma.local [spmem:s30], $0x800  }
0x5d: {  	s21 =	sadd.s32 $0x1, s21;
	_ =	swait.ge [sflag:s13], $0x800  }
0x5e: {  	p0 =	sne.s32 s21, s10;
	[sflag:s13] =	ssyncset.done $0x0  }
.Ltmp2:
0x5f: {  	s31 =	sshrl.u32 s9, $0x3;
	[sflag:s13] =	ssyncadd.s32 $0xFFFFF800;
	(pc) =	sbr.rel @p0 .LBB2_1-.Ltmp2, $4  }
0x60: {  	[hbm:s20], [sflag:s22] =	dma.local [spmem:s31], $0x800  }
0x61: {  	_ =	swait.ge [sflag:s13], $0x800  }
0x62: {  	[sflag:s13] =	ssyncset.done $0x0  }
0x63: {  	[sflag:s13] =	ssyncadd.s32 $0xFFFFF800  }
0x64: {  	_ =	sfence.sel $0x180000  }
0x65: {  	[bflag:$0x0] =	sbarrier.arrive $0xFFFF  }
0x66: {  	p0 =	sne.s32 s0, $0x0;
	_ =	strace $0x90000050  }
0x67: {  	s0 =	sadd.s32 @!p0 $0x100000, s1;
	[bflag:$0x2] =	sbarrier.arrive $0xFFFF  }
0x68: {  	[sflag:s0] =	ssyncadd.tile.s32 @!p0 $0x1;
	_ =	shalt  }
.Lfunc_end2:
_tile_overlayer_lowered:
.L_overlay_start_2:
0x69: {  	(tag) =	ssettag $0x2  }
0x6a: {  	s0 =	rddreg [dreg:$0x0];
	s2 =	stileid.u32  }
0x6b: {  	s1 =	rddreg [dreg:$0x1];
	p0 =	sne.s32 s2, $0x0  }
0x6c: {  	s3 =	rddreg [dreg:$0x2];
	[bflag:$0x3] =	sbarrier.arrive $0xFFFF;
	s2 =	simm.s32 @!p0 $0x1C01  }
0x6d: {  	[timem:s3], [sflag:s2] =	dma.local @!p0 [hbm:s0], s1  }
0x6e: {  	s0 =	simm.s32 @!p0 $0x1  }
0x6f: {  	_ =	swait.ge @!p0 [sflag:s0], s1  }
0x70: {  	s1 =	ssub.s32 @!p0 $0x0, s1;
	[sflag:s0] =	ssyncset.done @!p0 $0x0  }
0x71: {  	[sflag:s0] =	ssyncadd.s32 @!p0 s1  }
0x72: {  	[bflag:$0x3] =	sbarrier.arrive $0xFFFF  }
0x73: {  	_ =	shalt  }

// kernel: kernel.37.cloned.1.call-start
scs
__scs_entry_jumppad:
0x0: {  	(pc) =	sbr.rel $0x88, $3  }
0x1: {  	(tag) =	ssettag $0x0;
	lr =	simm.s32 $0x1  }
0x2: {  	[smem:$0x3F96] =	sst lr;
	_ =	strace $0xD0000000  }
0x3: {  	_ = 	snop  }
0x4: {  	_ = 	snop  }
0x5: {  	_ = 	snop  }
0x6: {  	_ = 	snop  }
0x7: {  	_ = 	snop  }
__scs_overlays_trampoline_lowered:
0x8: {  	[smem:$0x3FA5] =	sst s0  }
0x9: {  	[smem:$0x3FA6] =	sst s1  }
0xa: {  	[smem:$0x3FA7] =	sst s2  }
0xb: {  	[smem:$0x3FA8] =	sst s3  }
0xc: {  	[smem:$0x3FA9] =	sst s4  }
0xd: {  	[smem:$0x3FAA] =	sst s5  }
0xe: {  	[smem:$0x3FAB] =	sst s6  }
0xf: {  	[smem:$0x3FAC] =	sst s7  }
0x10: {  	[smem:$0x3FAD] =	sst s8  }
0x11: {  	[smem:$0x3FAE] =	sst s9;
	s0 =	simm.s32 @!p0 $0x0  }
0x12: {  	s1 =	sld [smem:$0x3F94];
	s0 =	simm.s32 @p0 $0x1  }
0x13: {  	[smem:$0x3FAF] =	sst s0;
	s0 =	simm.s32 @!p1 $0x0  }
0x14: {  	s2 =	sld [smem:$0x3F93];
	s0 =	simm.s32 @p1 $0x1  }
0x15: {  	[smem:$0x3FB0] =	sst s0;
	s0 =	simm.s32 @!p2 $0x0  }
0x16: {  	s3 =	sld [smem:$0x3FDB];
	s0 =	simm.s32 @p2 $0x1  }
0x17: {  	s4 =	simm.s32 $0x1BF5;
	[smem:$0x3FB2] =	sst s0  }
0x18: {  	s0 =	sld [smem:$0x3F95];
	_ =	swait.ge [sflag:s4], $0x0  }
0x19: {  	s7 =	sld [smem:$0x3F96]  }
0x1a: {  	s8 =	sadd.s32 $0xFFFFE003, lr  }
0x1b: {  	s9 =	sadd.s32 $0xFFFFFEF7, lr;
	s5 =	simm.s32 $0xFFFFFFFF;
	p2 =	slt.u32 s8, $0xFFFFF086  }
0x1c: {  	p1 =	slt.u32 s9, $0xF7A;
	s5 =	simm.s32 @!p2 $0x0  }
0x1d: {  	s5 =	simm.s32 @p1 $0x1;
	p0 =	seq.s32 s7, s2  }
0x1e: {  	s7 =	smul.u32 @!p0 $0xF7A, s2;
	p2 =	seq.s32 @!p0 s5, $0x0  }
0x1f: {  	s9 =	smul.u32 $0xF7A, s1;
	s8 =	simm.s32 @!p0 $0x1BF5;
	p2 =	por !p2, p0  }
0x20: {  	[sflag:s8] =	ssyncset.s32 @!p0 $0xFFFFF086;
	s6 =	sadd.s32 @!p0 s3, s7;
	s7 =	simm.s32 @!p0 $0x108  }
0x21: {  	s3 =	sadd.s32 s3, s9;
	s6 =	sadd.s32 @!p0 $0x88, s6;
	s7 =	simm.s32 @p2 $0x1082  }
0x22: {  	[simem:s7], [sflag:s8] =	dma.local @!p0 [hbm:s6], $0xF7A  }
0x23: {  	s9 =	sor.u32 $0xD0000000, s2;
	s6 =	simm.s32 $0x108;
	_ =	swait.ge @!p0 [sflag:s8], $0x0  }
0x24: {  	s3 =	sadd.s32 $0x88, s3;
	s6 =	simm.s32 @!p1 $0x1082;
	[sflag:s4] =	ssyncset.s32 $0xFFFFF086  }
0x25: {  	[simem:s6], [sflag:s4] =	dma.local [hbm:s3], $0xF7A  }
0x26: {  	[smem:$0x3F96] =	sst s1;
	(tag) =	ssettag s2;
	_ =	strace s9  }
0x27: {  	s1 =	sld [smem:$0x3FA6]  }
0x28: {  	s2 =	sld [smem:$0x3FA7]  }
0x29: {  	s4 =	sld [smem:$0x3FA9]  }
0x2a: {  	p0 =	seq.s32 s5, $0x0;
	s5 =	sld [smem:$0x3FAA]  }
0x2b: {  	s6 =	sld [smem:$0x3FAB]  }
0x2c: {  	s7 =	sld [smem:$0x3FAC]  }
0x2d: {  	s3 =	simm.s32 $0x108;
	s8 =	sld [smem:$0x3FAD]  }
0x2e: {  	s3 =	simm.s32 @!p0 $0x1082;
	s9 =	sld [smem:$0x3FAE]  }
0x2f: {  	lr =	sadd.s32 s0, s3;
	s0 =	sld [smem:$0x3FA5]  }
0x30: {  	s3 =	sld [smem:$0x3FA8]  }
0x31: {  	[smem:$0x3FB1] =	sst s10  }
0x32: {  	s10 =	sld [smem:$0x3FAF];
	_ =	sdelay $0x3  }
0x33: {  	p0 =	seq.s32 s10, $0x1;
	s10 =	sld [smem:$0x3FB1];
	_ =	sdelay $0x3  }
0x34: {  	[smem:$0x3FB1] =	sst s10  }
0x35: {  	s10 =	sld [smem:$0x3FB0];
	_ =	sdelay $0x3  }
0x36: {  	p1 =	seq.s32 s10, $0x1;
	s10 =	sld [smem:$0x3FB1];
	_ =	sdelay $0x3  }
0x37: {  	[smem:$0x3FB1] =	sst s10  }
0x38: {  	s10 =	sld [smem:$0x3FB2]  }
0x39: {  	_ = 	snop;
	(pc) =	sbr.ind lr, $3  }
0x3a: {  	_ = 	snop  }
0x3b: {  	_ = 	snop  }
0x3c: {  	p2 =	seq.s32 s10, $0x1;
	s10 =	sld [smem:$0x3FB1]  }
0x3d: {  	_ =	shalt  }
0x3e: {  	_ =	shalt  }
0x3f: {  	_ =	shalt  }
0x40: {  	_ =	shalt  }
0x41: {  	_ =	shalt  }
0x42: {  	_ =	shalt  }
0x43: {  	_ =	shalt  }
0x44: {  	_ =	shalt  }
0x45: {  	_ =	shalt  }
0x46: {  	_ =	shalt  }
0x47: {  	_ =	shalt  }
0x48: {  	_ =	shalt  }
0x49: {  	_ =	shalt  }
0x4a: {  	_ =	shalt  }
0x4b: {  	_ =	shalt  }
0x4c: {  	_ =	shalt  }
0x4d: {  	_ =	shalt  }
0x4e: {  	_ =	shalt  }
0x4f: {  	_ =	shalt  }
0x50: {  	_ =	shalt  }
0x51: {  	_ =	shalt  }
0x52: {  	_ =	shalt  }
0x53: {  	_ =	shalt  }
0x54: {  	_ =	shalt  }
0x55: {  	_ =	shalt  }
0x56: {  	_ =	shalt  }
0x57: {  	_ =	shalt  }
0x58: {  	_ =	shalt  }
0x59: {  	_ =	shalt  }
0x5a: {  	_ =	shalt  }
0x5b: {  	_ =	shalt  }
0x5c: {  	_ =	shalt  }
0x5d: {  	_ =	shalt  }
0x5e: {  	_ =	shalt  }
0x5f: {  	_ =	shalt  }
0x60: {  	_ =	shalt  }
0x61: {  	_ =	shalt  }
0x62: {  	_ =	shalt  }
0x63: {  	_ =	shalt  }
0x64: {  	_ =	shalt  }
0x65: {  	_ =	shalt  }
0x66: {  	_ =	shalt  }
0x67: {  	_ =	shalt  }
0x68: {  	_ =	shalt  }
0x69: {  	_ =	shalt  }
0x6a: {  	_ =	shalt  }
0x6b: {  	_ =	shalt  }
0x6c: {  	_ =	shalt  }
0x6d: {  	_ =	shalt  }
0x6e: {  	_ =	shalt  }
0x6f: {  	_ =	shalt  }
0x70: {  	_ =	shalt  }
0x71: {  	_ =	shalt  }
0x72: {  	_ =	shalt  }
0x73: {  	_ =	shalt  }
0x74: {  	_ =	shalt  }
0x75: {  	_ =	shalt  }
0x76: {  	_ =	shalt  }
0x77: {  	_ =	shalt  }
0x78: {  	_ =	shalt  }
0x79: {  	_ =	shalt  }
0x7a: {  	_ =	shalt  }
0x7b: {  	_ =	shalt  }
0x7c: {  	_ =	shalt  }
0x7d: {  	_ =	shalt  }
0x7e: {  	_ =	shalt  }
0x7f: {  	_ =	shalt  }
0x80: {  	_ =	shalt  }
0x81: {  	_ =	shalt  }
0x82: {  	_ =	shalt  }
0x83: {  	_ =	shalt  }
0x84: {  	_ =	shalt  }
0x85: {  	_ =	shalt  }
0x86: {  	_ =	shalt  }
0x87: {  	_ =	shalt  }
.Lfunc_end0:
.L_simem_size_0:
called_computation.4_lowered:
.L_overlay_start_0:
0x88: {  	s2 =	sld [smem:$0x3FD9]  }
0x89: {  	s3 =	sld [smem:$0x3FFE];
	_ =	sdelay $0x1  }
0x8a: {  	s1 =	srdreg.scid  }
0x8b: {  	s0 =	sand.u32 $0x1, s1  }
0x8c: {  	s16 =	sshll.u32 s0, $0xA;
	s2 =	sadd.s32 s3, s2  }
0x8d: {  	s2 =	sadd.s32 s2, s16  }
0x8e: {  	[smem:$0x3FBD] =	sst s2  }
0x8f: {  	_ = 	snop  }
0x90: {  	(tm) =	ssettm $0x1  }
0x91: {  	s17 =	sld [smem:$0x3FFB];
	_ =	sdelay $0x3  }
0x92: {  	_ =	strace s17  }
0x93: {  	s2 =	sld [smem:$0x3FFC];
	_ =	sdelay $0x3  }
0x94: {  	_ =	strace s2  }
0x95: {  	s2 =	sld [smem:$0x3FFD];
	_ =	sdelay $0x3  }
0x96: {  	_ =	strace s2  }
0x97: {  	_ =	strace $0x8FFFFFFF  }
0x98: {  	s18 =	sld [smem:$0x3FDB];
	_ =	sdelay $0x1  }
0x99: {  	s19 =	simm.s32 $_scs_section_size  }
0x9a: {  	s4 =	simm.s32 $_size__tile_overlayer_lowered;
	s5 =	simm.s32 $_tile_overlayer_lowered  }
0x9b: {  	s22 =	simm.s32 $0x1BFF;
	s21 =	sshll.u32 s5, $0x1;
	s2 =	sadd.s32 s19, s18  }
0x9c: {  	s6 =	simm.s32 $0x0;
	s20 =	sshll.u32 s4, $0x1;
	s4 =	sadd.s32 s21, s2  }
0x9d: {  	[timem:s6], [sflag:s22] =	dma.local [hbm:s4], s20  }
0x9e: {  	_ =	swait.ge [sflag:s22], s20  }
0x9f: {  	s3 =	ssub.s32 $0x0, s20;
	[sflag:s22] =	ssyncset.done $0x0  }
0xa0: {  	[sflag:s22] =	ssyncadd.s32 s3;
	_ =	sdelay $0x1  }
0xa1: {  	s23 =	simm.s32 $0x1B8B  }
0xa2: {  	_ =	swait.ge [sflag:s23], $0x1  }
0xa3: {  	[sflag:s23] =	ssyncset.done $0x0  }
0xa4: {  	s25 =	simm.s32 $0x1B8E;
	s24 =	sld [smem:$0x3FFE];
	[sflag:s23] =	ssyncadd.s32 $0xFFFFFFFF  }
0xa5: {  	s26 =	simm.s32 $execute0_lowered;
	[smem:$0x3FD2] =	sst s25  }
0xa6: {  	s4 =	sshll.u32 s26, $0x1;
	_ =	strace $0x80000052;
	[dreg:$0x1] =	wrdreg $0xFFFFFFFF  }
0xa7: {  	s28 =	simm.s32 $_size_execute0_lowered;
	s2 =	sadd.s32 s2, s4;
	[dreg:$0x0] =	wrdreg $0x0  }
0xa8: {  	s4 =	sshll.u32 s28, $0x1;
	[dreg:$0x2] =	wrdreg s2  }
0xa9: {  	[dreg:$0x3] =	wrdreg s4  }
0xaa: {  	[dreg:$0x4] =	wrdreg $0xC0  }
0xab: {  	_ =	task [dreg:s6], $0x5FFFF  }
0xac: {  	[dreg:$0x1] =	wrdreg $0xFFFFFFFF  }
0xad: {  	[dreg:$0x0] =	wrdreg $0x60  }
0xae: {  	[dreg:$0x2] =	wrdreg s24  }
0xaf: {  	[dreg:$0x3] =	wrdreg $0x9  }
0xb0: {  	_ =	task.clear_ibuf [dreg:s6], $0x4FFFF;
	_ =	strace $0x90000052  }
0xb1: {  	s29 =	simm.s32 $0x9;
	_ =	strace $0x80000054  }
0xb2: {  	_ =	swait.ge [sflag:s29], $0x1  }
0xb3: {  	[sflag:s29] =	ssyncadd.s32 $0xFFFFFFFF  }
0xb4: {  	_ =	strace $0x90000054  }
0xb5: {  	_ =	sfence  }
0xb6: {  	s30 =	sld [smem:$0x0];
	_ =	sdelay $0x2  }
0xb7: {  	s31 =	sshll.u32 s1, $0xD;
	s1 =	sshrl.u32 s1, $0x2  }
0xb8: {  	s3 =	sand.u32 $0x4000, s31;
	s1 =	sadd.s32 s1, s30  }
0xb9: {  	s0 =	sor.u32 s3, s0;
	s1 =	sshll.u32 s1, $0x11  }
0xba: {  	s0 =	sor.u32 s1, s0  }
0xbb: {  	s0 =	sadd.s32 $0x8F2B, s0  }
0xbc: {  	[sflag:s0] =	ssyncadd.remote.s32 $0x1  }
0xbd: {  	_ =	sfence.sel $0xFFFF  }
0xbe: {  	[dreg:$0x0] =	wrdreg $0xFFFFFFFF;
	(pc) =	sbr.abs _section_cstart, $3  }
0xbf: {  	[dreg:$0x1] =	wrdreg $0xFFFFFFFF  }
0xc0: {  	_ =	task.clear_ibuf [dreg:s6], $0x2FFFF;
	_ =	strace $0x9FFFFFFF  }
0xc1: {  	(tm) =	ssettm $0x7FFFFFFF  }
tec
execute0_lowered:
.L_overlay_start_1:
0x0: {  	(tag) =	ssettag $0x1  }
0x1: {  	s1 =	srdreg.scid  }
0x2: {  	s0 =	stileid.u32;
	s5 =	rddreg [dreg:$0x0];
	s2 =	simm.s32 $0x0  }
0x3: {  	s11 =	simm.s32 $0x2800;
	s12 =	simm.s32 $0x80;
	s13 =	simm.s32 $0x5000  }
0x4: {  	s14 =	simm.s32 $0x9000;
	s15 =	simm.s32 $0x1;
	s16 =	simm.s32 $0x2  }
0x5: {  	s17 =	simm.s32 $0x0;
	s6 =	sand.u32 $0x1, s1;
	s3 =	sshll.u32 s0, $0x1  }
0x6: {  	[smem:$0x7FF] =	sst s2;
	s8 =	smul.u32 $0x4F000, s0;
	s4 =	sadd.s32 $0x58C200, s5  }
0x7: {  	s3 =	sor.u32 s6, s3;
	s9 =	ssub.s32 $0x2, s6;
	s6 =	smul.u32 $0x27800, s6  }
0x8: {  	s1 =	rddreg [dreg:$0x1];
	_ =	strace $0x80000053;
	s7 =	smul.u32 $0x500, s3  }
0x9: {  	s3 =	sadd.s32 $0x565000, s5;
	s8 =	sadd.s32 s8, s5;
	s31 =	sshrl.u32 s9, $0x1  }
0xa: {  	s9 =	ssub.s32 s9, s31;
	s10 =	sadd.s32 s6, s8;
	s7 =	sadd.s32 s7, s5  }
0xb: {  	s8 =	sadd.s32 $0xA2B000, s10;
	s5 =	sadd.s32 $0x16E00, s7;
	s6 =	sadd.s32 $0xCE00, s7  }
0xc: {  	s7 =	smax.u32 s9, $0x1;
	s9 =	sadd.s32 $0x20E00, s10;
	s10 =	simm.s32 $0x3  }
.LBB2_1:
0xd: {  	[tilespmem:s2], [sflag:$0x3] =	stream.linear.gather [hbm4b:s5+s2], $0x2780, $0x38;
	[tilespmem:$0xD000] =	vst v63  }
0xe: {  	_ =	swait.ge [sflag:s10], $0x2780  }
0xf: {  	[sflag:s10] =	ssyncset.done $0x0  }
0x10: {  	[sflag:s10] =	ssyncadd.s32 $0xFFFFD880  }
0x11: {  	[tilespmem:s11], [sflag:$0x3] =	stream.linear.gather [hbm4b:s6+s2], $0x2780, $0x38;
	[tilespmem:$0xD000] =	vst v63  }
0x12: {  	_ =	swait.ge [sflag:s10], $0x2780  }
0x13: {  	[sflag:s10] =	ssyncset.done $0x0  }
0x14: {  	s18 =	simm.s32 $0x0;
	[sflag:s10] =	ssyncadd.s32 $0xFFFFD880  }
0x15: {  	[tilespmem:s13], [sflag:$0x1] =	stream.indirect.gather [hbm4b:s3+s12], $0x80, s18, s12, $0xb8;
	[tilespmem:$0xD000] =	vst v63  }
0x16: {  	s31 =	simm.s32 $0x2800  }
0x17: {  	[tilespmem:s14], [sflag:$0x2] =	stream.indirect.gather [hbm4b:s4+s12], $0x80, s31, s12, $0xb8;
	[tilespmem:$0xD000] =	vst v63  }
0x18: {  	_ =	swait.ge [sflag:s15], $0x4000  }
0x19: {  	[sflag:s15] =	ssyncset.done $0x0  }
0x1a: {  	[sflag:s15] =	ssyncadd.s32 $0xFFFFC000  }
0x1b: {  	_ =	swait.ge [sflag:s16], $0x4000  }
0x1c: {  	[sflag:s16] =	ssyncset.done $0x0  }
0x1d: {  	[sflag:s16] =	ssyncadd.s32 $0xFFFFC000  }
0x1e: {  	[hbm4b:s9+s2] =	stream.linear.scatter [tilespmem:s13], [sflag:$0x3], $0x4000, $0x38;
	[tilespmem:$0xD000] =	vst v63  }
0x1f: {  	_ =	swait.ge [sflag:s10], $0x4000  }
0x20: {  	[sflag:s10] =	ssyncset.done $0x0  }
0x21: {  	[sflag:s10] =	ssyncadd.s32 $0xFFFFC000  }
0x22: {  	[hbm4b:s8+s2] =	stream.linear.scatter [tilespmem:s14], [sflag:$0x3], $0x4000, $0x38;
	[tilespmem:$0xD000] =	vst v63  }
0x23: {  	s20 =	simm.s32 $0x200;
	s21 =	simm.s32 $0x400;
	_ =	swait.ge [sflag:s10], $0x4000  }
0x24: {  	s19 =	sadd.s32 $0x800, s9;
	s18 =	sadd.s32 $0x800, s8;
	[sflag:s10] =	ssyncset.done $0x0  }
.LBB2_2:
0x25: {  	s22 =	sshra.s32 s20, $0x2  }
0x26: {  	[sflag:s10] =	ssyncadd.s32 $0xFFFFC000;
	s20 =	smov.u32 s21;
	s23 =	sadd.s32 $0x200, s21  }
0x27: {  	[tilespmem:s13], [sflag:$0x1] =	stream.indirect.gather [hbm4b:s3+s12], $0x80, s22, s12, $0xb8;
	[tilespmem:$0xD000] =	vst v63  }
0x28: {  	p0 =	sne.s32 s21, $0x9C00;
	s21 =	sadd.s32 $0x2800, s22  }
0x29: {  	[tilespmem:s14], [sflag:$0x2] =	stream.indirect.gather [hbm4b:s4+s12], $0x80, s21, s12, $0xb8;
	[tilespmem:$0xD000] =	vst v63  }
0x2a: {  	_ =	swait.ge [sflag:s15], $0x4000  }
0x2b: {  	[sflag:s15] =	ssyncset.done $0x0  }
0x2c: {  	[sflag:s15] =	ssyncadd.s32 $0xFFFFC000  }
0x2d: {  	_ =	swait.ge [sflag:s16], $0x4000  }
0x2e: {  	[sflag:s16] =	ssyncset.done $0x0  }
0x2f: {  	[sflag:s16] =	ssyncadd.s32 $0xFFFFC000  }
0x30: {  	[hbm4b:s19+s2] =	stream.linear.scatter [tilespmem:s13], [sflag:$0x3], $0x4000, $0x38;
	[tilespmem:$0xD000] =	vst v63  }
0x31: {  	_ =	swait.ge [sflag:s10], $0x4000  }
.Ltmp0:
0x32: {  	[sflag:s10] =	ssyncset.done $0x0;
	(pc) =	sbr.rel @p0 .LBB2_2-.Ltmp0, $4  }
0x33: {  	[sflag:s10] =	ssyncadd.s32 $0xFFFFC000  }
0x34: {  	[hbm4b:s18+s2] =	stream.linear.scatter [tilespmem:s14], [sflag:$0x3], $0x4000, $0x38;
	[tilespmem:$0xD000] =	vst v63  }
0x35: {  	s21 =	smov.u32 s23;
	_ =	swait.ge [sflag:s10], $0x4000  }
0x36: {  	s19 =	sadd.s32 $0x800, s19;
	s18 =	sadd.s32 $0x800, s18;
	[sflag:s10] =	ssyncset.done $0x0  }
0x37: {  	s20 =	sshra.s32 s20, $0x2;
	[sflag:s10] =	ssyncadd.s32 $0xFFFFC000  }
0x38: {  	[tilespmem:s13], [sflag:$0x1] =	stream.indirect.gather [hbm4b:s3+s12], $0x80, s20, s12, $0xb8;
	[tilespmem:$0xD000] =	vst v63  }
0x39: {  	s20 =	sadd.s32 $0x2800, s20  }
0x3a: {  	[tilespmem:s14], [sflag:$0x2] =	stream.indirect.gather [hbm4b:s4+s12], $0x80, s20, s12, $0xb8;
	[tilespmem:$0xD000] =	vst v63  }
0x3b: {  	_ =	swait.ge [sflag:s15], $0x4000  }
0x3c: {  	[sflag:s15] =	ssyncset.done $0x0  }
0x3d: {  	[sflag:s15] =	ssyncadd.s32 $0xFFFFC000  }
0x3e: {  	_ =	swait.ge [sflag:s16], $0x4000  }
0x3f: {  	[sflag:s16] =	ssyncset.done $0x0  }
0x40: {  	[sflag:s16] =	ssyncadd.s32 $0xFFFFC000  }
0x41: {  	[hbm4b:s19+s2] =	stream.linear.scatter [tilespmem:s13], [sflag:$0x3], $0x4000, $0x38;
	[tilespmem:$0xD000] =	vst v63  }
0x42: {  	s17 =	sadd.s32 $0x1, s17;
	_ =	swait.ge [sflag:s10], $0x4000  }
0x43: {  	p0 =	sne.s32 s17, s7;
	[sflag:s10] =	ssyncset.done $0x0  }
.Ltmp1:
0x44: {  	[sflag:s10] =	ssyncadd.s32 $0xFFFFC000;
	(pc) =	sbr.rel @p0 .LBB2_1-.Ltmp1, $4  }
0x45: {  	[hbm4b:s18+s2] =	stream.linear.scatter [tilespmem:s14], [sflag:$0x3], $0x4000, $0x38;
	[tilespmem:$0xD000] =	vst v63  }
0x46: {  	_ =	swait.ge [sflag:s10], $0x4000  }
0x47: {  	[sflag:s10] =	ssyncset.done $0x0  }
0x48: {  	[sflag:s10] =	ssyncadd.s32 $0xFFFFC000  }
0x49: {  	_ =	sfence.sel $0x180000  }
0x4a: {  	[bflag:$0x0] =	sbarrier.arrive $0xFFFF  }
0x4b: {  	p0 =	sne.s32 s0, $0x0;
	_ =	strace $0x90000053  }
0x4c: {  	s0 =	sadd.s32 @!p0 $0x100000, s1;
	[bflag:$0x2] =	sbarrier.arrive $0xFFFF  }
0x4d: {  	[sflag:s0] =	ssyncadd.tile.s32 @!p0 $0x1;
	_ =	shalt  }
.Lfunc_end2:
_tile_overlayer_lowered:
.L_overlay_start_2:
0x4e: {  	(tag) =	ssettag $0x2  }
0x4f: {  	s0 =	rddreg [dreg:$0x0];
	s2 =	stileid.u32  }
0x50: {  	s1 =	rddreg [dreg:$0x1];
	p0 =	sne.s32 s2, $0x0  }
0x51: {  	s3 =	rddreg [dreg:$0x2];
	[bflag:$0x3] =	sbarrier.arrive $0xFFFF;
	s2 =	simm.s32 @!p0 $0x1C03  }
0x52: {  	[timem:s3], [sflag:s2] =	dma.local @!p0 [hbm:s0], s1  }
0x53: {  	s0 =	simm.s32 @!p0 $0x3  }
0x54: {  	_ =	swait.ge @!p0 [sflag:s0], s1  }
0x55: {  	s1 =	ssub.s32 @!p0 $0x0, s1;
	[sflag:s0] =	ssyncset.done @!p0 $0x0  }
0x56: {  	[sflag:s0] =	ssyncadd.s32 @!p0 s1  }
0x57: {  	[bflag:$0x3] =	sbarrier.arrive $0xFFFF  }
0x58: {  	_ =	shalt  }

// kernel: kernel.40.cloned.1.call-start
scs
__scs_entry_jumppad:
0x0: {  	(pc) =	sbr.rel $0x88, $3  }
0x1: {  	(tag) =	ssettag $0x0;
	lr =	simm.s32 $0x1  }
0x2: {  	[smem:$0x3F96] =	sst lr;
	_ =	strace $0xD0000000  }
0x3: {  	_ = 	snop  }
0x4: {  	_ = 	snop  }
0x5: {  	_ = 	snop  }
0x6: {  	_ = 	snop  }
0x7: {  	_ = 	snop  }
__scs_overlays_trampoline_lowered:
0x8: {  	[smem:$0x3FA5] =	sst s0  }
0x9: {  	[smem:$0x3FA6] =	sst s1  }
0xa: {  	[smem:$0x3FA7] =	sst s2  }
0xb: {  	[smem:$0x3FA8] =	sst s3  }
0xc: {  	[smem:$0x3FA9] =	sst s4  }
0xd: {  	[smem:$0x3FAA] =	sst s5  }
0xe: {  	[smem:$0x3FAB] =	sst s6  }
0xf: {  	[smem:$0x3FAC] =	sst s7  }
0x10: {  	[smem:$0x3FAD] =	sst s8  }
0x11: {  	[smem:$0x3FAE] =	sst s9;
	s0 =	simm.s32 @!p0 $0x0  }
0x12: {  	s1 =	sld [smem:$0x3F94];
	s0 =	simm.s32 @p0 $0x1  }
0x13: {  	[smem:$0x3FAF] =	sst s0;
	s0 =	simm.s32 @!p1 $0x0  }
0x14: {  	s2 =	sld [smem:$0x3F93];
	s0 =	simm.s32 @p1 $0x1  }
0x15: {  	[smem:$0x3FB0] =	sst s0;
	s0 =	simm.s32 @!p2 $0x0  }
0x16: {  	s3 =	sld [smem:$0x3FDB];
	s0 =	simm.s32 @p2 $0x1  }
0x17: {  	s4 =	simm.s32 $0x1BF5;
	[smem:$0x3FB2] =	sst s0  }
0x18: {  	s0 =	sld [smem:$0x3F95];
	_ =	swait.ge [sflag:s4], $0x0  }
0x19: {  	s7 =	sld [smem:$0x3F96]  }
0x1a: {  	s8 =	sadd.s32 $0xFFFFE003, lr  }
0x1b: {  	s9 =	sadd.s32 $0xFFFFFEF7, lr;
	s5 =	simm.s32 $0xFFFFFFFF;
	p2 =	slt.u32 s8, $0xFFFFF086  }
0x1c: {  	p1 =	slt.u32 s9, $0xF7A;
	s5 =	simm.s32 @!p2 $0x0  }
0x1d: {  	s5 =	simm.s32 @p1 $0x1;
	p0 =	seq.s32 s7, s2  }
0x1e: {  	s7 =	smul.u32 @!p0 $0xF7A, s2;
	p2 =	seq.s32 @!p0 s5, $0x0  }
0x1f: {  	s9 =	smul.u32 $0xF7A, s1;
	s8 =	simm.s32 @!p0 $0x1BF5;
	p2 =	por !p2, p0  }
0x20: {  	[sflag:s8] =	ssyncset.s32 @!p0 $0xFFFFF086;
	s6 =	sadd.s32 @!p0 s3, s7;
	s7 =	simm.s32 @!p0 $0x108  }
0x21: {  	s3 =	sadd.s32 s3, s9;
	s6 =	sadd.s32 @!p0 $0x88, s6;
	s7 =	simm.s32 @p2 $0x1082  }
0x22: {  	[simem:s7], [sflag:s8] =	dma.local @!p0 [hbm:s6], $0xF7A  }
0x23: {  	s9 =	sor.u32 $0xD0000000, s2;
	s6 =	simm.s32 $0x108;
	_ =	swait.ge @!p0 [sflag:s8], $0x0  }
0x24: {  	s3 =	sadd.s32 $0x88, s3;
	s6 =	simm.s32 @!p1 $0x1082;
	[sflag:s4] =	ssyncset.s32 $0xFFFFF086  }
0x25: {  	[simem:s6], [sflag:s4] =	dma.local [hbm:s3], $0xF7A  }
0x26: {  	[smem:$0x3F96] =	sst s1;
	(tag) =	ssettag s2;
	_ =	strace s9  }
0x27: {  	s1 =	sld [smem:$0x3FA6]  }
0x28: {  	s2 =	sld [smem:$0x3FA7]  }
0x29: {  	s4 =	sld [smem:$0x3FA9]  }
0x2a: {  	p0 =	seq.s32 s5, $0x0;
	s5 =	sld [smem:$0x3FAA]  }
0x2b: {  	s6 =	sld [smem:$0x3FAB]  }
0x2c: {  	s7 =	sld [smem:$0x3FAC]  }
0x2d: {  	s3 =	simm.s32 $0x108;
	s8 =	sld [smem:$0x3FAD]  }
0x2e: {  	s3 =	simm.s32 @!p0 $0x1082;
	s9 =	sld [smem:$0x3FAE]  }
0x2f: {  	lr =	sadd.s32 s0, s3;
	s0 =	sld [smem:$0x3FA5]  }
0x30: {  	s3 =	sld [smem:$0x3FA8]  }
0x31: {  	[smem:$0x3FB1] =	sst s10  }
0x32: {  	s10 =	sld [smem:$0x3FAF];
	_ =	sdelay $0x3  }
0x33: {  	p0 =	seq.s32 s10, $0x1;
	s10 =	sld [smem:$0x3FB1];
	_ =	sdelay $0x3  }
0x34: {  	[smem:$0x3FB1] =	sst s10  }
0x35: {  	s10 =	sld [smem:$0x3FB0];
	_ =	sdelay $0x3  }
0x36: {  	p1 =	seq.s32 s10, $0x1;
	s10 =	sld [smem:$0x3FB1];
	_ =	sdelay $0x3  }
0x37: {  	[smem:$0x3FB1] =	sst s10  }
0x38: {  	s10 =	sld [smem:$0x3FB2]  }
0x39: {  	_ = 	snop;
	(pc) =	sbr.ind lr, $3  }
0x3a: {  	_ = 	snop  }
0x3b: {  	_ = 	snop  }
0x3c: {  	p2 =	seq.s32 s10, $0x1;
	s10 =	sld [smem:$0x3FB1]  }
0x3d: {  	_ =	shalt  }
0x3e: {  	_ =	shalt  }
0x3f: {  	_ =	shalt  }
0x40: {  	_ =	shalt  }
0x41: {  	_ =	shalt  }
0x42: {  	_ =	shalt  }
0x43: {  	_ =	shalt  }
0x44: {  	_ =	shalt  }
0x45: {  	_ =	shalt  }
0x46: {  	_ =	shalt  }
0x47: {  	_ =	shalt  }
0x48: {  	_ =	shalt  }
0x49: {  	_ =	shalt  }
0x4a: {  	_ =	shalt  }
0x4b: {  	_ =	shalt  }
0x4c: {  	_ =	shalt  }
0x4d: {  	_ =	shalt  }
0x4e: {  	_ =	shalt  }
0x4f: {  	_ =	shalt  }
0x50: {  	_ =	shalt  }
0x51: {  	_ =	shalt  }
0x52: {  	_ =	shalt  }
0x53: {  	_ =	shalt  }
0x54: {  	_ =	shalt  }
0x55: {  	_ =	shalt  }
0x56: {  	_ =	shalt  }
0x57: {  	_ =	shalt  }
0x58: {  	_ =	shalt  }
0x59: {  	_ =	shalt  }
0x5a: {  	_ =	shalt  }
0x5b: {  	_ =	shalt  }
0x5c: {  	_ =	shalt  }
0x5d: {  	_ =	shalt  }
0x5e: {  	_ =	shalt  }
0x5f: {  	_ =	shalt  }
0x60: {  	_ =	shalt  }
0x61: {  	_ =	shalt  }
0x62: {  	_ =	shalt  }
0x63: {  	_ =	shalt  }
0x64: {  	_ =	shalt  }
0x65: {  	_ =	shalt  }
0x66: {  	_ =	shalt  }
0x67: {  	_ =	shalt  }
0x68: {  	_ =	shalt  }
0x69: {  	_ =	shalt  }
0x6a: {  	_ =	shalt  }
0x6b: {  	_ =	shalt  }
0x6c: {  	_ =	shalt  }
0x6d: {  	_ =	shalt  }
0x6e: {  	_ =	shalt  }
0x6f: {  	_ =	shalt  }
0x70: {  	_ =	shalt  }
0x71: {  	_ =	shalt  }
0x72: {  	_ =	shalt  }
0x73: {  	_ =	shalt  }
0x74: {  	_ =	shalt  }
0x75: {  	_ =	shalt  }
0x76: {  	_ =	shalt  }
0x77: {  	_ =	shalt  }
0x78: {  	_ =	shalt  }
0x79: {  	_ =	shalt  }
0x7a: {  	_ =	shalt  }
0x7b: {  	_ =	shalt  }
0x7c: {  	_ =	shalt  }
0x7d: {  	_ =	shalt  }
0x7e: {  	_ =	shalt  }
0x7f: {  	_ =	shalt  }
0x80: {  	_ =	shalt  }
0x81: {  	_ =	shalt  }
0x82: {  	_ =	shalt  }
0x83: {  	_ =	shalt  }
0x84: {  	_ =	shalt  }
0x85: {  	_ =	shalt  }
0x86: {  	_ =	shalt  }
0x87: {  	_ =	shalt  }
.Lfunc_end0:
.L_simem_size_0:
called_computation.5_lowered:
.L_overlay_start_0:
0x88: {  	s2 =	sld [smem:$0x3FD9]  }
0x89: {  	s3 =	sld [smem:$0x3FFE];
	_ =	sdelay $0x1  }
0x8a: {  	s1 =	srdreg.scid  }
0x8b: {  	s0 =	sand.u32 $0x1, s1  }
0x8c: {  	s16 =	sshll.u32 s0, $0xA;
	s2 =	sadd.s32 s3, s2  }
0x8d: {  	s2 =	sadd.s32 s2, s16  }
0x8e: {  	[smem:$0x3FBD] =	sst s2  }
0x8f: {  	_ = 	snop  }
0x90: {  	(tm) =	ssettm $0x1  }
0x91: {  	s17 =	sld [smem:$0x3FFB];
	_ =	sdelay $0x3  }
0x92: {  	_ =	strace s17  }
0x93: {  	s2 =	sld [smem:$0x3FFC];
	_ =	sdelay $0x3  }
0x94: {  	_ =	strace s2  }
0x95: {  	s2 =	sld [smem:$0x3FFD];
	_ =	sdelay $0x3  }
0x96: {  	_ =	strace s2  }
0x97: {  	_ =	strace $0x8FFFFFFF  }
0x98: {  	s18 =	sld [smem:$0x3FDB];
	_ =	sdelay $0x1  }
0x99: {  	s19 =	simm.s32 $_scs_section_size  }
0x9a: {  	s4 =	simm.s32 $_size__tile_overlayer_lowered;
	s5 =	simm.s32 $_tile_overlayer_lowered  }
0x9b: {  	s22 =	simm.s32 $0x1BFF;
	s21 =	sshll.u32 s5, $0x1;
	s2 =	sadd.s32 s19, s18  }
0x9c: {  	s6 =	simm.s32 $0x0;
	s20 =	sshll.u32 s4, $0x1;
	s4 =	sadd.s32 s21, s2  }
0x9d: {  	[timem:s6], [sflag:s22] =	dma.local [hbm:s4], s20  }
0x9e: {  	_ =	swait.ge [sflag:s22], s20  }
0x9f: {  	s3 =	ssub.s32 $0x0, s20;
	[sflag:s22] =	ssyncset.done $0x0  }
0xa0: {  	[sflag:s22] =	ssyncadd.s32 s3;
	_ =	sdelay $0x1  }
0xa1: {  	s23 =	simm.s32 $0x1B8B  }
0xa2: {  	_ =	swait.ge [sflag:s23], $0x1  }
0xa3: {  	[sflag:s23] =	ssyncset.done $0x0  }
0xa4: {  	s25 =	simm.s32 $0x1B8E;
	s24 =	sld [smem:$0x3FFE];
	[sflag:s23] =	ssyncadd.s32 $0xFFFFFFFF  }
0xa5: {  	s26 =	simm.s32 $execute0_lowered;
	[smem:$0x3FD2] =	sst s25  }
0xa6: {  	s4 =	sshll.u32 s26, $0x1;
	_ =	strace $0x80000055;
	[dreg:$0x1] =	wrdreg $0xFFFFFFFF  }
0xa7: {  	s28 =	simm.s32 $_size_execute0_lowered;
	s2 =	sadd.s32 s2, s4;
	[dreg:$0x0] =	wrdreg $0x0  }
0xa8: {  	s4 =	sshll.u32 s28, $0x1;
	[dreg:$0x2] =	wrdreg s2  }
0xa9: {  	[dreg:$0x3] =	wrdreg s4  }
0xaa: {  	[dreg:$0x4] =	wrdreg $0xC0  }
0xab: {  	_ =	task [dreg:s6], $0x5FFFF  }
0xac: {  	[dreg:$0x1] =	wrdreg $0xFFFFFFFF  }
0xad: {  	[dreg:$0x0] =	wrdreg $0x60  }
0xae: {  	[dreg:$0x2] =	wrdreg s24  }
0xaf: {  	[dreg:$0x3] =	wrdreg $0xA8000  }
0xb0: {  	[dreg:$0x4] =	wrdreg $0x9  }
0xb1: {  	_ =	task.clear_ibuf [dreg:s6], $0x5FFFF;
	_ =	strace $0x90000055  }
0xb2: {  	s29 =	simm.s32 $0x9;
	_ =	strace $0x80000057  }
0xb3: {  	_ =	swait.ge [sflag:s29], $0x1  }
0xb4: {  	[sflag:s29] =	ssyncadd.s32 $0xFFFFFFFF  }
0xb5: {  	_ =	strace $0x90000057  }
0xb6: {  	_ =	sfence  }
0xb7: {  	s30 =	sld [smem:$0x0];
	_ =	sdelay $0x2  }
0xb8: {  	s31 =	sshll.u32 s1, $0xD;
	s1 =	sshrl.u32 s1, $0x2  }
0xb9: {  	s3 =	sand.u32 $0x4000, s31;
	s1 =	sadd.s32 s1, s30  }
0xba: {  	s0 =	sor.u32 s3, s0;
	s1 =	sshll.u32 s1, $0x11  }
0xbb: {  	s0 =	sor.u32 s1, s0  }
0xbc: {  	s0 =	sadd.s32 $0x8F2B, s0  }
0xbd: {  	[sflag:s0] =	ssyncadd.remote.s32 $0x1  }
0xbe: {  	_ =	sfence.sel $0xFFFF  }
0xbf: {  	[dreg:$0x0] =	wrdreg $0xFFFFFFFF;
	(pc) =	sbr.abs _section_cstart, $3  }
0xc0: {  	[dreg:$0x1] =	wrdreg $0xFFFFFFFF  }
0xc1: {  	_ =	task.clear_ibuf [dreg:s6], $0x2FFFF;
	_ =	strace $0x9FFFFFFF  }
0xc2: {  	(tm) =	ssettm $0x7FFFFFFF  }
0xc3: {  	_ =	shalt  }
tec
execute0_lowered:
.L_overlay_start_1:
0x0: {  	(tag) =	ssettag $0x1  }
0x1: {  	s0 =	stileid.u32;
	s1 =	srdreg.scid  }
0x2: {  	s4 =	rddreg [dreg:$0x0];
	s5 =	smul.u32 $0x4F000, s0  }
0x3: {  	s2 =	rddreg [dreg:$0x1];
	s8 =	smul.u32 $0x280, s0  }
0x4: {  	s3 =	simm.s32 $0x0;
	s10 =	sand.u32 $0x1, s1;
	s25 =	smul.u32 $0x50000, s0  }
0x5: {  	s24 =	sshll.u32 s0, $0x1;
	s1 =	rddreg [dreg:$0x2];
	s18 =	smul.u32 $0x2800, s0  }
0x6: {  	[smem:$0x7FF] =	sst s3;
	s6 =	sor.u32 s10, s24;
	s7 =	smul.u32 $0x28000, s10  }
0x7: {  	_ =	strace $0x80000056;
	s26 =	ssub.s32 $0x2, s10;
	s10 =	smul.u32 $0x27800, s10  }
0x8: {  	s6 =	smul.u32 $0x500, s6;
	s11 =	sadd.s32 s5, s4;
	s13 =	sadd.s32 $0x80, s8  }
0x9: {  	s28 =	sshrl.u32 s26, $0x1;
	s5 =	sshrl.u32 s25, $0x2;
	s15 =	sadd.s32 $0x100, s8  }
0xa: {  	s16 =	sadd.s32 $0x180, s8;
	s17 =	sadd.s32 $0x200, s8;
	s12 =	sadd.s32 s7, s4  }
0xb: {  	s29 =	sshll.u32 s13, $0x7;
	s14 =	ssub.s32 s26, s28;
	s30 =	sshll.u32 s15, $0x7  }
0xc: {  	s31 =	sshll.u32 s16, $0x7;
	s8 =	sshll.u32 s17, $0x7;
	s19 =	sshll.u32 s13, $0x4  }
0xd: {  	s21 =	sshll.u32 s15, $0x4;
	s22 =	sshll.u32 s16, $0x4;
	s23 =	sshll.u32 s17, $0x4  }
0xe: {  	s11 =	sadd.s32 s10, s11;
	s13 =	simm.s32 $0x1;
	s15 =	simm.s32 $0x80  }
0xf: {  	s9 =	sadd.s32 s6, s4;
	s4 =	sadd.s32 s5, s2;
	s5 =	sadd.s32 s29, s2  }
0x10: {  	s6 =	sadd.s32 s30, s2;
	s7 =	sadd.s32 s31, s2;
	s8 =	sadd.s32 s8, s2  }
0x11: {  	s20 =	sadd.s32 $0x565000, s12;
	s10 =	smax.u32 s14, $0x1;
	s11 =	sadd.s32 $0xF1B000, s11  }
0x12: {  	s12 =	simm.s32 $0x6800;
	s14 =	simm.s32 $0x2800;
	s9 =	sadd.s32 $0x1432200, s9  }
0x13: {  	s16 =	sadd.s32 s18, s20;
	s17 =	sadd.s32 s19, s20;
	s18 =	sadd.s32 s21, s20  }
0x14: {  	v0 =	vimm.f32 $0.0e+00;
	s19 =	sadd.s32 s22, s20;
	s20 =	sadd.s32 s23, s20;
	s21 =	simm.s32 $0x0  }
.LBB2_1:
0x15: {  	s22 =	simm.s32 $0x0;
	s23 =	simm.s32 $0x200  }
.LBB2_2:
0x16: {  	p0 =	sne.s32 s23, $0xFE00;
	[tilespmem:s22+$0x6870] =	vst v0  }
0x17: {  	[tilespmem:s22+$0x6800] =	vst v0  }
0x18: {  	[tilespmem:s22+$0x6810] =	vst v0  }
.Ltmp0:
0x19: {  	[tilespmem:s22+$0x6820] =	vst v0;
	(pc) =	sbr.rel @p0 .LBB2_2-.Ltmp0, $4  }
0x1a: {  	[tilespmem:s22+$0x6830] =	vst v0  }
0x1b: {  	[tilespmem:s22+$0x6840] =	vst v0  }
0x1c: {  	[tilespmem:s22+$0x6850] =	vst v0  }
0x1d: {  	[tilespmem:s22+$0x6860] =	vst v0;
	s22 =	sshra.s32 s23, $0x2;
	s23 =	sadd.s32 $0x200, s23  }
0x1e: {  	[tilespmem:s22+$0x6870] =	vst v0  }
0x1f: {  	[tilespmem:s22+$0x6800] =	vst v0  }
0x20: {  	[tilespmem:s22+$0x6810] =	vst v0  }
0x21: {  	[tilespmem:s22+$0x6820] =	vst v0  }
0x22: {  	[tilespmem:s22+$0x6830] =	vst v0  }
0x23: {  	[tilespmem:s22+$0x6840] =	vst v0  }
0x24: {  	[tilespmem:s22+$0x6850] =	vst v0  }
0x25: {  	[tilespmem:s22+$0x6860] =	vst v0  }
0x26: {  	[spmem:s4] =	stream.linear.scatter [tilespmem:s12], [sflag:$0x1], $0x4000, $0x38;
	[tilespmem:$0x1E800] =	vst v63  }
0x27: {  	_ =	swait.ge [sflag:s13], $0x4000  }
0x28: {  	[sflag:s13] =	ssyncset.done $0x0  }
0x29: {  	[sflag:s13] =	ssyncadd.s32 $0xFFFFC000  }
0x2a: {  	[spmem:s5] =	stream.linear.scatter [tilespmem:s12], [sflag:$0x1], $0x4000, $0x38;
	[tilespmem:$0x1E800] =	vst v63  }
0x2b: {  	_ =	swait.ge [sflag:s13], $0x4000  }
0x2c: {  	[sflag:s13] =	ssyncset.done $0x0  }
0x2d: {  	[sflag:s13] =	ssyncadd.s32 $0xFFFFC000  }
0x2e: {  	[spmem:s6] =	stream.linear.scatter [tilespmem:s12], [sflag:$0x1], $0x4000, $0x38;
	[tilespmem:$0x1E800] =	vst v63  }
0x2f: {  	_ =	swait.ge [sflag:s13], $0x4000  }
0x30: {  	[sflag:s13] =	ssyncset.done $0x0  }
0x31: {  	[sflag:s13] =	ssyncadd.s32 $0xFFFFC000  }
0x32: {  	[spmem:s7] =	stream.linear.scatter [tilespmem:s12], [sflag:$0x1], $0x4000, $0x38;
	[tilespmem:$0x1E800] =	vst v63  }
0x33: {  	_ =	swait.ge [sflag:s13], $0x4000  }
0x34: {  	[sflag:s13] =	ssyncset.done $0x0  }
0x35: {  	[sflag:s13] =	ssyncadd.s32 $0xFFFFC000  }
0x36: {  	[spmem:s8] =	stream.linear.scatter [tilespmem:s12], [sflag:$0x1], $0x4000, $0x38;
	[tilespmem:$0x1E800] =	vst v63  }
0x37: {  	_ =	swait.ge [sflag:s13], $0x4000  }
0x38: {  	[sflag:s13] =	ssyncset.done $0x0  }
0x39: {  	[sflag:s13] =	ssyncadd.s32 $0xFFFFC000  }
0x3a: {  	s30 =	simm.s32 $0x0;
	[bflag:$0x0] =	sbarrier.arrive $0xFFFF  }
0x3b: {  	[tilespmem:s30], [sflag:$0x1] =	stream.linear.gather [hbm4b:s9+s30], $0x2780, $0x38;
	[tilespmem:$0x1E800] =	vst v63  }
0x3c: {  	_ =	swait.ge [sflag:s13], $0x2780  }
0x3d: {  	[sflag:s13] =	ssyncset.done $0x0  }
0x3e: {  	[sflag:s13] =	ssyncadd.s32 $0xFFFFD880  }
0x3f: {  	[tilespmem:s14], [sflag:$0x1] =	stream.linear.gather [hbm4b:s11+s3], $0x4000, $0x38;
	[tilespmem:$0x1E800] =	vst v63  }
0x40: {  	_ =	swait.ge [sflag:s13], $0x4000  }
0x41: {  	[sflag:s13] =	ssyncset.done $0x0  }
0x42: {  	s31 =	simm.s32 $0x0;
	[sflag:s13] =	ssyncadd.s32 $0xFFFFC000  }
0x43: {  	[spmem:s2] =	stream.indirect.scatter.add.f32 [tilespmem:s14], [sflag:$0x1], $0x80, s31, s15, $0xb8;
	[tilespmem:$0x1E800] =	vst v63  }
0x44: {  	_ =	swait.ge [sflag:s13], $0x4000  }
0x45: {  	s22 =	simm.s32 $0x200;
	s23 =	smov.u32 s11;
	[sflag:s13] =	ssyncset.done $0x0  }
.LBB2_4:
0x46: {  	p0 =	sne.s32 s22, $0x9C00;
	[sflag:s13] =	ssyncadd.s32 $0xFFFFC000;
	s23 =	sadd.s32 $0x800, s23  }
0x47: {  	[tilespmem:s14], [sflag:$0x1] =	stream.linear.gather [hbm4b:s23+s3], $0x4000, $0x38;
	[tilespmem:$0x1E800] =	vst v63  }
0x48: {  	s24 =	smov.u32 s22;
	s22 =	sadd.s32 $0x200, s22;
	_ =	swait.ge [sflag:s13], $0x4000  }
.Ltmp1:
0x49: {  	[sflag:s13] =	ssyncset.done $0x0;
	(pc) =	sbr.rel @p0 .LBB2_4-.Ltmp1, $4  }
0x4a: {  	s24 =	sshra.s32 s24, $0x2;
	[sflag:s13] =	ssyncadd.s32 $0xFFFFC000  }
0x4b: {  	[spmem:s2] =	stream.indirect.scatter.add.f32 [tilespmem:s14], [sflag:$0x1], $0x80, s24, s15, $0xb8;
	[tilespmem:$0x1E800] =	vst v63  }
0x4c: {  	_ =	swait.ge [sflag:s13], $0x4000  }
0x4d: {  	[sflag:s13] =	ssyncset.done $0x0  }
0x4e: {  	[sflag:s13] =	ssyncadd.s32 $0xFFFFC000;
	s22 =	sshll.u32 s0, $0x6  }
0x4f: {  	s23 =	sshrl.u32 s4, $0x3;
	[bflag:$0x0] =	sbarrier.arrive $0xFFFF;
	s22 =	sor.u32 $0x1C01, s22  }
0x50: {  	[hbm:s16], [sflag:s22] =	dma.local [spmem:s23], $0x800  }
0x51: {  	_ =	swait.ge [sflag:s13], $0x800  }
0x52: {  	[sflag:s13] =	ssyncset.done $0x0  }
0x53: {  	s28 =	sshrl.u32 s5, $0x3;
	[sflag:s13] =	ssyncadd.s32 $0xFFFFF800  }
0x54: {  	[hbm:s17], [sflag:s22] =	dma.local [spmem:s28], $0x800  }
0x55: {  	_ =	swait.ge [sflag:s13], $0x800  }
0x56: {  	[sflag:s13] =	ssyncset.done $0x0  }
0x57: {  	s29 =	sshrl.u32 s6, $0x3;
	[sflag:s13] =	ssyncadd.s32 $0xFFFFF800  }
0x58: {  	[hbm:s18], [sflag:s22] =	dma.local [spmem:s29], $0x800  }
0x59: {  	_ =	swait.ge [sflag:s13], $0x800  }
0x5a: {  	[sflag:s13] =	ssyncset.done $0x0  }
0x5b: {  	s30 =	sshrl.u32 s7, $0x3;
	[sflag:s13] =	ssyncadd.s32 $0xFFFFF800  }
0x5c: {  	[hbm:s19], [sflag:s22] =	dma.local [spmem:s30], $0x800  }
0x5d: {  	s21 =	sadd.s32 $0x1, s21;
	_ =	swait.ge [sflag:s13], $0x800  }
0x5e: {  	p0 =	sne.s32 s21, s10;
	[sflag:s13] =	ssyncset.done $0x0  }
.Ltmp2:
0x5f: {  	s31 =	sshrl.u32 s8, $0x3;
	[sflag:s13] =	ssyncadd.s32 $0xFFFFF800;
	(pc) =	sbr.rel @p0 .LBB2_1-.Ltmp2, $4  }
0x60: {  	[hbm:s20], [sflag:s22] =	dma.local [spmem:s31], $0x800  }
0x61: {  	_ =	swait.ge [sflag:s13], $0x800  }
0x62: {  	[sflag:s13] =	ssyncset.done $0x0  }
0x63: {  	[sflag:s13] =	ssyncadd.s32 $0xFFFFF800  }
0x64: {  	_ =	sfence.sel $0x180000  }
0x65: {  	[bflag:$0x0] =	sbarrier.arrive $0xFFFF  }
0x66: {  	p0 =	sne.s32 s0, $0x0;
	_ =	strace $0x90000056  }
0x67: {  	s0 =	sadd.s32 @!p0 $0x100000, s1;
	[bflag:$0x2] =	sbarrier.arrive $0xFFFF  }
0x68: {  	[sflag:s0] =	ssyncadd.tile.s32 @!p0 $0x1;
	_ =	shalt  }
.Lfunc_end2:
_tile_overlayer_lowered:
.L_overlay_start_2:
0x69: {  	(tag) =	ssettag $0x2  }
0x6a: {  	s0 =	rddreg [dreg:$0x0];
	s2 =	stileid.u32  }
0x6b: {  	s1 =	rddreg [dreg:$0x1];
	p0 =	sne.s32 s2, $0x0  }
0x6c: {  	s3 =	rddreg [dreg:$0x2];
	[bflag:$0x3] =	sbarrier.arrive $0xFFFF;
	s2 =	simm.s32 @!p0 $0x1C01  }
0x6d: {  	[timem:s3], [sflag:s2] =	dma.local @!p0 [hbm:s0], s1  }
0x6e: {  	s0 =	simm.s32 @!p0 $0x1  }
0x6f: {  	_ =	swait.ge @!p0 [sflag:s0], s1  }
0x70: {  	s1 =	ssub.s32 @!p0 $0x0, s1;
	[sflag:s0] =	ssyncset.done @!p0 $0x0  }
0x71: {  	[sflag:s0] =	ssyncadd.s32 @!p0 s1  }
0x72: {  	[bflag:$0x3] =	sbarrier.arrive $0xFFFF  }
0x73: {  	_ =	shalt  }

// kernel: kernel.43.cloned.1.call-start
scs
__scs_entry_jumppad:
0x0: {  	(pc) =	sbr.rel $0x88, $3  }
0x1: {  	(tag) =	ssettag $0x0;
	lr =	simm.s32 $0x1  }
0x2: {  	[smem:$0x3F96] =	sst lr;
	_ =	strace $0xD0000000  }
0x3: {  	_ = 	snop  }
0x4: {  	_ = 	snop  }
0x5: {  	_ = 	snop  }
0x6: {  	_ = 	snop  }
0x7: {  	_ = 	snop  }
__scs_overlays_trampoline_lowered:
0x8: {  	[smem:$0x3FA5] =	sst s0  }
0x9: {  	[smem:$0x3FA6] =	sst s1  }
0xa: {  	[smem:$0x3FA7] =	sst s2  }
0xb: {  	[smem:$0x3FA8] =	sst s3  }
0xc: {  	[smem:$0x3FA9] =	sst s4  }
0xd: {  	[smem:$0x3FAA] =	sst s5  }
0xe: {  	[smem:$0x3FAB] =	sst s6  }
0xf: {  	[smem:$0x3FAC] =	sst s7  }
0x10: {  	[smem:$0x3FAD] =	sst s8  }
0x11: {  	[smem:$0x3FAE] =	sst s9;
	s0 =	simm.s32 @!p0 $0x0  }
0x12: {  	s1 =	sld [smem:$0x3F94];
	s0 =	simm.s32 @p0 $0x1  }
0x13: {  	[smem:$0x3FAF] =	sst s0;
	s0 =	simm.s32 @!p1 $0x0  }
0x14: {  	s2 =	sld [smem:$0x3F93];
	s0 =	simm.s32 @p1 $0x1  }
0x15: {  	[smem:$0x3FB0] =	sst s0;
	s0 =	simm.s32 @!p2 $0x0  }
0x16: {  	s3 =	sld [smem:$0x3FDB];
	s0 =	simm.s32 @p2 $0x1  }
0x17: {  	s4 =	simm.s32 $0x1BF5;
	[smem:$0x3FB2] =	sst s0  }
0x18: {  	s0 =	sld [smem:$0x3F95];
	_ =	swait.ge [sflag:s4], $0x0  }
0x19: {  	s7 =	sld [smem:$0x3F96]  }
0x1a: {  	s8 =	sadd.s32 $0xFFFFE003, lr  }
0x1b: {  	s9 =	sadd.s32 $0xFFFFFEF7, lr;
	s5 =	simm.s32 $0xFFFFFFFF;
	p2 =	slt.u32 s8, $0xFFFFF086  }
0x1c: {  	p1 =	slt.u32 s9, $0xF7A;
	s5 =	simm.s32 @!p2 $0x0  }
0x1d: {  	s5 =	simm.s32 @p1 $0x1;
	p0 =	seq.s32 s7, s2  }
0x1e: {  	s7 =	smul.u32 @!p0 $0xF7A, s2;
	p2 =	seq.s32 @!p0 s5, $0x0  }
0x1f: {  	s9 =	smul.u32 $0xF7A, s1;
	s8 =	simm.s32 @!p0 $0x1BF5;
	p2 =	por !p2, p0  }
0x20: {  	[sflag:s8] =	ssyncset.s32 @!p0 $0xFFFFF086;
	s6 =	sadd.s32 @!p0 s3, s7;
	s7 =	simm.s32 @!p0 $0x108  }
0x21: {  	s3 =	sadd.s32 s3, s9;
	s6 =	sadd.s32 @!p0 $0x88, s6;
	s7 =	simm.s32 @p2 $0x1082  }
0x22: {  	[simem:s7], [sflag:s8] =	dma.local @!p0 [hbm:s6], $0xF7A  }
0x23: {  	s9 =	sor.u32 $0xD0000000, s2;
	s6 =	simm.s32 $0x108;
	_ =	swait.ge @!p0 [sflag:s8], $0x0  }
0x24: {  	s3 =	sadd.s32 $0x88, s3;
	s6 =	simm.s32 @!p1 $0x1082;
	[sflag:s4] =	ssyncset.s32 $0xFFFFF086  }
0x25: {  	[simem:s6], [sflag:s4] =	dma.local [hbm:s3], $0xF7A  }
0x26: {  	[smem:$0x3F96] =	sst s1;
	(tag) =	ssettag s2;
	_ =	strace s9  }
0x27: {  	s1 =	sld [smem:$0x3FA6]  }
0x28: {  	s2 =	sld [smem:$0x3FA7]  }
0x29: {  	s4 =	sld [smem:$0x3FA9]  }
0x2a: {  	p0 =	seq.s32 s5, $0x0;
	s5 =	sld [smem:$0x3FAA]  }
0x2b: {  	s6 =	sld [smem:$0x3FAB]  }
0x2c: {  	s7 =	sld [smem:$0x3FAC]  }
0x2d: {  	s3 =	simm.s32 $0x108;
	s8 =	sld [smem:$0x3FAD]  }
0x2e: {  	s3 =	simm.s32 @!p0 $0x1082;
	s9 =	sld [smem:$0x3FAE]  }
0x2f: {  	lr =	sadd.s32 s0, s3;
	s0 =	sld [smem:$0x3FA5]  }
0x30: {  	s3 =	sld [smem:$0x3FA8]  }
0x31: {  	[smem:$0x3FB1] =	sst s10  }
0x32: {  	s10 =	sld [smem:$0x3FAF];
	_ =	sdelay $0x3  }
0x33: {  	p0 =	seq.s32 s10, $0x1;
	s10 =	sld [smem:$0x3FB1];
	_ =	sdelay $0x3  }
0x34: {  	[smem:$0x3FB1] =	sst s10  }
0x35: {  	s10 =	sld [smem:$0x3FB0];
	_ =	sdelay $0x3  }
0x36: {  	p1 =	seq.s32 s10, $0x1;
	s10 =	sld [smem:$0x3FB1];
	_ =	sdelay $0x3  }
0x37: {  	[smem:$0x3FB1] =	sst s10  }
0x38: {  	s10 =	sld [smem:$0x3FB2]  }
0x39: {  	_ = 	snop;
	(pc) =	sbr.ind lr, $3  }
0x3a: {  	_ = 	snop  }
0x3b: {  	_ = 	snop  }
0x3c: {  	p2 =	seq.s32 s10, $0x1;
	s10 =	sld [smem:$0x3FB1]  }
0x3d: {  	_ =	shalt  }
0x3e: {  	_ =	shalt  }
0x3f: {  	_ =	shalt  }
0x40: {  	_ =	shalt  }
0x41: {  	_ =	shalt  }
0x42: {  	_ =	shalt  }
0x43: {  	_ =	shalt  }
0x44: {  	_ =	shalt  }
0x45: {  	_ =	shalt  }
0x46: {  	_ =	shalt  }
0x47: {  	_ =	shalt  }
0x48: {  	_ =	shalt  }
0x49: {  	_ =	shalt  }
0x4a: {  	_ =	shalt  }
0x4b: {  	_ =	shalt  }
0x4c: {  	_ =	shalt  }
0x4d: {  	_ =	shalt  }
0x4e: {  	_ =	shalt  }
0x4f: {  	_ =	shalt  }
0x50: {  	_ =	shalt  }
0x51: {  	_ =	shalt  }
0x52: {  	_ =	shalt  }
0x53: {  	_ =	shalt  }
0x54: {  	_ =	shalt  }
0x55: {  	_ =	shalt  }
0x56: {  	_ =	shalt  }
0x57: {  	_ =	shalt  }
0x58: {  	_ =	shalt  }
0x59: {  	_ =	shalt  }
0x5a: {  	_ =	shalt  }
0x5b: {  	_ =	shalt  }
0x5c: {  	_ =	shalt  }
0x5d: {  	_ =	shalt  }
0x5e: {  	_ =	shalt  }
0x5f: {  	_ =	shalt  }
0x60: {  	_ =	shalt  }
0x61: {  	_ =	shalt  }
0x62: {  	_ =	shalt  }
0x63: {  	_ =	shalt  }
0x64: {  	_ =	shalt  }
0x65: {  	_ =	shalt  }
0x66: {  	_ =	shalt  }
0x67: {  	_ =	shalt  }
0x68: {  	_ =	shalt  }
0x69: {  	_ =	shalt  }
0x6a: {  	_ =	shalt  }
0x6b: {  	_ =	shalt  }
0x6c: {  	_ =	shalt  }
0x6d: {  	_ =	shalt  }
0x6e: {  	_ =	shalt  }
0x6f: {  	_ =	shalt  }
0x70: {  	_ =	shalt  }
0x71: {  	_ =	shalt  }
0x72: {  	_ =	shalt  }
0x73: {  	_ =	shalt  }
0x74: {  	_ =	shalt  }
0x75: {  	_ =	shalt  }
0x76: {  	_ =	shalt  }
0x77: {  	_ =	shalt  }
0x78: {  	_ =	shalt  }
0x79: {  	_ =	shalt  }
0x7a: {  	_ =	shalt  }
0x7b: {  	_ =	shalt  }
0x7c: {  	_ =	shalt  }
0x7d: {  	_ =	shalt  }
0x7e: {  	_ =	shalt  }
0x7f: {  	_ =	shalt  }
0x80: {  	_ =	shalt  }
0x81: {  	_ =	shalt  }
0x82: {  	_ =	shalt  }
0x83: {  	_ =	shalt  }
0x84: {  	_ =	shalt  }
0x85: {  	_ =	shalt  }
0x86: {  	_ =	shalt  }
0x87: {  	_ =	shalt  }
.Lfunc_end0:
.L_simem_size_0:
called_computation.6_lowered:
.L_overlay_start_0:
0x88: {  	s2 =	sld [smem:$0x3FD9]  }
0x89: {  	s3 =	sld [smem:$0x3FFE];
	_ =	sdelay $0x1  }
0x8a: {  	s1 =	srdreg.scid  }
0x8b: {  	s0 =	sand.u32 $0x1, s1  }
0x8c: {  	s16 =	sshll.u32 s0, $0xA;
	s2 =	sadd.s32 s3, s2  }
0x8d: {  	s2 =	sadd.s32 s2, s16  }
0x8e: {  	[smem:$0x3FBD] =	sst s2  }
0x8f: {  	_ = 	snop  }
0x90: {  	(tm) =	ssettm $0x1  }
0x91: {  	s17 =	sld [smem:$0x3FFB];
	_ =	sdelay $0x3  }
0x92: {  	_ =	strace s17  }
0x93: {  	s2 =	sld [smem:$0x3FFC];
	_ =	sdelay $0x3  }
0x94: {  	_ =	strace s2  }
0x95: {  	s2 =	sld [smem:$0x3FFD];
	_ =	sdelay $0x3  }
0x96: {  	_ =	strace s2  }
0x97: {  	_ =	strace $0x8FFFFFFF  }
0x98: {  	s18 =	sld [smem:$0x3FDB];
	_ =	sdelay $0x1  }
0x99: {  	s19 =	simm.s32 $_scs_section_size  }
0x9a: {  	s4 =	simm.s32 $_size__tile_overlayer_lowered;
	s5 =	simm.s32 $_tile_overlayer_lowered  }
0x9b: {  	s22 =	simm.s32 $0x1BFF;
	s21 =	sshll.u32 s5, $0x1;
	s2 =	sadd.s32 s19, s18  }
0x9c: {  	s6 =	simm.s32 $0x0;
	s20 =	sshll.u32 s4, $0x1;
	s4 =	sadd.s32 s21, s2  }
0x9d: {  	[timem:s6], [sflag:s22] =	dma.local [hbm:s4], s20  }
0x9e: {  	_ =	swait.ge [sflag:s22], s20  }
0x9f: {  	s3 =	ssub.s32 $0x0, s20;
	[sflag:s22] =	ssyncset.done $0x0  }
0xa0: {  	[sflag:s22] =	ssyncadd.s32 s3;
	_ =	sdelay $0x1  }
0xa1: {  	s23 =	simm.s32 $0x1B8B  }
0xa2: {  	_ =	swait.ge [sflag:s23], $0x1  }
0xa3: {  	[sflag:s23] =	ssyncset.done $0x0  }
0xa4: {  	s25 =	simm.s32 $0x1B8E;
	s24 =	sld [smem:$0x3FFE];
	[sflag:s23] =	ssyncadd.s32 $0xFFFFFFFF  }
0xa5: {  	s26 =	simm.s32 $execute0_lowered;
	[smem:$0x3FD2] =	sst s25  }
0xa6: {  	s4 =	sshll.u32 s26, $0x1;
	_ =	strace $0x80000058;
	[dreg:$0x1] =	wrdreg $0xFFFFFFFF  }
0xa7: {  	s28 =	simm.s32 $_size_execute0_lowered;
	s2 =	sadd.s32 s2, s4;
	[dreg:$0x0] =	wrdreg $0x0  }
0xa8: {  	s4 =	sshll.u32 s28, $0x1;
	[dreg:$0x2] =	wrdreg s2  }
0xa9: {  	[dreg:$0x3] =	wrdreg s4  }
0xaa: {  	[dreg:$0x4] =	wrdreg $0xC0  }
0xab: {  	_ =	task [dreg:s6], $0x5FFFF  }
0xac: {  	[dreg:$0x1] =	wrdreg $0xFFFFFFFF  }
0xad: {  	[dreg:$0x0] =	wrdreg $0x60  }
0xae: {  	[dreg:$0x2] =	wrdreg s24  }
0xaf: {  	[dreg:$0x3] =	wrdreg $0x9  }
0xb0: {  	_ =	task.clear_ibuf [dreg:s6], $0x4FFFF;
	_ =	strace $0x90000058  }
0xb1: {  	s29 =	simm.s32 $0x9;
	_ =	strace $0x8000005A  }
0xb2: {  	_ =	swait.ge [sflag:s29], $0x1  }
0xb3: {  	[sflag:s29] =	ssyncadd.s32 $0xFFFFFFFF  }
0xb4: {  	_ =	strace $0x9000005A  }
0xb5: {  	_ =	sfence  }
0xb6: {  	s30 =	sld [smem:$0x0];
	_ =	sdelay $0x2  }
0xb7: {  	s31 =	sshll.u32 s1, $0xD;
	s1 =	sshrl.u32 s1, $0x2  }
0xb8: {  	s3 =	sand.u32 $0x4000, s31;
	s1 =	sadd.s32 s1, s30  }
0xb9: {  	s0 =	sor.u32 s3, s0;
	s1 =	sshll.u32 s1, $0x11  }
0xba: {  	s0 =	sor.u32 s1, s0  }
0xbb: {  	s0 =	sadd.s32 $0x8F2B, s0  }
0xbc: {  	[sflag:s0] =	ssyncadd.remote.s32 $0x1  }
0xbd: {  	_ =	sfence.sel $0xFFFF  }
0xbe: {  	[dreg:$0x0] =	wrdreg $0xFFFFFFFF;
	(pc) =	sbr.abs _section_cstart, $3  }
0xbf: {  	[dreg:$0x1] =	wrdreg $0xFFFFFFFF  }
0xc0: {  	_ =	task.clear_ibuf [dreg:s6], $0x2FFFF;
	_ =	strace $0x9FFFFFFF  }
0xc1: {  	(tm) =	ssettm $0x7FFFFFFF  }
tec
execute0_lowered:
.L_overlay_start_1:
0x0: {  	(tag) =	ssettag $0x1  }
0x1: {  	s1 =	srdreg.scid  }
0x2: {  	s0 =	stileid.u32;
	s5 =	rddreg [dreg:$0x0];
	s2 =	simm.s32 $0x0  }
0x3: {  	s11 =	simm.s32 $0x2800;
	s12 =	simm.s32 $0x80;
	s13 =	simm.s32 $0x5000  }
0x4: {  	s14 =	simm.s32 $0x9000;
	s15 =	simm.s32 $0x1;
	s16 =	simm.s32 $0x2  }
0x5: {  	s17 =	simm.s32 $0x0;
	s6 =	sand.u32 $0x1, s1;
	s3 =	sshll.u32 s0, $0x1  }
0x6: {  	[smem:$0x7FF] =	sst s2;
	s8 =	smul.u32 $0x4F000, s0;
	s4 =	sadd.s32 $0x58C200, s5  }
0x7: {  	s3 =	sor.u32 s6, s3;
	s9 =	ssub.s32 $0x2, s6;
	s6 =	smul.u32 $0x27800, s6  }
0x8: {  	s1 =	rddreg [dreg:$0x1];
	_ =	strace $0x80000059;
	s7 =	smul.u32 $0x500, s3  }
0x9: {  	s3 =	sadd.s32 $0x565000, s5;
	s8 =	sadd.s32 s8, s5;
	s31 =	sshrl.u32 s9, $0x1  }
0xa: {  	s9 =	ssub.s32 s9, s31;
	s10 =	sadd.s32 s6, s8;
	s7 =	sadd.s32 s7, s5  }
0xb: {  	s8 =	sadd.s32 $0xA2B000, s10;
	s5 =	sadd.s32 $0x16E00, s7;
	s6 =	sadd.s32 $0xCE00, s7  }
0xc: {  	s7 =	smax.u32 s9, $0x1;
	s9 =	sadd.s32 $0x20E00, s10;
	s10 =	simm.s32 $0x3  }
.LBB2_1:
0xd: {  	[tilespmem:s2], [sflag:$0x3] =	stream.linear.gather [hbm4b:s5+s2], $0x2780, $0x38;
	[tilespmem:$0xD000] =	vst v63  }
0xe: {  	_ =	swait.ge [sflag:s10], $0x2780  }
0xf: {  	[sflag:s10] =	ssyncset.done $0x0  }
0x10: {  	[sflag:s10] =	ssyncadd.s32 $0xFFFFD880  }
0x11: {  	[tilespmem:s11], [sflag:$0x3] =	stream.linear.gather [hbm4b:s6+s2], $0x2780, $0x38;
	[tilespmem:$0xD000] =	vst v63  }
0x12: {  	_ =	swait.ge [sflag:s10], $0x2780  }
0x13: {  	[sflag:s10] =	ssyncset.done $0x0  }
0x14: {  	s18 =	simm.s32 $0x0;
	[sflag:s10] =	ssyncadd.s32 $0xFFFFD880  }
0x15: {  	[tilespmem:s13], [sflag:$0x1] =	stream.indirect.gather [hbm4b:s3+s12], $0x80, s18, s12, $0xb8;
	[tilespmem:$0xD000] =	vst v63  }
0x16: {  	s31 =	simm.s32 $0x2800  }
0x17: {  	[tilespmem:s14], [sflag:$0x2] =	stream.indirect.gather [hbm4b:s4+s12], $0x80, s31, s12, $0xb8;
	[tilespmem:$0xD000] =	vst v63  }
0x18: {  	_ =	swait.ge [sflag:s15], $0x4000  }
0x19: {  	[sflag:s15] =	ssyncset.done $0x0  }
0x1a: {  	[sflag:s15] =	ssyncadd.s32 $0xFFFFC000  }
0x1b: {  	_ =	swait.ge [sflag:s16], $0x4000  }
0x1c: {  	[sflag:s16] =	ssyncset.done $0x0  }
0x1d: {  	[sflag:s16] =	ssyncadd.s32 $0xFFFFC000  }
0x1e: {  	[hbm4b:s9+s2] =	stream.linear.scatter [tilespmem:s13], [sflag:$0x3], $0x4000, $0x38;
	[tilespmem:$0xD000] =	vst v63  }
0x1f: {  	_ =	swait.ge [sflag:s10], $0x4000  }
0x20: {  	[sflag:s10] =	ssyncset.done $0x0  }
0x21: {  	[sflag:s10] =	ssyncadd.s32 $0xFFFFC000  }
0x22: {  	[hbm4b:s8+s2] =	stream.linear.scatter [tilespmem:s14], [sflag:$0x3], $0x4000, $0x38;
	[tilespmem:$0xD000] =	vst v63  }
0x23: {  	s20 =	simm.s32 $0x200;
	s21 =	simm.s32 $0x400;
	_ =	swait.ge [sflag:s10], $0x4000  }
0x24: {  	s19 =	sadd.s32 $0x800, s9;
	s18 =	sadd.s32 $0x800, s8;
	[sflag:s10] =	ssyncset.done $0x0  }
.LBB2_2:
0x25: {  	s22 =	sshra.s32 s20, $0x2  }
0x26: {  	[sflag:s10] =	ssyncadd.s32 $0xFFFFC000;
	s20 =	smov.u32 s21;
	s23 =	sadd.s32 $0x200, s21  }
0x27: {  	[tilespmem:s13], [sflag:$0x1] =	stream.indirect.gather [hbm4b:s3+s12], $0x80, s22, s12, $0xb8;
	[tilespmem:$0xD000] =	vst v63  }
0x28: {  	p0 =	sne.s32 s21, $0x9C00;
	s21 =	sadd.s32 $0x2800, s22  }
0x29: {  	[tilespmem:s14], [sflag:$0x2] =	stream.indirect.gather [hbm4b:s4+s12], $0x80, s21, s12, $0xb8;
	[tilespmem:$0xD000] =	vst v63  }
0x2a: {  	_ =	swait.ge [sflag:s15], $0x4000  }
0x2b: {  	[sflag:s15] =	ssyncset.done $0x0  }
0x2c: {  	[sflag:s15] =	ssyncadd.s32 $0xFFFFC000  }
0x2d: {  	_ =	swait.ge [sflag:s16], $0x4000  }
0x2e: {  	[sflag:s16] =	ssyncset.done $0x0  }
0x2f: {  	[sflag:s16] =	ssyncadd.s32 $0xFFFFC000  }
0x30: {  	[hbm4b:s19+s2] =	stream.linear.scatter [tilespmem:s13], [sflag:$0x3], $0x4000, $0x38;
	[tilespmem:$0xD000] =	vst v63  }
0x31: {  	_ =	swait.ge [sflag:s10], $0x4000  }
.Ltmp0:
0x32: {  	[sflag:s10] =	ssyncset.done $0x0;
	(pc) =	sbr.rel @p0 .LBB2_2-.Ltmp0, $4  }
0x33: {  	[sflag:s10] =	ssyncadd.s32 $0xFFFFC000  }
0x34: {  	[hbm4b:s18+s2] =	stream.linear.scatter [tilespmem:s14], [sflag:$0x3], $0x4000, $0x38;
	[tilespmem:$0xD000] =	vst v63  }
0x35: {  	s21 =	smov.u32 s23;
	_ =	swait.ge [sflag:s10], $0x4000  }
0x36: {  	s19 =	sadd.s32 $0x800, s19;
	s18 =	sadd.s32 $0x800, s18;
	[sflag:s10] =	ssyncset.done $0x0  }
0x37: {  	s20 =	sshra.s32 s20, $0x2;
	[sflag:s10] =	ssyncadd.s32 $0xFFFFC000  }
0x38: {  	[tilespmem:s13], [sflag:$0x1] =	stream.indirect.gather [hbm4b:s3+s12], $0x80, s20, s12, $0xb8;
	[tilespmem:$0xD000] =	vst v63  }
0x39: {  	s20 =	sadd.s32 $0x2800, s20  }
0x3a: {  	[tilespmem:s14], [sflag:$0x2] =	stream.indirect.gather [hbm4b:s4+s12], $0x80, s20, s12, $0xb8;
	[tilespmem:$0xD000] =	vst v63  }
0x3b: {  	_ =	swait.ge [sflag:s15], $0x4000  }
0x3c: {  	[sflag:s15] =	ssyncset.done $0x0  }
0x3d: {  	[sflag:s15] =	ssyncadd.s32 $0xFFFFC000  }
0x3e: {  	_ =	swait.ge [sflag:s16], $0x4000  }
0x3f: {  	[sflag:s16] =	ssyncset.done $0x0  }
0x40: {  	[sflag:s16] =	ssyncadd.s32 $0xFFFFC000  }
0x41: {  	[hbm4b:s19+s2] =	stream.linear.scatter [tilespmem:s13], [sflag:$0x3], $0x4000, $0x38;
	[tilespmem:$0xD000] =	vst v63  }
0x42: {  	s17 =	sadd.s32 $0x1, s17;
	_ =	swait.ge [sflag:s10], $0x4000  }
0x43: {  	p0 =	sne.s32 s17, s7;
	[sflag:s10] =	ssyncset.done $0x0  }
.Ltmp1:
0x44: {  	[sflag:s10] =	ssyncadd.s32 $0xFFFFC000;
	(pc) =	sbr.rel @p0 .LBB2_1-.Ltmp1, $4  }
0x45: {  	[hbm4b:s18+s2] =	stream.linear.scatter [tilespmem:s14], [sflag:$0x3], $0x4000, $0x38;
	[tilespmem:$0xD000] =	vst v63  }
0x46: {  	_ =	swait.ge [sflag:s10], $0x4000  }
0x47: {  	[sflag:s10] =	ssyncset.done $0x0  }
0x48: {  	[sflag:s10] =	ssyncadd.s32 $0xFFFFC000  }
0x49: {  	_ =	sfence.sel $0x180000  }
0x4a: {  	[bflag:$0x0] =	sbarrier.arrive $0xFFFF  }
0x4b: {  	p0 =	sne.s32 s0, $0x0;
	_ =	strace $0x90000059  }
0x4c: {  	s0 =	sadd.s32 @!p0 $0x100000, s1;
	[bflag:$0x2] =	sbarrier.arrive $0xFFFF  }
0x4d: {  	[sflag:s0] =	ssyncadd.tile.s32 @!p0 $0x1;
	_ =	shalt  }
.Lfunc_end2:
_tile_overlayer_lowered:
.L_overlay_start_2:
0x4e: {  	(tag) =	ssettag $0x2  }
0x4f: {  	s0 =	rddreg [dreg:$0x0];
	s2 =	stileid.u32  }
0x50: {  	s1 =	rddreg [dreg:$0x1];
	p0 =	sne.s32 s2, $0x0  }
0x51: {  	s3 =	rddreg [dreg:$0x2];
	[bflag:$0x3] =	sbarrier.arrive $0xFFFF;
	s2 =	simm.s32 @!p0 $0x1C03  }
0x52: {  	[timem:s3], [sflag:s2] =	dma.local @!p0 [hbm:s0], s1  }
0x53: {  	s0 =	simm.s32 @!p0 $0x3  }
0x54: {  	_ =	swait.ge @!p0 [sflag:s0], s1  }
0x55: {  	s1 =	ssub.s32 @!p0 $0x0, s1;
	[sflag:s0] =	ssyncset.done @!p0 $0x0  }
0x56: {  	[sflag:s0] =	ssyncadd.s32 @!p0 s1  }
0x57: {  	[bflag:$0x3] =	sbarrier.arrive $0xFFFF  }
0x58: {  	_ =	shalt  }

// kernel: kernel.46.cloned.1.call-start
scs
__scs_entry_jumppad:
0x0: {  	(pc) =	sbr.rel $0x88, $3  }
0x1: {  	(tag) =	ssettag $0x0;
	lr =	simm.s32 $0x1  }
0x2: {  	[smem:$0x3F96] =	sst lr;
	_ =	strace $0xD0000000  }
0x3: {  	_ = 	snop  }
0x4: {  	_ = 	snop  }
0x5: {  	_ = 	snop  }
0x6: {  	_ = 	snop  }
0x7: {  	_ = 	snop  }
__scs_overlays_trampoline_lowered:
0x8: {  	[smem:$0x3FA5] =	sst s0  }
0x9: {  	[smem:$0x3FA6] =	sst s1  }
0xa: {  	[smem:$0x3FA7] =	sst s2  }
0xb: {  	[smem:$0x3FA8] =	sst s3  }
0xc: {  	[smem:$0x3FA9] =	sst s4  }
0xd: {  	[smem:$0x3FAA] =	sst s5  }
0xe: {  	[smem:$0x3FAB] =	sst s6  }
0xf: {  	[smem:$0x3FAC] =	sst s7  }
0x10: {  	[smem:$0x3FAD] =	sst s8  }
0x11: {  	[smem:$0x3FAE] =	sst s9;
	s0 =	simm.s32 @!p0 $0x0  }
0x12: {  	s1 =	sld [smem:$0x3F94];
	s0 =	simm.s32 @p0 $0x1  }
0x13: {  	[smem:$0x3FAF] =	sst s0;
	s0 =	simm.s32 @!p1 $0x0  }
0x14: {  	s2 =	sld [smem:$0x3F93];
	s0 =	simm.s32 @p1 $0x1  }
0x15: {  	[smem:$0x3FB0] =	sst s0;
	s0 =	simm.s32 @!p2 $0x0  }
0x16: {  	s3 =	sld [smem:$0x3FDB];
	s0 =	simm.s32 @p2 $0x1  }
0x17: {  	s4 =	simm.s32 $0x1BF5;
	[smem:$0x3FB2] =	sst s0  }
0x18: {  	s0 =	sld [smem:$0x3F95];
	_ =	swait.ge [sflag:s4], $0x0  }
0x19: {  	s7 =	sld [smem:$0x3F96]  }
0x1a: {  	s8 =	sadd.s32 $0xFFFFE003, lr  }
0x1b: {  	s9 =	sadd.s32 $0xFFFFFEF7, lr;
	s5 =	simm.s32 $0xFFFFFFFF;
	p2 =	slt.u32 s8, $0xFFFFF086  }
0x1c: {  	p1 =	slt.u32 s9, $0xF7A;
	s5 =	simm.s32 @!p2 $0x0  }
0x1d: {  	s5 =	simm.s32 @p1 $0x1;
	p0 =	seq.s32 s7, s2  }
0x1e: {  	s7 =	smul.u32 @!p0 $0xF7A, s2;
	p2 =	seq.s32 @!p0 s5, $0x0  }
0x1f: {  	s9 =	smul.u32 $0xF7A, s1;
	s8 =	simm.s32 @!p0 $0x1BF5;
	p2 =	por !p2, p0  }
0x20: {  	[sflag:s8] =	ssyncset.s32 @!p0 $0xFFFFF086;
	s6 =	sadd.s32 @!p0 s3, s7;
	s7 =	simm.s32 @!p0 $0x108  }
0x21: {  	s3 =	sadd.s32 s3, s9;
	s6 =	sadd.s32 @!p0 $0x88, s6;
	s7 =	simm.s32 @p2 $0x1082  }
0x22: {  	[simem:s7], [sflag:s8] =	dma.local @!p0 [hbm:s6], $0xF7A  }
0x23: {  	s9 =	sor.u32 $0xD0000000, s2;
	s6 =	simm.s32 $0x108;
	_ =	swait.ge @!p0 [sflag:s8], $0x0  }
0x24: {  	s3 =	sadd.s32 $0x88, s3;
	s6 =	simm.s32 @!p1 $0x1082;
	[sflag:s4] =	ssyncset.s32 $0xFFFFF086  }
0x25: {  	[simem:s6], [sflag:s4] =	dma.local [hbm:s3], $0xF7A  }
0x26: {  	[smem:$0x3F96] =	sst s1;
	(tag) =	ssettag s2;
	_ =	strace s9  }
0x27: {  	s1 =	sld [smem:$0x3FA6]  }
0x28: {  	s2 =	sld [smem:$0x3FA7]  }
0x29: {  	s4 =	sld [smem:$0x3FA9]  }
0x2a: {  	p0 =	seq.s32 s5, $0x0;
	s5 =	sld [smem:$0x3FAA]  }
0x2b: {  	s6 =	sld [smem:$0x3FAB]  }
0x2c: {  	s7 =	sld [smem:$0x3FAC]  }
0x2d: {  	s3 =	simm.s32 $0x108;
	s8 =	sld [smem:$0x3FAD]  }
0x2e: {  	s3 =	simm.s32 @!p0 $0x1082;
	s9 =	sld [smem:$0x3FAE]  }
0x2f: {  	lr =	sadd.s32 s0, s3;
	s0 =	sld [smem:$0x3FA5]  }
0x30: {  	s3 =	sld [smem:$0x3FA8]  }
0x31: {  	[smem:$0x3FB1] =	sst s10  }
0x32: {  	s10 =	sld [smem:$0x3FAF];
	_ =	sdelay $0x3  }
0x33: {  	p0 =	seq.s32 s10, $0x1;
	s10 =	sld [smem:$0x3FB1];
	_ =	sdelay $0x3  }
0x34: {  	[smem:$0x3FB1] =	sst s10  }
0x35: {  	s10 =	sld [smem:$0x3FB0];
	_ =	sdelay $0x3  }
0x36: {  	p1 =	seq.s32 s10, $0x1;
	s10 =	sld [smem:$0x3FB1];
	_ =	sdelay $0x3  }
0x37: {  	[smem:$0x3FB1] =	sst s10  }
0x38: {  	s10 =	sld [smem:$0x3FB2]  }
0x39: {  	_ = 	snop;
	(pc) =	sbr.ind lr, $3  }
0x3a: {  	_ = 	snop  }
0x3b: {  	_ = 	snop  }
0x3c: {  	p2 =	seq.s32 s10, $0x1;
	s10 =	sld [smem:$0x3FB1]  }
0x3d: {  	_ =	shalt  }
0x3e: {  	_ =	shalt  }
0x3f: {  	_ =	shalt  }
0x40: {  	_ =	shalt  }
0x41: {  	_ =	shalt  }
0x42: {  	_ =	shalt  }
0x43: {  	_ =	shalt  }
0x44: {  	_ =	shalt  }
0x45: {  	_ =	shalt  }
0x46: {  	_ =	shalt  }
0x47: {  	_ =	shalt  }
0x48: {  	_ =	shalt  }
0x49: {  	_ =	shalt  }
0x4a: {  	_ =	shalt  }
0x4b: {  	_ =	shalt  }
0x4c: {  	_ =	shalt  }
0x4d: {  	_ =	shalt  }
0x4e: {  	_ =	shalt  }
0x4f: {  	_ =	shalt  }
0x50: {  	_ =	shalt  }
0x51: {  	_ =	shalt  }
0x52: {  	_ =	shalt  }
0x53: {  	_ =	shalt  }
0x54: {  	_ =	shalt  }
0x55: {  	_ =	shalt  }
0x56: {  	_ =	shalt  }
0x57: {  	_ =	shalt  }
0x58: {  	_ =	shalt  }
0x59: {  	_ =	shalt  }
0x5a: {  	_ =	shalt  }
0x5b: {  	_ =	shalt  }
0x5c: {  	_ =	shalt  }
0x5d: {  	_ =	shalt  }
0x5e: {  	_ =	shalt  }
0x5f: {  	_ =	shalt  }
0x60: {  	_ =	shalt  }
0x61: {  	_ =	shalt  }
0x62: {  	_ =	shalt  }
0x63: {  	_ =	shalt  }
0x64: {  	_ =	shalt  }
0x65: {  	_ =	shalt  }
0x66: {  	_ =	shalt  }
0x67: {  	_ =	shalt  }
0x68: {  	_ =	shalt  }
0x69: {  	_ =	shalt  }
0x6a: {  	_ =	shalt  }
0x6b: {  	_ =	shalt  }
0x6c: {  	_ =	shalt  }
0x6d: {  	_ =	shalt  }
0x6e: {  	_ =	shalt  }
0x6f: {  	_ =	shalt  }
0x70: {  	_ =	shalt  }
0x71: {  	_ =	shalt  }
0x72: {  	_ =	shalt  }
0x73: {  	_ =	shalt  }
0x74: {  	_ =	shalt  }
0x75: {  	_ =	shalt  }
0x76: {  	_ =	shalt  }
0x77: {  	_ =	shalt  }
0x78: {  	_ =	shalt  }
0x79: {  	_ =	shalt  }
0x7a: {  	_ =	shalt  }
0x7b: {  	_ =	shalt  }
0x7c: {  	_ =	shalt  }
0x7d: {  	_ =	shalt  }
0x7e: {  	_ =	shalt  }
0x7f: {  	_ =	shalt  }
0x80: {  	_ =	shalt  }
0x81: {  	_ =	shalt  }
0x82: {  	_ =	shalt  }
0x83: {  	_ =	shalt  }
0x84: {  	_ =	shalt  }
0x85: {  	_ =	shalt  }
0x86: {  	_ =	shalt  }
0x87: {  	_ =	shalt  }
.Lfunc_end0:
.L_simem_size_0:
called_computation.7_lowered:
.L_overlay_start_0:
0x88: {  	s2 =	sld [smem:$0x3FD9]  }
0x89: {  	s3 =	sld [smem:$0x3FFE];
	_ =	sdelay $0x1  }
0x8a: {  	s1 =	srdreg.scid  }
0x8b: {  	s0 =	sand.u32 $0x1, s1  }
0x8c: {  	s16 =	sshll.u32 s0, $0xA;
	s2 =	sadd.s32 s3, s2  }
0x8d: {  	s2 =	sadd.s32 s2, s16  }
0x8e: {  	[smem:$0x3FBD] =	sst s2  }
0x8f: {  	_ = 	snop  }
0x90: {  	(tm) =	ssettm $0x1  }
0x91: {  	s17 =	sld [smem:$0x3FFB];
	_ =	sdelay $0x3  }
0x92: {  	_ =	strace s17  }
0x93: {  	s2 =	sld [smem:$0x3FFC];
	_ =	sdelay $0x3  }
0x94: {  	_ =	strace s2  }
0x95: {  	s2 =	sld [smem:$0x3FFD];
	_ =	sdelay $0x3  }
0x96: {  	_ =	strace s2  }
0x97: {  	_ =	strace $0x8FFFFFFF  }
0x98: {  	s18 =	sld [smem:$0x3FDB];
	_ =	sdelay $0x1  }
0x99: {  	s19 =	simm.s32 $_scs_section_size  }
0x9a: {  	s4 =	simm.s32 $_size__tile_overlayer_lowered;
	s5 =	simm.s32 $_tile_overlayer_lowered  }
0x9b: {  	s22 =	simm.s32 $0x1BFF;
	s21 =	sshll.u32 s5, $0x1;
	s2 =	sadd.s32 s19, s18  }
0x9c: {  	s6 =	simm.s32 $0x0;
	s20 =	sshll.u32 s4, $0x1;
	s4 =	sadd.s32 s21, s2  }
0x9d: {  	[timem:s6], [sflag:s22] =	dma.local [hbm:s4], s20  }
0x9e: {  	_ =	swait.ge [sflag:s22], s20  }
0x9f: {  	s3 =	ssub.s32 $0x0, s20;
	[sflag:s22] =	ssyncset.done $0x0  }
0xa0: {  	[sflag:s22] =	ssyncadd.s32 s3;
	_ =	sdelay $0x1  }
0xa1: {  	s23 =	simm.s32 $0x1B8B  }
0xa2: {  	_ =	swait.ge [sflag:s23], $0x1  }
0xa3: {  	[sflag:s23] =	ssyncset.done $0x0  }
0xa4: {  	s25 =	simm.s32 $0x1B8E;
	s24 =	sld [smem:$0x3FFE];
	[sflag:s23] =	ssyncadd.s32 $0xFFFFFFFF  }
0xa5: {  	s26 =	simm.s32 $execute0_lowered;
	[smem:$0x3FD2] =	sst s25  }
0xa6: {  	s4 =	sshll.u32 s26, $0x1;
	_ =	strace $0x8000005B;
	[dreg:$0x1] =	wrdreg $0xFFFFFFFF  }
0xa7: {  	s28 =	simm.s32 $_size_execute0_lowered;
	s2 =	sadd.s32 s2, s4;
	[dreg:$0x0] =	wrdreg $0x0  }
0xa8: {  	s4 =	sshll.u32 s28, $0x1;
	[dreg:$0x2] =	wrdreg s2  }
0xa9: {  	[dreg:$0x3] =	wrdreg s4  }
0xaa: {  	[dreg:$0x4] =	wrdreg $0xC0  }
0xab: {  	_ =	task [dreg:s6], $0x5FFFF  }
0xac: {  	[dreg:$0x1] =	wrdreg $0xFFFFFFFF  }
0xad: {  	[dreg:$0x0] =	wrdreg $0x60  }
0xae: {  	[dreg:$0x2] =	wrdreg s24  }
0xaf: {  	[dreg:$0x3] =	wrdreg $0xA8000  }
0xb0: {  	[dreg:$0x4] =	wrdreg $0x9  }
0xb1: {  	_ =	task.clear_ibuf [dreg:s6], $0x5FFFF;
	_ =	strace $0x9000005B  }
0xb2: {  	s29 =	simm.s32 $0x9;
	_ =	strace $0x8000005D  }
0xb3: {  	_ =	swait.ge [sflag:s29], $0x1  }
0xb4: {  	[sflag:s29] =	ssyncadd.s32 $0xFFFFFFFF  }
0xb5: {  	_ =	strace $0x9000005D  }
0xb6: {  	_ =	sfence  }
0xb7: {  	s30 =	sld [smem:$0x0];
	_ =	sdelay $0x2  }
0xb8: {  	s31 =	sshll.u32 s1, $0xD;
	s1 =	sshrl.u32 s1, $0x2  }
0xb9: {  	s3 =	sand.u32 $0x4000, s31;
	s1 =	sadd.s32 s1, s30  }
0xba: {  	s0 =	sor.u32 s3, s0;
	s1 =	sshll.u32 s1, $0x11  }
0xbb: {  	s0 =	sor.u32 s1, s0  }
0xbc: {  	s0 =	sadd.s32 $0x8F2B, s0  }
0xbd: {  	[sflag:s0] =	ssyncadd.remote.s32 $0x1  }
0xbe: {  	_ =	sfence.sel $0xFFFF  }
0xbf: {  	[dreg:$0x0] =	wrdreg $0xFFFFFFFF;
	(pc) =	sbr.abs _section_cstart, $3  }
0xc0: {  	[dreg:$0x1] =	wrdreg $0xFFFFFFFF  }
0xc1: {  	_ =	task.clear_ibuf [dreg:s6], $0x2FFFF;
	_ =	strace $0x9FFFFFFF  }
0xc2: {  	(tm) =	ssettm $0x7FFFFFFF  }
0xc3: {  	_ =	shalt  }
tec
execute0_lowered:
.L_overlay_start_1:
0x0: {  	(tag) =	ssettag $0x1  }
0x1: {  	s0 =	stileid.u32;
	s1 =	srdreg.scid  }
0x2: {  	s4 =	rddreg [dreg:$0x0];
	s5 =	smul.u32 $0x4F000, s0  }
0x3: {  	s2 =	rddreg [dreg:$0x1];
	s8 =	smul.u32 $0x280, s0  }
0x4: {  	s3 =	simm.s32 $0x0;
	s10 =	sand.u32 $0x1, s1;
	s25 =	smul.u32 $0x50000, s0  }
0x5: {  	s24 =	sshll.u32 s0, $0x1;
	s1 =	rddreg [dreg:$0x2];
	s18 =	smul.u32 $0x2800, s0  }
0x6: {  	[smem:$0x7FF] =	sst s3;
	s6 =	sor.u32 s10, s24;
	s7 =	smul.u32 $0x28000, s10  }
0x7: {  	_ =	strace $0x8000005C;
	s26 =	ssub.s32 $0x2, s10;
	s10 =	smul.u32 $0x27800, s10  }
0x8: {  	s6 =	smul.u32 $0x500, s6;
	s11 =	sadd.s32 s5, s4;
	s13 =	sadd.s32 $0x80, s8  }
0x9: {  	s28 =	sshrl.u32 s26, $0x1;
	s5 =	sshrl.u32 s25, $0x2;
	s15 =	sadd.s32 $0x100, s8  }
0xa: {  	s16 =	sadd.s32 $0x180, s8;
	s17 =	sadd.s32 $0x200, s8;
	s12 =	sadd.s32 s7, s4  }
0xb: {  	s29 =	sshll.u32 s13, $0x7;
	s14 =	ssub.s32 s26, s28;
	s30 =	sshll.u32 s15, $0x7  }
0xc: {  	s31 =	sshll.u32 s16, $0x7;
	s8 =	sshll.u32 s17, $0x7;
	s19 =	sshll.u32 s13, $0x4  }
0xd: {  	s21 =	sshll.u32 s15, $0x4;
	s22 =	sshll.u32 s16, $0x4;
	s23 =	sshll.u32 s17, $0x4  }
0xe: {  	s11 =	sadd.s32 s10, s11;
	s13 =	simm.s32 $0x1;
	s15 =	simm.s32 $0x80  }
0xf: {  	s9 =	sadd.s32 s6, s4;
	s4 =	sadd.s32 s5, s2;
	s5 =	sadd.s32 s29, s2  }
0x10: {  	s6 =	sadd.s32 s30, s2;
	s7 =	sadd.s32 s31, s2;
	s8 =	sadd.s32 s8, s2  }
0x11: {  	s20 =	sadd.s32 $0x565000, s12;
	s10 =	smax.u32 s14, $0x1;
	s11 =	sadd.s32 $0xF1B000, s11  }
0x12: {  	s12 =	simm.s32 $0x6800;
	s14 =	simm.s32 $0x2800;
	s9 =	sadd.s32 $0x1432200, s9  }
0x13: {  	s16 =	sadd.s32 s18, s20;
	s17 =	sadd.s32 s19, s20;
	s18 =	sadd.s32 s21, s20  }
0x14: {  	v0 =	vimm.f32 $0.0e+00;
	s19 =	sadd.s32 s22, s20;
	s20 =	sadd.s32 s23, s20;
	s21 =	simm.s32 $0x0  }
.LBB2_1:
0x15: {  	s22 =	simm.s32 $0x0;
	s23 =	simm.s32 $0x200  }
.LBB2_2:
0x16: {  	p0 =	sne.s32 s23, $0xFE00;
	[tilespmem:s22+$0x6870] =	vst v0  }
0x17: {  	[tilespmem:s22+$0x6800] =	vst v0  }
0x18: {  	[tilespmem:s22+$0x6810] =	vst v0  }
.Ltmp0:
0x19: {  	[tilespmem:s22+$0x6820] =	vst v0;
	(pc) =	sbr.rel @p0 .LBB2_2-.Ltmp0, $4  }
0x1a: {  	[tilespmem:s22+$0x6830] =	vst v0  }
0x1b: {  	[tilespmem:s22+$0x6840] =	vst v0  }
0x1c: {  	[tilespmem:s22+$0x6850] =	vst v0  }
0x1d: {  	[tilespmem:s22+$0x6860] =	vst v0;
	s22 =	sshra.s32 s23, $0x2;
	s23 =	sadd.s32 $0x200, s23  }
0x1e: {  	[tilespmem:s22+$0x6870] =	vst v0  }
0x1f: {  	[tilespmem:s22+$0x6800] =	vst v0  }
0x20: {  	[tilespmem:s22+$0x6810] =	vst v0  }
0x21: {  	[tilespmem:s22+$0x6820] =	vst v0  }
0x22: {  	[tilespmem:s22+$0x6830] =	vst v0  }
0x23: {  	[tilespmem:s22+$0x6840] =	vst v0  }
0x24: {  	[tilespmem:s22+$0x6850] =	vst v0  }
0x25: {  	[tilespmem:s22+$0x6860] =	vst v0  }
0x26: {  	[spmem:s4] =	stream.linear.scatter [tilespmem:s12], [sflag:$0x1], $0x4000, $0x38;
	[tilespmem:$0x1E800] =	vst v63  }
0x27: {  	_ =	swait.ge [sflag:s13], $0x4000  }
0x28: {  	[sflag:s13] =	ssyncset.done $0x0  }
0x29: {  	[sflag:s13] =	ssyncadd.s32 $0xFFFFC000  }
0x2a: {  	[spmem:s5] =	stream.linear.scatter [tilespmem:s12], [sflag:$0x1], $0x4000, $0x38;
	[tilespmem:$0x1E800] =	vst v63  }
0x2b: {  	_ =	swait.ge [sflag:s13], $0x4000  }
0x2c: {  	[sflag:s13] =	ssyncset.done $0x0  }
0x2d: {  	[sflag:s13] =	ssyncadd.s32 $0xFFFFC000  }
0x2e: {  	[spmem:s6] =	stream.linear.scatter [tilespmem:s12], [sflag:$0x1], $0x4000, $0x38;
	[tilespmem:$0x1E800] =	vst v63  }
0x2f: {  	_ =	swait.ge [sflag:s13], $0x4000  }
0x30: {  	[sflag:s13] =	ssyncset.done $0x0  }
0x31: {  	[sflag:s13] =	ssyncadd.s32 $0xFFFFC000  }
0x32: {  	[spmem:s7] =	stream.linear.scatter [tilespmem:s12], [sflag:$0x1], $0x4000, $0x38;
	[tilespmem:$0x1E800] =	vst v63  }
0x33: {  	_ =	swait.ge [sflag:s13], $0x4000  }
0x34: {  	[sflag:s13] =	ssyncset.done $0x0  }
0x35: {  	[sflag:s13] =	ssyncadd.s32 $0xFFFFC000  }
0x36: {  	[spmem:s8] =	stream.linear.scatter [tilespmem:s12], [sflag:$0x1], $0x4000, $0x38;
	[tilespmem:$0x1E800] =	vst v63  }
0x37: {  	_ =	swait.ge [sflag:s13], $0x4000  }
0x38: {  	[sflag:s13] =	ssyncset.done $0x0  }
0x39: {  	[sflag:s13] =	ssyncadd.s32 $0xFFFFC000  }
0x3a: {  	s30 =	simm.s32 $0x0;
	[bflag:$0x0] =	sbarrier.arrive $0xFFFF  }
0x3b: {  	[tilespmem:s30], [sflag:$0x1] =	stream.linear.gather [hbm4b:s9+s30], $0x2780, $0x38;
	[tilespmem:$0x1E800] =	vst v63  }
0x3c: {  	_ =	swait.ge [sflag:s13], $0x2780  }
0x3d: {  	[sflag:s13] =	ssyncset.done $0x0  }
0x3e: {  	[sflag:s13] =	ssyncadd.s32 $0xFFFFD880  }
0x3f: {  	[tilespmem:s14], [sflag:$0x1] =	stream.linear.gather [hbm4b:s11+s3], $0x4000, $0x38;
	[tilespmem:$0x1E800] =	vst v63  }
0x40: {  	_ =	swait.ge [sflag:s13], $0x4000  }
0x41: {  	[sflag:s13] =	ssyncset.done $0x0  }
0x42: {  	s31 =	simm.s32 $0x0;
	[sflag:s13] =	ssyncadd.s32 $0xFFFFC000  }
0x43: {  	[spmem:s2] =	stream.indirect.scatter.add.f32 [tilespmem:s14], [sflag:$0x1], $0x80, s31, s15, $0xb8;
	[tilespmem:$0x1E800] =	vst v63  }
0x44: {  	_ =	swait.ge [sflag:s13], $0x4000  }
0x45: {  	s22 =	simm.s32 $0x200;
	s23 =	smov.u32 s11;
	[sflag:s13] =	ssyncset.done $0x0  }
.LBB2_4:
0x46: {  	p0 =	sne.s32 s22, $0x9C00;
	[sflag:s13] =	ssyncadd.s32 $0xFFFFC000;
	s23 =	sadd.s32 $0x800, s23  }
0x47: {  	[tilespmem:s14], [sflag:$0x1] =	stream.linear.gather [hbm4b:s23+s3], $0x4000, $0x38;
	[tilespmem:$0x1E800] =	vst v63  }
0x48: {  	s24 =	smov.u32 s22;
	s22 =	sadd.s32 $0x200, s22;
	_ =	swait.ge [sflag:s13], $0x4000  }
.Ltmp1:
0x49: {  	[sflag:s13] =	ssyncset.done $0x0;
	(pc) =	sbr.rel @p0 .LBB2_4-.Ltmp1, $4  }
0x4a: {  	s24 =	sshra.s32 s24, $0x2;
	[sflag:s13] =	ssyncadd.s32 $0xFFFFC000  }
0x4b: {  	[spmem:s2] =	stream.indirect.scatter.add.f32 [tilespmem:s14], [sflag:$0x1], $0x80, s24, s15, $0xb8;
	[tilespmem:$0x1E800] =	vst v63  }
0x4c: {  	_ =	swait.ge [sflag:s13], $0x4000  }
0x4d: {  	[sflag:s13] =	ssyncset.done $0x0  }
0x4e: {  	[sflag:s13] =	ssyncadd.s32 $0xFFFFC000;
	s22 =	sshll.u32 s0, $0x6  }
0x4f: {  	s23 =	sshrl.u32 s4, $0x3;
	[bflag:$0x0] =	sbarrier.arrive $0xFFFF;
	s22 =	sor.u32 $0x1C01, s22  }
0x50: {  	[hbm:s16], [sflag:s22] =	dma.local [spmem:s23], $0x800  }
0x51: {  	_ =	swait.ge [sflag:s13], $0x800  }
0x52: {  	[sflag:s13] =	ssyncset.done $0x0  }
0x53: {  	s28 =	sshrl.u32 s5, $0x3;
	[sflag:s13] =	ssyncadd.s32 $0xFFFFF800  }
0x54: {  	[hbm:s17], [sflag:s22] =	dma.local [spmem:s28], $0x800  }
0x55: {  	_ =	swait.ge [sflag:s13], $0x800  }
0x56: {  	[sflag:s13] =	ssyncset.done $0x0  }
0x57: {  	s29 =	sshrl.u32 s6, $0x3;
	[sflag:s13] =	ssyncadd.s32 $0xFFFFF800  }
0x58: {  	[hbm:s18], [sflag:s22] =	dma.local [spmem:s29], $0x800  }
0x59: {  	_ =	swait.ge [sflag:s13], $0x800  }
0x5a: {  	[sflag:s13] =	ssyncset.done $0x0  }
0x5b: {  	s30 =	sshrl.u32 s7, $0x3;
	[sflag:s13] =	ssyncadd.s32 $0xFFFFF800  }
0x5c: {  	[hbm:s19], [sflag:s22] =	dma.local [spmem:s30], $0x800  }
0x5d: {  	s21 =	sadd.s32 $0x1, s21;
	_ =	swait.ge [sflag:s13], $0x800  }
0x5e: {  	p0 =	sne.s32 s21, s10;
	[sflag:s13] =	ssyncset.done $0x0  }
.Ltmp2:
0x5f: {  	s31 =	sshrl.u32 s8, $0x3;
	[sflag:s13] =	ssyncadd.s32 $0xFFFFF800;
	(pc) =	sbr.rel @p0 .LBB2_1-.Ltmp2, $4  }
0x60: {  	[hbm:s20], [sflag:s22] =	dma.local [spmem:s31], $0x800  }
0x61: {  	_ =	swait.ge [sflag:s13], $0x800  }
0x62: {  	[sflag:s13] =	ssyncset.done $0x0  }
0x63: {  	[sflag:s13] =	ssyncadd.s32 $0xFFFFF800  }
0x64: {  	_ =	sfence.sel $0x180000  }
0x65: {  	[bflag:$0x0] =	sbarrier.arrive $0xFFFF  }
0x66: {  	p0 =	sne.s32 s0, $0x0;
	_ =	strace $0x9000005C  }
0x67: {  	s0 =	sadd.s32 @!p0 $0x100000, s1;
	[bflag:$0x2] =	sbarrier.arrive $0xFFFF  }
0x68: {  	[sflag:s0] =	ssyncadd.tile.s32 @!p0 $0x1;
	_ =	shalt  }
.Lfunc_end2:
_tile_overlayer_lowered:
.L_overlay_start_2:
0x69: {  	(tag) =	ssettag $0x2  }
0x6a: {  	s0 =	rddreg [dreg:$0x0];
	s2 =	stileid.u32  }
0x6b: {  	s1 =	rddreg [dreg:$0x1];
	p0 =	sne.s32 s2, $0x0  }
0x6c: {  	s3 =	rddreg [dreg:$0x2];
	[bflag:$0x3] =	sbarrier.arrive $0xFFFF;
	s2 =	simm.s32 @!p0 $0x1C01  }
0x6d: {  	[timem:s3], [sflag:s2] =	dma.local @!p0 [hbm:s0], s1  }
0x6e: {  	s0 =	simm.s32 @!p0 $0x1  }
0x6f: {  	_ =	swait.ge @!p0 [sflag:s0], s1  }
0x70: {  	s1 =	ssub.s32 @!p0 $0x0, s1;
	[sflag:s0] =	ssyncset.done @!p0 $0x0  }
0x71: {  	[sflag:s0] =	ssyncadd.s32 @!p0 s1  }
0x72: {  	[bflag:$0x3] =	sbarrier.arrive $0xFFFF  }
0x73: {  	_ =	shalt  }

// kernel: kernel.49.cloned.1.call-start
scs
__scs_entry_jumppad:
0x0: {  	(pc) =	sbr.rel $0x88, $3  }
0x1: {  	(tag) =	ssettag $0x0;
	lr =	simm.s32 $0x1  }
0x2: {  	[smem:$0x3F96] =	sst lr;
	_ =	strace $0xD0000000  }
0x3: {  	_ = 	snop  }
0x4: {  	_ = 	snop  }
0x5: {  	_ = 	snop  }
0x6: {  	_ = 	snop  }
0x7: {  	_ = 	snop  }
__scs_overlays_trampoline_lowered:
0x8: {  	[smem:$0x3FA5] =	sst s0  }
0x9: {  	[smem:$0x3FA6] =	sst s1  }
0xa: {  	[smem:$0x3FA7] =	sst s2  }
0xb: {  	[smem:$0x3FA8] =	sst s3  }
0xc: {  	[smem:$0x3FA9] =	sst s4  }
0xd: {  	[smem:$0x3FAA] =	sst s5  }
0xe: {  	[smem:$0x3FAB] =	sst s6  }
0xf: {  	[smem:$0x3FAC] =	sst s7  }
0x10: {  	[smem:$0x3FAD] =	sst s8  }
0x11: {  	[smem:$0x3FAE] =	sst s9;
	s0 =	simm.s32 @!p0 $0x0  }
0x12: {  	s1 =	sld [smem:$0x3F94];
	s0 =	simm.s32 @p0 $0x1  }
0x13: {  	[smem:$0x3FAF] =	sst s0;
	s0 =	simm.s32 @!p1 $0x0  }
0x14: {  	s2 =	sld [smem:$0x3F93];
	s0 =	simm.s32 @p1 $0x1  }
0x15: {  	[smem:$0x3FB0] =	sst s0;
	s0 =	simm.s32 @!p2 $0x0  }
0x16: {  	s3 =	sld [smem:$0x3FDB];
	s0 =	simm.s32 @p2 $0x1  }
0x17: {  	s4 =	simm.s32 $0x1BF5;
	[smem:$0x3FB2] =	sst s0  }
0x18: {  	s0 =	sld [smem:$0x3F95];
	_ =	swait.ge [sflag:s4], $0x0  }
0x19: {  	s7 =	sld [smem:$0x3F96]  }
0x1a: {  	s8 =	sadd.s32 $0xFFFFE003, lr  }
0x1b: {  	s9 =	sadd.s32 $0xFFFFFEF7, lr;
	s5 =	simm.s32 $0xFFFFFFFF;
	p2 =	slt.u32 s8, $0xFFFFF086  }
0x1c: {  	p1 =	slt.u32 s9, $0xF7A;
	s5 =	simm.s32 @!p2 $0x0  }
0x1d: {  	s5 =	simm.s32 @p1 $0x1;
	p0 =	seq.s32 s7, s2  }
0x1e: {  	s7 =	smul.u32 @!p0 $0xF7A, s2;
	p2 =	seq.s32 @!p0 s5, $0x0  }
0x1f: {  	s9 =	smul.u32 $0xF7A, s1;
	s8 =	simm.s32 @!p0 $0x1BF5;
	p2 =	por !p2, p0  }
0x20: {  	[sflag:s8] =	ssyncset.s32 @!p0 $0xFFFFF086;
	s6 =	sadd.s32 @!p0 s3, s7;
	s7 =	simm.s32 @!p0 $0x108  }
0x21: {  	s3 =	sadd.s32 s3, s9;
	s6 =	sadd.s32 @!p0 $0x88, s6;
	s7 =	simm.s32 @p2 $0x1082  }
0x22: {  	[simem:s7], [sflag:s8] =	dma.local @!p0 [hbm:s6], $0xF7A  }
0x23: {  	s9 =	sor.u32 $0xD0000000, s2;
	s6 =	simm.s32 $0x108;
	_ =	swait.ge @!p0 [sflag:s8], $0x0  }
0x24: {  	s3 =	sadd.s32 $0x88, s3;
	s6 =	simm.s32 @!p1 $0x1082;
	[sflag:s4] =	ssyncset.s32 $0xFFFFF086  }
0x25: {  	[simem:s6], [sflag:s4] =	dma.local [hbm:s3], $0xF7A  }
0x26: {  	[smem:$0x3F96] =	sst s1;
	(tag) =	ssettag s2;
	_ =	strace s9  }
0x27: {  	s1 =	sld [smem:$0x3FA6]  }
0x28: {  	s2 =	sld [smem:$0x3FA7]  }
0x29: {  	s4 =	sld [smem:$0x3FA9]  }
0x2a: {  	p0 =	seq.s32 s5, $0x0;
	s5 =	sld [smem:$0x3FAA]  }
0x2b: {  	s6 =	sld [smem:$0x3FAB]  }
0x2c: {  	s7 =	sld [smem:$0x3FAC]  }
0x2d: {  	s3 =	simm.s32 $0x108;
	s8 =	sld [smem:$0x3FAD]  }
0x2e: {  	s3 =	simm.s32 @!p0 $0x1082;
	s9 =	sld [smem:$0x3FAE]  }
0x2f: {  	lr =	sadd.s32 s0, s3;
	s0 =	sld [smem:$0x3FA5]  }
0x30: {  	s3 =	sld [smem:$0x3FA8]  }
0x31: {  	[smem:$0x3FB1] =	sst s10  }
0x32: {  	s10 =	sld [smem:$0x3FAF];
	_ =	sdelay $0x3  }
0x33: {  	p0 =	seq.s32 s10, $0x1;
	s10 =	sld [smem:$0x3FB1];
	_ =	sdelay $0x3  }
0x34: {  	[smem:$0x3FB1] =	sst s10  }
0x35: {  	s10 =	sld [smem:$0x3FB0];
	_ =	sdelay $0x3  }
0x36: {  	p1 =	seq.s32 s10, $0x1;
	s10 =	sld [smem:$0x3FB1];
	_ =	sdelay $0x3  }
0x37: {  	[smem:$0x3FB1] =	sst s10  }
0x38: {  	s10 =	sld [smem:$0x3FB2]  }
0x39: {  	_ = 	snop;
	(pc) =	sbr.ind lr, $3  }
0x3a: {  	_ = 	snop  }
0x3b: {  	_ = 	snop  }
0x3c: {  	p2 =	seq.s32 s10, $0x1;
	s10 =	sld [smem:$0x3FB1]  }
0x3d: {  	_ =	shalt  }
0x3e: {  	_ =	shalt  }
0x3f: {  	_ =	shalt  }
0x40: {  	_ =	shalt  }
0x41: {  	_ =	shalt  }
0x42: {  	_ =	shalt  }
0x43: {  	_ =	shalt  }
0x44: {  	_ =	shalt  }
0x45: {  	_ =	shalt  }
0x46: {  	_ =	shalt  }
0x47: {  	_ =	shalt  }
0x48: {  	_ =	shalt  }
0x49: {  	_ =	shalt  }
0x4a: {  	_ =	shalt  }
0x4b: {  	_ =	shalt  }
0x4c: {  	_ =	shalt  }
0x4d: {  	_ =	shalt  }
0x4e: {  	_ =	shalt  }
0x4f: {  	_ =	shalt  }
0x50: {  	_ =	shalt  }
0x51: {  	_ =	shalt  }
0x52: {  	_ =	shalt  }
0x53: {  	_ =	shalt  }
0x54: {  	_ =	shalt  }
0x55: {  	_ =	shalt  }
0x56: {  	_ =	shalt  }
0x57: {  	_ =	shalt  }
0x58: {  	_ =	shalt  }
0x59: {  	_ =	shalt  }
0x5a: {  	_ =	shalt  }
0x5b: {  	_ =	shalt  }
0x5c: {  	_ =	shalt  }
0x5d: {  	_ =	shalt  }
0x5e: {  	_ =	shalt  }
0x5f: {  	_ =	shalt  }
0x60: {  	_ =	shalt  }
0x61: {  	_ =	shalt  }
0x62: {  	_ =	shalt  }
0x63: {  	_ =	shalt  }
0x64: {  	_ =	shalt  }
0x65: {  	_ =	shalt  }
0x66: {  	_ =	shalt  }
0x67: {  	_ =	shalt  }
0x68: {  	_ =	shalt  }
0x69: {  	_ =	shalt  }
0x6a: {  	_ =	shalt  }
0x6b: {  	_ =	shalt  }
0x6c: {  	_ =	shalt  }
0x6d: {  	_ =	shalt  }
0x6e: {  	_ =	shalt  }
0x6f: {  	_ =	shalt  }
0x70: {  	_ =	shalt  }
0x71: {  	_ =	shalt  }
0x72: {  	_ =	shalt  }
0x73: {  	_ =	shalt  }
0x74: {  	_ =	shalt  }
0x75: {  	_ =	shalt  }
0x76: {  	_ =	shalt  }
0x77: {  	_ =	shalt  }
0x78: {  	_ =	shalt  }
0x79: {  	_ =	shalt  }
0x7a: {  	_ =	shalt  }
0x7b: {  	_ =	shalt  }
0x7c: {  	_ =	shalt  }
0x7d: {  	_ =	shalt  }
0x7e: {  	_ =	shalt  }
0x7f: {  	_ =	shalt  }
0x80: {  	_ =	shalt  }
0x81: {  	_ =	shalt  }
0x82: {  	_ =	shalt  }
0x83: {  	_ =	shalt  }
0x84: {  	_ =	shalt  }
0x85: {  	_ =	shalt  }
0x86: {  	_ =	shalt  }
0x87: {  	_ =	shalt  }
.Lfunc_end0:
.L_simem_size_0:
called_computation.8_lowered:
.L_overlay_start_0:
0x88: {  	s2 =	sld [smem:$0x3FD9]  }
0x89: {  	s3 =	sld [smem:$0x3FFE];
	_ =	sdelay $0x1  }
0x8a: {  	s1 =	srdreg.scid  }
0x8b: {  	s0 =	sand.u32 $0x1, s1  }
0x8c: {  	s16 =	sshll.u32 s0, $0xA;
	s2 =	sadd.s32 s3, s2  }
0x8d: {  	s2 =	sadd.s32 s2, s16  }
0x8e: {  	[smem:$0x3FBD] =	sst s2  }
0x8f: {  	_ = 	snop  }
0x90: {  	(tm) =	ssettm $0x1  }
0x91: {  	s17 =	sld [smem:$0x3FFB];
	_ =	sdelay $0x3  }
0x92: {  	_ =	strace s17  }
0x93: {  	s2 =	sld [smem:$0x3FFC];
	_ =	sdelay $0x3  }
0x94: {  	_ =	strace s2  }
0x95: {  	s2 =	sld [smem:$0x3FFD];
	_ =	sdelay $0x3  }
0x96: {  	_ =	strace s2  }
0x97: {  	_ =	strace $0x8FFFFFFF  }
0x98: {  	s18 =	sld [smem:$0x3FDB];
	_ =	sdelay $0x1  }
0x99: {  	s19 =	simm.s32 $_scs_section_size  }
0x9a: {  	s4 =	simm.s32 $_size__tile_overlayer_lowered;
	s5 =	simm.s32 $_tile_overlayer_lowered  }
0x9b: {  	s22 =	simm.s32 $0x1BFF;
	s21 =	sshll.u32 s5, $0x1;
	s2 =	sadd.s32 s19, s18  }
0x9c: {  	s6 =	simm.s32 $0x0;
	s20 =	sshll.u32 s4, $0x1;
	s4 =	sadd.s32 s21, s2  }
0x9d: {  	[timem:s6], [sflag:s22] =	dma.local [hbm:s4], s20  }
0x9e: {  	_ =	swait.ge [sflag:s22], s20  }
0x9f: {  	s3 =	ssub.s32 $0x0, s20;
	[sflag:s22] =	ssyncset.done $0x0  }
0xa0: {  	[sflag:s22] =	ssyncadd.s32 s3;
	_ =	sdelay $0x1  }
0xa1: {  	s23 =	simm.s32 $0x1B8B  }
0xa2: {  	_ =	swait.ge [sflag:s23], $0x1  }
0xa3: {  	[sflag:s23] =	ssyncset.done $0x0  }
0xa4: {  	s25 =	simm.s32 $0x1B8E;
	s24 =	sld [smem:$0x3FFE];
	[sflag:s23] =	ssyncadd.s32 $0xFFFFFFFF  }
0xa5: {  	s26 =	simm.s32 $execute0_lowered;
	[smem:$0x3FD2] =	sst s25  }
0xa6: {  	s4 =	sshll.u32 s26, $0x1;
	_ =	strace $0x8000005E;
	[dreg:$0x1] =	wrdreg $0xFFFFFFFF  }
0xa7: {  	s28 =	simm.s32 $_size_execute0_lowered;
	s2 =	sadd.s32 s2, s4;
	[dreg:$0x0] =	wrdreg $0x0  }
0xa8: {  	s4 =	sshll.u32 s28, $0x1;
	[dreg:$0x2] =	wrdreg s2  }
0xa9: {  	[dreg:$0x3] =	wrdreg s4  }
0xaa: {  	[dreg:$0x4] =	wrdreg $0xC0  }
0xab: {  	_ =	task [dreg:s6], $0x5FFFF  }
0xac: {  	[dreg:$0x1] =	wrdreg $0xFFFFFFFF  }
0xad: {  	[dreg:$0x0] =	wrdreg $0x60  }
0xae: {  	[dreg:$0x2] =	wrdreg s24  }
0xaf: {  	[dreg:$0x3] =	wrdreg $0x9  }
0xb0: {  	_ =	task.clear_ibuf [dreg:s6], $0x4FFFF;
	_ =	strace $0x9000005E  }
0xb1: {  	s29 =	simm.s32 $0x9;
	_ =	strace $0x80000060  }
0xb2: {  	_ =	swait.ge [sflag:s29], $0x1  }
0xb3: {  	[sflag:s29] =	ssyncadd.s32 $0xFFFFFFFF  }
0xb4: {  	_ =	strace $0x90000060  }
0xb5: {  	_ =	sfence  }
0xb6: {  	s30 =	sld [smem:$0x0];
	_ =	sdelay $0x2  }
0xb7: {  	s31 =	sshll.u32 s1, $0xD;
	s1 =	sshrl.u32 s1, $0x2  }
0xb8: {  	s3 =	sand.u32 $0x4000, s31;
	s1 =	sadd.s32 s1, s30  }
0xb9: {  	s0 =	sor.u32 s3, s0;
	s1 =	sshll.u32 s1, $0x11  }
0xba: {  	s0 =	sor.u32 s1, s0  }
0xbb: {  	s0 =	sadd.s32 $0x8F2B, s0  }
0xbc: {  	[sflag:s0] =	ssyncadd.remote.s32 $0x1  }
0xbd: {  	_ =	sfence.sel $0xFFFF  }
0xbe: {  	[dreg:$0x0] =	wrdreg $0xFFFFFFFF;
	(pc) =	sbr.abs _section_cstart, $3  }
0xbf: {  	[dreg:$0x1] =	wrdreg $0xFFFFFFFF  }
0xc0: {  	_ =	task.clear_ibuf [dreg:s6], $0x2FFFF;
	_ =	strace $0x9FFFFFFF  }
0xc1: {  	(tm) =	ssettm $0x7FFFFFFF  }
tec
execute0_lowered:
.L_overlay_start_1:
0x0: {  	(tag) =	ssettag $0x1  }
0x1: {  	s1 =	srdreg.scid  }
0x2: {  	s0 =	stileid.u32;
	s5 =	rddreg [dreg:$0x0];
	s2 =	simm.s32 $0x0  }
0x3: {  	s11 =	simm.s32 $0x2800;
	s12 =	simm.s32 $0x80;
	s13 =	simm.s32 $0x5000  }
0x4: {  	s14 =	simm.s32 $0x9000;
	s15 =	simm.s32 $0x1;
	s16 =	simm.s32 $0x2  }
0x5: {  	s17 =	simm.s32 $0x0;
	s6 =	sand.u32 $0x1, s1;
	s1 =	rddreg [dreg:$0x1]  }
0x6: {  	s3 =	sshll.u32 s0, $0x1;
	[smem:$0x7FF] =	sst s2;
	s8 =	smul.u32 $0x4F000, s0  }
0x7: {  	s3 =	sor.u32 s6, s3;
	s9 =	ssub.s32 $0x2, s6;
	s6 =	smul.u32 $0x27800, s6  }
0x8: {  	s4 =	sadd.s32 $0x48000, s5;
	_ =	strace $0x8000005F;
	s7 =	smul.u32 $0x500, s3  }
0x9: {  	s3 =	sadd.s32 $0x20E00, s5;
	s8 =	sadd.s32 s8, s5;
	s31 =	sshrl.u32 s9, $0x1  }
0xa: {  	s9 =	ssub.s32 s9, s31;
	s10 =	sadd.s32 s6, s8;
	s7 =	sadd.s32 s7, s5  }
0xb: {  	s8 =	sadd.s32 $0x565000, s10;
	s5 =	sadd.s32 $0x16E00, s7;
	s6 =	sadd.s32 $0xCE00, s7  }
0xc: {  	s7 =	smax.u32 s9, $0x1;
	s9 =	sadd.s32 $0x6F200, s10;
	s10 =	simm.s32 $0x3  }
.LBB2_1:
0xd: {  	[tilespmem:s2], [sflag:$0x3] =	stream.linear.gather [hbm4b:s5+s2], $0x2780, $0x38;
	[tilespmem:$0xD000] =	vst v63  }
0xe: {  	_ =	swait.ge [sflag:s10], $0x2780  }
0xf: {  	[sflag:s10] =	ssyncset.done $0x0  }
0x10: {  	[sflag:s10] =	ssyncadd.s32 $0xFFFFD880  }
0x11: {  	[tilespmem:s11], [sflag:$0x3] =	stream.linear.gather [hbm4b:s6+s2], $0x2780, $0x38;
	[tilespmem:$0xD000] =	vst v63  }
0x12: {  	_ =	swait.ge [sflag:s10], $0x2780  }
0x13: {  	[sflag:s10] =	ssyncset.done $0x0  }
0x14: {  	s18 =	simm.s32 $0x0;
	[sflag:s10] =	ssyncadd.s32 $0xFFFFD880  }
0x15: {  	[tilespmem:s13], [sflag:$0x1] =	stream.indirect.gather [hbm4b:s3+s12], $0x80, s18, s12, $0xb8;
	[tilespmem:$0xD000] =	vst v63  }
0x16: {  	s31 =	simm.s32 $0x2800  }
0x17: {  	[tilespmem:s14], [sflag:$0x2] =	stream.indirect.gather [hbm4b:s4+s12], $0x80, s31, s12, $0xb8;
	[tilespmem:$0xD000] =	vst v63  }
0x18: {  	_ =	swait.ge [sflag:s15], $0x4000  }
0x19: {  	[sflag:s15] =	ssyncset.done $0x0  }
0x1a: {  	[sflag:s15] =	ssyncadd.s32 $0xFFFFC000  }
0x1b: {  	_ =	swait.ge [sflag:s16], $0x4000  }
0x1c: {  	[sflag:s16] =	ssyncset.done $0x0  }
0x1d: {  	[sflag:s16] =	ssyncadd.s32 $0xFFFFC000  }
0x1e: {  	[hbm4b:s9+s2] =	stream.linear.scatter [tilespmem:s13], [sflag:$0x3], $0x4000, $0x38;
	[tilespmem:$0xD000] =	vst v63  }
0x1f: {  	_ =	swait.ge [sflag:s10], $0x4000  }
0x20: {  	[sflag:s10] =	ssyncset.done $0x0  }
0x21: {  	[sflag:s10] =	ssyncadd.s32 $0xFFFFC000  }
0x22: {  	[hbm4b:s8+s2] =	stream.linear.scatter [tilespmem:s14], [sflag:$0x3], $0x4000, $0x38;
	[tilespmem:$0xD000] =	vst v63  }
0x23: {  	s20 =	simm.s32 $0x200;
	s21 =	simm.s32 $0x400;
	_ =	swait.ge [sflag:s10], $0x4000  }
0x24: {  	s19 =	sadd.s32 $0x800, s9;
	s18 =	sadd.s32 $0x800, s8;
	[sflag:s10] =	ssyncset.done $0x0  }
.LBB2_2:
0x25: {  	s22 =	sshra.s32 s20, $0x2  }
0x26: {  	[sflag:s10] =	ssyncadd.s32 $0xFFFFC000;
	s20 =	smov.u32 s21;
	s23 =	sadd.s32 $0x200, s21  }
0x27: {  	[tilespmem:s13], [sflag:$0x1] =	stream.indirect.gather [hbm4b:s3+s12], $0x80, s22, s12, $0xb8;
	[tilespmem:$0xD000] =	vst v63  }
0x28: {  	p0 =	sne.s32 s21, $0x9C00;
	s21 =	sadd.s32 $0x2800, s22  }
0x29: {  	[tilespmem:s14], [sflag:$0x2] =	stream.indirect.gather [hbm4b:s4+s12], $0x80, s21, s12, $0xb8;
	[tilespmem:$0xD000] =	vst v63  }
0x2a: {  	_ =	swait.ge [sflag:s15], $0x4000  }
0x2b: {  	[sflag:s15] =	ssyncset.done $0x0  }
0x2c: {  	[sflag:s15] =	ssyncadd.s32 $0xFFFFC000  }
0x2d: {  	_ =	swait.ge [sflag:s16], $0x4000  }
0x2e: {  	[sflag:s16] =	ssyncset.done $0x0  }
0x2f: {  	[sflag:s16] =	ssyncadd.s32 $0xFFFFC000  }
0x30: {  	[hbm4b:s19+s2] =	stream.linear.scatter [tilespmem:s13], [sflag:$0x3], $0x4000, $0x38;
	[tilespmem:$0xD000] =	vst v63  }
0x31: {  	_ =	swait.ge [sflag:s10], $0x4000  }
.Ltmp0:
0x32: {  	[sflag:s10] =	ssyncset.done $0x0;
	(pc) =	sbr.rel @p0 .LBB2_2-.Ltmp0, $4  }
0x33: {  	[sflag:s10] =	ssyncadd.s32 $0xFFFFC000  }
0x34: {  	[hbm4b:s18+s2] =	stream.linear.scatter [tilespmem:s14], [sflag:$0x3], $0x4000, $0x38;
	[tilespmem:$0xD000] =	vst v63  }
0x35: {  	s21 =	smov.u32 s23;
	_ =	swait.ge [sflag:s10], $0x4000  }
0x36: {  	s19 =	sadd.s32 $0x800, s19;
	s18 =	sadd.s32 $0x800, s18;
	[sflag:s10] =	ssyncset.done $0x0  }
0x37: {  	s20 =	sshra.s32 s20, $0x2;
	[sflag:s10] =	ssyncadd.s32 $0xFFFFC000  }
0x38: {  	[tilespmem:s13], [sflag:$0x1] =	stream.indirect.gather [hbm4b:s3+s12], $0x80, s20, s12, $0xb8;
	[tilespmem:$0xD000] =	vst v63  }
0x39: {  	s20 =	sadd.s32 $0x2800, s20  }
0x3a: {  	[tilespmem:s14], [sflag:$0x2] =	stream.indirect.gather [hbm4b:s4+s12], $0x80, s20, s12, $0xb8;
	[tilespmem:$0xD000] =	vst v63  }
0x3b: {  	_ =	swait.ge [sflag:s15], $0x4000  }
0x3c: {  	[sflag:s15] =	ssyncset.done $0x0  }
0x3d: {  	[sflag:s15] =	ssyncadd.s32 $0xFFFFC000  }
0x3e: {  	_ =	swait.ge [sflag:s16], $0x4000  }
0x3f: {  	[sflag:s16] =	ssyncset.done $0x0  }
0x40: {  	[sflag:s16] =	ssyncadd.s32 $0xFFFFC000  }
0x41: {  	[hbm4b:s19+s2] =	stream.linear.scatter [tilespmem:s13], [sflag:$0x3], $0x4000, $0x38;
	[tilespmem:$0xD000] =	vst v63  }
0x42: {  	s17 =	sadd.s32 $0x1, s17;
	_ =	swait.ge [sflag:s10], $0x4000  }
0x43: {  	p0 =	sne.s32 s17, s7;
	[sflag:s10] =	ssyncset.done $0x0  }
.Ltmp1:
0x44: {  	[sflag:s10] =	ssyncadd.s32 $0xFFFFC000;
	(pc) =	sbr.rel @p0 .LBB2_1-.Ltmp1, $4  }
0x45: {  	[hbm4b:s18+s2] =	stream.linear.scatter [tilespmem:s14], [sflag:$0x3], $0x4000, $0x38;
	[tilespmem:$0xD000] =	vst v63  }
0x46: {  	_ =	swait.ge [sflag:s10], $0x4000  }
0x47: {  	[sflag:s10] =	ssyncset.done $0x0  }
0x48: {  	[sflag:s10] =	ssyncadd.s32 $0xFFFFC000  }
0x49: {  	_ =	sfence.sel $0x180000  }
0x4a: {  	[bflag:$0x0] =	sbarrier.arrive $0xFFFF  }
0x4b: {  	p0 =	sne.s32 s0, $0x0;
	_ =	strace $0x9000005F  }
0x4c: {  	s0 =	sadd.s32 @!p0 $0x100000, s1;
	[bflag:$0x2] =	sbarrier.arrive $0xFFFF  }
0x4d: {  	[sflag:s0] =	ssyncadd.tile.s32 @!p0 $0x1;
	_ =	shalt  }
.Lfunc_end2:
_tile_overlayer_lowered:
.L_overlay_start_2:
0x4e: {  	(tag) =	ssettag $0x2  }
0x4f: {  	s0 =	rddreg [dreg:$0x0];
	s2 =	stileid.u32  }
0x50: {  	s1 =	rddreg [dreg:$0x1];
	p0 =	sne.s32 s2, $0x0  }
0x51: {  	s3 =	rddreg [dreg:$0x2];
	[bflag:$0x3] =	sbarrier.arrive $0xFFFF;
	s2 =	simm.s32 @!p0 $0x1C03  }
0x52: {  	[timem:s3], [sflag:s2] =	dma.local @!p0 [hbm:s0], s1  }
0x53: {  	s0 =	simm.s32 @!p0 $0x3  }
0x54: {  	_ =	swait.ge @!p0 [sflag:s0], s1  }
0x55: {  	s1 =	ssub.s32 @!p0 $0x0, s1;
	[sflag:s0] =	ssyncset.done @!p0 $0x0  }
0x56: {  	[sflag:s0] =	ssyncadd.s32 @!p0 s1  }
0x57: {  	[bflag:$0x3] =	sbarrier.arrive $0xFFFF  }
0x58: {  	_ =	shalt  }

// kernel: kernel.52.cloned.1.call-start
scs
__scs_entry_jumppad:
0x0: {  	(pc) =	sbr.rel $0x88, $3  }
0x1: {  	(tag) =	ssettag $0x0;
	lr =	simm.s32 $0x1  }
0x2: {  	[smem:$0x3F96] =	sst lr;
	_ =	strace $0xD0000000  }
0x3: {  	_ = 	snop  }
0x4: {  	_ = 	snop  }
0x5: {  	_ = 	snop  }
0x6: {  	_ = 	snop  }
0x7: {  	_ = 	snop  }
__scs_overlays_trampoline_lowered:
0x8: {  	[smem:$0x3FA5] =	sst s0  }
0x9: {  	[smem:$0x3FA6] =	sst s1  }
0xa: {  	[smem:$0x3FA7] =	sst s2  }
0xb: {  	[smem:$0x3FA8] =	sst s3  }
0xc: {  	[smem:$0x3FA9] =	sst s4  }
0xd: {  	[smem:$0x3FAA] =	sst s5  }
0xe: {  	[smem:$0x3FAB] =	sst s6  }
0xf: {  	[smem:$0x3FAC] =	sst s7  }
0x10: {  	[smem:$0x3FAD] =	sst s8  }
0x11: {  	[smem:$0x3FAE] =	sst s9;
	s0 =	simm.s32 @!p0 $0x0  }
0x12: {  	s1 =	sld [smem:$0x3F94];
	s0 =	simm.s32 @p0 $0x1  }
0x13: {  	[smem:$0x3FAF] =	sst s0;
	s0 =	simm.s32 @!p1 $0x0  }
0x14: {  	s2 =	sld [smem:$0x3F93];
	s0 =	simm.s32 @p1 $0x1  }
0x15: {  	[smem:$0x3FB0] =	sst s0;
	s0 =	simm.s32 @!p2 $0x0  }
0x16: {  	s3 =	sld [smem:$0x3FDB];
	s0 =	simm.s32 @p2 $0x1  }
0x17: {  	s4 =	simm.s32 $0x1BF5;
	[smem:$0x3FB2] =	sst s0  }
0x18: {  	s0 =	sld [smem:$0x3F95];
	_ =	swait.ge [sflag:s4], $0x0  }
0x19: {  	s7 =	sld [smem:$0x3F96]  }
0x1a: {  	s8 =	sadd.s32 $0xFFFFE003, lr  }
0x1b: {  	s9 =	sadd.s32 $0xFFFFFEF7, lr;
	s5 =	simm.s32 $0xFFFFFFFF;
	p2 =	slt.u32 s8, $0xFFFFF086  }
0x1c: {  	p1 =	slt.u32 s9, $0xF7A;
	s5 =	simm.s32 @!p2 $0x0  }
0x1d: {  	s5 =	simm.s32 @p1 $0x1;
	p0 =	seq.s32 s7, s2  }
0x1e: {  	s7 =	smul.u32 @!p0 $0xF7A, s2;
	p2 =	seq.s32 @!p0 s5, $0x0  }
0x1f: {  	s9 =	smul.u32 $0xF7A, s1;
	s8 =	simm.s32 @!p0 $0x1BF5;
	p2 =	por !p2, p0  }
0x20: {  	[sflag:s8] =	ssyncset.s32 @!p0 $0xFFFFF086;
	s6 =	sadd.s32 @!p0 s3, s7;
	s7 =	simm.s32 @!p0 $0x108  }
0x21: {  	s3 =	sadd.s32 s3, s9;
	s6 =	sadd.s32 @!p0 $0x88, s6;
	s7 =	simm.s32 @p2 $0x1082  }
0x22: {  	[simem:s7], [sflag:s8] =	dma.local @!p0 [hbm:s6], $0xF7A  }
0x23: {  	s9 =	sor.u32 $0xD0000000, s2;
	s6 =	simm.s32 $0x108;
	_ =	swait.ge @!p0 [sflag:s8], $0x0  }
0x24: {  	s3 =	sadd.s32 $0x88, s3;
	s6 =	simm.s32 @!p1 $0x1082;
	[sflag:s4] =	ssyncset.s32 $0xFFFFF086  }
0x25: {  	[simem:s6], [sflag:s4] =	dma.local [hbm:s3], $0xF7A  }
0x26: {  	[smem:$0x3F96] =	sst s1;
	(tag) =	ssettag s2;
	_ =	strace s9  }
0x27: {  	s1 =	sld [smem:$0x3FA6]  }
0x28: {  	s2 =	sld [smem:$0x3FA7]  }
0x29: {  	s4 =	sld [smem:$0x3FA9]  }
0x2a: {  	p0 =	seq.s32 s5, $0x0;
	s5 =	sld [smem:$0x3FAA]  }
0x2b: {  	s6 =	sld [smem:$0x3FAB]  }
0x2c: {  	s7 =	sld [smem:$0x3FAC]  }
0x2d: {  	s3 =	simm.s32 $0x108;
	s8 =	sld [smem:$0x3FAD]  }
0x2e: {  	s3 =	simm.s32 @!p0 $0x1082;
	s9 =	sld [smem:$0x3FAE]  }
0x2f: {  	lr =	sadd.s32 s0, s3;
	s0 =	sld [smem:$0x3FA5]  }
0x30: {  	s3 =	sld [smem:$0x3FA8]  }
0x31: {  	[smem:$0x3FB1] =	sst s10  }
0x32: {  	s10 =	sld [smem:$0x3FAF];
	_ =	sdelay $0x3  }
0x33: {  	p0 =	seq.s32 s10, $0x1;
	s10 =	sld [smem:$0x3FB1];
	_ =	sdelay $0x3  }
0x34: {  	[smem:$0x3FB1] =	sst s10  }
0x35: {  	s10 =	sld [smem:$0x3FB0];
	_ =	sdelay $0x3  }
0x36: {  	p1 =	seq.s32 s10, $0x1;
	s10 =	sld [smem:$0x3FB1];
	_ =	sdelay $0x3  }
0x37: {  	[smem:$0x3FB1] =	sst s10  }
0x38: {  	s10 =	sld [smem:$0x3FB2]  }
0x39: {  	_ = 	snop;
	(pc) =	sbr.ind lr, $3  }
0x3a: {  	_ = 	snop  }
0x3b: {  	_ = 	snop  }
0x3c: {  	p2 =	seq.s32 s10, $0x1;
	s10 =	sld [smem:$0x3FB1]  }
0x3d: {  	_ =	shalt  }
0x3e: {  	_ =	shalt  }
0x3f: {  	_ =	shalt  }
0x40: {  	_ =	shalt  }
0x41: {  	_ =	shalt  }
0x42: {  	_ =	shalt  }
0x43: {  	_ =	shalt  }
0x44: {  	_ =	shalt  }
0x45: {  	_ =	shalt  }
0x46: {  	_ =	shalt  }
0x47: {  	_ =	shalt  }
0x48: {  	_ =	shalt  }
0x49: {  	_ =	shalt  }
0x4a: {  	_ =	shalt  }
0x4b: {  	_ =	shalt  }
0x4c: {  	_ =	shalt  }
0x4d: {  	_ =	shalt  }
0x4e: {  	_ =	shalt  }
0x4f: {  	_ =	shalt  }
0x50: {  	_ =	shalt  }
0x51: {  	_ =	shalt  }
0x52: {  	_ =	shalt  }
0x53: {  	_ =	shalt  }
0x54: {  	_ =	shalt  }
0x55: {  	_ =	shalt  }
0x56: {  	_ =	shalt  }
0x57: {  	_ =	shalt  }
0x58: {  	_ =	shalt  }
0x59: {  	_ =	shalt  }
0x5a: {  	_ =	shalt  }
0x5b: {  	_ =	shalt  }
0x5c: {  	_ =	shalt  }
0x5d: {  	_ =	shalt  }
0x5e: {  	_ =	shalt  }
0x5f: {  	_ =	shalt  }
0x60: {  	_ =	shalt  }
0x61: {  	_ =	shalt  }
0x62: {  	_ =	shalt  }
0x63: {  	_ =	shalt  }
0x64: {  	_ =	shalt  }
0x65: {  	_ =	shalt  }
0x66: {  	_ =	shalt  }
0x67: {  	_ =	shalt  }
0x68: {  	_ =	shalt  }
0x69: {  	_ =	shalt  }
0x6a: {  	_ =	shalt  }
0x6b: {  	_ =	shalt  }
0x6c: {  	_ =	shalt  }
0x6d: {  	_ =	shalt  }
0x6e: {  	_ =	shalt  }
0x6f: {  	_ =	shalt  }
0x70: {  	_ =	shalt  }
0x71: {  	_ =	shalt  }
0x72: {  	_ =	shalt  }
0x73: {  	_ =	shalt  }
0x74: {  	_ =	shalt  }
0x75: {  	_ =	shalt  }
0x76: {  	_ =	shalt  }
0x77: {  	_ =	shalt  }
0x78: {  	_ =	shalt  }
0x79: {  	_ =	shalt  }
0x7a: {  	_ =	shalt  }
0x7b: {  	_ =	shalt  }
0x7c: {  	_ =	shalt  }
0x7d: {  	_ =	shalt  }
0x7e: {  	_ =	shalt  }
0x7f: {  	_ =	shalt  }
0x80: {  	_ =	shalt  }
0x81: {  	_ =	shalt  }
0x82: {  	_ =	shalt  }
0x83: {  	_ =	shalt  }
0x84: {  	_ =	shalt  }
0x85: {  	_ =	shalt  }
0x86: {  	_ =	shalt  }
0x87: {  	_ =	shalt  }
.Lfunc_end0:
.L_simem_size_0:
called_computation.9_lowered:
.L_overlay_start_0:
0x88: {  	s2 =	sld [smem:$0x3FD9]  }
0x89: {  	s3 =	sld [smem:$0x3FFE];
	_ =	sdelay $0x1  }
0x8a: {  	s1 =	srdreg.scid  }
0x8b: {  	s0 =	sand.u32 $0x1, s1  }
0x8c: {  	s16 =	sshll.u32 s0, $0xA;
	s2 =	sadd.s32 s3, s2  }
0x8d: {  	s2 =	sadd.s32 s2, s16  }
0x8e: {  	[smem:$0x3FBD] =	sst s2  }
0x8f: {  	_ = 	snop  }
0x90: {  	(tm) =	ssettm $0x1  }
0x91: {  	s17 =	sld [smem:$0x3FFB];
	_ =	sdelay $0x3  }
0x92: {  	_ =	strace s17  }
0x93: {  	s2 =	sld [smem:$0x3FFC];
	_ =	sdelay $0x3  }
0x94: {  	_ =	strace s2  }
0x95: {  	s2 =	sld [smem:$0x3FFD];
	_ =	sdelay $0x3  }
0x96: {  	_ =	strace s2  }
0x97: {  	_ =	strace $0x8FFFFFFF  }
0x98: {  	s18 =	sld [smem:$0x3FDB];
	_ =	sdelay $0x1  }
0x99: {  	s19 =	simm.s32 $_scs_section_size  }
0x9a: {  	s4 =	simm.s32 $_size__tile_overlayer_lowered;
	s5 =	simm.s32 $_tile_overlayer_lowered  }
0x9b: {  	s22 =	simm.s32 $0x1BFF;
	s21 =	sshll.u32 s5, $0x1;
	s2 =	sadd.s32 s19, s18  }
0x9c: {  	s6 =	simm.s32 $0x0;
	s20 =	sshll.u32 s4, $0x1;
	s4 =	sadd.s32 s21, s2  }
0x9d: {  	[timem:s6], [sflag:s22] =	dma.local [hbm:s4], s20  }
0x9e: {  	_ =	swait.ge [sflag:s22], s20  }
0x9f: {  	s3 =	ssub.s32 $0x0, s20;
	[sflag:s22] =	ssyncset.done $0x0  }
0xa0: {  	[sflag:s22] =	ssyncadd.s32 s3;
	_ =	sdelay $0x1  }
0xa1: {  	s23 =	simm.s32 $0x1B8B  }
0xa2: {  	_ =	swait.ge [sflag:s23], $0x1  }
0xa3: {  	[sflag:s23] =	ssyncset.done $0x0  }
0xa4: {  	s25 =	simm.s32 $0x1B8E;
	s24 =	sld [smem:$0x3FFE];
	[sflag:s23] =	ssyncadd.s32 $0xFFFFFFFF  }
0xa5: {  	s26 =	simm.s32 $execute0_lowered;
	[smem:$0x3FD2] =	sst s25  }
0xa6: {  	s4 =	sshll.u32 s26, $0x1;
	_ =	strace $0x80000061;
	[dreg:$0x1] =	wrdreg $0xFFFFFFFF  }
0xa7: {  	s28 =	simm.s32 $_size_execute0_lowered;
	s2 =	sadd.s32 s2, s4;
	[dreg:$0x0] =	wrdreg $0x0  }
0xa8: {  	s4 =	sshll.u32 s28, $0x1;
	[dreg:$0x2] =	wrdreg s2  }
0xa9: {  	[dreg:$0x3] =	wrdreg s4  }
0xaa: {  	[dreg:$0x4] =	wrdreg $0xC0  }
0xab: {  	_ =	task [dreg:s6], $0x5FFFF  }
0xac: {  	[dreg:$0x1] =	wrdreg $0xFFFFFFFF  }
0xad: {  	[dreg:$0x0] =	wrdreg $0x60  }
0xae: {  	[dreg:$0x2] =	wrdreg s24  }
0xaf: {  	[dreg:$0x3] =	wrdreg $0xA8000  }
0xb0: {  	[dreg:$0x4] =	wrdreg $0x9  }
0xb1: {  	_ =	task.clear_ibuf [dreg:s6], $0x5FFFF;
	_ =	strace $0x90000061  }
0xb2: {  	s29 =	simm.s32 $0x9;
	_ =	strace $0x80000063  }
0xb3: {  	_ =	swait.ge [sflag:s29], $0x1  }
0xb4: {  	[sflag:s29] =	ssyncadd.s32 $0xFFFFFFFF  }
0xb5: {  	_ =	strace $0x90000063  }
0xb6: {  	_ =	sfence  }
0xb7: {  	s30 =	sld [smem:$0x0];
	_ =	sdelay $0x2  }
0xb8: {  	s31 =	sshll.u32 s1, $0xD;
	s1 =	sshrl.u32 s1, $0x2  }
0xb9: {  	s3 =	sand.u32 $0x4000, s31;
	s1 =	sadd.s32 s1, s30  }
0xba: {  	s0 =	sor.u32 s3, s0;
	s1 =	sshll.u32 s1, $0x11  }
0xbb: {  	s0 =	sor.u32 s1, s0  }
0xbc: {  	s0 =	sadd.s32 $0x8F2B, s0  }
0xbd: {  	[sflag:s0] =	ssyncadd.remote.s32 $0x1  }
0xbe: {  	_ =	sfence.sel $0xFFFF  }
0xbf: {  	[dreg:$0x0] =	wrdreg $0xFFFFFFFF;
	(pc) =	sbr.abs _section_cstart, $3  }
0xc0: {  	[dreg:$0x1] =	wrdreg $0xFFFFFFFF  }
0xc1: {  	_ =	task.clear_ibuf [dreg:s6], $0x2FFFF;
	_ =	strace $0x9FFFFFFF  }
0xc2: {  	(tm) =	ssettm $0x7FFFFFFF  }
0xc3: {  	_ =	shalt  }
tec
execute0_lowered:
.L_overlay_start_1:
0x0: {  	(tag) =	ssettag $0x1  }
0x1: {  	s0 =	stileid.u32;
	s1 =	srdreg.scid  }
0x2: {  	s4 =	rddreg [dreg:$0x0];
	s5 =	smul.u32 $0x4F000, s0  }
0x3: {  	s2 =	rddreg [dreg:$0x1];
	s8 =	smul.u32 $0x280, s0  }
0x4: {  	s3 =	simm.s32 $0x0;
	s10 =	sand.u32 $0x1, s1;
	s25 =	smul.u32 $0x50000, s0  }
0x5: {  	s24 =	sshll.u32 s0, $0x1;
	s1 =	rddreg [dreg:$0x2];
	s18 =	smul.u32 $0x2800, s0  }
0x6: {  	[smem:$0x7FF] =	sst s3;
	s6 =	sor.u32 s10, s24;
	s7 =	smul.u32 $0x28000, s10  }
0x7: {  	_ =	strace $0x80000062;
	s26 =	ssub.s32 $0x2, s10;
	s10 =	smul.u32 $0x27800, s10  }
0x8: {  	s6 =	smul.u32 $0x500, s6;
	s11 =	sadd.s32 s5, s4;
	s13 =	sadd.s32 $0x80, s8  }
0x9: {  	s28 =	sshrl.u32 s26, $0x1;
	s5 =	sshrl.u32 s25, $0x2;
	s15 =	sadd.s32 $0x100, s8  }
0xa: {  	s16 =	sadd.s32 $0x180, s8;
	s17 =	sadd.s32 $0x200, s8;
	s12 =	sadd.s32 s7, s4  }
0xb: {  	s29 =	sshll.u32 s13, $0x7;
	s14 =	ssub.s32 s26, s28;
	s30 =	sshll.u32 s15, $0x7  }
0xc: {  	s31 =	sshll.u32 s16, $0x7;
	s8 =	sshll.u32 s17, $0x7;
	s19 =	sshll.u32 s13, $0x4  }
0xd: {  	s21 =	sshll.u32 s15, $0x4;
	s22 =	sshll.u32 s16, $0x4;
	s23 =	sshll.u32 s17, $0x4  }
0xe: {  	s11 =	sadd.s32 s10, s11;
	s13 =	simm.s32 $0x1;
	s15 =	simm.s32 $0x80  }
0xf: {  	s9 =	sadd.s32 s6, s4;
	s4 =	sadd.s32 s5, s2;
	s5 =	sadd.s32 s29, s2  }
0x10: {  	s6 =	sadd.s32 s30, s2;
	s7 =	sadd.s32 s31, s2;
	s8 =	sadd.s32 s8, s2  }
0x11: {  	s20 =	sadd.s32 $0xF45000, s12;
	s10 =	smax.u32 s14, $0x1;
	s11 =	sadd.s32 $0xA55000, s11  }
0x12: {  	s12 =	simm.s32 $0x6800;
	s14 =	simm.s32 $0x2800;
	s9 =	sadd.s32 $0x1432200, s9  }
0x13: {  	s16 =	sadd.s32 s18, s20;
	s17 =	sadd.s32 s19, s20;
	s18 =	sadd.s32 s21, s20  }
0x14: {  	v0 =	vimm.f32 $0.0e+00;
	s19 =	sadd.s32 s22, s20;
	s20 =	sadd.s32 s23, s20;
	s21 =	simm.s32 $0x0  }
.LBB2_1:
0x15: {  	s22 =	simm.s32 $0x0;
	s23 =	simm.s32 $0x200  }
.LBB2_2:
0x16: {  	p0 =	sne.s32 s23, $0xFE00;
	[tilespmem:s22+$0x6870] =	vst v0  }
0x17: {  	[tilespmem:s22+$0x6800] =	vst v0  }
0x18: {  	[tilespmem:s22+$0x6810] =	vst v0  }
.Ltmp0:
0x19: {  	[tilespmem:s22+$0x6820] =	vst v0;
	(pc) =	sbr.rel @p0 .LBB2_2-.Ltmp0, $4  }
0x1a: {  	[tilespmem:s22+$0x6830] =	vst v0  }
0x1b: {  	[tilespmem:s22+$0x6840] =	vst v0  }
0x1c: {  	[tilespmem:s22+$0x6850] =	vst v0  }
0x1d: {  	[tilespmem:s22+$0x6860] =	vst v0;
	s22 =	sshra.s32 s23, $0x2;
	s23 =	sadd.s32 $0x200, s23  }
0x1e: {  	[tilespmem:s22+$0x6870] =	vst v0  }
0x1f: {  	[tilespmem:s22+$0x6800] =	vst v0  }
0x20: {  	[tilespmem:s22+$0x6810] =	vst v0  }
0x21: {  	[tilespmem:s22+$0x6820] =	vst v0  }
0x22: {  	[tilespmem:s22+$0x6830] =	vst v0  }
0x23: {  	[tilespmem:s22+$0x6840] =	vst v0  }
0x24: {  	[tilespmem:s22+$0x6850] =	vst v0  }
0x25: {  	[tilespmem:s22+$0x6860] =	vst v0  }
0x26: {  	[spmem:s4] =	stream.linear.scatter [tilespmem:s12], [sflag:$0x1], $0x4000, $0x38;
	[tilespmem:$0x1E800] =	vst v63  }
0x27: {  	_ =	swait.ge [sflag:s13], $0x4000  }
0x28: {  	[sflag:s13] =	ssyncset.done $0x0  }
0x29: {  	[sflag:s13] =	ssyncadd.s32 $0xFFFFC000  }
0x2a: {  	[spmem:s5] =	stream.linear.scatter [tilespmem:s12], [sflag:$0x1], $0x4000, $0x38;
	[tilespmem:$0x1E800] =	vst v63  }
0x2b: {  	_ =	swait.ge [sflag:s13], $0x4000  }
0x2c: {  	[sflag:s13] =	ssyncset.done $0x0  }
0x2d: {  	[sflag:s13] =	ssyncadd.s32 $0xFFFFC000  }
0x2e: {  	[spmem:s6] =	stream.linear.scatter [tilespmem:s12], [sflag:$0x1], $0x4000, $0x38;
	[tilespmem:$0x1E800] =	vst v63  }
0x2f: {  	_ =	swait.ge [sflag:s13], $0x4000  }
0x30: {  	[sflag:s13] =	ssyncset.done $0x0  }
0x31: {  	[sflag:s13] =	ssyncadd.s32 $0xFFFFC000  }
0x32: {  	[spmem:s7] =	stream.linear.scatter [tilespmem:s12], [sflag:$0x1], $0x4000, $0x38;
	[tilespmem:$0x1E800] =	vst v63  }
0x33: {  	_ =	swait.ge [sflag:s13], $0x4000  }
0x34: {  	[sflag:s13] =	ssyncset.done $0x0  }
0x35: {  	[sflag:s13] =	ssyncadd.s32 $0xFFFFC000  }
0x36: {  	[spmem:s8] =	stream.linear.scatter [tilespmem:s12], [sflag:$0x1], $0x4000, $0x38;
	[tilespmem:$0x1E800] =	vst v63  }
0x37: {  	_ =	swait.ge [sflag:s13], $0x4000  }
0x38: {  	[sflag:s13] =	ssyncset.done $0x0  }
0x39: {  	[sflag:s13] =	ssyncadd.s32 $0xFFFFC000  }
0x3a: {  	s30 =	simm.s32 $0x0;
	[bflag:$0x0] =	sbarrier.arrive $0xFFFF  }
0x3b: {  	[tilespmem:s30], [sflag:$0x1] =	stream.linear.gather [hbm4b:s9+s30], $0x2780, $0x38;
	[tilespmem:$0x1E800] =	vst v63  }
0x3c: {  	_ =	swait.ge [sflag:s13], $0x2780  }
0x3d: {  	[sflag:s13] =	ssyncset.done $0x0  }
0x3e: {  	[sflag:s13] =	ssyncadd.s32 $0xFFFFD880  }
0x3f: {  	[tilespmem:s14], [sflag:$0x1] =	stream.linear.gather [hbm4b:s11+s3], $0x4000, $0x38;
	[tilespmem:$0x1E800] =	vst v63  }
0x40: {  	_ =	swait.ge [sflag:s13], $0x4000  }
0x41: {  	[sflag:s13] =	ssyncset.done $0x0  }
0x42: {  	s31 =	simm.s32 $0x0;
	[sflag:s13] =	ssyncadd.s32 $0xFFFFC000  }
0x43: {  	[spmem:s2] =	stream.indirect.scatter.add.f32 [tilespmem:s14], [sflag:$0x1], $0x80, s31, s15, $0xb8;
	[tilespmem:$0x1E800] =	vst v63  }
0x44: {  	_ =	swait.ge [sflag:s13], $0x4000  }
0x45: {  	s22 =	simm.s32 $0x200;
	s23 =	smov.u32 s11;
	[sflag:s13] =	ssyncset.done $0x0  }
.LBB2_4:
0x46: {  	p0 =	sne.s32 s22, $0x9C00;
	[sflag:s13] =	ssyncadd.s32 $0xFFFFC000;
	s23 =	sadd.s32 $0x800, s23  }
0x47: {  	[tilespmem:s14], [sflag:$0x1] =	stream.linear.gather [hbm4b:s23+s3], $0x4000, $0x38;
	[tilespmem:$0x1E800] =	vst v63  }
0x48: {  	s24 =	smov.u32 s22;
	s22 =	sadd.s32 $0x200, s22;
	_ =	swait.ge [sflag:s13], $0x4000  }
.Ltmp1:
0x49: {  	[sflag:s13] =	ssyncset.done $0x0;
	(pc) =	sbr.rel @p0 .LBB2_4-.Ltmp1, $4  }
0x4a: {  	s24 =	sshra.s32 s24, $0x2;
	[sflag:s13] =	ssyncadd.s32 $0xFFFFC000  }
0x4b: {  	[spmem:s2] =	stream.indirect.scatter.add.f32 [tilespmem:s14], [sflag:$0x1], $0x80, s24, s15, $0xb8;
	[tilespmem:$0x1E800] =	vst v63  }
0x4c: {  	_ =	swait.ge [sflag:s13], $0x4000  }
0x4d: {  	[sflag:s13] =	ssyncset.done $0x0  }
0x4e: {  	[sflag:s13] =	ssyncadd.s32 $0xFFFFC000;
	s22 =	sshll.u32 s0, $0x6  }
0x4f: {  	s23 =	sshrl.u32 s4, $0x3;
	[bflag:$0x0] =	sbarrier.arrive $0xFFFF;
	s22 =	sor.u32 $0x1C01, s22  }
0x50: {  	[hbm:s16], [sflag:s22] =	dma.local [spmem:s23], $0x800  }
0x51: {  	_ =	swait.ge [sflag:s13], $0x800  }
0x52: {  	[sflag:s13] =	ssyncset.done $0x0  }
0x53: {  	s28 =	sshrl.u32 s5, $0x3;
	[sflag:s13] =	ssyncadd.s32 $0xFFFFF800  }
0x54: {  	[hbm:s17], [sflag:s22] =	dma.local [spmem:s28], $0x800  }
0x55: {  	_ =	swait.ge [sflag:s13], $0x800  }
0x56: {  	[sflag:s13] =	ssyncset.done $0x0  }
0x57: {  	s29 =	sshrl.u32 s6, $0x3;
	[sflag:s13] =	ssyncadd.s32 $0xFFFFF800  }
0x58: {  	[hbm:s18], [sflag:s22] =	dma.local [spmem:s29], $0x800  }
0x59: {  	_ =	swait.ge [sflag:s13], $0x800  }
0x5a: {  	[sflag:s13] =	ssyncset.done $0x0  }
0x5b: {  	s30 =	sshrl.u32 s7, $0x3;
	[sflag:s13] =	ssyncadd.s32 $0xFFFFF800  }
0x5c: {  	[hbm:s19], [sflag:s22] =	dma.local [spmem:s30], $0x800  }
0x5d: {  	s21 =	sadd.s32 $0x1, s21;
	_ =	swait.ge [sflag:s13], $0x800  }
0x5e: {  	p0 =	sne.s32 s21, s10;
	[sflag:s13] =	ssyncset.done $0x0  }
.Ltmp2:
0x5f: {  	s31 =	sshrl.u32 s8, $0x3;
	[sflag:s13] =	ssyncadd.s32 $0xFFFFF800;
	(pc) =	sbr.rel @p0 .LBB2_1-.Ltmp2, $4  }
0x60: {  	[hbm:s20], [sflag:s22] =	dma.local [spmem:s31], $0x800  }
0x61: {  	_ =	swait.ge [sflag:s13], $0x800  }
0x62: {  	[sflag:s13] =	ssyncset.done $0x0  }
0x63: {  	[sflag:s13] =	ssyncadd.s32 $0xFFFFF800  }
0x64: {  	_ =	sfence.sel $0x180000  }
0x65: {  	[bflag:$0x0] =	sbarrier.arrive $0xFFFF  }
0x66: {  	p0 =	sne.s32 s0, $0x0;
	_ =	strace $0x90000062  }
0x67: {  	s0 =	sadd.s32 @!p0 $0x100000, s1;
	[bflag:$0x2] =	sbarrier.arrive $0xFFFF  }
0x68: {  	[sflag:s0] =	ssyncadd.tile.s32 @!p0 $0x1;
	_ =	shalt  }
.Lfunc_end2:
_tile_overlayer_lowered:
.L_overlay_start_2:
0x69: {  	(tag) =	ssettag $0x2  }
0x6a: {  	s0 =	rddreg [dreg:$0x0];
	s2 =	stileid.u32  }
0x6b: {  	s1 =	rddreg [dreg:$0x1];
	p0 =	sne.s32 s2, $0x0  }
0x6c: {  	s3 =	rddreg [dreg:$0x2];
	[bflag:$0x3] =	sbarrier.arrive $0xFFFF;
	s2 =	simm.s32 @!p0 $0x1C01  }
0x6d: {  	[timem:s3], [sflag:s2] =	dma.local @!p0 [hbm:s0], s1  }
0x6e: {  	s0 =	simm.s32 @!p0 $0x1  }
0x6f: {  	_ =	swait.ge @!p0 [sflag:s0], s1  }
0x70: {  	s1 =	ssub.s32 @!p0 $0x0, s1;
	[sflag:s0] =	ssyncset.done @!p0 $0x0  }
0x71: {  	[sflag:s0] =	ssyncadd.s32 @!p0 s1  }
0x72: {  	[bflag:$0x3] =	sbarrier.arrive $0xFFFF  }
0x73: {  	_ =	shalt  }

</sc_bundles>
